<compile_context>
chip_gen: v7x
topology: tpu7x:2x2x1
jax: 0.10.2.dev20260603
libtpu: 0.0.44.dev20260713+nightly
codegen_flags: <defaults>
</compile_context>

<pallas_src>
import functools

import jax
import jax.numpy as jnp
from jax import lax
from jax.experimental import pallas as pl
from jax.experimental.pallas import tpu as pltpu
from jax.experimental.pallas import tpu_sc as plsc

_NC = 2
_NS = 16
_NW = _NC * _NS
_CH = 80
_C = 5
_EB = 2000


def _tc_prep(hn, pos16, Wp1, Wp2):
    N, D = hn.shape
    NB = 1000
    grid = (N // NB,)

    def body(hn_r, p_r, w1_r, w2_r, out_r):
        f32 = jnp.float32
        b16 = jnp.bfloat16
        i32 = jnp.int32
        pp1 = jnp.dot(p_r[...], w1_r[...], preferred_element_type=f32)
        pp2 = jnp.dot(p_r[...], w2_r[...], preferred_element_type=f32)
        pp = jnp.concatenate([pp1, pp2], axis=1)
        hi = lax.bitcast_convert_type(hn_r[...].astype(b16).astype(f32), i32)
        lo = lax.bitcast_convert_type(pp.astype(b16).astype(f32), i32)
        out_r[...] = hi | (jnp.right_shift(lo, 16) & jnp.int32(0xFFFF))

    return pl.pallas_call(
        body,
        grid=grid,
        in_specs=[
            pl.BlockSpec((NB, D), lambda i: (i, 0)),
            pl.BlockSpec((NB, pos16.shape[1]), lambda i: (i, 0)),
            pl.BlockSpec(Wp1.shape, lambda i: (0, 0)),
            pl.BlockSpec(Wp2.shape, lambda i: (0, 0)),
        ],
        out_specs=pl.BlockSpec((NB, D), lambda i: (i, 0)),
        out_shape=jax.ShapeDtypeStruct((N, D), jnp.int32),
        compiler_params=pltpu.CompilerParams(
            dimension_semantics=("arbitrary",)),
    )(hn, pos16, Wp1, Wp2)


def _sc_gather(table, src, dst, off, ec):
    N, TD = table.shape
    per_w = ec // _NW
    n_ch = per_w // _CH
    mesh = plsc.VectorSubcoreMesh(core_axis_name="c", subcore_axis_name="s",
                                  num_cores=_NC, num_subcores=_NS)

    @functools.partial(
        pl.kernel,
        out_type=(
            jax.ShapeDtypeStruct((ec, TD), jnp.int32),
            jax.ShapeDtypeStruct((ec, TD), jnp.int32),
        ),
        mesh=mesh,
        scratch_types=[
            pltpu.VMEM((_CH,), jnp.int32),
            pltpu.VMEM((_CH,), jnp.int32),
            pltpu.VMEM((_CH, TD), jnp.int32),
            pltpu.VMEM((_CH, TD), jnp.int32),
            pltpu.SemaphoreType.DMA,
        ],
    )
    def k(tab_hbm, src_hbm, dst_hbm, gs_hbm, gd_hbm,
          sidx, didx, srows, drows, sem):
        wid = lax.axis_index("s") * _NC + lax.axis_index("c")
        base = wid * per_w

        def body(j, carry):
            loc = base + j * _CH
            pltpu.sync_copy(src_hbm.at[pl.ds(off + loc, _CH)], sidx)
            pltpu.sync_copy(dst_hbm.at[pl.ds(off + loc, _CH)], didx)
            c1 = pltpu.async_copy(tab_hbm.at[sidx], srows, sem)
            c2 = pltpu.async_copy(tab_hbm.at[didx], drows, sem)
            c1.wait()
            c2.wait()
            pltpu.sync_copy(srows, gs_hbm.at[pl.ds(loc, _CH)])
            pltpu.sync_copy(drows, gd_hbm.at[pl.ds(loc, _CH)])
            return carry

        lax.fori_loop(0, n_ch, body, 0)

    return k(table, src, dst)


def _sc_scatter(henw, dst, off, zeros_nd):
    ec, D = henw.shape
    N = zeros_nd.shape[0]
    per_w = ec // _NW
    n_ch = per_w // _CH
    n_cp = 10
    rows_pt = N // n_cp
    mesh = plsc.VectorSubcoreMesh(core_axis_name="c", subcore_axis_name="s",
                                  num_cores=_NC, num_subcores=_NS)

    @functools.partial(
        pl.kernel,
        out_type=jax.ShapeDtypeStruct((_NC, N, D), jnp.float32),
        mesh=mesh,
        scratch_types=[
            pltpu.VMEM((_CH,), jnp.int32),
            pltpu.VMEM((_CH,), jnp.int32),
            pltpu.VMEM((_CH, D), jnp.float32),
            pltpu.VMEM((_CH, D), jnp.float32),
            pltpu.VMEM_SHARED((N, D), jnp.float32),
            pltpu.SemaphoreType.DMA,
            pltpu.SemaphoreType.DMA,
        ],
    )
    def k(henw_hbm, dst_hbm, zeros_hbm, out_hbm,
          idx0, idx1, rows0, rows1, acc, sl0, sl1):
        c = lax.axis_index("c")
        s = lax.axis_index("s")
        wid = s * _NC + c

        @pl.when(s == 0)
        def _():
            pltpu.sync_copy(zeros_hbm, acc)

        plsc.subcore_barrier()
        base = wid * per_w
        bufs = ((idx0, rows0, sl0), (idx1, rows1, sl1))

        def fire_loads(j, p):
            idx, rows, se = bufs[p]
            pltpu.async_copy(dst_hbm.at[pl.ds(off + base + j * _CH, _CH)],
                             idx, se)
            pltpu.async_copy(henw_hbm.at[pl.ds(base + j * _CH, _CH)],
                             rows, se)

        def stage(j, p):
            idx, rows, se = bufs[p]
            pltpu.make_async_copy(dst_hbm.at[pl.ds(0, _CH)], idx, se).wait()
            pltpu.make_async_copy(henw_hbm.at[pl.ds(0, _CH)], rows,
                                  se).wait()

            @pl.when(j + 1 < n_ch)
            def _():
                fire_loads(j + 1, p ^ 1)

            pltpu.sync_copy(rows, acc.at[idx], add=True)

        fire_loads(0, 0)

        def pair(g, carry):
            stage(2 * g, 0)
            stage(2 * g + 1, 1)
            return carry

        lax.fori_loop(0, n_ch // 2, pair, 0)
        stage(jnp.int32(n_ch - 1), 0)
        plsc.subcore_barrier()

        @pl.when(s < n_cp)
        def _():
            pltpu.sync_copy(acc.at[pl.ds(s * rows_pt, rows_pt)],
                            out_hbm.at[c, pl.ds(s * rows_pt, rows_pt)])

    return k(henw, dst, zeros_nd)


def _tc_edge(hen_buf, he, gsrc, gdst, fes, norm2,
             W1e, W1s, W1d, Wev2, Wf, Wfc2, k0):
    E, D = he.shape
    ec, TD = gsrc.shape
    FH = D // 2
    NF = fes.shape[1]
    VD = Wev2.shape[1]
    grid = (ec // _EB,)

    def body(*refs):
        if hen_buf is None:
            (he_r, gs_r, gd_r, fes_r, nrm_r,
             w1e_r, w1s_r, w1d_r, wev2_r, wf_r, wfc2_r,
             hen_r, henw_r) = refs
        else:
            (_, he_r, gs_r, gd_r, fes_r, nrm_r,
             w1e_r, w1s_r, w1d_r, wev2_r, wf_r, wfc2_r,
             hen_r, henw_r) = refs
        f32 = jnp.float32
        b16 = jnp.bfloat16
        hi_mask = jnp.int32(-65536)
        gs_w = gs_r[...]
        gd_w = gd_r[...]
        gs_hn = lax.bitcast_convert_type(gs_w & hi_mask, f32)
        gd_hn = lax.bitcast_convert_type(gd_w & hi_mask, f32)
        gs_pp = lax.bitcast_convert_type(jnp.left_shift(gs_w, 16), f32)
        gd_pp = lax.bitcast_convert_type(jnp.left_shift(gd_w, 16), f32)
        h1 = jnp.maximum(
            jnp.dot(he_r[...].astype(b16), w1e_r[...],
                    preferred_element_type=f32)
            + jnp.dot(gs_hn.astype(b16), w1s_r[...],
                      preferred_element_type=f32)
            + jnp.dot(gd_hn.astype(b16), w1d_r[...],
                      preferred_element_type=f32),
            0.0)
        v = jnp.dot(h1.astype(b16), wev2_r[...], preferred_element_type=f32)
        r = jnp.maximum(
            gs_pp[:, :FH] + gd_pp[:, FH:]
            + jnp.dot(fes_r[...], wf_r[...], preferred_element_type=f32),
            0.0)
        m = jnp.dot(r.astype(b16), wfc2_r[...],
                    preferred_element_type=f32).astype(b16)
        v16 = v.astype(b16)
        acc = []
        for q in range(VD):
            acc.append(v16[:, q:q + 1] * m[:, q * D:(q + 1) * D])
        while len(acc) > 1:
            acc = [a + b for a, b in zip(acc[::2], acc[1::2])]
        hen = he_r[...] + acc[0].astype(f32)
        hen_r[...] = hen
        henw_r[...] = hen * nrm_r[...]

    cblk = lambda rows, cols: pl.BlockSpec((rows, cols),
                                           lambda i: (i + k0, 0))
    lblk = lambda rows, cols: pl.BlockSpec((rows, cols), lambda i: (i, 0))
    wblk = lambda shape: pl.BlockSpec(shape, lambda i: (0, 0))
    main_specs = [
        cblk(_EB, D), lblk(_EB, TD), lblk(_EB, TD),
        cblk(_EB, NF), cblk(_EB, 1),
        wblk(W1e.shape), wblk(W1s.shape), wblk(W1d.shape),
        wblk(Wev2.shape), wblk(Wf.shape), wblk(Wfc2.shape),
    ]
    main_args = (he, gsrc, gdst, fes, norm2,
                 W1e, W1s, W1d, Wev2, Wf, Wfc2)
    if hen_buf is None:
        in_specs = main_specs
        args = main_args
        aliases = {}
    else:
        in_specs = [pl.BlockSpec((8, D), lambda i: (0, 0))] + main_specs
        args = (hen_buf,) + main_args
        aliases = {0: 0}
    return pl.pallas_call(
        body,
        grid=grid,
        in_specs=in_specs,
        out_specs=[cblk(_EB, D), lblk(_EB, D)],
        out_shape=[
            jax.ShapeDtypeStruct((E, D), jnp.float32),
            jax.ShapeDtypeStruct((ec, D), jnp.float32),
        ],
        input_output_aliases=aliases,
        compiler_params=pltpu.CompilerParams(
            dimension_semantics=("arbitrary",)),
    )(*args)


def _tc_node(hn, parts_list, Wn1a, Wn1b, Wn2):
    N, D = hn.shape
    NB = 1000
    grid = (N // NB,)

    def body(hn_r, *rest):
        f32 = jnp.float32
        part_refs = rest[:len(parts_list)]
        w1a_r, w1b_r, w2_r, out_r = rest[len(parts_list):]
        t = part_refs[0][0] + part_refs[0][1]
        for p_r in part_refs[1:]:
            t = t + p_r[0] + p_r[1]
        h = jnp.maximum(
            jnp.dot(hn_r[...], w1a_r[...], preferred_element_type=f32)
            + jnp.dot(t, w1b_r[...], preferred_element_type=f32),
            0.0)
        out_r[...] = hn_r[...] + jnp.dot(h, w2_r[...],
                                         preferred_element_type=f32)

    return pl.pallas_call(
        body,
        grid=grid,
        in_specs=[pl.BlockSpec((NB, D), lambda i: (i, 0))]
        + [pl.BlockSpec((2, NB, D), lambda i: (0, i, 0))
           for _ in parts_list]
        + [
            pl.BlockSpec(Wn1a.shape, lambda i: (0, 0)),
            pl.BlockSpec(Wn1b.shape, lambda i: (0, 0)),
            pl.BlockSpec(Wn2.shape, lambda i: (0, 0)),
        ],
        out_specs=pl.BlockSpec((NB, D), lambda i: (i, 0)),
        out_shape=jax.ShapeDtypeStruct((N, D), jnp.float32),
        compiler_params=pltpu.CompilerParams(
            dimension_semantics=("arbitrary",)),
    )(hn, *parts_list, Wn1a, Wn1b, Wn2)


def kernel(hn, he, pos, fes, norm, edge_index,
           W_ev1, W_ev2, W_fc1, W_fc2, W_nu1, W_nu2):
    N, D = hn.shape
    E = he.shape[0]
    src = edge_index[0]
    dst = edge_index[1]

    PD = 16
    pos16 = jnp.pad(pos, ((0, 0), (0, PD - pos.shape[1])))
    W1e, W1s, W1d = W_ev1[:D], W_ev1[D:2 * D], W_ev1[2 * D:]
    Wp1 = jnp.pad(W_fc1[0:3], ((0, PD - 3), (0, 0)))
    Wp2 = jnp.pad(W_fc1[3:6], ((0, PD - 3), (0, 0)))
    Wf = W_fc1[6:]
    Wn1a, Wn1b = W_nu1[:D], W_nu1[D:]
    norm2 = norm[:, None]
    zeros_nd = jnp.zeros((N, D), jnp.float32)

    b16 = jnp.bfloat16
    W1e = W1e.astype(b16)
    W1s = W1s.astype(b16)
    W1d = W1d.astype(b16)
    Wev2 = W_ev2.astype(b16)
    Wfc2 = W_fc2.astype(b16)

    table = _tc_prep(hn, pos16, Wp1, Wp2)

    ec = E // _C
    gathered = [_sc_gather(table, src, dst, k * ec, ec) for k in range(_C)]

    hen_buf = None
    parts_list = []
    for k in range(_C):
        gsrc, gdst = gathered[k]
        hen_buf, henw = _tc_edge(hen_buf, he, gsrc, gdst, fes, norm2,
                                 W1e, W1s, W1d, Wev2, Wf, Wfc2,
                                 k * (ec // _EB))
        parts_list.append(_sc_scatter(henw, dst, k * ec, zeros_nd))

    hnn = _tc_node(hn, parts_list, Wn1a, Wn1b, W_nu2)
    return (hnn, hen_buf)

# --- scband reference (transcript-rebuilt; emitter-appended) ---
"""Pipeline reference for scband-n-eq-nlmp-17368847745646 (READ-ONLY COPY).

The authoritative reference and input builder live on the scoring server;
editing this copy changes nothing except your own understanding.
"""

import jax, jax.numpy as jnp
import numpy as np

N = 10000      # n_nodes
E = 320000     # n_edges
D = 128        # irreps_input.dim == irreps_output.dim (32x0e+32x1o)
VDIM = 16      # irreps_val.dim (4x0e+4x1o = 4 + 12)
HX = 4
NUM_FES = 16
FC_IN = 6 + NUM_FES          # 22
FC_HID = HX * NUM_FES        # 64
FC_OUT = VDIM * D            # 2048


def _w(key, fan_in, fan_out):
    return jax.random.normal(key, (fan_in, fan_out), jnp.float32) * (1.0 / np.sqrt(fan_in))


def setup_inputs(seed: int = 0) -> dict:
    key = jax.random.key(seed)
    ks = jax.random.split(key, 12)
    hn = jax.random.normal(ks[0], (N, D), jnp.float32)
    he = jax.random.normal(ks[1], (E, D), jnp.float32)
    pos = jax.random.normal(ks[2], (N, 3), jnp.float32)
    fes = jax.random.normal(ks[3], (E, NUM_FES), jnp.float32)
    norm = jax.random.uniform(ks[4], (E,), jnp.float32)
    edge_index = jax.random.randint(ks[5], (2, E), 0, N, dtype=jnp.int32)
    # learned parameters (LinNet = Linear -> ReLU -> Linear, no bias)
    W_ev1 = _w(ks[6], 3 * D, HX * D)        # edge_val hidden
    W_ev2 = _w(ks[7], HX * D, VDIM)          # edge_val out
    W_fc1 = _w(ks[8], FC_IN, FC_HID)         # FullyConnectedNet layer 1
    W_fc2 = _w(ks[9], FC_HID, FC_OUT)        # FullyConnectedNet layer 2
    W_nu1 = _w(ks[10], 2 * D, HX * D)        # node_upd hidden
    W_nu2 = _w(ks[11], HX * D, D)            # node_upd out
    return {"hn": hn, "he": he, "pos": pos, "fes": fes, "norm": norm,
            "edge_index": edge_index,
            "W_ev1": W_ev1, "W_ev2": W_ev2, "W_fc1": W_fc1, "W_fc2": W_fc2,
            "W_nu1": W_nu1, "W_nu2": W_nu2}


def reference(hn, he, pos, fes, norm, edge_index,
              W_ev1, W_ev2, W_fc1, W_fc2, W_nu1, W_nu2):
    edge_src = edge_index[0]
    edge_dst = edge_index[1]
    # v = edge_val(cat([he, hn[src], hn[dst]]))  -> [E, VDIM]
    ev_in = jnp.concatenate([he, jnp.take(hn, edge_src, axis=0), jnp.take(hn, edge_dst, axis=0)], axis=1)
    v = jax.nn.relu(ev_in @ W_ev1) @ W_ev2
    # fc(cat([pos[src], pos[dst], fes])) -> [E, VDIM*D] reshaped to [E, VDIM, D]
    fc_in = jnp.concatenate([jnp.take(pos, edge_src, axis=0), jnp.take(pos, edge_dst, axis=0), fes], axis=1)
    m = (jax.nn.relu(fc_in @ W_fc1) @ W_fc2).reshape(E, VDIM, D)
    # tp = bmm(v.unsqueeze(1), m).squeeze() -> [E, D]
    tp = jnp.einsum('ev,evo->eo', v, m)
    heu = tp
    hen = he + heu  # residual (irreps_input == irreps_output)
    # scatter-add of hen * norm over edge_dst
    node_tmp = jax.ops.segment_sum(hen * norm[:, None], edge_dst, num_segments=N)
    # node_upd(cat([hn, node_tmp]))
    nu_in = jnp.concatenate([hn, node_tmp], axis=1)
    hnu = jax.nn.relu(nu_in @ W_nu1) @ W_nu2
    hnn = hn + hnu
    return (hnn, hen)

if __name__ == "__main__":
    import jax
    _d = setup_inputs()
    print(jax.jit(kernel)(*tuple(_d.values())))

</pallas_src>

<mosaic_0001>
#map = affine_map<(d0, d1) -> (0, 0)>
#map1 = affine_map<(d0, d1) -> (0)>
module attributes {stable_mosaic.version = 14 : i64} {
  func.func @k(%arg0: i32, %arg1: i32, %arg2: memref<10000x128xi32, #tpu.memory_space<hbm>>, %arg3: memref<320000xi32, #tpu.memory_space<hbm>>, %arg4: memref<320000xi32, #tpu.memory_space<hbm>>, %arg5: memref<64000x128xi32, #tpu.memory_space<hbm>>, %arg6: memref<64000x128xi32, #tpu.memory_space<hbm>>, %arg7: memref<80xi32, #tpu.memory_space<vmem>>, %arg8: memref<80xi32, #tpu.memory_space<vmem>>, %arg9: memref<80x128xi32, #tpu.memory_space<vmem>>, %arg10: memref<80x128xi32, #tpu.memory_space<vmem>>, %arg11: memref<!tpu.dma_semaphore, #tpu.memory_space<semaphore_mem>>) attributes {dimension_semantics = [#tpu.dimension_semantics<core_parallel>, #tpu.dimension_semantics<subcore_parallel>], iteration_bounds = array<i64: 2, 16>, scalar_prefetch = 0 : i64, scratch_operands = 5 : i64, tpu.core_type = #tpu.core_type<sc_vector_subcore>, window_params = [{transform_indices = #map}, {transform_indices = #map1}, {transform_indices = #map1}, {transform_indices = #map}, {transform_indices = #map}]} {
    %mul3A = arith.constant 2 : i32
    %mul3A_0 = arith.muli %arg1, %mul3A : i32
    %add3A = arith.addi %mul3A_0, %arg0 : i32
    %mul3A_1 = arith.constant 2000 : i32
    %mul3A_2 = arith.muli %add3A, %mul3A_1 : i32
    %scan3A = arith.constant 0 : i32
    %scan3A_3 = arith.constant 0 : i32
    %scan3A_4 = arith.constant 25 : i32
    %scan3A_5 = arith.addi %scan3A_3, %scan3A_4 : i32
    %scan3A_6 = arith.constant 1 : i32
    scf.for %scan3A_8 = %scan3A_3 to %scan3A_5 step %scan3A_6  : i32 {
      %mul3A_9 = arith.constant 80 : i32
      %mul3A_10 = arith.muli %scan3A_8, %mul3A_9 : i32
      %add3A_11 = arith.addi %mul3A_2, %mul3A_10 : i32
      %add3A_12 = arith.constant 64000 : i32
      %add3A_13 = arith.addi %add3A_12, %add3A_11 : i32
      "tpu.region"() ({
        %run_scoped3A = tpu.sem_alloc : memref<!tpu.dma_semaphore, #tpu.memory_space<semaphore_mem>>
        %dma_start3A_26 = tpu.memref_slice %arg3[%add3A_13] : memref<320000xi32, #tpu.memory_space<hbm>> -> memref<80xi32, #tpu.memory_space<hbm>>
        %dma_start3A_27 = tpu.memref_slice %arg3[%add3A_13] : memref<320000xi32, #tpu.memory_space<hbm>> -> memref<80xi32, #tpu.memory_space<hbm>>
        tpu.enqueue_dma source(%dma_start3A_27 : memref<80xi32, #tpu.memory_space<hbm>>) target(%arg7 : memref<80xi32, #tpu.memory_space<vmem>>) target_semaphore(%run_scoped3A : memref<!tpu.dma_semaphore, #tpu.memory_space<semaphore_mem>>)
        %dma_wait3A_28 = tpu.memref_slice %arg3[%add3A_13] : memref<320000xi32, #tpu.memory_space<hbm>> -> memref<80xi32, #tpu.memory_space<hbm>>
        %dma_wait3A_29 = tpu.memref_slice %arg3[%add3A_13] : memref<320000xi32, #tpu.memory_space<hbm>> -> memref<80xi32, #tpu.memory_space<hbm>>
        tpu.wait_dma2 semaphore(%run_scoped3A : memref<!tpu.dma_semaphore, #tpu.memory_space<semaphore_mem>>) src(%dma_wait3A_29 : memref<80xi32, #tpu.memory_space<hbm>>) dst(%arg7 : memref<80xi32, #tpu.memory_space<vmem>>)
        tpu.yield
      }) : () -> ()
      %add3A_14 = arith.constant 64000 : i32
      %add3A_15 = arith.addi %add3A_14, %add3A_11 : i32
      "tpu.region"() ({
        %run_scoped3A = tpu.sem_alloc : memref<!tpu.dma_semaphore, #tpu.memory_space<semaphore_mem>>
        %dma_start3A_26 = tpu.memref_slice %arg4[%add3A_15] : memref<320000xi32, #tpu.memory_space<hbm>> -> memref<80xi32, #tpu.memory_space<hbm>>
        %dma_start3A_27 = tpu.memref_slice %arg4[%add3A_15] : memref<320000xi32, #tpu.memory_space<hbm>> -> memref<80xi32, #tpu.memory_space<hbm>>
        tpu.enqueue_dma source(%dma_start3A_27 : memref<80xi32, #tpu.memory_space<hbm>>) target(%arg8 : memref<80xi32, #tpu.memory_space<vmem>>) target_semaphore(%run_scoped3A : memref<!tpu.dma_semaphore, #tpu.memory_space<semaphore_mem>>)
        %dma_wait3A_28 = tpu.memref_slice %arg4[%add3A_15] : memref<320000xi32, #tpu.memory_space<hbm>> -> memref<80xi32, #tpu.memory_space<hbm>>
        %dma_wait3A_29 = tpu.memref_slice %arg4[%add3A_15] : memref<320000xi32, #tpu.memory_space<hbm>> -> memref<80xi32, #tpu.memory_space<hbm>>
        tpu.wait_dma2 semaphore(%run_scoped3A : memref<!tpu.dma_semaphore, #tpu.memory_space<semaphore_mem>>) src(%dma_wait3A_29 : memref<80xi32, #tpu.memory_space<hbm>>) dst(%arg8 : memref<80xi32, #tpu.memory_space<vmem>>)
        tpu.yield
      }) : () -> ()
      %dma_start3A = arith.constant 0 : i32
      %dma_start3A_16 = arith.constant 0 : i32
      %dma_start3A_17 = tpu.memref_slice %arg2[%dma_start3A, %dma_start3A_16] : memref<10000x128xi32, #tpu.memory_space<hbm>> -> memref<10000x128xi32, #tpu.memory_space<hbm>>
      tpu.enqueue_indirect_dma source(%dma_start3A_17 : memref<10000x128xi32, #tpu.memory_space<hbm>>) target(%arg9 : memref<80x128xi32, #tpu.memory_space<vmem>>) offsets(%arg7 : memref<80xi32, #tpu.memory_space<vmem>>) semaphore(%arg11 : memref<!tpu.dma_semaphore, #tpu.memory_space<semaphore_mem>>)
      %dma_start3A_18 = arith.constant 0 : i32
      %dma_start3A_19 = arith.constant 0 : i32
      %dma_start3A_20 = tpu.memref_slice %arg2[%dma_start3A_18, %dma_start3A_19] : memref<10000x128xi32, #tpu.memory_space<hbm>> -> memref<10000x128xi32, #tpu.memory_space<hbm>>
      tpu.enqueue_indirect_dma source(%dma_start3A_20 : memref<10000x128xi32, #tpu.memory_space<hbm>>) target(%arg10 : memref<80x128xi32, #tpu.memory_space<vmem>>) offsets(%arg8 : memref<80xi32, #tpu.memory_space<vmem>>) semaphore(%arg11 : memref<!tpu.dma_semaphore, #tpu.memory_space<semaphore_mem>>)
      %dma_wait3A = arith.constant 0 : i32
      %dma_wait3A_21 = arith.constant 0 : i32
      %dma_wait3A_22 = tpu.memref_slice %arg2[%dma_wait3A, %dma_wait3A_21] : memref<10000x128xi32, #tpu.memory_space<hbm>> -> memref<10000x128xi32, #tpu.memory_space<hbm>>
      tpu.wait_indirect_dma semaphore(%arg11 : memref<!tpu.dma_semaphore, #tpu.memory_space<semaphore_mem>>) src(%dma_wait3A_22 : memref<10000x128xi32, #tpu.memory_space<hbm>>) dst(%arg9 : memref<80x128xi32, #tpu.memory_space<vmem>>)
      %dma_wait3A_23 = arith.constant 0 : i32
      %dma_wait3A_24 = arith.constant 0 : i32
      %dma_wait3A_25 = tpu.memref_slice %arg2[%dma_wait3A_23, %dma_wait3A_24] : memref<10000x128xi32, #tpu.memory_space<hbm>> -> memref<10000x128xi32, #tpu.memory_space<hbm>>
      tpu.wait_indirect_dma semaphore(%arg11 : memref<!tpu.dma_semaphore, #tpu.memory_space<semaphore_mem>>) src(%dma_wait3A_25 : memref<10000x128xi32, #tpu.memory_space<hbm>>) dst(%arg10 : memref<80x128xi32, #tpu.memory_space<vmem>>)
      "tpu.region"() ({
        %run_scoped3A = tpu.sem_alloc : memref<!tpu.dma_semaphore, #tpu.memory_space<semaphore_mem>>
        %dma_start3A_26 = arith.constant 0 : i32
        %dma_start3A_27 = tpu.memref_slice %arg5[%add3A_11, %dma_start3A_26] : memref<64000x128xi32, #tpu.memory_space<hbm>> -> memref<80x128xi32, #tpu.memory_space<hbm>>
        %dma_start3A_28 = arith.constant 0 : i32
        %dma_start3A_29 = tpu.memref_slice %arg5[%add3A_11, %dma_start3A_28] : memref<64000x128xi32, #tpu.memory_space<hbm>> -> memref<80x128xi32, #tpu.memory_space<hbm>>
        tpu.enqueue_dma source(%arg9 : memref<80x128xi32, #tpu.memory_space<vmem>>) target(%dma_start3A_29 : memref<80x128xi32, #tpu.memory_space<hbm>>) target_semaphore(%run_scoped3A : memref<!tpu.dma_semaphore, #tpu.memory_space<semaphore_mem>>)
        %dma_wait3A_30 = arith.constant 0 : i32
        %dma_wait3A_31 = tpu.memref_slice %arg5[%add3A_11, %dma_wait3A_30] : memref<64000x128xi32, #tpu.memory_space<hbm>> -> memref<80x128xi32, #tpu.memory_space<hbm>>
        %dma_wait3A_32 = arith.constant 0 : i32
        %dma_wait3A_33 = tpu.memref_slice %arg5[%add3A_11, %dma_wait3A_32] : memref<64000x128xi32, #tpu.memory_space<hbm>> -> memref<80x128xi32, #tpu.memory_space<hbm>>
        tpu.wait_dma2 semaphore(%run_scoped3A : memref<!tpu.dma_semaphore, #tpu.memory_space<semaphore_mem>>) src(%arg9 : memref<80x128xi32, #tpu.memory_space<vmem>>) dst(%dma_wait3A_33 : memref<80x128xi32, #tpu.memory_space<hbm>>)
        tpu.yield
      }) : () -> ()
      "tpu.region"() ({
        %run_scoped3A = tpu.sem_alloc : memref<!tpu.dma_semaphore, #tpu.memory_space<semaphore_mem>>
        %dma_start3A_26 = arith.constant 0 : i32
        %dma_start3A_27 = tpu.memref_slice %arg6[%add3A_11, %dma_start3A_26] : memref<64000x128xi32, #tpu.memory_space<hbm>> -> memref<80x128xi32, #tpu.memory_space<hbm>>
        %dma_start3A_28 = arith.constant 0 : i32
        %dma_start3A_29 = tpu.memref_slice %arg6[%add3A_11, %dma_start3A_28] : memref<64000x128xi32, #tpu.memory_space<hbm>> -> memref<80x128xi32, #tpu.memory_space<hbm>>
        tpu.enqueue_dma source(%arg10 : memref<80x128xi32, #tpu.memory_space<vmem>>) target(%dma_start3A_29 : memref<80x128xi32, #tpu.memory_space<hbm>>) target_semaphore(%run_scoped3A : memref<!tpu.dma_semaphore, #tpu.memory_space<semaphore_mem>>)
        %dma_wait3A_30 = arith.constant 0 : i32
        %dma_wait3A_31 = tpu.memref_slice %arg6[%add3A_11, %dma_wait3A_30] : memref<64000x128xi32, #tpu.memory_space<hbm>> -> memref<80x128xi32, #tpu.memory_space<hbm>>
        %dma_wait3A_32 = arith.constant 0 : i32
        %dma_wait3A_33 = tpu.memref_slice %arg6[%add3A_11, %dma_wait3A_32] : memref<64000x128xi32, #tpu.memory_space<hbm>> -> memref<80x128xi32, #tpu.memory_space<hbm>>
        tpu.wait_dma2 semaphore(%run_scoped3A : memref<!tpu.dma_semaphore, #tpu.memory_space<semaphore_mem>>) src(%arg10 : memref<80x128xi32, #tpu.memory_space<vmem>>) dst(%dma_wait3A_33 : memref<80x128xi32, #tpu.memory_space<hbm>>)
        tpu.yield
      }) : () -> ()
    }
    %scan3A_7 = arith.constant 25 : i32
    return
  }
}

#map = affine_map<(d0, d1) -> (0, 0)>
#map1 = affine_map<(d0, d1) -> (0)>
module attributes {stable_mosaic.version = 14 : i64} {
  func.func @k(%arg0: i32, %arg1: i32, %arg2: memref<10000x128xi32, #tpu.memory_space<hbm>>, %arg3: memref<320000xi32, #tpu.memory_space<hbm>>, %arg4: memref<320000xi32, #tpu.memory_space<hbm>>, %arg5: memref<64000x128xi32, #tpu.memory_space<hbm>>, %arg6: memref<64000x128xi32, #tpu.memory_space<hbm>>, %arg7: memref<80xi32, #tpu.memory_space<vmem>>, %arg8: memref<80xi32, #tpu.memory_space<vmem>>, %arg9: memref<80x128xi32, #tpu.memory_space<vmem>>, %arg10: memref<80x128xi32, #tpu.memory_space<vmem>>, %arg11: memref<!tpu.dma_semaphore, #tpu.memory_space<semaphore_mem>>) attributes {dimension_semantics = [#tpu.dimension_semantics<core_parallel>, #tpu.dimension_semantics<subcore_parallel>], iteration_bounds = array<i64: 2, 16>, scalar_prefetch = 0 : i64, scratch_operands = 5 : i64, tpu.core_type = #tpu.core_type<sc_vector_subcore>, window_params = [{transform_indices = #map}, {transform_indices = #map1}, {transform_indices = #map1}, {transform_indices = #map}, {transform_indices = #map}]} {
    %mul3A = arith.constant 2 : i32
    %mul3A_0 = arith.muli %arg1, %mul3A : i32
    %add3A = arith.addi %mul3A_0, %arg0 : i32
    %mul3A_1 = arith.constant 2000 : i32
    %mul3A_2 = arith.muli %add3A, %mul3A_1 : i32
    %scan3A = arith.constant 0 : i32
    %scan3A_3 = arith.constant 0 : i32
    %scan3A_4 = arith.constant 25 : i32
    %scan3A_5 = arith.addi %scan3A_3, %scan3A_4 : i32
    %scan3A_6 = arith.constant 1 : i32
    scf.for %scan3A_8 = %scan3A_3 to %scan3A_5 step %scan3A_6  : i32 {
      %mul3A_9 = arith.constant 80 : i32
      %mul3A_10 = arith.muli %scan3A_8, %mul3A_9 : i32
      %add3A_11 = arith.addi %mul3A_2, %mul3A_10 : i32
      %add3A_12 = arith.constant 128000 : i32
      %add3A_13 = arith.addi %add3A_12, %add3A_11 : i32
      "tpu.region"() ({
        %run_scoped3A = tpu.sem_alloc : memref<!tpu.dma_semaphore, #tpu.memory_space<semaphore_mem>>
        %dma_start3A_26 = tpu.memref_slice %arg3[%add3A_13] : memref<320000xi32, #tpu.memory_space<hbm>> -> memref<80xi32, #tpu.memory_space<hbm>>
        %dma_start3A_27 = tpu.memref_slice %arg3[%add3A_13] : memref<320000xi32, #tpu.memory_space<hbm>> -> memref<80xi32, #tpu.memory_space<hbm>>
        tpu.enqueue_dma source(%dma_start3A_27 : memref<80xi32, #tpu.memory_space<hbm>>) target(%arg7 : memref<80xi32, #tpu.memory_space<vmem>>) target_semaphore(%run_scoped3A : memref<!tpu.dma_semaphore, #tpu.memory_space<semaphore_mem>>)
        %dma_wait3A_28 = tpu.memref_slice %arg3[%add3A_13] : memref<320000xi32, #tpu.memory_space<hbm>> -> memref<80xi32, #tpu.memory_space<hbm>>
        %dma_wait3A_29 = tpu.memref_slice %arg3[%add3A_13] : memref<320000xi32, #tpu.memory_space<hbm>> -> memref<80xi32, #tpu.memory_space<hbm>>
        tpu.wait_dma2 semaphore(%run_scoped3A : memref<!tpu.dma_semaphore, #tpu.memory_space<semaphore_mem>>) src(%dma_wait3A_29 : memref<80xi32, #tpu.memory_space<hbm>>) dst(%arg7 : memref<80xi32, #tpu.memory_space<vmem>>)
        tpu.yield
      }) : () -> ()
      %add3A_14 = arith.constant 128000 : i32
      %add3A_15 = arith.addi %add3A_14, %add3A_11 : i32
      "tpu.region"() ({
        %run_scoped3A = tpu.sem_alloc : memref<!tpu.dma_semaphore, #tpu.memory_space<semaphore_mem>>
        %dma_start3A_26 = tpu.memref_slice %arg4[%add3A_15] : memref<320000xi32, #tpu.memory_space<hbm>> -> memref<80xi32, #tpu.memory_space<hbm>>
        %dma_start3A_27 = tpu.memref_slice %arg4[%add3A_15] : memref<320000xi32, #tpu.memory_space<hbm>> -> memref<80xi32, #tpu.memory_space<hbm>>
        tpu.enqueue_dma source(%dma_start3A_27 : memref<80xi32, #tpu.memory_space<hbm>>) target(%arg8 : memref<80xi32, #tpu.memory_space<vmem>>) target_semaphore(%run_scoped3A : memref<!tpu.dma_semaphore, #tpu.memory_space<semaphore_mem>>)
        %dma_wait3A_28 = tpu.memref_slice %arg4[%add3A_15] : memref<320000xi32, #tpu.memory_space<hbm>> -> memref<80xi32, #tpu.memory_space<hbm>>
        %dma_wait3A_29 = tpu.memref_slice %arg4[%add3A_15] : memref<320000xi32, #tpu.memory_space<hbm>> -> memref<80xi32, #tpu.memory_space<hbm>>
        tpu.wait_dma2 semaphore(%run_scoped3A : memref<!tpu.dma_semaphore, #tpu.memory_space<semaphore_mem>>) src(%dma_wait3A_29 : memref<80xi32, #tpu.memory_space<hbm>>) dst(%arg8 : memref<80xi32, #tpu.memory_space<vmem>>)
        tpu.yield
      }) : () -> ()
      %dma_start3A = arith.constant 0 : i32
      %dma_start3A_16 = arith.constant 0 : i32
      %dma_start3A_17 = tpu.memref_slice %arg2[%dma_start3A, %dma_start3A_16] : memref<10000x128xi32, #tpu.memory_space<hbm>> -> memref<10000x128xi32, #tpu.memory_space<hbm>>
      tpu.enqueue_indirect_dma source(%dma_start3A_17 : memref<10000x128xi32, #tpu.memory_space<hbm>>) target(%arg9 : memref<80x128xi32, #tpu.memory_space<vmem>>) offsets(%arg7 : memref<80xi32, #tpu.memory_space<vmem>>) semaphore(%arg11 : memref<!tpu.dma_semaphore, #tpu.memory_space<semaphore_mem>>)
      %dma_start3A_18 = arith.constant 0 : i32
      %dma_start3A_19 = arith.constant 0 : i32
      %dma_start3A_20 = tpu.memref_slice %arg2[%dma_start3A_18, %dma_start3A_19] : memref<10000x128xi32, #tpu.memory_space<hbm>> -> memref<10000x128xi32, #tpu.memory_space<hbm>>
      tpu.enqueue_indirect_dma source(%dma_start3A_20 : memref<10000x128xi32, #tpu.memory_space<hbm>>) target(%arg10 : memref<80x128xi32, #tpu.memory_space<vmem>>) offsets(%arg8 : memref<80xi32, #tpu.memory_space<vmem>>) semaphore(%arg11 : memref<!tpu.dma_semaphore, #tpu.memory_space<semaphore_mem>>)
      %dma_wait3A = arith.constant 0 : i32
      %dma_wait3A_21 = arith.constant 0 : i32
      %dma_wait3A_22 = tpu.memref_slice %arg2[%dma_wait3A, %dma_wait3A_21] : memref<10000x128xi32, #tpu.memory_space<hbm>> -> memref<10000x128xi32, #tpu.memory_space<hbm>>
      tpu.wait_indirect_dma semaphore(%arg11 : memref<!tpu.dma_semaphore, #tpu.memory_space<semaphore_mem>>) src(%dma_wait3A_22 : memref<10000x128xi32, #tpu.memory_space<hbm>>) dst(%arg9 : memref<80x128xi32, #tpu.memory_space<vmem>>)
      %dma_wait3A_23 = arith.constant 0 : i32
      %dma_wait3A_24 = arith.constant 0 : i32
      %dma_wait3A_25 = tpu.memref_slice %arg2[%dma_wait3A_23, %dma_wait3A_24] : memref<10000x128xi32, #tpu.memory_space<hbm>> -> memref<10000x128xi32, #tpu.memory_space<hbm>>
      tpu.wait_indirect_dma semaphore(%arg11 : memref<!tpu.dma_semaphore, #tpu.memory_space<semaphore_mem>>) src(%dma_wait3A_25 : memref<10000x128xi32, #tpu.memory_space<hbm>>) dst(%arg10 : memref<80x128xi32, #tpu.memory_space<vmem>>)
      "tpu.region"() ({
        %run_scoped3A = tpu.sem_alloc : memref<!tpu.dma_semaphore, #tpu.memory_space<semaphore_mem>>
        %dma_start3A_26 = arith.constant 0 : i32
        %dma_start3A_27 = tpu.memref_slice %arg5[%add3A_11, %dma_start3A_26] : memref<64000x128xi32, #tpu.memory_space<hbm>> -> memref<80x128xi32, #tpu.memory_space<hbm>>
        %dma_start3A_28 = arith.constant 0 : i32
        %dma_start3A_29 = tpu.memref_slice %arg5[%add3A_11, %dma_start3A_28] : memref<64000x128xi32, #tpu.memory_space<hbm>> -> memref<80x128xi32, #tpu.memory_space<hbm>>
        tpu.enqueue_dma source(%arg9 : memref<80x128xi32, #tpu.memory_space<vmem>>) target(%dma_start3A_29 : memref<80x128xi32, #tpu.memory_space<hbm>>) target_semaphore(%run_scoped3A : memref<!tpu.dma_semaphore, #tpu.memory_space<semaphore_mem>>)
        %dma_wait3A_30 = arith.constant 0 : i32
        %dma_wait3A_31 = tpu.memref_slice %arg5[%add3A_11, %dma_wait3A_30] : memref<64000x128xi32, #tpu.memory_space<hbm>> -> memref<80x128xi32, #tpu.memory_space<hbm>>
        %dma_wait3A_32 = arith.constant 0 : i32
        %dma_wait3A_33 = tpu.memref_slice %arg5[%add3A_11, %dma_wait3A_32] : memref<64000x128xi32, #tpu.memory_space<hbm>> -> memref<80x128xi32, #tpu.memory_space<hbm>>
        tpu.wait_dma2 semaphore(%run_scoped3A : memref<!tpu.dma_semaphore, #tpu.memory_space<semaphore_mem>>) src(%arg9 : memref<80x128xi32, #tpu.memory_space<vmem>>) dst(%dma_wait3A_33 : memref<80x128xi32, #tpu.memory_space<hbm>>)
        tpu.yield
      }) : () -> ()
      "tpu.region"() ({
        %run_scoped3A = tpu.sem_alloc : memref<!tpu.dma_semaphore, #tpu.memory_space<semaphore_mem>>
        %dma_start3A_26 = arith.constant 0 : i32
        %dma_start3A_27 = tpu.memref_slice %arg6[%add3A_11, %dma_start3A_26] : memref<64000x128xi32, #tpu.memory_space<hbm>> -> memref<80x128xi32, #tpu.memory_space<hbm>>
        %dma_start3A_28 = arith.constant 0 : i32
        %dma_start3A_29 = tpu.memref_slice %arg6[%add3A_11, %dma_start3A_28] : memref<64000x128xi32, #tpu.memory_space<hbm>> -> memref<80x128xi32, #tpu.memory_space<hbm>>
        tpu.enqueue_dma source(%arg10 : memref<80x128xi32, #tpu.memory_space<vmem>>) target(%dma_start3A_29 : memref<80x128xi32, #tpu.memory_space<hbm>>) target_semaphore(%run_scoped3A : memref<!tpu.dma_semaphore, #tpu.memory_space<semaphore_mem>>)
        %dma_wait3A_30 = arith.constant 0 : i32
        %dma_wait3A_31 = tpu.memref_slice %arg6[%add3A_11, %dma_wait3A_30] : memref<64000x128xi32, #tpu.memory_space<hbm>> -> memref<80x128xi32, #tpu.memory_space<hbm>>
        %dma_wait3A_32 = arith.constant 0 : i32
        %dma_wait3A_33 = tpu.memref_slice %arg6[%add3A_11, %dma_wait3A_32] : memref<64000x128xi32, #tpu.memory_space<hbm>> -> memref<80x128xi32, #tpu.memory_space<hbm>>
        tpu.wait_dma2 semaphore(%run_scoped3A : memref<!tpu.dma_semaphore, #tpu.memory_space<semaphore_mem>>) src(%arg10 : memref<80x128xi32, #tpu.memory_space<vmem>>) dst(%dma_wait3A_33 : memref<80x128xi32, #tpu.memory_space<hbm>>)
        tpu.yield
      }) : () -> ()
    }
    %scan3A_7 = arith.constant 25 : i32
    return
  }
}

#map = affine_map<(d0, d1) -> (0, 0)>
#map1 = affine_map<(d0, d1) -> (0)>
module attributes {stable_mosaic.version = 14 : i64} {
  func.func @k(%arg0: i32, %arg1: i32, %arg2: memref<10000x128xi32, #tpu.memory_space<hbm>>, %arg3: memref<320000xi32, #tpu.memory_space<hbm>>, %arg4: memref<320000xi32, #tpu.memory_space<hbm>>, %arg5: memref<64000x128xi32, #tpu.memory_space<hbm>>, %arg6: memref<64000x128xi32, #tpu.memory_space<hbm>>, %arg7: memref<80xi32, #tpu.memory_space<vmem>>, %arg8: memref<80xi32, #tpu.memory_space<vmem>>, %arg9: memref<80x128xi32, #tpu.memory_space<vmem>>, %arg10: memref<80x128xi32, #tpu.memory_space<vmem>>, %arg11: memref<!tpu.dma_semaphore, #tpu.memory_space<semaphore_mem>>) attributes {dimension_semantics = [#tpu.dimension_semantics<core_parallel>, #tpu.dimension_semantics<subcore_parallel>], iteration_bounds = array<i64: 2, 16>, scalar_prefetch = 0 : i64, scratch_operands = 5 : i64, tpu.core_type = #tpu.core_type<sc_vector_subcore>, window_params = [{transform_indices = #map}, {transform_indices = #map1}, {transform_indices = #map1}, {transform_indices = #map}, {transform_indices = #map}]} {
    %mul3A = arith.constant 2 : i32
    %mul3A_0 = arith.muli %arg1, %mul3A : i32
    %add3A = arith.addi %mul3A_0, %arg0 : i32
    %mul3A_1 = arith.constant 2000 : i32
    %mul3A_2 = arith.muli %add3A, %mul3A_1 : i32
    %scan3A = arith.constant 0 : i32
    %scan3A_3 = arith.constant 0 : i32
    %scan3A_4 = arith.constant 25 : i32
    %scan3A_5 = arith.addi %scan3A_3, %scan3A_4 : i32
    %scan3A_6 = arith.constant 1 : i32
    scf.for %scan3A_8 = %scan3A_3 to %scan3A_5 step %scan3A_6  : i32 {
      %mul3A_9 = arith.constant 80 : i32
      %mul3A_10 = arith.muli %scan3A_8, %mul3A_9 : i32
      %add3A_11 = arith.addi %mul3A_2, %mul3A_10 : i32
      %add3A_12 = arith.constant 192000 : i32
      %add3A_13 = arith.addi %add3A_12, %add3A_11 : i32
      "tpu.region"() ({
        %run_scoped3A = tpu.sem_alloc : memref<!tpu.dma_semaphore, #tpu.memory_space<semaphore_mem>>
        %dma_start3A_26 = tpu.memref_slice %arg3[%add3A_13] : memref<320000xi32, #tpu.memory_space<hbm>> -> memref<80xi32, #tpu.memory_space<hbm>>
        %dma_start3A_27 = tpu.memref_slice %arg3[%add3A_13] : memref<320000xi32, #tpu.memory_space<hbm>> -> memref<80xi32, #tpu.memory_space<hbm>>
        tpu.enqueue_dma source(%dma_start3A_27 : memref<80xi32, #tpu.memory_space<hbm>>) target(%arg7 : memref<80xi32, #tpu.memory_space<vmem>>) target_semaphore(%run_scoped3A : memref<!tpu.dma_semaphore, #tpu.memory_space<semaphore_mem>>)
        %dma_wait3A_28 = tpu.memref_slice %arg3[%add3A_13] : memref<320000xi32, #tpu.memory_space<hbm>> -> memref<80xi32, #tpu.memory_space<hbm>>
        %dma_wait3A_29 = tpu.memref_slice %arg3[%add3A_13] : memref<320000xi32, #tpu.memory_space<hbm>> -> memref<80xi32, #tpu.memory_space<hbm>>
        tpu.wait_dma2 semaphore(%run_scoped3A : memref<!tpu.dma_semaphore, #tpu.memory_space<semaphore_mem>>) src(%dma_wait3A_29 : memref<80xi32, #tpu.memory_space<hbm>>) dst(%arg7 : memref<80xi32, #tpu.memory_space<vmem>>)
        tpu.yield
      }) : () -> ()
      %add3A_14 = arith.constant 192000 : i32
      %add3A_15 = arith.addi %add3A_14, %add3A_11 : i32
      "tpu.region"() ({
        %run_scoped3A = tpu.sem_alloc : memref<!tpu.dma_semaphore, #tpu.memory_space<semaphore_mem>>
        %dma_start3A_26 = tpu.memref_slice %arg4[%add3A_15] : memref<320000xi32, #tpu.memory_space<hbm>> -> memref<80xi32, #tpu.memory_space<hbm>>
        %dma_start3A_27 = tpu.memref_slice %arg4[%add3A_15] : memref<320000xi32, #tpu.memory_space<hbm>> -> memref<80xi32, #tpu.memory_space<hbm>>
        tpu.enqueue_dma source(%dma_start3A_27 : memref<80xi32, #tpu.memory_space<hbm>>) target(%arg8 : memref<80xi32, #tpu.memory_space<vmem>>) target_semaphore(%run_scoped3A : memref<!tpu.dma_semaphore, #tpu.memory_space<semaphore_mem>>)
        %dma_wait3A_28 = tpu.memref_slice %arg4[%add3A_15] : memref<320000xi32, #tpu.memory_space<hbm>> -> memref<80xi32, #tpu.memory_space<hbm>>
        %dma_wait3A_29 = tpu.memref_slice %arg4[%add3A_15] : memref<320000xi32, #tpu.memory_space<hbm>> -> memref<80xi32, #tpu.memory_space<hbm>>
        tpu.wait_dma2 semaphore(%run_scoped3A : memref<!tpu.dma_semaphore, #tpu.memory_space<semaphore_mem>>) src(%dma_wait3A_29 : memref<80xi32, #tpu.memory_space<hbm>>) dst(%arg8 : memref<80xi32, #tpu.memory_space<vmem>>)
        tpu.yield
      }) : () -> ()
      %dma_start3A = arith.constant 0 : i32
      %dma_start3A_16 = arith.constant 0 : i32
      %dma_start3A_17 = tpu.memref_slice %arg2[%dma_start3A, %dma_start3A_16] : memref<10000x128xi32, #tpu.memory_space<hbm>> -> memref<10000x128xi32, #tpu.memory_space<hbm>>
      tpu.enqueue_indirect_dma source(%dma_start3A_17 : memref<10000x128xi32, #tpu.memory_space<hbm>>) target(%arg9 : memref<80x128xi32, #tpu.memory_space<vmem>>) offsets(%arg7 : memref<80xi32, #tpu.memory_space<vmem>>) semaphore(%arg11 : memref<!tpu.dma_semaphore, #tpu.memory_space<semaphore_mem>>)
      %dma_start3A_18 = arith.constant 0 : i32
      %dma_start3A_19 = arith.constant 0 : i32
      %dma_start3A_20 = tpu.memref_slice %arg2[%dma_start3A_18, %dma_start3A_19] : memref<10000x128xi32, #tpu.memory_space<hbm>> -> memref<10000x128xi32, #tpu.memory_space<hbm>>
      tpu.enqueue_indirect_dma source(%dma_start3A_20 : memref<10000x128xi32, #tpu.memory_space<hbm>>) target(%arg10 : memref<80x128xi32, #tpu.memory_space<vmem>>) offsets(%arg8 : memref<80xi32, #tpu.memory_space<vmem>>) semaphore(%arg11 : memref<!tpu.dma_semaphore, #tpu.memory_space<semaphore_mem>>)
      %dma_wait3A = arith.constant 0 : i32
      %dma_wait3A_21 = arith.constant 0 : i32
      %dma_wait3A_22 = tpu.memref_slice %arg2[%dma_wait3A, %dma_wait3A_21] : memref<10000x128xi32, #tpu.memory_space<hbm>> -> memref<10000x128xi32, #tpu.memory_space<hbm>>
      tpu.wait_indirect_dma semaphore(%arg11 : memref<!tpu.dma_semaphore, #tpu.memory_space<semaphore_mem>>) src(%dma_wait3A_22 : memref<10000x128xi32, #tpu.memory_space<hbm>>) dst(%arg9 : memref<80x128xi32, #tpu.memory_space<vmem>>)
      %dma_wait3A_23 = arith.constant 0 : i32
      %dma_wait3A_24 = arith.constant 0 : i32
      %dma_wait3A_25 = tpu.memref_slice %arg2[%dma_wait3A_23, %dma_wait3A_24] : memref<10000x128xi32, #tpu.memory_space<hbm>> -> memref<10000x128xi32, #tpu.memory_space<hbm>>
      tpu.wait_indirect_dma semaphore(%arg11 : memref<!tpu.dma_semaphore, #tpu.memory_space<semaphore_mem>>) src(%dma_wait3A_25 : memref<10000x128xi32, #tpu.memory_space<hbm>>) dst(%arg10 : memref<80x128xi32, #tpu.memory_space<vmem>>)
      "tpu.region"() ({
        %run_scoped3A = tpu.sem_alloc : memref<!tpu.dma_semaphore, #tpu.memory_space<semaphore_mem>>
        %dma_start3A_26 = arith.constant 0 : i32
        %dma_start3A_27 = tpu.memref_slice %arg5[%add3A_11, %dma_start3A_26] : memref<64000x128xi32, #tpu.memory_space<hbm>> -> memref<80x128xi32, #tpu.memory_space<hbm>>
        %dma_start3A_28 = arith.constant 0 : i32
        %dma_start3A_29 = tpu.memref_slice %arg5[%add3A_11, %dma_start3A_28] : memref<64000x128xi32, #tpu.memory_space<hbm>> -> memref<80x128xi32, #tpu.memory_space<hbm>>
        tpu.enqueue_dma source(%arg9 : memref<80x128xi32, #tpu.memory_space<vmem>>) target(%dma_start3A_29 : memref<80x128xi32, #tpu.memory_space<hbm>>) target_semaphore(%run_scoped3A : memref<!tpu.dma_semaphore, #tpu.memory_space<semaphore_mem>>)
        %dma_wait3A_30 = arith.constant 0 : i32
        %dma_wait3A_31 = tpu.memref_slice %arg5[%add3A_11, %dma_wait3A_30] : memref<64000x128xi32, #tpu.memory_space<hbm>> -> memref<80x128xi32, #tpu.memory_space<hbm>>
        %dma_wait3A_32 = arith.constant 0 : i32
        %dma_wait3A_33 = tpu.memref_slice %arg5[%add3A_11, %dma_wait3A_32] : memref<64000x128xi32, #tpu.memory_space<hbm>> -> memref<80x128xi32, #tpu.memory_space<hbm>>
        tpu.wait_dma2 semaphore(%run_scoped3A : memref<!tpu.dma_semaphore, #tpu.memory_space<semaphore_mem>>) src(%arg9 : memref<80x128xi32, #tpu.memory_space<vmem>>) dst(%dma_wait3A_33 : memref<80x128xi32, #tpu.memory_space<hbm>>)
        tpu.yield
      }) : () -> ()
      "tpu.region"() ({
        %run_scoped3A = tpu.sem_alloc : memref<!tpu.dma_semaphore, #tpu.memory_space<semaphore_mem>>
        %dma_start3A_26 = arith.constant 0 : i32
        %dma_start3A_27 = tpu.memref_slice %arg6[%add3A_11, %dma_start3A_26] : memref<64000x128xi32, #tpu.memory_space<hbm>> -> memref<80x128xi32, #tpu.memory_space<hbm>>
        %dma_start3A_28 = arith.constant 0 : i32
        %dma_start3A_29 = tpu.memref_slice %arg6[%add3A_11, %dma_start3A_28] : memref<64000x128xi32, #tpu.memory_space<hbm>> -> memref<80x128xi32, #tpu.memory_space<hbm>>
        tpu.enqueue_dma source(%arg10 : memref<80x128xi32, #tpu.memory_space<vmem>>) target(%dma_start3A_29 : memref<80x128xi32, #tpu.memory_space<hbm>>) target_semaphore(%run_scoped3A : memref<!tpu.dma_semaphore, #tpu.memory_space<semaphore_mem>>)
        %dma_wait3A_30 = arith.constant 0 : i32
        %dma_wait3A_31 = tpu.memref_slice %arg6[%add3A_11, %dma_wait3A_30] : memref<64000x128xi32, #tpu.memory_space<hbm>> -> memref<80x128xi32, #tpu.memory_space<hbm>>
        %dma_wait3A_32 = arith.constant 0 : i32
        %dma_wait3A_33 = tpu.memref_slice %arg6[%add3A_11, %dma_wait3A_32] : memref<64000x128xi32, #tpu.memory_space<hbm>> -> memref<80x128xi32, #tpu.memory_space<hbm>>
        tpu.wait_dma2 semaphore(%run_scoped3A : memref<!tpu.dma_semaphore, #tpu.memory_space<semaphore_mem>>) src(%arg10 : memref<80x128xi32, #tpu.memory_space<vmem>>) dst(%dma_wait3A_33 : memref<80x128xi32, #tpu.memory_space<hbm>>)
        tpu.yield
      }) : () -> ()
    }
    %scan3A_7 = arith.constant 25 : i32
    return
  }
}

#map = affine_map<(d0, d1) -> (0, 0)>
#map1 = affine_map<(d0, d1) -> (0)>
module attributes {stable_mosaic.version = 14 : i64} {
  func.func @k(%arg0: i32, %arg1: i32, %arg2: memref<10000x128xi32, #tpu.memory_space<hbm>>, %arg3: memref<320000xi32, #tpu.memory_space<hbm>>, %arg4: memref<320000xi32, #tpu.memory_space<hbm>>, %arg5: memref<64000x128xi32, #tpu.memory_space<hbm>>, %arg6: memref<64000x128xi32, #tpu.memory_space<hbm>>, %arg7: memref<80xi32, #tpu.memory_space<vmem>>, %arg8: memref<80xi32, #tpu.memory_space<vmem>>, %arg9: memref<80x128xi32, #tpu.memory_space<vmem>>, %arg10: memref<80x128xi32, #tpu.memory_space<vmem>>, %arg11: memref<!tpu.dma_semaphore, #tpu.memory_space<semaphore_mem>>) attributes {dimension_semantics = [#tpu.dimension_semantics<core_parallel>, #tpu.dimension_semantics<subcore_parallel>], iteration_bounds = array<i64: 2, 16>, scalar_prefetch = 0 : i64, scratch_operands = 5 : i64, tpu.core_type = #tpu.core_type<sc_vector_subcore>, window_params = [{transform_indices = #map}, {transform_indices = #map1}, {transform_indices = #map1}, {transform_indices = #map}, {transform_indices = #map}]} {
    %mul3A = arith.constant 2 : i32
    %mul3A_0 = arith.muli %arg1, %mul3A : i32
    %add3A = arith.addi %mul3A_0, %arg0 : i32
    %mul3A_1 = arith.constant 2000 : i32
    %mul3A_2 = arith.muli %add3A, %mul3A_1 : i32
    %scan3A = arith.constant 0 : i32
    %scan3A_3 = arith.constant 0 : i32
    %scan3A_4 = arith.constant 25 : i32
    %scan3A_5 = arith.addi %scan3A_3, %scan3A_4 : i32
    %scan3A_6 = arith.constant 1 : i32
    scf.for %scan3A_8 = %scan3A_3 to %scan3A_5 step %scan3A_6  : i32 {
      %mul3A_9 = arith.constant 80 : i32
      %mul3A_10 = arith.muli %scan3A_8, %mul3A_9 : i32
      %add3A_11 = arith.addi %mul3A_2, %mul3A_10 : i32
      %add3A_12 = arith.constant 0 : i32
      %add3A_13 = arith.addi %add3A_12, %add3A_11 : i32
      "tpu.region"() ({
        %run_scoped3A = tpu.sem_alloc : memref<!tpu.dma_semaphore, #tpu.memory_space<semaphore_mem>>
        %dma_start3A_26 = tpu.memref_slice %arg3[%add3A_13] : memref<320000xi32, #tpu.memory_space<hbm>> -> memref<80xi32, #tpu.memory_space<hbm>>
        %dma_start3A_27 = tpu.memref_slice %arg3[%add3A_13] : memref<320000xi32, #tpu.memory_space<hbm>> -> memref<80xi32, #tpu.memory_space<hbm>>
        tpu.enqueue_dma source(%dma_start3A_27 : memref<80xi32, #tpu.memory_space<hbm>>) target(%arg7 : memref<80xi32, #tpu.memory_space<vmem>>) target_semaphore(%run_scoped3A : memref<!tpu.dma_semaphore, #tpu.memory_space<semaphore_mem>>)
        %dma_wait3A_28 = tpu.memref_slice %arg3[%add3A_13] : memref<320000xi32, #tpu.memory_space<hbm>> -> memref<80xi32, #tpu.memory_space<hbm>>
        %dma_wait3A_29 = tpu.memref_slice %arg3[%add3A_13] : memref<320000xi32, #tpu.memory_space<hbm>> -> memref<80xi32, #tpu.memory_space<hbm>>
        tpu.wait_dma2 semaphore(%run_scoped3A : memref<!tpu.dma_semaphore, #tpu.memory_space<semaphore_mem>>) src(%dma_wait3A_29 : memref<80xi32, #tpu.memory_space<hbm>>) dst(%arg7 : memref<80xi32, #tpu.memory_space<vmem>>)
        tpu.yield
      }) : () -> ()
      %add3A_14 = arith.constant 0 : i32
      %add3A_15 = arith.addi %add3A_14, %add3A_11 : i32
      "tpu.region"() ({
        %run_scoped3A = tpu.sem_alloc : memref<!tpu.dma_semaphore, #tpu.memory_space<semaphore_mem>>
        %dma_start3A_26 = tpu.memref_slice %arg4[%add3A_15] : memref<320000xi32, #tpu.memory_space<hbm>> -> memref<80xi32, #tpu.memory_space<hbm>>
        %dma_start3A_27 = tpu.memref_slice %arg4[%add3A_15] : memref<320000xi32, #tpu.memory_space<hbm>> -> memref<80xi32, #tpu.memory_space<hbm>>
        tpu.enqueue_dma source(%dma_start3A_27 : memref<80xi32, #tpu.memory_space<hbm>>) target(%arg8 : memref<80xi32, #tpu.memory_space<vmem>>) target_semaphore(%run_scoped3A : memref<!tpu.dma_semaphore, #tpu.memory_space<semaphore_mem>>)
        %dma_wait3A_28 = tpu.memref_slice %arg4[%add3A_15] : memref<320000xi32, #tpu.memory_space<hbm>> -> memref<80xi32, #tpu.memory_space<hbm>>
        %dma_wait3A_29 = tpu.memref_slice %arg4[%add3A_15] : memref<320000xi32, #tpu.memory_space<hbm>> -> memref<80xi32, #tpu.memory_space<hbm>>
        tpu.wait_dma2 semaphore(%run_scoped3A : memref<!tpu.dma_semaphore, #tpu.memory_space<semaphore_mem>>) src(%dma_wait3A_29 : memref<80xi32, #tpu.memory_space<hbm>>) dst(%arg8 : memref<80xi32, #tpu.memory_space<vmem>>)
        tpu.yield
      }) : () -> ()
      %dma_start3A = arith.constant 0 : i32
      %dma_start3A_16 = arith.constant 0 : i32
      %dma_start3A_17 = tpu.memref_slice %arg2[%dma_start3A, %dma_start3A_16] : memref<10000x128xi32, #tpu.memory_space<hbm>> -> memref<10000x128xi32, #tpu.memory_space<hbm>>
      tpu.enqueue_indirect_dma source(%dma_start3A_17 : memref<10000x128xi32, #tpu.memory_space<hbm>>) target(%arg9 : memref<80x128xi32, #tpu.memory_space<vmem>>) offsets(%arg7 : memref<80xi32, #tpu.memory_space<vmem>>) semaphore(%arg11 : memref<!tpu.dma_semaphore, #tpu.memory_space<semaphore_mem>>)
      %dma_start3A_18 = arith.constant 0 : i32
      %dma_start3A_19 = arith.constant 0 : i32
      %dma_start3A_20 = tpu.memref_slice %arg2[%dma_start3A_18, %dma_start3A_19] : memref<10000x128xi32, #tpu.memory_space<hbm>> -> memref<10000x128xi32, #tpu.memory_space<hbm>>
      tpu.enqueue_indirect_dma source(%dma_start3A_20 : memref<10000x128xi32, #tpu.memory_space<hbm>>) target(%arg10 : memref<80x128xi32, #tpu.memory_space<vmem>>) offsets(%arg8 : memref<80xi32, #tpu.memory_space<vmem>>) semaphore(%arg11 : memref<!tpu.dma_semaphore, #tpu.memory_space<semaphore_mem>>)
      %dma_wait3A = arith.constant 0 : i32
      %dma_wait3A_21 = arith.constant 0 : i32
      %dma_wait3A_22 = tpu.memref_slice %arg2[%dma_wait3A, %dma_wait3A_21] : memref<10000x128xi32, #tpu.memory_space<hbm>> -> memref<10000x128xi32, #tpu.memory_space<hbm>>
      tpu.wait_indirect_dma semaphore(%arg11 : memref<!tpu.dma_semaphore, #tpu.memory_space<semaphore_mem>>) src(%dma_wait3A_22 : memref<10000x128xi32, #tpu.memory_space<hbm>>) dst(%arg9 : memref<80x128xi32, #tpu.memory_space<vmem>>)
      %dma_wait3A_23 = arith.constant 0 : i32
      %dma_wait3A_24 = arith.constant 0 : i32
      %dma_wait3A_25 = tpu.memref_slice %arg2[%dma_wait3A_23, %dma_wait3A_24] : memref<10000x128xi32, #tpu.memory_space<hbm>> -> memref<10000x128xi32, #tpu.memory_space<hbm>>
      tpu.wait_indirect_dma semaphore(%arg11 : memref<!tpu.dma_semaphore, #tpu.memory_space<semaphore_mem>>) src(%dma_wait3A_25 : memref<10000x128xi32, #tpu.memory_space<hbm>>) dst(%arg10 : memref<80x128xi32, #tpu.memory_space<vmem>>)
      "tpu.region"() ({
        %run_scoped3A = tpu.sem_alloc : memref<!tpu.dma_semaphore, #tpu.memory_space<semaphore_mem>>
        %dma_start3A_26 = arith.constant 0 : i32
        %dma_start3A_27 = tpu.memref_slice %arg5[%add3A_11, %dma_start3A_26] : memref<64000x128xi32, #tpu.memory_space<hbm>> -> memref<80x128xi32, #tpu.memory_space<hbm>>
        %dma_start3A_28 = arith.constant 0 : i32
        %dma_start3A_29 = tpu.memref_slice %arg5[%add3A_11, %dma_start3A_28] : memref<64000x128xi32, #tpu.memory_space<hbm>> -> memref<80x128xi32, #tpu.memory_space<hbm>>
        tpu.enqueue_dma source(%arg9 : memref<80x128xi32, #tpu.memory_space<vmem>>) target(%dma_start3A_29 : memref<80x128xi32, #tpu.memory_space<hbm>>) target_semaphore(%run_scoped3A : memref<!tpu.dma_semaphore, #tpu.memory_space<semaphore_mem>>)
        %dma_wait3A_30 = arith.constant 0 : i32
        %dma_wait3A_31 = tpu.memref_slice %arg5[%add3A_11, %dma_wait3A_30] : memref<64000x128xi32, #tpu.memory_space<hbm>> -> memref<80x128xi32, #tpu.memory_space<hbm>>
        %dma_wait3A_32 = arith.constant 0 : i32
        %dma_wait3A_33 = tpu.memref_slice %arg5[%add3A_11, %dma_wait3A_32] : memref<64000x128xi32, #tpu.memory_space<hbm>> -> memref<80x128xi32, #tpu.memory_space<hbm>>
        tpu.wait_dma2 semaphore(%run_scoped3A : memref<!tpu.dma_semaphore, #tpu.memory_space<semaphore_mem>>) src(%arg9 : memref<80x128xi32, #tpu.memory_space<vmem>>) dst(%dma_wait3A_33 : memref<80x128xi32, #tpu.memory_space<hbm>>)
        tpu.yield
      }) : () -> ()
      "tpu.region"() ({
        %run_scoped3A = tpu.sem_alloc : memref<!tpu.dma_semaphore, #tpu.memory_space<semaphore_mem>>
        %dma_start3A_26 = arith.constant 0 : i32
        %dma_start3A_27 = tpu.memref_slice %arg6[%add3A_11, %dma_start3A_26] : memref<64000x128xi32, #tpu.memory_space<hbm>> -> memref<80x128xi32, #tpu.memory_space<hbm>>
        %dma_start3A_28 = arith.constant 0 : i32
        %dma_start3A_29 = tpu.memref_slice %arg6[%add3A_11, %dma_start3A_28] : memref<64000x128xi32, #tpu.memory_space<hbm>> -> memref<80x128xi32, #tpu.memory_space<hbm>>
        tpu.enqueue_dma source(%arg10 : memref<80x128xi32, #tpu.memory_space<vmem>>) target(%dma_start3A_29 : memref<80x128xi32, #tpu.memory_space<hbm>>) target_semaphore(%run_scoped3A : memref<!tpu.dma_semaphore, #tpu.memory_space<semaphore_mem>>)
        %dma_wait3A_30 = arith.constant 0 : i32
        %dma_wait3A_31 = tpu.memref_slice %arg6[%add3A_11, %dma_wait3A_30] : memref<64000x128xi32, #tpu.memory_space<hbm>> -> memref<80x128xi32, #tpu.memory_space<hbm>>
        %dma_wait3A_32 = arith.constant 0 : i32
        %dma_wait3A_33 = tpu.memref_slice %arg6[%add3A_11, %dma_wait3A_32] : memref<64000x128xi32, #tpu.memory_space<hbm>> -> memref<80x128xi32, #tpu.memory_space<hbm>>
        tpu.wait_dma2 semaphore(%run_scoped3A : memref<!tpu.dma_semaphore, #tpu.memory_space<semaphore_mem>>) src(%arg10 : memref<80x128xi32, #tpu.memory_space<vmem>>) dst(%dma_wait3A_33 : memref<80x128xi32, #tpu.memory_space<hbm>>)
        tpu.yield
      }) : () -> ()
    }
    %scan3A_7 = arith.constant 25 : i32
    return
  }
}

#map = affine_map<(d0, d1) -> (0, 0)>
#map1 = affine_map<(d0, d1) -> (0)>
module attributes {stable_mosaic.version = 14 : i64} {
  func.func @k(%arg0: i32, %arg1: i32, %arg2: memref<10000x128xi32, #tpu.memory_space<hbm>>, %arg3: memref<320000xi32, #tpu.memory_space<hbm>>, %arg4: memref<320000xi32, #tpu.memory_space<hbm>>, %arg5: memref<64000x128xi32, #tpu.memory_space<hbm>>, %arg6: memref<64000x128xi32, #tpu.memory_space<hbm>>, %arg7: memref<80xi32, #tpu.memory_space<vmem>>, %arg8: memref<80xi32, #tpu.memory_space<vmem>>, %arg9: memref<80x128xi32, #tpu.memory_space<vmem>>, %arg10: memref<80x128xi32, #tpu.memory_space<vmem>>, %arg11: memref<!tpu.dma_semaphore, #tpu.memory_space<semaphore_mem>>) attributes {dimension_semantics = [#tpu.dimension_semantics<core_parallel>, #tpu.dimension_semantics<subcore_parallel>], iteration_bounds = array<i64: 2, 16>, scalar_prefetch = 0 : i64, scratch_operands = 5 : i64, tpu.core_type = #tpu.core_type<sc_vector_subcore>, window_params = [{transform_indices = #map}, {transform_indices = #map1}, {transform_indices = #map1}, {transform_indices = #map}, {transform_indices = #map}]} {
    %mul3A = arith.constant 2 : i32
    %mul3A_0 = arith.muli %arg1, %mul3A : i32
    %add3A = arith.addi %mul3A_0, %arg0 : i32
    %mul3A_1 = arith.constant 2000 : i32
    %mul3A_2 = arith.muli %add3A, %mul3A_1 : i32
    %scan3A = arith.constant 0 : i32
    %scan3A_3 = arith.constant 0 : i32
    %scan3A_4 = arith.constant 25 : i32
    %scan3A_5 = arith.addi %scan3A_3, %scan3A_4 : i32
    %scan3A_6 = arith.constant 1 : i32
    scf.for %scan3A_8 = %scan3A_3 to %scan3A_5 step %scan3A_6  : i32 {
      %mul3A_9 = arith.constant 80 : i32
      %mul3A_10 = arith.muli %scan3A_8, %mul3A_9 : i32
      %add3A_11 = arith.addi %mul3A_2, %mul3A_10 : i32
      %add3A_12 = arith.constant 256000 : i32
      %add3A_13 = arith.addi %add3A_12, %add3A_11 : i32
      "tpu.region"() ({
        %run_scoped3A = tpu.sem_alloc : memref<!tpu.dma_semaphore, #tpu.memory_space<semaphore_mem>>
        %dma_start3A_26 = tpu.memref_slice %arg3[%add3A_13] : memref<320000xi32, #tpu.memory_space<hbm>> -> memref<80xi32, #tpu.memory_space<hbm>>
        %dma_start3A_27 = tpu.memref_slice %arg3[%add3A_13] : memref<320000xi32, #tpu.memory_space<hbm>> -> memref<80xi32, #tpu.memory_space<hbm>>
        tpu.enqueue_dma source(%dma_start3A_27 : memref<80xi32, #tpu.memory_space<hbm>>) target(%arg7 : memref<80xi32, #tpu.memory_space<vmem>>) target_semaphore(%run_scoped3A : memref<!tpu.dma_semaphore, #tpu.memory_space<semaphore_mem>>)
        %dma_wait3A_28 = tpu.memref_slice %arg3[%add3A_13] : memref<320000xi32, #tpu.memory_space<hbm>> -> memref<80xi32, #tpu.memory_space<hbm>>
        %dma_wait3A_29 = tpu.memref_slice %arg3[%add3A_13] : memref<320000xi32, #tpu.memory_space<hbm>> -> memref<80xi32, #tpu.memory_space<hbm>>
        tpu.wait_dma2 semaphore(%run_scoped3A : memref<!tpu.dma_semaphore, #tpu.memory_space<semaphore_mem>>) src(%dma_wait3A_29 : memref<80xi32, #tpu.memory_space<hbm>>) dst(%arg7 : memref<80xi32, #tpu.memory_space<vmem>>)
        tpu.yield
      }) : () -> ()
      %add3A_14 = arith.constant 256000 : i32
      %add3A_15 = arith.addi %add3A_14, %add3A_11 : i32
      "tpu.region"() ({
        %run_scoped3A = tpu.sem_alloc : memref<!tpu.dma_semaphore, #tpu.memory_space<semaphore_mem>>
        %dma_start3A_26 = tpu.memref_slice %arg4[%add3A_15] : memref<320000xi32, #tpu.memory_space<hbm>> -> memref<80xi32, #tpu.memory_space<hbm>>
        %dma_start3A_27 = tpu.memref_slice %arg4[%add3A_15] : memref<320000xi32, #tpu.memory_space<hbm>> -> memref<80xi32, #tpu.memory_space<hbm>>
        tpu.enqueue_dma source(%dma_start3A_27 : memref<80xi32, #tpu.memory_space<hbm>>) target(%arg8 : memref<80xi32, #tpu.memory_space<vmem>>) target_semaphore(%run_scoped3A : memref<!tpu.dma_semaphore, #tpu.memory_space<semaphore_mem>>)
        %dma_wait3A_28 = tpu.memref_slice %arg4[%add3A_15] : memref<320000xi32, #tpu.memory_space<hbm>> -> memref<80xi32, #tpu.memory_space<hbm>>
        %dma_wait3A_29 = tpu.memref_slice %arg4[%add3A_15] : memref<320000xi32, #tpu.memory_space<hbm>> -> memref<80xi32, #tpu.memory_space<hbm>>
        tpu.wait_dma2 semaphore(%run_scoped3A : memref<!tpu.dma_semaphore, #tpu.memory_space<semaphore_mem>>) src(%dma_wait3A_29 : memref<80xi32, #tpu.memory_space<hbm>>) dst(%arg8 : memref<80xi32, #tpu.memory_space<vmem>>)
        tpu.yield
      }) : () -> ()
      %dma_start3A = arith.constant 0 : i32
      %dma_start3A_16 = arith.constant 0 : i32
      %dma_start3A_17 = tpu.memref_slice %arg2[%dma_start3A, %dma_start3A_16] : memref<10000x128xi32, #tpu.memory_space<hbm>> -> memref<10000x128xi32, #tpu.memory_space<hbm>>
      tpu.enqueue_indirect_dma source(%dma_start3A_17 : memref<10000x128xi32, #tpu.memory_space<hbm>>) target(%arg9 : memref<80x128xi32, #tpu.memory_space<vmem>>) offsets(%arg7 : memref<80xi32, #tpu.memory_space<vmem>>) semaphore(%arg11 : memref<!tpu.dma_semaphore, #tpu.memory_space<semaphore_mem>>)
      %dma_start3A_18 = arith.constant 0 : i32
      %dma_start3A_19 = arith.constant 0 : i32
      %dma_start3A_20 = tpu.memref_slice %arg2[%dma_start3A_18, %dma_start3A_19] : memref<10000x128xi32, #tpu.memory_space<hbm>> -> memref<10000x128xi32, #tpu.memory_space<hbm>>
      tpu.enqueue_indirect_dma source(%dma_start3A_20 : memref<10000x128xi32, #tpu.memory_space<hbm>>) target(%arg10 : memref<80x128xi32, #tpu.memory_space<vmem>>) offsets(%arg8 : memref<80xi32, #tpu.memory_space<vmem>>) semaphore(%arg11 : memref<!tpu.dma_semaphore, #tpu.memory_space<semaphore_mem>>)
      %dma_wait3A = arith.constant 0 : i32
      %dma_wait3A_21 = arith.constant 0 : i32
      %dma_wait3A_22 = tpu.memref_slice %arg2[%dma_wait3A, %dma_wait3A_21] : memref<10000x128xi32, #tpu.memory_space<hbm>> -> memref<10000x128xi32, #tpu.memory_space<hbm>>
      tpu.wait_indirect_dma semaphore(%arg11 : memref<!tpu.dma_semaphore, #tpu.memory_space<semaphore_mem>>) src(%dma_wait3A_22 : memref<10000x128xi32, #tpu.memory_space<hbm>>) dst(%arg9 : memref<80x128xi32, #tpu.memory_space<vmem>>)
      %dma_wait3A_23 = arith.constant 0 : i32
      %dma_wait3A_24 = arith.constant 0 : i32
      %dma_wait3A_25 = tpu.memref_slice %arg2[%dma_wait3A_23, %dma_wait3A_24] : memref<10000x128xi32, #tpu.memory_space<hbm>> -> memref<10000x128xi32, #tpu.memory_space<hbm>>
      tpu.wait_indirect_dma semaphore(%arg11 : memref<!tpu.dma_semaphore, #tpu.memory_space<semaphore_mem>>) src(%dma_wait3A_25 : memref<10000x128xi32, #tpu.memory_space<hbm>>) dst(%arg10 : memref<80x128xi32, #tpu.memory_space<vmem>>)
      "tpu.region"() ({
        %run_scoped3A = tpu.sem_alloc : memref<!tpu.dma_semaphore, #tpu.memory_space<semaphore_mem>>
        %dma_start3A_26 = arith.constant 0 : i32
        %dma_start3A_27 = tpu.memref_slice %arg5[%add3A_11, %dma_start3A_26] : memref<64000x128xi32, #tpu.memory_space<hbm>> -> memref<80x128xi32, #tpu.memory_space<hbm>>
        %dma_start3A_28 = arith.constant 0 : i32
        %dma_start3A_29 = tpu.memref_slice %arg5[%add3A_11, %dma_start3A_28] : memref<64000x128xi32, #tpu.memory_space<hbm>> -> memref<80x128xi32, #tpu.memory_space<hbm>>
        tpu.enqueue_dma source(%arg9 : memref<80x128xi32, #tpu.memory_space<vmem>>) target(%dma_start3A_29 : memref<80x128xi32, #tpu.memory_space<hbm>>) target_semaphore(%run_scoped3A : memref<!tpu.dma_semaphore, #tpu.memory_space<semaphore_mem>>)
        %dma_wait3A_30 = arith.constant 0 : i32
        %dma_wait3A_31 = tpu.memref_slice %arg5[%add3A_11, %dma_wait3A_30] : memref<64000x128xi32, #tpu.memory_space<hbm>> -> memref<80x128xi32, #tpu.memory_space<hbm>>
        %dma_wait3A_32 = arith.constant 0 : i32
        %dma_wait3A_33 = tpu.memref_slice %arg5[%add3A_11, %dma_wait3A_32] : memref<64000x128xi32, #tpu.memory_space<hbm>> -> memref<80x128xi32, #tpu.memory_space<hbm>>
        tpu.wait_dma2 semaphore(%run_scoped3A : memref<!tpu.dma_semaphore, #tpu.memory_space<semaphore_mem>>) src(%arg9 : memref<80x128xi32, #tpu.memory_space<vmem>>) dst(%dma_wait3A_33 : memref<80x128xi32, #tpu.memory_space<hbm>>)
        tpu.yield
      }) : () -> ()
      "tpu.region"() ({
        %run_scoped3A = tpu.sem_alloc : memref<!tpu.dma_semaphore, #tpu.memory_space<semaphore_mem>>
        %dma_start3A_26 = arith.constant 0 : i32
        %dma_start3A_27 = tpu.memref_slice %arg6[%add3A_11, %dma_start3A_26] : memref<64000x128xi32, #tpu.memory_space<hbm>> -> memref<80x128xi32, #tpu.memory_space<hbm>>
        %dma_start3A_28 = arith.constant 0 : i32
        %dma_start3A_29 = tpu.memref_slice %arg6[%add3A_11, %dma_start3A_28] : memref<64000x128xi32, #tpu.memory_space<hbm>> -> memref<80x128xi32, #tpu.memory_space<hbm>>
        tpu.enqueue_dma source(%arg10 : memref<80x128xi32, #tpu.memory_space<vmem>>) target(%dma_start3A_29 : memref<80x128xi32, #tpu.memory_space<hbm>>) target_semaphore(%run_scoped3A : memref<!tpu.dma_semaphore, #tpu.memory_space<semaphore_mem>>)
        %dma_wait3A_30 = arith.constant 0 : i32
        %dma_wait3A_31 = tpu.memref_slice %arg6[%add3A_11, %dma_wait3A_30] : memref<64000x128xi32, #tpu.memory_space<hbm>> -> memref<80x128xi32, #tpu.memory_space<hbm>>
        %dma_wait3A_32 = arith.constant 0 : i32
        %dma_wait3A_33 = tpu.memref_slice %arg6[%add3A_11, %dma_wait3A_32] : memref<64000x128xi32, #tpu.memory_space<hbm>> -> memref<80x128xi32, #tpu.memory_space<hbm>>
        tpu.wait_dma2 semaphore(%run_scoped3A : memref<!tpu.dma_semaphore, #tpu.memory_space<semaphore_mem>>) src(%arg10 : memref<80x128xi32, #tpu.memory_space<vmem>>) dst(%dma_wait3A_33 : memref<80x128xi32, #tpu.memory_space<hbm>>)
        tpu.yield
      }) : () -> ()
    }
    %scan3A_7 = arith.constant 25 : i32
    return
  }
}

#map = affine_map<(d0, d1) -> (0, 0)>
#map1 = affine_map<(d0, d1) -> (0)>
#map2 = affine_map<(d0, d1) -> (0, 0, 0)>
module attributes {stable_mosaic.version = 14 : i64} {
  func.func @k(%arg0: i32, %arg1: i32, %arg2: memref<64000x128xf32, #tpu.memory_space<hbm>>, %arg3: memref<320000xi32, #tpu.memory_space<hbm>>, %arg4: memref<10000x128xf32, #tpu.memory_space<hbm>>, %arg5: memref<2x10000x128xf32, #tpu.memory_space<hbm>>, %arg6: memref<80xi32, #tpu.memory_space<vmem>>, %arg7: memref<80xi32, #tpu.memory_space<vmem>>, %arg8: memref<80x128xf32, #tpu.memory_space<vmem>>, %arg9: memref<80x128xf32, #tpu.memory_space<vmem>>, %arg10: memref<10000x128xf32, #tpu.memory_space<vmem_shared>>, %arg11: memref<!tpu.dma_semaphore, #tpu.memory_space<semaphore_mem>>, %arg12: memref<!tpu.dma_semaphore, #tpu.memory_space<semaphore_mem>>) attributes {dimension_semantics = [#tpu.dimension_semantics<core_parallel>, #tpu.dimension_semantics<subcore_parallel>], iteration_bounds = array<i64: 2, 16>, scalar_prefetch = 0 : i64, scratch_operands = 7 : i64, tpu.core_type = #tpu.core_type<sc_vector_subcore>, window_params = [{transform_indices = #map}, {transform_indices = #map1}, {transform_indices = #map}, {transform_indices = #map2}]} {
    %mul3A = arith.constant 2 : i32
    %mul3A_0 = arith.muli %arg1, %mul3A : i32
    %add3A = arith.addi %mul3A_0, %arg0 : i32
    %eq3A = arith.constant 0 : i32
    %eq3A_1 = arith.cmpi eq, %arg1, %eq3A : i32
    %convert_element_type3A = arith.extui %eq3A_1 : i1 to i32
    %cond3A = arith.constant 0 : i32
    %cond3A_2 = arith.cmpi ne, %convert_element_type3A, %cond3A : i32
    scf.if %cond3A_2 {
      "tpu.region"() ({
        %run_scoped3A = tpu.sem_alloc : memref<!tpu.dma_semaphore, #tpu.memory_space<semaphore_mem>>
        tpu.enqueue_dma source(%arg4 : memref<10000x128xf32, #tpu.memory_space<hbm>>) target(%arg10 : memref<10000x128xf32, #tpu.memory_space<vmem_shared>>) target_semaphore(%run_scoped3A : memref<!tpu.dma_semaphore, #tpu.memory_space<semaphore_mem>>)
        tpu.wait_dma2 semaphore(%run_scoped3A : memref<!tpu.dma_semaphore, #tpu.memory_space<semaphore_mem>>) src(%arg4 : memref<10000x128xf32, #tpu.memory_space<hbm>>) dst(%arg10 : memref<10000x128xf32, #tpu.memory_space<vmem_shared>>)
        tpu.yield
      }) : () -> ()
    } else {
    }
    %barrier3A = arith.constant 0 : index
    tpu.barrier barrier_id(%barrier3A)
    %mul3A_3 = arith.constant 2000 : i32
    %mul3A_4 = arith.muli %add3A, %mul3A_3 : i32
    %add3A_5 = arith.constant 64000 : i32
    %add3A_6 = arith.addi %add3A_5, %mul3A_4 : i32
    %add3A_7 = arith.constant 0 : i32
    %add3A_8 = arith.addi %add3A_6, %add3A_7 : i32
    %dma_start3A = tpu.memref_slice %arg3[%add3A_8] : memref<320000xi32, #tpu.memory_space<hbm>> -> memref<80xi32, #tpu.memory_space<hbm>>
    %dma_start3A_9 = tpu.memref_slice %arg3[%add3A_8] : memref<320000xi32, #tpu.memory_space<hbm>> -> memref<80xi32, #tpu.memory_space<hbm>>
    tpu.enqueue_dma source(%dma_start3A_9 : memref<80xi32, #tpu.memory_space<hbm>>) target(%arg6 : memref<80xi32, #tpu.memory_space<vmem>>) target_semaphore(%arg11 : memref<!tpu.dma_semaphore, #tpu.memory_space<semaphore_mem>>)
    %add3A_10 = arith.constant 0 : i32
    %add3A_11 = arith.addi %mul3A_4, %add3A_10 : i32
    %dma_start3A_12 = arith.constant 0 : i32
    %dma_start3A_13 = tpu.memref_slice %arg2[%add3A_11, %dma_start3A_12] : memref<64000x128xf32, #tpu.memory_space<hbm>> -> memref<80x128xf32, #tpu.memory_space<hbm>>
    %dma_start3A_14 = arith.constant 0 : i32
    %dma_start3A_15 = tpu.memref_slice %arg2[%add3A_11, %dma_start3A_14] : memref<64000x128xf32, #tpu.memory_space<hbm>> -> memref<80x128xf32, #tpu.memory_space<hbm>>
    tpu.enqueue_dma source(%dma_start3A_15 : memref<80x128xf32, #tpu.memory_space<hbm>>) target(%arg8 : memref<80x128xf32, #tpu.memory_space<vmem>>) target_semaphore(%arg11 : memref<!tpu.dma_semaphore, #tpu.memory_space<semaphore_mem>>)
    %scan3A = arith.constant 0 : i32
    %scan3A_16 = arith.constant 0 : i32
    %scan3A_17 = arith.constant 12 : i32
    %scan3A_18 = arith.addi %scan3A_16, %scan3A_17 : i32
    %scan3A_19 = arith.constant 1 : i32
    scf.for %scan3A_44 = %scan3A_16 to %scan3A_18 step %scan3A_19  : i32 {
      %mul3A_45 = arith.constant 2 : i32
      %mul3A_46 = arith.muli %mul3A_45, %scan3A_44 : i32
      %dma_wait3A_47 = arith.constant 0 : i32
      %dma_wait3A_48 = tpu.memref_slice %arg3[%dma_wait3A_47] : memref<320000xi32, #tpu.memory_space<hbm>> -> memref<80xi32, #tpu.memory_space<hbm>>
      %dma_wait3A_49 = arith.constant 0 : i32
      %dma_wait3A_50 = tpu.memref_slice %arg3[%dma_wait3A_49] : memref<320000xi32, #tpu.memory_space<hbm>> -> memref<80xi32, #tpu.memory_space<hbm>>
      tpu.wait_dma2 semaphore(%arg11 : memref<!tpu.dma_semaphore, #tpu.memory_space<semaphore_mem>>) src(%dma_wait3A_50 : memref<80xi32, #tpu.memory_space<hbm>>) dst(%arg6 : memref<80xi32, #tpu.memory_space<vmem>>)
      %dma_wait3A_51 = arith.constant 0 : i32
      %dma_wait3A_52 = arith.constant 0 : i32
      %dma_wait3A_53 = tpu.memref_slice %arg2[%dma_wait3A_51, %dma_wait3A_52] : memref<64000x128xf32, #tpu.memory_space<hbm>> -> memref<80x128xf32, #tpu.memory_space<hbm>>
      %dma_wait3A_54 = arith.constant 0 : i32
      %dma_wait3A_55 = arith.constant 0 : i32
      %dma_wait3A_56 = tpu.memref_slice %arg2[%dma_wait3A_54, %dma_wait3A_55] : memref<64000x128xf32, #tpu.memory_space<hbm>> -> memref<80x128xf32, #tpu.memory_space<hbm>>
      tpu.wait_dma2 semaphore(%arg11 : memref<!tpu.dma_semaphore, #tpu.memory_space<semaphore_mem>>) src(%dma_wait3A_56 : memref<80x128xf32, #tpu.memory_space<hbm>>) dst(%arg8 : memref<80x128xf32, #tpu.memory_space<vmem>>)
      %add3A_57 = arith.constant 1 : i32
      %add3A_58 = arith.addi %mul3A_46, %add3A_57 : i32
      %lt3A_59 = arith.constant 25 : i32
      %lt3A_60 = arith.cmpi slt, %add3A_58, %lt3A_59 : i32
      %convert_element_type3A_61 = arith.extui %lt3A_60 : i1 to i32
      %cond3A_62 = arith.constant 0 : i32
      %cond3A_63 = arith.cmpi ne, %convert_element_type3A_61, %cond3A_62 : i32
      scf.if %cond3A_63 {
        %add3A_85 = arith.constant 1 : i32
        %add3A_86 = arith.addi %mul3A_46, %add3A_85 : i32
        %add3A_87 = arith.constant 64000 : i32
        %add3A_88 = arith.addi %add3A_87, %mul3A_4 : i32
        %mul3A_89 = arith.constant 80 : i32
        %mul3A_90 = arith.muli %add3A_86, %mul3A_89 : i32
        %add3A_91 = arith.addi %add3A_88, %mul3A_90 : i32
        %dma_start3A_92 = tpu.memref_slice %arg3[%add3A_91] : memref<320000xi32, #tpu.memory_space<hbm>> -> memref<80xi32, #tpu.memory_space<hbm>>
        %dma_start3A_93 = tpu.memref_slice %arg3[%add3A_91] : memref<320000xi32, #tpu.memory_space<hbm>> -> memref<80xi32, #tpu.memory_space<hbm>>
        tpu.enqueue_dma source(%dma_start3A_93 : memref<80xi32, #tpu.memory_space<hbm>>) target(%arg7 : memref<80xi32, #tpu.memory_space<vmem>>) target_semaphore(%arg12 : memref<!tpu.dma_semaphore, #tpu.memory_space<semaphore_mem>>)
        %mul3A_94 = arith.constant 80 : i32
        %mul3A_95 = arith.muli %add3A_86, %mul3A_94 : i32
        %add3A_96 = arith.addi %mul3A_4, %mul3A_95 : i32
        %dma_start3A_97 = arith.constant 0 : i32
        %dma_start3A_98 = tpu.memref_slice %arg2[%add3A_96, %dma_start3A_97] : memref<64000x128xf32, #tpu.memory_space<hbm>> -> memref<80x128xf32, #tpu.memory_space<hbm>>
        %dma_start3A_99 = arith.constant 0 : i32
        %dma_start3A_100 = tpu.memref_slice %arg2[%add3A_96, %dma_start3A_99] : memref<64000x128xf32, #tpu.memory_space<hbm>> -> memref<80x128xf32, #tpu.memory_space<hbm>>
        tpu.enqueue_dma source(%dma_start3A_100 : memref<80x128xf32, #tpu.memory_space<hbm>>) target(%arg9 : memref<80x128xf32, #tpu.memory_space<vmem>>) target_semaphore(%arg12 : memref<!tpu.dma_semaphore, #tpu.memory_space<semaphore_mem>>)
      } else {
      }
      "tpu.region"() ({
        %run_scoped3A = tpu.sem_alloc : memref<!tpu.dma_semaphore, #tpu.memory_space<semaphore_mem>>
        %dma_start3A_85 = arith.constant 0 : i32
        %dma_start3A_86 = arith.constant 0 : i32
        %dma_start3A_87 = tpu.memref_slice %arg10[%dma_start3A_85, %dma_start3A_86] : memref<10000x128xf32, #tpu.memory_space<vmem_shared>> -> memref<10000x128xf32, #tpu.memory_space<vmem_shared>>
        tpu.enqueue_indirect_dma source(%arg8 : memref<80x128xf32, #tpu.memory_space<vmem>>) target(%dma_start3A_87 : memref<10000x128xf32, #tpu.memory_space<vmem_shared>>) offsets(%arg6 : memref<80xi32, #tpu.memory_space<vmem>>) semaphore(%run_scoped3A : memref<!tpu.dma_semaphore, #tpu.memory_space<semaphore_mem>>) {add = true}
        %dma_wait3A_88 = arith.constant 0 : i32
        %dma_wait3A_89 = arith.constant 0 : i32
        %dma_wait3A_90 = tpu.memref_slice %arg10[%dma_wait3A_88, %dma_wait3A_89] : memref<10000x128xf32, #tpu.memory_space<vmem_shared>> -> memref<10000x128xf32, #tpu.memory_space<vmem_shared>>
        tpu.wait_indirect_dma semaphore(%run_scoped3A : memref<!tpu.dma_semaphore, #tpu.memory_space<semaphore_mem>>) src(%arg8 : memref<80x128xf32, #tpu.memory_space<vmem>>) dst(%dma_wait3A_90 : memref<10000x128xf32, #tpu.memory_space<vmem_shared>>)
        tpu.yield
      }) : () -> ()
      %mul3A_64 = arith.constant 2 : i32
      %mul3A_65 = arith.muli %mul3A_64, %scan3A_44 : i32
      %add3A_66 = arith.constant 1 : i32
      %add3A_67 = arith.addi %mul3A_65, %add3A_66 : i32
      %dma_wait3A_68 = arith.constant 0 : i32
      %dma_wait3A_69 = tpu.memref_slice %arg3[%dma_wait3A_68] : memref<320000xi32, #tpu.memory_space<hbm>> -> memref<80xi32, #tpu.memory_space<hbm>>
      %dma_wait3A_70 = arith.constant 0 : i32
      %dma_wait3A_71 = tpu.memref_slice %arg3[%dma_wait3A_70] : memref<320000xi32, #tpu.memory_space<hbm>> -> memref<80xi32, #tpu.memory_space<hbm>>
      tpu.wait_dma2 semaphore(%arg12 : memref<!tpu.dma_semaphore, #tpu.memory_space<semaphore_mem>>) src(%dma_wait3A_71 : memref<80xi32, #tpu.memory_space<hbm>>) dst(%arg7 : memref<80xi32, #tpu.memory_space<vmem>>)
      %dma_wait3A_72 = arith.constant 0 : i32
      %dma_wait3A_73 = arith.constant 0 : i32
      %dma_wait3A_74 = tpu.memref_slice %arg2[%dma_wait3A_72, %dma_wait3A_73] : memref<64000x128xf32, #tpu.memory_space<hbm>> -> memref<80x128xf32, #tpu.memory_space<hbm>>
      %dma_wait3A_75 = arith.constant 0 : i32
      %dma_wait3A_76 = arith.constant 0 : i32
      %dma_wait3A_77 = tpu.memref_slice %arg2[%dma_wait3A_75, %dma_wait3A_76] : memref<64000x128xf32, #tpu.memory_space<hbm>> -> memref<80x128xf32, #tpu.memory_space<hbm>>
      tpu.wait_dma2 semaphore(%arg12 : memref<!tpu.dma_semaphore, #tpu.memory_space<semaphore_mem>>) src(%dma_wait3A_77 : memref<80x128xf32, #tpu.memory_space<hbm>>) dst(%arg9 : memref<80x128xf32, #tpu.memory_space<vmem>>)
      %add3A_78 = arith.constant 1 : i32
      %add3A_79 = arith.addi %add3A_67, %add3A_78 : i32
      %lt3A_80 = arith.constant 25 : i32
      %lt3A_81 = arith.cmpi slt, %add3A_79, %lt3A_80 : i32
      %convert_element_type3A_82 = arith.extui %lt3A_81 : i1 to i32
      %cond3A_83 = arith.constant 0 : i32
      %cond3A_84 = arith.cmpi ne, %convert_element_type3A_82, %cond3A_83 : i32
      scf.if %cond3A_84 {
        %add3A_85 = arith.constant 1 : i32
        %add3A_86 = arith.addi %add3A_67, %add3A_85 : i32
        %add3A_87 = arith.constant 64000 : i32
        %add3A_88 = arith.addi %add3A_87, %mul3A_4 : i32
        %mul3A_89 = arith.constant 80 : i32
        %mul3A_90 = arith.muli %add3A_86, %mul3A_89 : i32
        %add3A_91 = arith.addi %add3A_88, %mul3A_90 : i32
        %dma_start3A_92 = tpu.memref_slice %arg3[%add3A_91] : memref<320000xi32, #tpu.memory_space<hbm>> -> memref<80xi32, #tpu.memory_space<hbm>>
        %dma_start3A_93 = tpu.memref_slice %arg3[%add3A_91] : memref<320000xi32, #tpu.memory_space<hbm>> -> memref<80xi32, #tpu.memory_space<hbm>>
        tpu.enqueue_dma source(%dma_start3A_93 : memref<80xi32, #tpu.memory_space<hbm>>) target(%arg6 : memref<80xi32, #tpu.memory_space<vmem>>) target_semaphore(%arg11 : memref<!tpu.dma_semaphore, #tpu.memory_space<semaphore_mem>>)
        %mul3A_94 = arith.constant 80 : i32
        %mul3A_95 = arith.muli %add3A_86, %mul3A_94 : i32
        %add3A_96 = arith.addi %mul3A_4, %mul3A_95 : i32
        %dma_start3A_97 = arith.constant 0 : i32
        %dma_start3A_98 = tpu.memref_slice %arg2[%add3A_96, %dma_start3A_97] : memref<64000x128xf32, #tpu.memory_space<hbm>> -> memref<80x128xf32, #tpu.memory_space<hbm>>
        %dma_start3A_99 = arith.constant 0 : i32
        %dma_start3A_100 = tpu.memref_slice %arg2[%add3A_96, %dma_start3A_99] : memref<64000x128xf32, #tpu.memory_space<hbm>> -> memref<80x128xf32, #tpu.memory_space<hbm>>
        tpu.enqueue_dma source(%dma_start3A_100 : memref<80x128xf32, #tpu.memory_space<hbm>>) target(%arg8 : memref<80x128xf32, #tpu.memory_space<vmem>>) target_semaphore(%arg11 : memref<!tpu.dma_semaphore, #tpu.memory_space<semaphore_mem>>)
      } else {
      }
      "tpu.region"() ({
        %run_scoped3A = tpu.sem_alloc : memref<!tpu.dma_semaphore, #tpu.memory_space<semaphore_mem>>
        %dma_start3A_85 = arith.constant 0 : i32
        %dma_start3A_86 = arith.constant 0 : i32
        %dma_start3A_87 = tpu.memref_slice %arg10[%dma_start3A_85, %dma_start3A_86] : memref<10000x128xf32, #tpu.memory_space<vmem_shared>> -> memref<10000x128xf32, #tpu.memory_space<vmem_shared>>
        tpu.enqueue_indirect_dma source(%arg9 : memref<80x128xf32, #tpu.memory_space<vmem>>) target(%dma_start3A_87 : memref<10000x128xf32, #tpu.memory_space<vmem_shared>>) offsets(%arg7 : memref<80xi32, #tpu.memory_space<vmem>>) semaphore(%run_scoped3A : memref<!tpu.dma_semaphore, #tpu.memory_space<semaphore_mem>>) {add = true}
        %dma_wait3A_88 = arith.constant 0 : i32
        %dma_wait3A_89 = arith.constant 0 : i32
        %dma_wait3A_90 = tpu.memref_slice %arg10[%dma_wait3A_88, %dma_wait3A_89] : memref<10000x128xf32, #tpu.memory_space<vmem_shared>> -> memref<10000x128xf32, #tpu.memory_space<vmem_shared>>
        tpu.wait_indirect_dma semaphore(%run_scoped3A : memref<!tpu.dma_semaphore, #tpu.memory_space<semaphore_mem>>) src(%arg9 : memref<80x128xf32, #tpu.memory_space<vmem>>) dst(%dma_wait3A_90 : memref<10000x128xf32, #tpu.memory_space<vmem_shared>>)
        tpu.yield
      }) : () -> ()
    }
    %scan3A_20 = arith.constant 12 : i32
    %dma_wait3A = arith.constant 0 : i32
    %dma_wait3A_21 = tpu.memref_slice %arg3[%dma_wait3A] : memref<320000xi32, #tpu.memory_space<hbm>> -> memref<80xi32, #tpu.memory_space<hbm>>
    %dma_wait3A_22 = arith.constant 0 : i32
    %dma_wait3A_23 = tpu.memref_slice %arg3[%dma_wait3A_22] : memref<320000xi32, #tpu.memory_space<hbm>> -> memref<80xi32, #tpu.memory_space<hbm>>
    tpu.wait_dma2 semaphore(%arg11 : memref<!tpu.dma_semaphore, #tpu.memory_space<semaphore_mem>>) src(%dma_wait3A_23 : memref<80xi32, #tpu.memory_space<hbm>>) dst(%arg6 : memref<80xi32, #tpu.memory_space<vmem>>)
    %dma_wait3A_24 = arith.constant 0 : i32
    %dma_wait3A_25 = arith.constant 0 : i32
    %dma_wait3A_26 = tpu.memref_slice %arg2[%dma_wait3A_24, %dma_wait3A_25] : memref<64000x128xf32, #tpu.memory_space<hbm>> -> memref<80x128xf32, #tpu.memory_space<hbm>>
    %dma_wait3A_27 = arith.constant 0 : i32
    %dma_wait3A_28 = arith.constant 0 : i32
    %dma_wait3A_29 = tpu.memref_slice %arg2[%dma_wait3A_27, %dma_wait3A_28] : memref<64000x128xf32, #tpu.memory_space<hbm>> -> memref<80x128xf32, #tpu.memory_space<hbm>>
    tpu.wait_dma2 semaphore(%arg11 : memref<!tpu.dma_semaphore, #tpu.memory_space<semaphore_mem>>) src(%dma_wait3A_29 : memref<80x128xf32, #tpu.memory_space<hbm>>) dst(%arg8 : memref<80x128xf32, #tpu.memory_space<vmem>>)
    %add3A_30 = arith.constant 24 : i32
    %add3A_31 = arith.constant 1 : i32
    %add3A_32 = arith.addi %add3A_30, %add3A_31 : i32
    %lt3A = arith.constant 25 : i32
    %lt3A_33 = arith.cmpi slt, %add3A_32, %lt3A : i32
    %convert_element_type3A_34 = arith.extui %lt3A_33 : i1 to i32
    %cond3A_35 = arith.constant 24 : i32
    %cond3A_36 = arith.constant 0 : i32
    %cond3A_37 = arith.cmpi ne, %convert_element_type3A_34, %cond3A_36 : i32
    scf.if %cond3A_37 {
      %add3A_44 = arith.constant 1 : i32
      %add3A_45 = arith.addi %cond3A_35, %add3A_44 : i32
      %add3A_46 = arith.constant 64000 : i32
      %add3A_47 = arith.addi %add3A_46, %mul3A_4 : i32
      %mul3A_48 = arith.constant 80 : i32
      %mul3A_49 = arith.muli %add3A_45, %mul3A_48 : i32
      %add3A_50 = arith.addi %add3A_47, %mul3A_49 : i32
      %dma_start3A_51 = tpu.memref_slice %arg3[%add3A_50] : memref<320000xi32, #tpu.memory_space<hbm>> -> memref<80xi32, #tpu.memory_space<hbm>>
      %dma_start3A_52 = tpu.memref_slice %arg3[%add3A_50] : memref<320000xi32, #tpu.memory_space<hbm>> -> memref<80xi32, #tpu.memory_space<hbm>>
      tpu.enqueue_dma source(%dma_start3A_52 : memref<80xi32, #tpu.memory_space<hbm>>) target(%arg7 : memref<80xi32, #tpu.memory_space<vmem>>) target_semaphore(%arg12 : memref<!tpu.dma_semaphore, #tpu.memory_space<semaphore_mem>>)
      %mul3A_53 = arith.constant 80 : i32
      %mul3A_54 = arith.muli %add3A_45, %mul3A_53 : i32
      %add3A_55 = arith.addi %mul3A_4, %mul3A_54 : i32
      %dma_start3A_56 = arith.constant 0 : i32
      %dma_start3A_57 = tpu.memref_slice %arg2[%add3A_55, %dma_start3A_56] : memref<64000x128xf32, #tpu.memory_space<hbm>> -> memref<80x128xf32, #tpu.memory_space<hbm>>
      %dma_start3A_58 = arith.constant 0 : i32
      %dma_start3A_59 = tpu.memref_slice %arg2[%add3A_55, %dma_start3A_58] : memref<64000x128xf32, #tpu.memory_space<hbm>> -> memref<80x128xf32, #tpu.memory_space<hbm>>
      tpu.enqueue_dma source(%dma_start3A_59 : memref<80x128xf32, #tpu.memory_space<hbm>>) target(%arg9 : memref<80x128xf32, #tpu.memory_space<vmem>>) target_semaphore(%arg12 : memref<!tpu.dma_semaphore, #tpu.memory_space<semaphore_mem>>)
    } else {
    }
    "tpu.region"() ({
      %run_scoped3A = tpu.sem_alloc : memref<!tpu.dma_semaphore, #tpu.memory_space<semaphore_mem>>
      %dma_start3A_44 = arith.constant 0 : i32
      %dma_start3A_45 = arith.constant 0 : i32
      %dma_start3A_46 = tpu.memref_slice %arg10[%dma_start3A_44, %dma_start3A_45] : memref<10000x128xf32, #tpu.memory_space<vmem_shared>> -> memref<10000x128xf32, #tpu.memory_space<vmem_shared>>
      tpu.enqueue_indirect_dma source(%arg8 : memref<80x128xf32, #tpu.memory_space<vmem>>) target(%dma_start3A_46 : memref<10000x128xf32, #tpu.memory_space<vmem_shared>>) offsets(%arg6 : memref<80xi32, #tpu.memory_space<vmem>>) semaphore(%run_scoped3A : memref<!tpu.dma_semaphore, #tpu.memory_space<semaphore_mem>>) {add = true}
      %dma_wait3A_47 = arith.constant 0 : i32
      %dma_wait3A_48 = arith.constant 0 : i32
      %dma_wait3A_49 = tpu.memref_slice %arg10[%dma_wait3A_47, %dma_wait3A_48] : memref<10000x128xf32, #tpu.memory_space<vmem_shared>> -> memref<10000x128xf32, #tpu.memory_space<vmem_shared>>
      tpu.wait_indirect_dma semaphore(%run_scoped3A : memref<!tpu.dma_semaphore, #tpu.memory_space<semaphore_mem>>) src(%arg8 : memref<80x128xf32, #tpu.memory_space<vmem>>) dst(%dma_wait3A_49 : memref<10000x128xf32, #tpu.memory_space<vmem_shared>>)
      tpu.yield
    }) : () -> ()
    %barrier3A_38 = arith.constant 0 : index
    tpu.barrier barrier_id(%barrier3A_38)
    %lt3A_39 = arith.constant 10 : i32
    %lt3A_40 = arith.cmpi slt, %arg1, %lt3A_39 : i32
    %convert_element_type3A_41 = arith.extui %lt3A_40 : i1 to i32
    %cond3A_42 = arith.constant 0 : i32
    %cond3A_43 = arith.cmpi ne, %convert_element_type3A_41, %cond3A_42 : i32
    scf.if %cond3A_43 {
      %mul3A_44 = arith.constant 1000 : i32
      %mul3A_45 = arith.muli %arg1, %mul3A_44 : i32
      %mul3A_46 = arith.constant 1000 : i32
      %mul3A_47 = arith.muli %arg1, %mul3A_46 : i32
      "tpu.region"() ({
        %run_scoped3A = tpu.sem_alloc : memref<!tpu.dma_semaphore, #tpu.memory_space<semaphore_mem>>
        %dma_start3A_48 = arith.constant 0 : i32
        %dma_start3A_49 = tpu.memref_slice %arg5[%arg0, %mul3A_47, %dma_start3A_48] : memref<2x10000x128xf32, #tpu.memory_space<hbm>> -> memref<1x1000x128xf32, #tpu.memory_space<hbm>>
        %dma_start3A_50 = tpu.memref_squeeze %dma_start3A_49 : memref<1x1000x128xf32, #tpu.memory_space<hbm>> -> memref<1000x128xf32, #tpu.memory_space<hbm>>
        %dma_start3A_51 = arith.constant 0 : i32
        %dma_start3A_52 = tpu.memref_slice %arg10[%mul3A_45, %dma_start3A_51] : memref<10000x128xf32, #tpu.memory_space<vmem_shared>> -> memref<1000x128xf32, #tpu.memory_space<vmem_shared>>
        tpu.enqueue_dma source(%dma_start3A_52 : memref<1000x128xf32, #tpu.memory_space<vmem_shared>>) target(%dma_start3A_50 : memref<1000x128xf32, #tpu.memory_space<hbm>>) target_semaphore(%run_scoped3A : memref<!tpu.dma_semaphore, #tpu.memory_space<semaphore_mem>>)
        %dma_wait3A_53 = arith.constant 0 : i32
        %dma_wait3A_54 = tpu.memref_slice %arg5[%arg0, %mul3A_47, %dma_wait3A_53] : memref<2x10000x128xf32, #tpu.memory_space<hbm>> -> memref<1x1000x128xf32, #tpu.memory_space<hbm>>
        %dma_wait3A_55 = tpu.memref_squeeze %dma_wait3A_54 : memref<1x1000x128xf32, #tpu.memory_space<hbm>> -> memref<1000x128xf32, #tpu.memory_space<hbm>>
        %dma_wait3A_56 = arith.constant 0 : i32
        %dma_wait3A_57 = tpu.memref_slice %arg10[%mul3A_45, %dma_wait3A_56] : memref<10000x128xf32, #tpu.memory_space<vmem_shared>> -> memref<1000x128xf32, #tpu.memory_space<vmem_shared>>
        tpu.wait_dma2 semaphore(%run_scoped3A : memref<!tpu.dma_semaphore, #tpu.memory_space<semaphore_mem>>) src(%dma_wait3A_57 : memref<1000x128xf32, #tpu.memory_space<vmem_shared>>) dst(%dma_wait3A_55 : memref<1000x128xf32, #tpu.memory_space<hbm>>)
        tpu.yield
      }) : () -> ()
    } else {
    }
    return
  }
}

#map = affine_map<(d0, d1) -> (0, 0)>
#map1 = affine_map<(d0, d1) -> (0)>
#map2 = affine_map<(d0, d1) -> (0, 0, 0)>
module attributes {stable_mosaic.version = 14 : i64} {
  func.func @k(%arg0: i32, %arg1: i32, %arg2: memref<64000x128xf32, #tpu.memory_space<hbm>>, %arg3: memref<320000xi32, #tpu.memory_space<hbm>>, %arg4: memref<10000x128xf32, #tpu.memory_space<hbm>>, %arg5: memref<2x10000x128xf32, #tpu.memory_space<hbm>>, %arg6: memref<80xi32, #tpu.memory_space<vmem>>, %arg7: memref<80xi32, #tpu.memory_space<vmem>>, %arg8: memref<80x128xf32, #tpu.memory_space<vmem>>, %arg9: memref<80x128xf32, #tpu.memory_space<vmem>>, %arg10: memref<10000x128xf32, #tpu.memory_space<vmem_shared>>, %arg11: memref<!tpu.dma_semaphore, #tpu.memory_space<semaphore_mem>>, %arg12: memref<!tpu.dma_semaphore, #tpu.memory_space<semaphore_mem>>) attributes {dimension_semantics = [#tpu.dimension_semantics<core_parallel>, #tpu.dimension_semantics<subcore_parallel>], iteration_bounds = array<i64: 2, 16>, scalar_prefetch = 0 : i64, scratch_operands = 7 : i64, tpu.core_type = #tpu.core_type<sc_vector_subcore>, window_params = [{transform_indices = #map}, {transform_indices = #map1}, {transform_indices = #map}, {transform_indices = #map2}]} {
    %mul3A = arith.constant 2 : i32
    %mul3A_0 = arith.muli %arg1, %mul3A : i32
    %add3A = arith.addi %mul3A_0, %arg0 : i32
    %eq3A = arith.constant 0 : i32
    %eq3A_1 = arith.cmpi eq, %arg1, %eq3A : i32
    %convert_element_type3A = arith.extui %eq3A_1 : i1 to i32
    %cond3A = arith.constant 0 : i32
    %cond3A_2 = arith.cmpi ne, %convert_element_type3A, %cond3A : i32
    scf.if %cond3A_2 {
      "tpu.region"() ({
        %run_scoped3A = tpu.sem_alloc : memref<!tpu.dma_semaphore, #tpu.memory_space<semaphore_mem>>
        tpu.enqueue_dma source(%arg4 : memref<10000x128xf32, #tpu.memory_space<hbm>>) target(%arg10 : memref<10000x128xf32, #tpu.memory_space<vmem_shared>>) target_semaphore(%run_scoped3A : memref<!tpu.dma_semaphore, #tpu.memory_space<semaphore_mem>>)
        tpu.wait_dma2 semaphore(%run_scoped3A : memref<!tpu.dma_semaphore, #tpu.memory_space<semaphore_mem>>) src(%arg4 : memref<10000x128xf32, #tpu.memory_space<hbm>>) dst(%arg10 : memref<10000x128xf32, #tpu.memory_space<vmem_shared>>)
        tpu.yield
      }) : () -> ()
    } else {
    }
    %barrier3A = arith.constant 0 : index
    tpu.barrier barrier_id(%barrier3A)
    %mul3A_3 = arith.constant 2000 : i32
    %mul3A_4 = arith.muli %add3A, %mul3A_3 : i32
    %add3A_5 = arith.constant 128000 : i32
    %add3A_6 = arith.addi %add3A_5, %mul3A_4 : i32
    %add3A_7 = arith.constant 0 : i32
    %add3A_8 = arith.addi %add3A_6, %add3A_7 : i32
    %dma_start3A = tpu.memref_slice %arg3[%add3A_8] : memref<320000xi32, #tpu.memory_space<hbm>> -> memref<80xi32, #tpu.memory_space<hbm>>
    %dma_start3A_9 = tpu.memref_slice %arg3[%add3A_8] : memref<320000xi32, #tpu.memory_space<hbm>> -> memref<80xi32, #tpu.memory_space<hbm>>
    tpu.enqueue_dma source(%dma_start3A_9 : memref<80xi32, #tpu.memory_space<hbm>>) target(%arg6 : memref<80xi32, #tpu.memory_space<vmem>>) target_semaphore(%arg11 : memref<!tpu.dma_semaphore, #tpu.memory_space<semaphore_mem>>)
    %add3A_10 = arith.constant 0 : i32
    %add3A_11 = arith.addi %mul3A_4, %add3A_10 : i32
    %dma_start3A_12 = arith.constant 0 : i32
    %dma_start3A_13 = tpu.memref_slice %arg2[%add3A_11, %dma_start3A_12] : memref<64000x128xf32, #tpu.memory_space<hbm>> -> memref<80x128xf32, #tpu.memory_space<hbm>>
    %dma_start3A_14 = arith.constant 0 : i32
    %dma_start3A_15 = tpu.memref_slice %arg2[%add3A_11, %dma_start3A_14] : memref<64000x128xf32, #tpu.memory_space<hbm>> -> memref<80x128xf32, #tpu.memory_space<hbm>>
    tpu.enqueue_dma source(%dma_start3A_15 : memref<80x128xf32, #tpu.memory_space<hbm>>) target(%arg8 : memref<80x128xf32, #tpu.memory_space<vmem>>) target_semaphore(%arg11 : memref<!tpu.dma_semaphore, #tpu.memory_space<semaphore_mem>>)
    %scan3A = arith.constant 0 : i32
    %scan3A_16 = arith.constant 0 : i32
    %scan3A_17 = arith.constant 12 : i32
    %scan3A_18 = arith.addi %scan3A_16, %scan3A_17 : i32
    %scan3A_19 = arith.constant 1 : i32
    scf.for %scan3A_44 = %scan3A_16 to %scan3A_18 step %scan3A_19  : i32 {
      %mul3A_45 = arith.constant 2 : i32
      %mul3A_46 = arith.muli %mul3A_45, %scan3A_44 : i32
      %dma_wait3A_47 = arith.constant 0 : i32
      %dma_wait3A_48 = tpu.memref_slice %arg3[%dma_wait3A_47] : memref<320000xi32, #tpu.memory_space<hbm>> -> memref<80xi32, #tpu.memory_space<hbm>>
      %dma_wait3A_49 = arith.constant 0 : i32
      %dma_wait3A_50 = tpu.memref_slice %arg3[%dma_wait3A_49] : memref<320000xi32, #tpu.memory_space<hbm>> -> memref<80xi32, #tpu.memory_space<hbm>>
      tpu.wait_dma2 semaphore(%arg11 : memref<!tpu.dma_semaphore, #tpu.memory_space<semaphore_mem>>) src(%dma_wait3A_50 : memref<80xi32, #tpu.memory_space<hbm>>) dst(%arg6 : memref<80xi32, #tpu.memory_space<vmem>>)
      %dma_wait3A_51 = arith.constant 0 : i32
      %dma_wait3A_52 = arith.constant 0 : i32
      %dma_wait3A_53 = tpu.memref_slice %arg2[%dma_wait3A_51, %dma_wait3A_52] : memref<64000x128xf32, #tpu.memory_space<hbm>> -> memref<80x128xf32, #tpu.memory_space<hbm>>
      %dma_wait3A_54 = arith.constant 0 : i32
      %dma_wait3A_55 = arith.constant 0 : i32
      %dma_wait3A_56 = tpu.memref_slice %arg2[%dma_wait3A_54, %dma_wait3A_55] : memref<64000x128xf32, #tpu.memory_space<hbm>> -> memref<80x128xf32, #tpu.memory_space<hbm>>
      tpu.wait_dma2 semaphore(%arg11 : memref<!tpu.dma_semaphore, #tpu.memory_space<semaphore_mem>>) src(%dma_wait3A_56 : memref<80x128xf32, #tpu.memory_space<hbm>>) dst(%arg8 : memref<80x128xf32, #tpu.memory_space<vmem>>)
      %add3A_57 = arith.constant 1 : i32
      %add3A_58 = arith.addi %mul3A_46, %add3A_57 : i32
      %lt3A_59 = arith.constant 25 : i32
      %lt3A_60 = arith.cmpi slt, %add3A_58, %lt3A_59 : i32
      %convert_element_type3A_61 = arith.extui %lt3A_60 : i1 to i32
      %cond3A_62 = arith.constant 0 : i32
      %cond3A_63 = arith.cmpi ne, %convert_element_type3A_61, %cond3A_62 : i32
      scf.if %cond3A_63 {
        %add3A_85 = arith.constant 1 : i32
        %add3A_86 = arith.addi %mul3A_46, %add3A_85 : i32
        %add3A_87 = arith.constant 128000 : i32
        %add3A_88 = arith.addi %add3A_87, %mul3A_4 : i32
        %mul3A_89 = arith.constant 80 : i32
        %mul3A_90 = arith.muli %add3A_86, %mul3A_89 : i32
        %add3A_91 = arith.addi %add3A_88, %mul3A_90 : i32
        %dma_start3A_92 = tpu.memref_slice %arg3[%add3A_91] : memref<320000xi32, #tpu.memory_space<hbm>> -> memref<80xi32, #tpu.memory_space<hbm>>
        %dma_start3A_93 = tpu.memref_slice %arg3[%add3A_91] : memref<320000xi32, #tpu.memory_space<hbm>> -> memref<80xi32, #tpu.memory_space<hbm>>
        tpu.enqueue_dma source(%dma_start3A_93 : memref<80xi32, #tpu.memory_space<hbm>>) target(%arg7 : memref<80xi32, #tpu.memory_space<vmem>>) target_semaphore(%arg12 : memref<!tpu.dma_semaphore, #tpu.memory_space<semaphore_mem>>)
        %mul3A_94 = arith.constant 80 : i32
        %mul3A_95 = arith.muli %add3A_86, %mul3A_94 : i32
        %add3A_96 = arith.addi %mul3A_4, %mul3A_95 : i32
        %dma_start3A_97 = arith.constant 0 : i32
        %dma_start3A_98 = tpu.memref_slice %arg2[%add3A_96, %dma_start3A_97] : memref<64000x128xf32, #tpu.memory_space<hbm>> -> memref<80x128xf32, #tpu.memory_space<hbm>>
        %dma_start3A_99 = arith.constant 0 : i32
        %dma_start3A_100 = tpu.memref_slice %arg2[%add3A_96, %dma_start3A_99] : memref<64000x128xf32, #tpu.memory_space<hbm>> -> memref<80x128xf32, #tpu.memory_space<hbm>>
        tpu.enqueue_dma source(%dma_start3A_100 : memref<80x128xf32, #tpu.memory_space<hbm>>) target(%arg9 : memref<80x128xf32, #tpu.memory_space<vmem>>) target_semaphore(%arg12 : memref<!tpu.dma_semaphore, #tpu.memory_space<semaphore_mem>>)
      } else {
      }
      "tpu.region"() ({
        %run_scoped3A = tpu.sem_alloc : memref<!tpu.dma_semaphore, #tpu.memory_space<semaphore_mem>>
        %dma_start3A_85 = arith.constant 0 : i32
        %dma_start3A_86 = arith.constant 0 : i32
        %dma_start3A_87 = tpu.memref_slice %arg10[%dma_start3A_85, %dma_start3A_86] : memref<10000x128xf32, #tpu.memory_space<vmem_shared>> -> memref<10000x128xf32, #tpu.memory_space<vmem_shared>>
        tpu.enqueue_indirect_dma source(%arg8 : memref<80x128xf32, #tpu.memory_space<vmem>>) target(%dma_start3A_87 : memref<10000x128xf32, #tpu.memory_space<vmem_shared>>) offsets(%arg6 : memref<80xi32, #tpu.memory_space<vmem>>) semaphore(%run_scoped3A : memref<!tpu.dma_semaphore, #tpu.memory_space<semaphore_mem>>) {add = true}
        %dma_wait3A_88 = arith.constant 0 : i32
        %dma_wait3A_89 = arith.constant 0 : i32
        %dma_wait3A_90 = tpu.memref_slice %arg10[%dma_wait3A_88, %dma_wait3A_89] : memref<10000x128xf32, #tpu.memory_space<vmem_shared>> -> memref<10000x128xf32, #tpu.memory_space<vmem_shared>>
        tpu.wait_indirect_dma semaphore(%run_scoped3A : memref<!tpu.dma_semaphore, #tpu.memory_space<semaphore_mem>>) src(%arg8 : memref<80x128xf32, #tpu.memory_space<vmem>>) dst(%dma_wait3A_90 : memref<10000x128xf32, #tpu.memory_space<vmem_shared>>)
        tpu.yield
      }) : () -> ()
      %mul3A_64 = arith.constant 2 : i32
      %mul3A_65 = arith.muli %mul3A_64, %scan3A_44 : i32
      %add3A_66 = arith.constant 1 : i32
      %add3A_67 = arith.addi %mul3A_65, %add3A_66 : i32
      %dma_wait3A_68 = arith.constant 0 : i32
      %dma_wait3A_69 = tpu.memref_slice %arg3[%dma_wait3A_68] : memref<320000xi32, #tpu.memory_space<hbm>> -> memref<80xi32, #tpu.memory_space<hbm>>
      %dma_wait3A_70 = arith.constant 0 : i32
      %dma_wait3A_71 = tpu.memref_slice %arg3[%dma_wait3A_70] : memref<320000xi32, #tpu.memory_space<hbm>> -> memref<80xi32, #tpu.memory_space<hbm>>
      tpu.wait_dma2 semaphore(%arg12 : memref<!tpu.dma_semaphore, #tpu.memory_space<semaphore_mem>>) src(%dma_wait3A_71 : memref<80xi32, #tpu.memory_space<hbm>>) dst(%arg7 : memref<80xi32, #tpu.memory_space<vmem>>)
      %dma_wait3A_72 = arith.constant 0 : i32
      %dma_wait3A_73 = arith.constant 0 : i32
      %dma_wait3A_74 = tpu.memref_slice %arg2[%dma_wait3A_72, %dma_wait3A_73] : memref<64000x128xf32, #tpu.memory_space<hbm>> -> memref<80x128xf32, #tpu.memory_space<hbm>>
      %dma_wait3A_75 = arith.constant 0 : i32
      %dma_wait3A_76 = arith.constant 0 : i32
      %dma_wait3A_77 = tpu.memref_slice %arg2[%dma_wait3A_75, %dma_wait3A_76] : memref<64000x128xf32, #tpu.memory_space<hbm>> -> memref<80x128xf32, #tpu.memory_space<hbm>>
      tpu.wait_dma2 semaphore(%arg12 : memref<!tpu.dma_semaphore, #tpu.memory_space<semaphore_mem>>) src(%dma_wait3A_77 : memref<80x128xf32, #tpu.memory_space<hbm>>) dst(%arg9 : memref<80x128xf32, #tpu.memory_space<vmem>>)
      %add3A_78 = arith.constant 1 : i32
      %add3A_79 = arith.addi %add3A_67, %add3A_78 : i32
      %lt3A_80 = arith.constant 25 : i32
      %lt3A_81 = arith.cmpi slt, %add3A_79, %lt3A_80 : i32
      %convert_element_type3A_82 = arith.extui %lt3A_81 : i1 to i32
      %cond3A_83 = arith.constant 0 : i32
      %cond3A_84 = arith.cmpi ne, %convert_element_type3A_82, %cond3A_83 : i32
      scf.if %cond3A_84 {
        %add3A_85 = arith.constant 1 : i32
        %add3A_86 = arith.addi %add3A_67, %add3A_85 : i32
        %add3A_87 = arith.constant 128000 : i32
        %add3A_88 = arith.addi %add3A_87, %mul3A_4 : i32
        %mul3A_89 = arith.constant 80 : i32
        %mul3A_90 = arith.muli %add3A_86, %mul3A_89 : i32
        %add3A_91 = arith.addi %add3A_88, %mul3A_90 : i32
        %dma_start3A_92 = tpu.memref_slice %arg3[%add3A_91] : memref<320000xi32, #tpu.memory_space<hbm>> -> memref<80xi32, #tpu.memory_space<hbm>>
        %dma_start3A_93 = tpu.memref_slice %arg3[%add3A_91] : memref<320000xi32, #tpu.memory_space<hbm>> -> memref<80xi32, #tpu.memory_space<hbm>>
        tpu.enqueue_dma source(%dma_start3A_93 : memref<80xi32, #tpu.memory_space<hbm>>) target(%arg6 : memref<80xi32, #tpu.memory_space<vmem>>) target_semaphore(%arg11 : memref<!tpu.dma_semaphore, #tpu.memory_space<semaphore_mem>>)
        %mul3A_94 = arith.constant 80 : i32
        %mul3A_95 = arith.muli %add3A_86, %mul3A_94 : i32
        %add3A_96 = arith.addi %mul3A_4, %mul3A_95 : i32
        %dma_start3A_97 = arith.constant 0 : i32
        %dma_start3A_98 = tpu.memref_slice %arg2[%add3A_96, %dma_start3A_97] : memref<64000x128xf32, #tpu.memory_space<hbm>> -> memref<80x128xf32, #tpu.memory_space<hbm>>
        %dma_start3A_99 = arith.constant 0 : i32
        %dma_start3A_100 = tpu.memref_slice %arg2[%add3A_96, %dma_start3A_99] : memref<64000x128xf32, #tpu.memory_space<hbm>> -> memref<80x128xf32, #tpu.memory_space<hbm>>
        tpu.enqueue_dma source(%dma_start3A_100 : memref<80x128xf32, #tpu.memory_space<hbm>>) target(%arg8 : memref<80x128xf32, #tpu.memory_space<vmem>>) target_semaphore(%arg11 : memref<!tpu.dma_semaphore, #tpu.memory_space<semaphore_mem>>)
      } else {
      }
      "tpu.region"() ({
        %run_scoped3A = tpu.sem_alloc : memref<!tpu.dma_semaphore, #tpu.memory_space<semaphore_mem>>
        %dma_start3A_85 = arith.constant 0 : i32
        %dma_start3A_86 = arith.constant 0 : i32
        %dma_start3A_87 = tpu.memref_slice %arg10[%dma_start3A_85, %dma_start3A_86] : memref<10000x128xf32, #tpu.memory_space<vmem_shared>> -> memref<10000x128xf32, #tpu.memory_space<vmem_shared>>
        tpu.enqueue_indirect_dma source(%arg9 : memref<80x128xf32, #tpu.memory_space<vmem>>) target(%dma_start3A_87 : memref<10000x128xf32, #tpu.memory_space<vmem_shared>>) offsets(%arg7 : memref<80xi32, #tpu.memory_space<vmem>>) semaphore(%run_scoped3A : memref<!tpu.dma_semaphore, #tpu.memory_space<semaphore_mem>>) {add = true}
        %dma_wait3A_88 = arith.constant 0 : i32
        %dma_wait3A_89 = arith.constant 0 : i32
        %dma_wait3A_90 = tpu.memref_slice %arg10[%dma_wait3A_88, %dma_wait3A_89] : memref<10000x128xf32, #tpu.memory_space<vmem_shared>> -> memref<10000x128xf32, #tpu.memory_space<vmem_shared>>
        tpu.wait_indirect_dma semaphore(%run_scoped3A : memref<!tpu.dma_semaphore, #tpu.memory_space<semaphore_mem>>) src(%arg9 : memref<80x128xf32, #tpu.memory_space<vmem>>) dst(%dma_wait3A_90 : memref<10000x128xf32, #tpu.memory_space<vmem_shared>>)
        tpu.yield
      }) : () -> ()
    }
    %scan3A_20 = arith.constant 12 : i32
    %dma_wait3A = arith.constant 0 : i32
    %dma_wait3A_21 = tpu.memref_slice %arg3[%dma_wait3A] : memref<320000xi32, #tpu.memory_space<hbm>> -> memref<80xi32, #tpu.memory_space<hbm>>
    %dma_wait3A_22 = arith.constant 0 : i32
    %dma_wait3A_23 = tpu.memref_slice %arg3[%dma_wait3A_22] : memref<320000xi32, #tpu.memory_space<hbm>> -> memref<80xi32, #tpu.memory_space<hbm>>
    tpu.wait_dma2 semaphore(%arg11 : memref<!tpu.dma_semaphore, #tpu.memory_space<semaphore_mem>>) src(%dma_wait3A_23 : memref<80xi32, #tpu.memory_space<hbm>>) dst(%arg6 : memref<80xi32, #tpu.memory_space<vmem>>)
    %dma_wait3A_24 = arith.constant 0 : i32
    %dma_wait3A_25 = arith.constant 0 : i32
    %dma_wait3A_26 = tpu.memref_slice %arg2[%dma_wait3A_24, %dma_wait3A_25] : memref<64000x128xf32, #tpu.memory_space<hbm>> -> memref<80x128xf32, #tpu.memory_space<hbm>>
    %dma_wait3A_27 = arith.constant 0 : i32
    %dma_wait3A_28 = arith.constant 0 : i32
    %dma_wait3A_29 = tpu.memref_slice %arg2[%dma_wait3A_27, %dma_wait3A_28] : memref<64000x128xf32, #tpu.memory_space<hbm>> -> memref<80x128xf32, #tpu.memory_space<hbm>>
    tpu.wait_dma2 semaphore(%arg11 : memref<!tpu.dma_semaphore, #tpu.memory_space<semaphore_mem>>) src(%dma_wait3A_29 : memref<80x128xf32, #tpu.memory_space<hbm>>) dst(%arg8 : memref<80x128xf32, #tpu.memory_space<vmem>>)
    %add3A_30 = arith.constant 24 : i32
    %add3A_31 = arith.constant 1 : i32
    %add3A_32 = arith.addi %add3A_30, %add3A_31 : i32
    %lt3A = arith.constant 25 : i32
    %lt3A_33 = arith.cmpi slt, %add3A_32, %lt3A : i32
    %convert_element_type3A_34 = arith.extui %lt3A_33 : i1 to i32
    %cond3A_35 = arith.constant 24 : i32
    %cond3A_36 = arith.constant 0 : i32
    %cond3A_37 = arith.cmpi ne, %convert_element_type3A_34, %cond3A_36 : i32
    scf.if %cond3A_37 {
      %add3A_44 = arith.constant 1 : i32
      %add3A_45 = arith.addi %cond3A_35, %add3A_44 : i32
      %add3A_46 = arith.constant 128000 : i32
      %add3A_47 = arith.addi %add3A_46, %mul3A_4 : i32
      %mul3A_48 = arith.constant 80 : i32
      %mul3A_49 = arith.muli %add3A_45, %mul3A_48 : i32
      %add3A_50 = arith.addi %add3A_47, %mul3A_49 : i32
      %dma_start3A_51 = tpu.memref_slice %arg3[%add3A_50] : memref<320000xi32, #tpu.memory_space<hbm>> -> memref<80xi32, #tpu.memory_space<hbm>>
      %dma_start3A_52 = tpu.memref_slice %arg3[%add3A_50] : memref<320000xi32, #tpu.memory_space<hbm>> -> memref<80xi32, #tpu.memory_space<hbm>>
      tpu.enqueue_dma source(%dma_start3A_52 : memref<80xi32, #tpu.memory_space<hbm>>) target(%arg7 : memref<80xi32, #tpu.memory_space<vmem>>) target_semaphore(%arg12 : memref<!tpu.dma_semaphore, #tpu.memory_space<semaphore_mem>>)
      %mul3A_53 = arith.constant 80 : i32
      %mul3A_54 = arith.muli %add3A_45, %mul3A_53 : i32
      %add3A_55 = arith.addi %mul3A_4, %mul3A_54 : i32
      %dma_start3A_56 = arith.constant 0 : i32
      %dma_start3A_57 = tpu.memref_slice %arg2[%add3A_55, %dma_start3A_56] : memref<64000x128xf32, #tpu.memory_space<hbm>> -> memref<80x128xf32, #tpu.memory_space<hbm>>
      %dma_start3A_58 = arith.constant 0 : i32
      %dma_start3A_59 = tpu.memref_slice %arg2[%add3A_55, %dma_start3A_58] : memref<64000x128xf32, #tpu.memory_space<hbm>> -> memref<80x128xf32, #tpu.memory_space<hbm>>
      tpu.enqueue_dma source(%dma_start3A_59 : memref<80x128xf32, #tpu.memory_space<hbm>>) target(%arg9 : memref<80x128xf32, #tpu.memory_space<vmem>>) target_semaphore(%arg12 : memref<!tpu.dma_semaphore, #tpu.memory_space<semaphore_mem>>)
    } else {
    }
    "tpu.region"() ({
      %run_scoped3A = tpu.sem_alloc : memref<!tpu.dma_semaphore, #tpu.memory_space<semaphore_mem>>
      %dma_start3A_44 = arith.constant 0 : i32
      %dma_start3A_45 = arith.constant 0 : i32
      %dma_start3A_46 = tpu.memref_slice %arg10[%dma_start3A_44, %dma_start3A_45] : memref<10000x128xf32, #tpu.memory_space<vmem_shared>> -> memref<10000x128xf32, #tpu.memory_space<vmem_shared>>
      tpu.enqueue_indirect_dma source(%arg8 : memref<80x128xf32, #tpu.memory_space<vmem>>) target(%dma_start3A_46 : memref<10000x128xf32, #tpu.memory_space<vmem_shared>>) offsets(%arg6 : memref<80xi32, #tpu.memory_space<vmem>>) semaphore(%run_scoped3A : memref<!tpu.dma_semaphore, #tpu.memory_space<semaphore_mem>>) {add = true}
      %dma_wait3A_47 = arith.constant 0 : i32
      %dma_wait3A_48 = arith.constant 0 : i32
      %dma_wait3A_49 = tpu.memref_slice %arg10[%dma_wait3A_47, %dma_wait3A_48] : memref<10000x128xf32, #tpu.memory_space<vmem_shared>> -> memref<10000x128xf32, #tpu.memory_space<vmem_shared>>
      tpu.wait_indirect_dma semaphore(%run_scoped3A : memref<!tpu.dma_semaphore, #tpu.memory_space<semaphore_mem>>) src(%arg8 : memref<80x128xf32, #tpu.memory_space<vmem>>) dst(%dma_wait3A_49 : memref<10000x128xf32, #tpu.memory_space<vmem_shared>>)
      tpu.yield
    }) : () -> ()
    %barrier3A_38 = arith.constant 0 : index
    tpu.barrier barrier_id(%barrier3A_38)
    %lt3A_39 = arith.constant 10 : i32
    %lt3A_40 = arith.cmpi slt, %arg1, %lt3A_39 : i32
    %convert_element_type3A_41 = arith.extui %lt3A_40 : i1 to i32
    %cond3A_42 = arith.constant 0 : i32
    %cond3A_43 = arith.cmpi ne, %convert_element_type3A_41, %cond3A_42 : i32
    scf.if %cond3A_43 {
      %mul3A_44 = arith.constant 1000 : i32
      %mul3A_45 = arith.muli %arg1, %mul3A_44 : i32
      %mul3A_46 = arith.constant 1000 : i32
      %mul3A_47 = arith.muli %arg1, %mul3A_46 : i32
      "tpu.region"() ({
        %run_scoped3A = tpu.sem_alloc : memref<!tpu.dma_semaphore, #tpu.memory_space<semaphore_mem>>
        %dma_start3A_48 = arith.constant 0 : i32
        %dma_start3A_49 = tpu.memref_slice %arg5[%arg0, %mul3A_47, %dma_start3A_48] : memref<2x10000x128xf32, #tpu.memory_space<hbm>> -> memref<1x1000x128xf32, #tpu.memory_space<hbm>>
        %dma_start3A_50 = tpu.memref_squeeze %dma_start3A_49 : memref<1x1000x128xf32, #tpu.memory_space<hbm>> -> memref<1000x128xf32, #tpu.memory_space<hbm>>
        %dma_start3A_51 = arith.constant 0 : i32
        %dma_start3A_52 = tpu.memref_slice %arg10[%mul3A_45, %dma_start3A_51] : memref<10000x128xf32, #tpu.memory_space<vmem_shared>> -> memref<1000x128xf32, #tpu.memory_space<vmem_shared>>
        tpu.enqueue_dma source(%dma_start3A_52 : memref<1000x128xf32, #tpu.memory_space<vmem_shared>>) target(%dma_start3A_50 : memref<1000x128xf32, #tpu.memory_space<hbm>>) target_semaphore(%run_scoped3A : memref<!tpu.dma_semaphore, #tpu.memory_space<semaphore_mem>>)
        %dma_wait3A_53 = arith.constant 0 : i32
        %dma_wait3A_54 = tpu.memref_slice %arg5[%arg0, %mul3A_47, %dma_wait3A_53] : memref<2x10000x128xf32, #tpu.memory_space<hbm>> -> memref<1x1000x128xf32, #tpu.memory_space<hbm>>
        %dma_wait3A_55 = tpu.memref_squeeze %dma_wait3A_54 : memref<1x1000x128xf32, #tpu.memory_space<hbm>> -> memref<1000x128xf32, #tpu.memory_space<hbm>>
        %dma_wait3A_56 = arith.constant 0 : i32
        %dma_wait3A_57 = tpu.memref_slice %arg10[%mul3A_45, %dma_wait3A_56] : memref<10000x128xf32, #tpu.memory_space<vmem_shared>> -> memref<1000x128xf32, #tpu.memory_space<vmem_shared>>
        tpu.wait_dma2 semaphore(%run_scoped3A : memref<!tpu.dma_semaphore, #tpu.memory_space<semaphore_mem>>) src(%dma_wait3A_57 : memref<1000x128xf32, #tpu.memory_space<vmem_shared>>) dst(%dma_wait3A_55 : memref<1000x128xf32, #tpu.memory_space<hbm>>)
        tpu.yield
      }) : () -> ()
    } else {
    }
    return
  }
}

#map = affine_map<(d0, d1) -> (0, 0)>
#map1 = affine_map<(d0, d1) -> (0)>
#map2 = affine_map<(d0, d1) -> (0, 0, 0)>
module attributes {stable_mosaic.version = 14 : i64} {
  func.func @k(%arg0: i32, %arg1: i32, %arg2: memref<64000x128xf32, #tpu.memory_space<hbm>>, %arg3: memref<320000xi32, #tpu.memory_space<hbm>>, %arg4: memref<10000x128xf32, #tpu.memory_space<hbm>>, %arg5: memref<2x10000x128xf32, #tpu.memory_space<hbm>>, %arg6: memref<80xi32, #tpu.memory_space<vmem>>, %arg7: memref<80xi32, #tpu.memory_space<vmem>>, %arg8: memref<80x128xf32, #tpu.memory_space<vmem>>, %arg9: memref<80x128xf32, #tpu.memory_space<vmem>>, %arg10: memref<10000x128xf32, #tpu.memory_space<vmem_shared>>, %arg11: memref<!tpu.dma_semaphore, #tpu.memory_space<semaphore_mem>>, %arg12: memref<!tpu.dma_semaphore, #tpu.memory_space<semaphore_mem>>) attributes {dimension_semantics = [#tpu.dimension_semantics<core_parallel>, #tpu.dimension_semantics<subcore_parallel>], iteration_bounds = array<i64: 2, 16>, scalar_prefetch = 0 : i64, scratch_operands = 7 : i64, tpu.core_type = #tpu.core_type<sc_vector_subcore>, window_params = [{transform_indices = #map}, {transform_indices = #map1}, {transform_indices = #map}, {transform_indices = #map2}]} {
    %mul3A = arith.constant 2 : i32
    %mul3A_0 = arith.muli %arg1, %mul3A : i32
    %add3A = arith.addi %mul3A_0, %arg0 : i32
    %eq3A = arith.constant 0 : i32
    %eq3A_1 = arith.cmpi eq, %arg1, %eq3A : i32
    %convert_element_type3A = arith.extui %eq3A_1 : i1 to i32
    %cond3A = arith.constant 0 : i32
    %cond3A_2 = arith.cmpi ne, %convert_element_type3A, %cond3A : i32
    scf.if %cond3A_2 {
      "tpu.region"() ({
        %run_scoped3A = tpu.sem_alloc : memref<!tpu.dma_semaphore, #tpu.memory_space<semaphore_mem>>
        tpu.enqueue_dma source(%arg4 : memref<10000x128xf32, #tpu.memory_space<hbm>>) target(%arg10 : memref<10000x128xf32, #tpu.memory_space<vmem_shared>>) target_semaphore(%run_scoped3A : memref<!tpu.dma_semaphore, #tpu.memory_space<semaphore_mem>>)
        tpu.wait_dma2 semaphore(%run_scoped3A : memref<!tpu.dma_semaphore, #tpu.memory_space<semaphore_mem>>) src(%arg4 : memref<10000x128xf32, #tpu.memory_space<hbm>>) dst(%arg10 : memref<10000x128xf32, #tpu.memory_space<vmem_shared>>)
        tpu.yield
      }) : () -> ()
    } else {
    }
    %barrier3A = arith.constant 0 : index
    tpu.barrier barrier_id(%barrier3A)
    %mul3A_3 = arith.constant 2000 : i32
    %mul3A_4 = arith.muli %add3A, %mul3A_3 : i32
    %add3A_5 = arith.constant 0 : i32
    %add3A_6 = arith.addi %add3A_5, %mul3A_4 : i32
    %add3A_7 = arith.constant 0 : i32
    %add3A_8 = arith.addi %add3A_6, %add3A_7 : i32
    %dma_start3A = tpu.memref_slice %arg3[%add3A_8] : memref<320000xi32, #tpu.memory_space<hbm>> -> memref<80xi32, #tpu.memory_space<hbm>>
    %dma_start3A_9 = tpu.memref_slice %arg3[%add3A_8] : memref<320000xi32, #tpu.memory_space<hbm>> -> memref<80xi32, #tpu.memory_space<hbm>>
    tpu.enqueue_dma source(%dma_start3A_9 : memref<80xi32, #tpu.memory_space<hbm>>) target(%arg6 : memref<80xi32, #tpu.memory_space<vmem>>) target_semaphore(%arg11 : memref<!tpu.dma_semaphore, #tpu.memory_space<semaphore_mem>>)
    %add3A_10 = arith.constant 0 : i32
    %add3A_11 = arith.addi %mul3A_4, %add3A_10 : i32
    %dma_start3A_12 = arith.constant 0 : i32
    %dma_start3A_13 = tpu.memref_slice %arg2[%add3A_11, %dma_start3A_12] : memref<64000x128xf32, #tpu.memory_space<hbm>> -> memref<80x128xf32, #tpu.memory_space<hbm>>
    %dma_start3A_14 = arith.constant 0 : i32
    %dma_start3A_15 = tpu.memref_slice %arg2[%add3A_11, %dma_start3A_14] : memref<64000x128xf32, #tpu.memory_space<hbm>> -> memref<80x128xf32, #tpu.memory_space<hbm>>
    tpu.enqueue_dma source(%dma_start3A_15 : memref<80x128xf32, #tpu.memory_space<hbm>>) target(%arg8 : memref<80x128xf32, #tpu.memory_space<vmem>>) target_semaphore(%arg11 : memref<!tpu.dma_semaphore, #tpu.memory_space<semaphore_mem>>)
    %scan3A = arith.constant 0 : i32
    %scan3A_16 = arith.constant 0 : i32
    %scan3A_17 = arith.constant 12 : i32
    %scan3A_18 = arith.addi %scan3A_16, %scan3A_17 : i32
    %scan3A_19 = arith.constant 1 : i32
    scf.for %scan3A_44 = %scan3A_16 to %scan3A_18 step %scan3A_19  : i32 {
      %mul3A_45 = arith.constant 2 : i32
      %mul3A_46 = arith.muli %mul3A_45, %scan3A_44 : i32
      %dma_wait3A_47 = arith.constant 0 : i32
      %dma_wait3A_48 = tpu.memref_slice %arg3[%dma_wait3A_47] : memref<320000xi32, #tpu.memory_space<hbm>> -> memref<80xi32, #tpu.memory_space<hbm>>
      %dma_wait3A_49 = arith.constant 0 : i32
      %dma_wait3A_50 = tpu.memref_slice %arg3[%dma_wait3A_49] : memref<320000xi32, #tpu.memory_space<hbm>> -> memref<80xi32, #tpu.memory_space<hbm>>
      tpu.wait_dma2 semaphore(%arg11 : memref<!tpu.dma_semaphore, #tpu.memory_space<semaphore_mem>>) src(%dma_wait3A_50 : memref<80xi32, #tpu.memory_space<hbm>>) dst(%arg6 : memref<80xi32, #tpu.memory_space<vmem>>)
      %dma_wait3A_51 = arith.constant 0 : i32
      %dma_wait3A_52 = arith.constant 0 : i32
      %dma_wait3A_53 = tpu.memref_slice %arg2[%dma_wait3A_51, %dma_wait3A_52] : memref<64000x128xf32, #tpu.memory_space<hbm>> -> memref<80x128xf32, #tpu.memory_space<hbm>>
      %dma_wait3A_54 = arith.constant 0 : i32
      %dma_wait3A_55 = arith.constant 0 : i32
      %dma_wait3A_56 = tpu.memref_slice %arg2[%dma_wait3A_54, %dma_wait3A_55] : memref<64000x128xf32, #tpu.memory_space<hbm>> -> memref<80x128xf32, #tpu.memory_space<hbm>>
      tpu.wait_dma2 semaphore(%arg11 : memref<!tpu.dma_semaphore, #tpu.memory_space<semaphore_mem>>) src(%dma_wait3A_56 : memref<80x128xf32, #tpu.memory_space<hbm>>) dst(%arg8 : memref<80x128xf32, #tpu.memory_space<vmem>>)
      %add3A_57 = arith.constant 1 : i32
      %add3A_58 = arith.addi %mul3A_46, %add3A_57 : i32
      %lt3A_59 = arith.constant 25 : i32
      %lt3A_60 = arith.cmpi slt, %add3A_58, %lt3A_59 : i32
      %convert_element_type3A_61 = arith.extui %lt3A_60 : i1 to i32
      %cond3A_62 = arith.constant 0 : i32
      %cond3A_63 = arith.cmpi ne, %convert_element_type3A_61, %cond3A_62 : i32
      scf.if %cond3A_63 {
        %add3A_85 = arith.constant 1 : i32
        %add3A_86 = arith.addi %mul3A_46, %add3A_85 : i32
        %add3A_87 = arith.constant 0 : i32
        %add3A_88 = arith.addi %add3A_87, %mul3A_4 : i32
        %mul3A_89 = arith.constant 80 : i32
        %mul3A_90 = arith.muli %add3A_86, %mul3A_89 : i32
        %add3A_91 = arith.addi %add3A_88, %mul3A_90 : i32
        %dma_start3A_92 = tpu.memref_slice %arg3[%add3A_91] : memref<320000xi32, #tpu.memory_space<hbm>> -> memref<80xi32, #tpu.memory_space<hbm>>
        %dma_start3A_93 = tpu.memref_slice %arg3[%add3A_91] : memref<320000xi32, #tpu.memory_space<hbm>> -> memref<80xi32, #tpu.memory_space<hbm>>
        tpu.enqueue_dma source(%dma_start3A_93 : memref<80xi32, #tpu.memory_space<hbm>>) target(%arg7 : memref<80xi32, #tpu.memory_space<vmem>>) target_semaphore(%arg12 : memref<!tpu.dma_semaphore, #tpu.memory_space<semaphore_mem>>)
        %mul3A_94 = arith.constant 80 : i32
        %mul3A_95 = arith.muli %add3A_86, %mul3A_94 : i32
        %add3A_96 = arith.addi %mul3A_4, %mul3A_95 : i32
        %dma_start3A_97 = arith.constant 0 : i32
        %dma_start3A_98 = tpu.memref_slice %arg2[%add3A_96, %dma_start3A_97] : memref<64000x128xf32, #tpu.memory_space<hbm>> -> memref<80x128xf32, #tpu.memory_space<hbm>>
        %dma_start3A_99 = arith.constant 0 : i32
        %dma_start3A_100 = tpu.memref_slice %arg2[%add3A_96, %dma_start3A_99] : memref<64000x128xf32, #tpu.memory_space<hbm>> -> memref<80x128xf32, #tpu.memory_space<hbm>>
        tpu.enqueue_dma source(%dma_start3A_100 : memref<80x128xf32, #tpu.memory_space<hbm>>) target(%arg9 : memref<80x128xf32, #tpu.memory_space<vmem>>) target_semaphore(%arg12 : memref<!tpu.dma_semaphore, #tpu.memory_space<semaphore_mem>>)
      } else {
      }
      "tpu.region"() ({
        %run_scoped3A = tpu.sem_alloc : memref<!tpu.dma_semaphore, #tpu.memory_space<semaphore_mem>>
        %dma_start3A_85 = arith.constant 0 : i32
        %dma_start3A_86 = arith.constant 0 : i32
        %dma_start3A_87 = tpu.memref_slice %arg10[%dma_start3A_85, %dma_start3A_86] : memref<10000x128xf32, #tpu.memory_space<vmem_shared>> -> memref<10000x128xf32, #tpu.memory_space<vmem_shared>>
        tpu.enqueue_indirect_dma source(%arg8 : memref<80x128xf32, #tpu.memory_space<vmem>>) target(%dma_start3A_87 : memref<10000x128xf32, #tpu.memory_space<vmem_shared>>) offsets(%arg6 : memref<80xi32, #tpu.memory_space<vmem>>) semaphore(%run_scoped3A : memref<!tpu.dma_semaphore, #tpu.memory_space<semaphore_mem>>) {add = true}
        %dma_wait3A_88 = arith.constant 0 : i32
        %dma_wait3A_89 = arith.constant 0 : i32
        %dma_wait3A_90 = tpu.memref_slice %arg10[%dma_wait3A_88, %dma_wait3A_89] : memref<10000x128xf32, #tpu.memory_space<vmem_shared>> -> memref<10000x128xf32, #tpu.memory_space<vmem_shared>>
        tpu.wait_indirect_dma semaphore(%run_scoped3A : memref<!tpu.dma_semaphore, #tpu.memory_space<semaphore_mem>>) src(%arg8 : memref<80x128xf32, #tpu.memory_space<vmem>>) dst(%dma_wait3A_90 : memref<10000x128xf32, #tpu.memory_space<vmem_shared>>)
        tpu.yield
      }) : () -> ()
      %mul3A_64 = arith.constant 2 : i32
      %mul3A_65 = arith.muli %mul3A_64, %scan3A_44 : i32
      %add3A_66 = arith.constant 1 : i32
      %add3A_67 = arith.addi %mul3A_65, %add3A_66 : i32
      %dma_wait3A_68 = arith.constant 0 : i32
      %dma_wait3A_69 = tpu.memref_slice %arg3[%dma_wait3A_68] : memref<320000xi32, #tpu.memory_space<hbm>> -> memref<80xi32, #tpu.memory_space<hbm>>
      %dma_wait3A_70 = arith.constant 0 : i32
      %dma_wait3A_71 = tpu.memref_slice %arg3[%dma_wait3A_70] : memref<320000xi32, #tpu.memory_space<hbm>> -> memref<80xi32, #tpu.memory_space<hbm>>
      tpu.wait_dma2 semaphore(%arg12 : memref<!tpu.dma_semaphore, #tpu.memory_space<semaphore_mem>>) src(%dma_wait3A_71 : memref<80xi32, #tpu.memory_space<hbm>>) dst(%arg7 : memref<80xi32, #tpu.memory_space<vmem>>)
      %dma_wait3A_72 = arith.constant 0 : i32
      %dma_wait3A_73 = arith.constant 0 : i32
      %dma_wait3A_74 = tpu.memref_slice %arg2[%dma_wait3A_72, %dma_wait3A_73] : memref<64000x128xf32, #tpu.memory_space<hbm>> -> memref<80x128xf32, #tpu.memory_space<hbm>>
      %dma_wait3A_75 = arith.constant 0 : i32
      %dma_wait3A_76 = arith.constant 0 : i32
      %dma_wait3A_77 = tpu.memref_slice %arg2[%dma_wait3A_75, %dma_wait3A_76] : memref<64000x128xf32, #tpu.memory_space<hbm>> -> memref<80x128xf32, #tpu.memory_space<hbm>>
      tpu.wait_dma2 semaphore(%arg12 : memref<!tpu.dma_semaphore, #tpu.memory_space<semaphore_mem>>) src(%dma_wait3A_77 : memref<80x128xf32, #tpu.memory_space<hbm>>) dst(%arg9 : memref<80x128xf32, #tpu.memory_space<vmem>>)
      %add3A_78 = arith.constant 1 : i32
      %add3A_79 = arith.addi %add3A_67, %add3A_78 : i32
      %lt3A_80 = arith.constant 25 : i32
      %lt3A_81 = arith.cmpi slt, %add3A_79, %lt3A_80 : i32
      %convert_element_type3A_82 = arith.extui %lt3A_81 : i1 to i32
      %cond3A_83 = arith.constant 0 : i32
      %cond3A_84 = arith.cmpi ne, %convert_element_type3A_82, %cond3A_83 : i32
      scf.if %cond3A_84 {
        %add3A_85 = arith.constant 1 : i32
        %add3A_86 = arith.addi %add3A_67, %add3A_85 : i32
        %add3A_87 = arith.constant 0 : i32
        %add3A_88 = arith.addi %add3A_87, %mul3A_4 : i32
        %mul3A_89 = arith.constant 80 : i32
        %mul3A_90 = arith.muli %add3A_86, %mul3A_89 : i32
        %add3A_91 = arith.addi %add3A_88, %mul3A_90 : i32
        %dma_start3A_92 = tpu.memref_slice %arg3[%add3A_91] : memref<320000xi32, #tpu.memory_space<hbm>> -> memref<80xi32, #tpu.memory_space<hbm>>
        %dma_start3A_93 = tpu.memref_slice %arg3[%add3A_91] : memref<320000xi32, #tpu.memory_space<hbm>> -> memref<80xi32, #tpu.memory_space<hbm>>
        tpu.enqueue_dma source(%dma_start3A_93 : memref<80xi32, #tpu.memory_space<hbm>>) target(%arg6 : memref<80xi32, #tpu.memory_space<vmem>>) target_semaphore(%arg11 : memref<!tpu.dma_semaphore, #tpu.memory_space<semaphore_mem>>)
        %mul3A_94 = arith.constant 80 : i32
        %mul3A_95 = arith.muli %add3A_86, %mul3A_94 : i32
        %add3A_96 = arith.addi %mul3A_4, %mul3A_95 : i32
        %dma_start3A_97 = arith.constant 0 : i32
        %dma_start3A_98 = tpu.memref_slice %arg2[%add3A_96, %dma_start3A_97] : memref<64000x128xf32, #tpu.memory_space<hbm>> -> memref<80x128xf32, #tpu.memory_space<hbm>>
        %dma_start3A_99 = arith.constant 0 : i32
        %dma_start3A_100 = tpu.memref_slice %arg2[%add3A_96, %dma_start3A_99] : memref<64000x128xf32, #tpu.memory_space<hbm>> -> memref<80x128xf32, #tpu.memory_space<hbm>>
        tpu.enqueue_dma source(%dma_start3A_100 : memref<80x128xf32, #tpu.memory_space<hbm>>) target(%arg8 : memref<80x128xf32, #tpu.memory_space<vmem>>) target_semaphore(%arg11 : memref<!tpu.dma_semaphore, #tpu.memory_space<semaphore_mem>>)
      } else {
      }
      "tpu.region"() ({
        %run_scoped3A = tpu.sem_alloc : memref<!tpu.dma_semaphore, #tpu.memory_space<semaphore_mem>>
        %dma_start3A_85 = arith.constant 0 : i32
        %dma_start3A_86 = arith.constant 0 : i32
        %dma_start3A_87 = tpu.memref_slice %arg10[%dma_start3A_85, %dma_start3A_86] : memref<10000x128xf32, #tpu.memory_space<vmem_shared>> -> memref<10000x128xf32, #tpu.memory_space<vmem_shared>>
        tpu.enqueue_indirect_dma source(%arg9 : memref<80x128xf32, #tpu.memory_space<vmem>>) target(%dma_start3A_87 : memref<10000x128xf32, #tpu.memory_space<vmem_shared>>) offsets(%arg7 : memref<80xi32, #tpu.memory_space<vmem>>) semaphore(%run_scoped3A : memref<!tpu.dma_semaphore, #tpu.memory_space<semaphore_mem>>) {add = true}
        %dma_wait3A_88 = arith.constant 0 : i32
        %dma_wait3A_89 = arith.constant 0 : i32
        %dma_wait3A_90 = tpu.memref_slice %arg10[%dma_wait3A_88, %dma_wait3A_89] : memref<10000x128xf32, #tpu.memory_space<vmem_shared>> -> memref<10000x128xf32, #tpu.memory_space<vmem_shared>>
        tpu.wait_indirect_dma semaphore(%run_scoped3A : memref<!tpu.dma_semaphore, #tpu.memory_space<semaphore_mem>>) src(%arg9 : memref<80x128xf32, #tpu.memory_space<vmem>>) dst(%dma_wait3A_90 : memref<10000x128xf32, #tpu.memory_space<vmem_shared>>)
        tpu.yield
      }) : () -> ()
    }
    %scan3A_20 = arith.constant 12 : i32
    %dma_wait3A = arith.constant 0 : i32
    %dma_wait3A_21 = tpu.memref_slice %arg3[%dma_wait3A] : memref<320000xi32, #tpu.memory_space<hbm>> -> memref<80xi32, #tpu.memory_space<hbm>>
    %dma_wait3A_22 = arith.constant 0 : i32
    %dma_wait3A_23 = tpu.memref_slice %arg3[%dma_wait3A_22] : memref<320000xi32, #tpu.memory_space<hbm>> -> memref<80xi32, #tpu.memory_space<hbm>>
    tpu.wait_dma2 semaphore(%arg11 : memref<!tpu.dma_semaphore, #tpu.memory_space<semaphore_mem>>) src(%dma_wait3A_23 : memref<80xi32, #tpu.memory_space<hbm>>) dst(%arg6 : memref<80xi32, #tpu.memory_space<vmem>>)
    %dma_wait3A_24 = arith.constant 0 : i32
    %dma_wait3A_25 = arith.constant 0 : i32
    %dma_wait3A_26 = tpu.memref_slice %arg2[%dma_wait3A_24, %dma_wait3A_25] : memref<64000x128xf32, #tpu.memory_space<hbm>> -> memref<80x128xf32, #tpu.memory_space<hbm>>
    %dma_wait3A_27 = arith.constant 0 : i32
    %dma_wait3A_28 = arith.constant 0 : i32
    %dma_wait3A_29 = tpu.memref_slice %arg2[%dma_wait3A_27, %dma_wait3A_28] : memref<64000x128xf32, #tpu.memory_space<hbm>> -> memref<80x128xf32, #tpu.memory_space<hbm>>
    tpu.wait_dma2 semaphore(%arg11 : memref<!tpu.dma_semaphore, #tpu.memory_space<semaphore_mem>>) src(%dma_wait3A_29 : memref<80x128xf32, #tpu.memory_space<hbm>>) dst(%arg8 : memref<80x128xf32, #tpu.memory_space<vmem>>)
    %add3A_30 = arith.constant 24 : i32
    %add3A_31 = arith.constant 1 : i32
    %add3A_32 = arith.addi %add3A_30, %add3A_31 : i32
    %lt3A = arith.constant 25 : i32
    %lt3A_33 = arith.cmpi slt, %add3A_32, %lt3A : i32
    %convert_element_type3A_34 = arith.extui %lt3A_33 : i1 to i32
    %cond3A_35 = arith.constant 24 : i32
    %cond3A_36 = arith.constant 0 : i32
    %cond3A_37 = arith.cmpi ne, %convert_element_type3A_34, %cond3A_36 : i32
    scf.if %cond3A_37 {
      %add3A_44 = arith.constant 1 : i32
      %add3A_45 = arith.addi %cond3A_35, %add3A_44 : i32
      %add3A_46 = arith.constant 0 : i32
      %add3A_47 = arith.addi %add3A_46, %mul3A_4 : i32
      %mul3A_48 = arith.constant 80 : i32
      %mul3A_49 = arith.muli %add3A_45, %mul3A_48 : i32
      %add3A_50 = arith.addi %add3A_47, %mul3A_49 : i32
      %dma_start3A_51 = tpu.memref_slice %arg3[%add3A_50] : memref<320000xi32, #tpu.memory_space<hbm>> -> memref<80xi32, #tpu.memory_space<hbm>>
      %dma_start3A_52 = tpu.memref_slice %arg3[%add3A_50] : memref<320000xi32, #tpu.memory_space<hbm>> -> memref<80xi32, #tpu.memory_space<hbm>>
      tpu.enqueue_dma source(%dma_start3A_52 : memref<80xi32, #tpu.memory_space<hbm>>) target(%arg7 : memref<80xi32, #tpu.memory_space<vmem>>) target_semaphore(%arg12 : memref<!tpu.dma_semaphore, #tpu.memory_space<semaphore_mem>>)
      %mul3A_53 = arith.constant 80 : i32
      %mul3A_54 = arith.muli %add3A_45, %mul3A_53 : i32
      %add3A_55 = arith.addi %mul3A_4, %mul3A_54 : i32
      %dma_start3A_56 = arith.constant 0 : i32
      %dma_start3A_57 = tpu.memref_slice %arg2[%add3A_55, %dma_start3A_56] : memref<64000x128xf32, #tpu.memory_space<hbm>> -> memref<80x128xf32, #tpu.memory_space<hbm>>
      %dma_start3A_58 = arith.constant 0 : i32
      %dma_start3A_59 = tpu.memref_slice %arg2[%add3A_55, %dma_start3A_58] : memref<64000x128xf32, #tpu.memory_space<hbm>> -> memref<80x128xf32, #tpu.memory_space<hbm>>
      tpu.enqueue_dma source(%dma_start3A_59 : memref<80x128xf32, #tpu.memory_space<hbm>>) target(%arg9 : memref<80x128xf32, #tpu.memory_space<vmem>>) target_semaphore(%arg12 : memref<!tpu.dma_semaphore, #tpu.memory_space<semaphore_mem>>)
    } else {
    }
    "tpu.region"() ({
      %run_scoped3A = tpu.sem_alloc : memref<!tpu.dma_semaphore, #tpu.memory_space<semaphore_mem>>
      %dma_start3A_44 = arith.constant 0 : i32
      %dma_start3A_45 = arith.constant 0 : i32
      %dma_start3A_46 = tpu.memref_slice %arg10[%dma_start3A_44, %dma_start3A_45] : memref<10000x128xf32, #tpu.memory_space<vmem_shared>> -> memref<10000x128xf32, #tpu.memory_space<vmem_shared>>
      tpu.enqueue_indirect_dma source(%arg8 : memref<80x128xf32, #tpu.memory_space<vmem>>) target(%dma_start3A_46 : memref<10000x128xf32, #tpu.memory_space<vmem_shared>>) offsets(%arg6 : memref<80xi32, #tpu.memory_space<vmem>>) semaphore(%run_scoped3A : memref<!tpu.dma_semaphore, #tpu.memory_space<semaphore_mem>>) {add = true}
      %dma_wait3A_47 = arith.constant 0 : i32
      %dma_wait3A_48 = arith.constant 0 : i32
      %dma_wait3A_49 = tpu.memref_slice %arg10[%dma_wait3A_47, %dma_wait3A_48] : memref<10000x128xf32, #tpu.memory_space<vmem_shared>> -> memref<10000x128xf32, #tpu.memory_space<vmem_shared>>
      tpu.wait_indirect_dma semaphore(%run_scoped3A : memref<!tpu.dma_semaphore, #tpu.memory_space<semaphore_mem>>) src(%arg8 : memref<80x128xf32, #tpu.memory_space<vmem>>) dst(%dma_wait3A_49 : memref<10000x128xf32, #tpu.memory_space<vmem_shared>>)
      tpu.yield
    }) : () -> ()
    %barrier3A_38 = arith.constant 0 : index
    tpu.barrier barrier_id(%barrier3A_38)
    %lt3A_39 = arith.constant 10 : i32
    %lt3A_40 = arith.cmpi slt, %arg1, %lt3A_39 : i32
    %convert_element_type3A_41 = arith.extui %lt3A_40 : i1 to i32
    %cond3A_42 = arith.constant 0 : i32
    %cond3A_43 = arith.cmpi ne, %convert_element_type3A_41, %cond3A_42 : i32
    scf.if %cond3A_43 {
      %mul3A_44 = arith.constant 1000 : i32
      %mul3A_45 = arith.muli %arg1, %mul3A_44 : i32
      %mul3A_46 = arith.constant 1000 : i32
      %mul3A_47 = arith.muli %arg1, %mul3A_46 : i32
      "tpu.region"() ({
        %run_scoped3A = tpu.sem_alloc : memref<!tpu.dma_semaphore, #tpu.memory_space<semaphore_mem>>
        %dma_start3A_48 = arith.constant 0 : i32
        %dma_start3A_49 = tpu.memref_slice %arg5[%arg0, %mul3A_47, %dma_start3A_48] : memref<2x10000x128xf32, #tpu.memory_space<hbm>> -> memref<1x1000x128xf32, #tpu.memory_space<hbm>>
        %dma_start3A_50 = tpu.memref_squeeze %dma_start3A_49 : memref<1x1000x128xf32, #tpu.memory_space<hbm>> -> memref<1000x128xf32, #tpu.memory_space<hbm>>
        %dma_start3A_51 = arith.constant 0 : i32
        %dma_start3A_52 = tpu.memref_slice %arg10[%mul3A_45, %dma_start3A_51] : memref<10000x128xf32, #tpu.memory_space<vmem_shared>> -> memref<1000x128xf32, #tpu.memory_space<vmem_shared>>
        tpu.enqueue_dma source(%dma_start3A_52 : memref<1000x128xf32, #tpu.memory_space<vmem_shared>>) target(%dma_start3A_50 : memref<1000x128xf32, #tpu.memory_space<hbm>>) target_semaphore(%run_scoped3A : memref<!tpu.dma_semaphore, #tpu.memory_space<semaphore_mem>>)
        %dma_wait3A_53 = arith.constant 0 : i32
        %dma_wait3A_54 = tpu.memref_slice %arg5[%arg0, %mul3A_47, %dma_wait3A_53] : memref<2x10000x128xf32, #tpu.memory_space<hbm>> -> memref<1x1000x128xf32, #tpu.memory_space<hbm>>
        %dma_wait3A_55 = tpu.memref_squeeze %dma_wait3A_54 : memref<1x1000x128xf32, #tpu.memory_space<hbm>> -> memref<1000x128xf32, #tpu.memory_space<hbm>>
        %dma_wait3A_56 = arith.constant 0 : i32
        %dma_wait3A_57 = tpu.memref_slice %arg10[%mul3A_45, %dma_wait3A_56] : memref<10000x128xf32, #tpu.memory_space<vmem_shared>> -> memref<1000x128xf32, #tpu.memory_space<vmem_shared>>
        tpu.wait_dma2 semaphore(%run_scoped3A : memref<!tpu.dma_semaphore, #tpu.memory_space<semaphore_mem>>) src(%dma_wait3A_57 : memref<1000x128xf32, #tpu.memory_space<vmem_shared>>) dst(%dma_wait3A_55 : memref<1000x128xf32, #tpu.memory_space<hbm>>)
        tpu.yield
      }) : () -> ()
    } else {
    }
    return
  }
}

#map = affine_map<(d0, d1) -> (0, 0)>
#map1 = affine_map<(d0, d1) -> (0)>
#map2 = affine_map<(d0, d1) -> (0, 0, 0)>
module attributes {stable_mosaic.version = 14 : i64} {
  func.func @k(%arg0: i32, %arg1: i32, %arg2: memref<64000x128xf32, #tpu.memory_space<hbm>>, %arg3: memref<320000xi32, #tpu.memory_space<hbm>>, %arg4: memref<10000x128xf32, #tpu.memory_space<hbm>>, %arg5: memref<2x10000x128xf32, #tpu.memory_space<hbm>>, %arg6: memref<80xi32, #tpu.memory_space<vmem>>, %arg7: memref<80xi32, #tpu.memory_space<vmem>>, %arg8: memref<80x128xf32, #tpu.memory_space<vmem>>, %arg9: memref<80x128xf32, #tpu.memory_space<vmem>>, %arg10: memref<10000x128xf32, #tpu.memory_space<vmem_shared>>, %arg11: memref<!tpu.dma_semaphore, #tpu.memory_space<semaphore_mem>>, %arg12: memref<!tpu.dma_semaphore, #tpu.memory_space<semaphore_mem>>) attributes {dimension_semantics = [#tpu.dimension_semantics<core_parallel>, #tpu.dimension_semantics<subcore_parallel>], iteration_bounds = array<i64: 2, 16>, scalar_prefetch = 0 : i64, scratch_operands = 7 : i64, tpu.core_type = #tpu.core_type<sc_vector_subcore>, window_params = [{transform_indices = #map}, {transform_indices = #map1}, {transform_indices = #map}, {transform_indices = #map2}]} {
    %mul3A = arith.constant 2 : i32
    %mul3A_0 = arith.muli %arg1, %mul3A : i32
    %add3A = arith.addi %mul3A_0, %arg0 : i32
    %eq3A = arith.constant 0 : i32
    %eq3A_1 = arith.cmpi eq, %arg1, %eq3A : i32
    %convert_element_type3A = arith.extui %eq3A_1 : i1 to i32
    %cond3A = arith.constant 0 : i32
    %cond3A_2 = arith.cmpi ne, %convert_element_type3A, %cond3A : i32
    scf.if %cond3A_2 {
      "tpu.region"() ({
        %run_scoped3A = tpu.sem_alloc : memref<!tpu.dma_semaphore, #tpu.memory_space<semaphore_mem>>
        tpu.enqueue_dma source(%arg4 : memref<10000x128xf32, #tpu.memory_space<hbm>>) target(%arg10 : memref<10000x128xf32, #tpu.memory_space<vmem_shared>>) target_semaphore(%run_scoped3A : memref<!tpu.dma_semaphore, #tpu.memory_space<semaphore_mem>>)
        tpu.wait_dma2 semaphore(%run_scoped3A : memref<!tpu.dma_semaphore, #tpu.memory_space<semaphore_mem>>) src(%arg4 : memref<10000x128xf32, #tpu.memory_space<hbm>>) dst(%arg10 : memref<10000x128xf32, #tpu.memory_space<vmem_shared>>)
        tpu.yield
      }) : () -> ()
    } else {
    }
    %barrier3A = arith.constant 0 : index
    tpu.barrier barrier_id(%barrier3A)
    %mul3A_3 = arith.constant 2000 : i32
    %mul3A_4 = arith.muli %add3A, %mul3A_3 : i32
    %add3A_5 = arith.constant 192000 : i32
    %add3A_6 = arith.addi %add3A_5, %mul3A_4 : i32
    %add3A_7 = arith.constant 0 : i32
    %add3A_8 = arith.addi %add3A_6, %add3A_7 : i32
    %dma_start3A = tpu.memref_slice %arg3[%add3A_8] : memref<320000xi32, #tpu.memory_space<hbm>> -> memref<80xi32, #tpu.memory_space<hbm>>
    %dma_start3A_9 = tpu.memref_slice %arg3[%add3A_8] : memref<320000xi32, #tpu.memory_space<hbm>> -> memref<80xi32, #tpu.memory_space<hbm>>
    tpu.enqueue_dma source(%dma_start3A_9 : memref<80xi32, #tpu.memory_space<hbm>>) target(%arg6 : memref<80xi32, #tpu.memory_space<vmem>>) target_semaphore(%arg11 : memref<!tpu.dma_semaphore, #tpu.memory_space<semaphore_mem>>)
    %add3A_10 = arith.constant 0 : i32
    %add3A_11 = arith.addi %mul3A_4, %add3A_10 : i32
    %dma_start3A_12 = arith.constant 0 : i32
    %dma_start3A_13 = tpu.memref_slice %arg2[%add3A_11, %dma_start3A_12] : memref<64000x128xf32, #tpu.memory_space<hbm>> -> memref<80x128xf32, #tpu.memory_space<hbm>>
    %dma_start3A_14 = arith.constant 0 : i32
    %dma_start3A_15 = tpu.memref_slice %arg2[%add3A_11, %dma_start3A_14] : memref<64000x128xf32, #tpu.memory_space<hbm>> -> memref<80x128xf32, #tpu.memory_space<hbm>>
    tpu.enqueue_dma source(%dma_start3A_15 : memref<80x128xf32, #tpu.memory_space<hbm>>) target(%arg8 : memref<80x128xf32, #tpu.memory_space<vmem>>) target_semaphore(%arg11 : memref<!tpu.dma_semaphore, #tpu.memory_space<semaphore_mem>>)
    %scan3A = arith.constant 0 : i32
    %scan3A_16 = arith.constant 0 : i32
    %scan3A_17 = arith.constant 12 : i32
    %scan3A_18 = arith.addi %scan3A_16, %scan3A_17 : i32
    %scan3A_19 = arith.constant 1 : i32
    scf.for %scan3A_44 = %scan3A_16 to %scan3A_18 step %scan3A_19  : i32 {
      %mul3A_45 = arith.constant 2 : i32
      %mul3A_46 = arith.muli %mul3A_45, %scan3A_44 : i32
      %dma_wait3A_47 = arith.constant 0 : i32
      %dma_wait3A_48 = tpu.memref_slice %arg3[%dma_wait3A_47] : memref<320000xi32, #tpu.memory_space<hbm>> -> memref<80xi32, #tpu.memory_space<hbm>>
      %dma_wait3A_49 = arith.constant 0 : i32
      %dma_wait3A_50 = tpu.memref_slice %arg3[%dma_wait3A_49] : memref<320000xi32, #tpu.memory_space<hbm>> -> memref<80xi32, #tpu.memory_space<hbm>>
      tpu.wait_dma2 semaphore(%arg11 : memref<!tpu.dma_semaphore, #tpu.memory_space<semaphore_mem>>) src(%dma_wait3A_50 : memref<80xi32, #tpu.memory_space<hbm>>) dst(%arg6 : memref<80xi32, #tpu.memory_space<vmem>>)
      %dma_wait3A_51 = arith.constant 0 : i32
      %dma_wait3A_52 = arith.constant 0 : i32
      %dma_wait3A_53 = tpu.memref_slice %arg2[%dma_wait3A_51, %dma_wait3A_52] : memref<64000x128xf32, #tpu.memory_space<hbm>> -> memref<80x128xf32, #tpu.memory_space<hbm>>
      %dma_wait3A_54 = arith.constant 0 : i32
      %dma_wait3A_55 = arith.constant 0 : i32
      %dma_wait3A_56 = tpu.memref_slice %arg2[%dma_wait3A_54, %dma_wait3A_55] : memref<64000x128xf32, #tpu.memory_space<hbm>> -> memref<80x128xf32, #tpu.memory_space<hbm>>
      tpu.wait_dma2 semaphore(%arg11 : memref<!tpu.dma_semaphore, #tpu.memory_space<semaphore_mem>>) src(%dma_wait3A_56 : memref<80x128xf32, #tpu.memory_space<hbm>>) dst(%arg8 : memref<80x128xf32, #tpu.memory_space<vmem>>)
      %add3A_57 = arith.constant 1 : i32
      %add3A_58 = arith.addi %mul3A_46, %add3A_57 : i32
      %lt3A_59 = arith.constant 25 : i32
      %lt3A_60 = arith.cmpi slt, %add3A_58, %lt3A_59 : i32
      %convert_element_type3A_61 = arith.extui %lt3A_60 : i1 to i32
      %cond3A_62 = arith.constant 0 : i32
      %cond3A_63 = arith.cmpi ne, %convert_element_type3A_61, %cond3A_62 : i32
      scf.if %cond3A_63 {
        %add3A_85 = arith.constant 1 : i32
        %add3A_86 = arith.addi %mul3A_46, %add3A_85 : i32
        %add3A_87 = arith.constant 192000 : i32
        %add3A_88 = arith.addi %add3A_87, %mul3A_4 : i32
        %mul3A_89 = arith.constant 80 : i32
        %mul3A_90 = arith.muli %add3A_86, %mul3A_89 : i32
        %add3A_91 = arith.addi %add3A_88, %mul3A_90 : i32
        %dma_start3A_92 = tpu.memref_slice %arg3[%add3A_91] : memref<320000xi32, #tpu.memory_space<hbm>> -> memref<80xi32, #tpu.memory_space<hbm>>
        %dma_start3A_93 = tpu.memref_slice %arg3[%add3A_91] : memref<320000xi32, #tpu.memory_space<hbm>> -> memref<80xi32, #tpu.memory_space<hbm>>
        tpu.enqueue_dma source(%dma_start3A_93 : memref<80xi32, #tpu.memory_space<hbm>>) target(%arg7 : memref<80xi32, #tpu.memory_space<vmem>>) target_semaphore(%arg12 : memref<!tpu.dma_semaphore, #tpu.memory_space<semaphore_mem>>)
        %mul3A_94 = arith.constant 80 : i32
        %mul3A_95 = arith.muli %add3A_86, %mul3A_94 : i32
        %add3A_96 = arith.addi %mul3A_4, %mul3A_95 : i32
        %dma_start3A_97 = arith.constant 0 : i32
        %dma_start3A_98 = tpu.memref_slice %arg2[%add3A_96, %dma_start3A_97] : memref<64000x128xf32, #tpu.memory_space<hbm>> -> memref<80x128xf32, #tpu.memory_space<hbm>>
        %dma_start3A_99 = arith.constant 0 : i32
        %dma_start3A_100 = tpu.memref_slice %arg2[%add3A_96, %dma_start3A_99] : memref<64000x128xf32, #tpu.memory_space<hbm>> -> memref<80x128xf32, #tpu.memory_space<hbm>>
        tpu.enqueue_dma source(%dma_start3A_100 : memref<80x128xf32, #tpu.memory_space<hbm>>) target(%arg9 : memref<80x128xf32, #tpu.memory_space<vmem>>) target_semaphore(%arg12 : memref<!tpu.dma_semaphore, #tpu.memory_space<semaphore_mem>>)
      } else {
      }
      "tpu.region"() ({
        %run_scoped3A = tpu.sem_alloc : memref<!tpu.dma_semaphore, #tpu.memory_space<semaphore_mem>>
        %dma_start3A_85 = arith.constant 0 : i32
        %dma_start3A_86 = arith.constant 0 : i32
        %dma_start3A_87 = tpu.memref_slice %arg10[%dma_start3A_85, %dma_start3A_86] : memref<10000x128xf32, #tpu.memory_space<vmem_shared>> -> memref<10000x128xf32, #tpu.memory_space<vmem_shared>>
        tpu.enqueue_indirect_dma source(%arg8 : memref<80x128xf32, #tpu.memory_space<vmem>>) target(%dma_start3A_87 : memref<10000x128xf32, #tpu.memory_space<vmem_shared>>) offsets(%arg6 : memref<80xi32, #tpu.memory_space<vmem>>) semaphore(%run_scoped3A : memref<!tpu.dma_semaphore, #tpu.memory_space<semaphore_mem>>) {add = true}
        %dma_wait3A_88 = arith.constant 0 : i32
        %dma_wait3A_89 = arith.constant 0 : i32
        %dma_wait3A_90 = tpu.memref_slice %arg10[%dma_wait3A_88, %dma_wait3A_89] : memref<10000x128xf32, #tpu.memory_space<vmem_shared>> -> memref<10000x128xf32, #tpu.memory_space<vmem_shared>>
        tpu.wait_indirect_dma semaphore(%run_scoped3A : memref<!tpu.dma_semaphore, #tpu.memory_space<semaphore_mem>>) src(%arg8 : memref<80x128xf32, #tpu.memory_space<vmem>>) dst(%dma_wait3A_90 : memref<10000x128xf32, #tpu.memory_space<vmem_shared>>)
        tpu.yield
      }) : () -> ()
      %mul3A_64 = arith.constant 2 : i32
      %mul3A_65 = arith.muli %mul3A_64, %scan3A_44 : i32
      %add3A_66 = arith.constant 1 : i32
      %add3A_67 = arith.addi %mul3A_65, %add3A_66 : i32
      %dma_wait3A_68 = arith.constant 0 : i32
      %dma_wait3A_69 = tpu.memref_slice %arg3[%dma_wait3A_68] : memref<320000xi32, #tpu.memory_space<hbm>> -> memref<80xi32, #tpu.memory_space<hbm>>
      %dma_wait3A_70 = arith.constant 0 : i32
      %dma_wait3A_71 = tpu.memref_slice %arg3[%dma_wait3A_70] : memref<320000xi32, #tpu.memory_space<hbm>> -> memref<80xi32, #tpu.memory_space<hbm>>
      tpu.wait_dma2 semaphore(%arg12 : memref<!tpu.dma_semaphore, #tpu.memory_space<semaphore_mem>>) src(%dma_wait3A_71 : memref<80xi32, #tpu.memory_space<hbm>>) dst(%arg7 : memref<80xi32, #tpu.memory_space<vmem>>)
      %dma_wait3A_72 = arith.constant 0 : i32
      %dma_wait3A_73 = arith.constant 0 : i32
      %dma_wait3A_74 = tpu.memref_slice %arg2[%dma_wait3A_72, %dma_wait3A_73] : memref<64000x128xf32, #tpu.memory_space<hbm>> -> memref<80x128xf32, #tpu.memory_space<hbm>>
      %dma_wait3A_75 = arith.constant 0 : i32
      %dma_wait3A_76 = arith.constant 0 : i32
      %dma_wait3A_77 = tpu.memref_slice %arg2[%dma_wait3A_75, %dma_wait3A_76] : memref<64000x128xf32, #tpu.memory_space<hbm>> -> memref<80x128xf32, #tpu.memory_space<hbm>>
      tpu.wait_dma2 semaphore(%arg12 : memref<!tpu.dma_semaphore, #tpu.memory_space<semaphore_mem>>) src(%dma_wait3A_77 : memref<80x128xf32, #tpu.memory_space<hbm>>) dst(%arg9 : memref<80x128xf32, #tpu.memory_space<vmem>>)
      %add3A_78 = arith.constant 1 : i32
      %add3A_79 = arith.addi %add3A_67, %add3A_78 : i32
      %lt3A_80 = arith.constant 25 : i32
      %lt3A_81 = arith.cmpi slt, %add3A_79, %lt3A_80 : i32
      %convert_element_type3A_82 = arith.extui %lt3A_81 : i1 to i32
      %cond3A_83 = arith.constant 0 : i32
      %cond3A_84 = arith.cmpi ne, %convert_element_type3A_82, %cond3A_83 : i32
      scf.if %cond3A_84 {
        %add3A_85 = arith.constant 1 : i32
        %add3A_86 = arith.addi %add3A_67, %add3A_85 : i32
        %add3A_87 = arith.constant 192000 : i32
        %add3A_88 = arith.addi %add3A_87, %mul3A_4 : i32
        %mul3A_89 = arith.constant 80 : i32
        %mul3A_90 = arith.muli %add3A_86, %mul3A_89 : i32
        %add3A_91 = arith.addi %add3A_88, %mul3A_90 : i32
        %dma_start3A_92 = tpu.memref_slice %arg3[%add3A_91] : memref<320000xi32, #tpu.memory_space<hbm>> -> memref<80xi32, #tpu.memory_space<hbm>>
        %dma_start3A_93 = tpu.memref_slice %arg3[%add3A_91] : memref<320000xi32, #tpu.memory_space<hbm>> -> memref<80xi32, #tpu.memory_space<hbm>>
        tpu.enqueue_dma source(%dma_start3A_93 : memref<80xi32, #tpu.memory_space<hbm>>) target(%arg6 : memref<80xi32, #tpu.memory_space<vmem>>) target_semaphore(%arg11 : memref<!tpu.dma_semaphore, #tpu.memory_space<semaphore_mem>>)
        %mul3A_94 = arith.constant 80 : i32
        %mul3A_95 = arith.muli %add3A_86, %mul3A_94 : i32
        %add3A_96 = arith.addi %mul3A_4, %mul3A_95 : i32
        %dma_start3A_97 = arith.constant 0 : i32
        %dma_start3A_98 = tpu.memref_slice %arg2[%add3A_96, %dma_start3A_97] : memref<64000x128xf32, #tpu.memory_space<hbm>> -> memref<80x128xf32, #tpu.memory_space<hbm>>
        %dma_start3A_99 = arith.constant 0 : i32
        %dma_start3A_100 = tpu.memref_slice %arg2[%add3A_96, %dma_start3A_99] : memref<64000x128xf32, #tpu.memory_space<hbm>> -> memref<80x128xf32, #tpu.memory_space<hbm>>
        tpu.enqueue_dma source(%dma_start3A_100 : memref<80x128xf32, #tpu.memory_space<hbm>>) target(%arg8 : memref<80x128xf32, #tpu.memory_space<vmem>>) target_semaphore(%arg11 : memref<!tpu.dma_semaphore, #tpu.memory_space<semaphore_mem>>)
      } else {
      }
      "tpu.region"() ({
        %run_scoped3A = tpu.sem_alloc : memref<!tpu.dma_semaphore, #tpu.memory_space<semaphore_mem>>
        %dma_start3A_85 = arith.constant 0 : i32
        %dma_start3A_86 = arith.constant 0 : i32
        %dma_start3A_87 = tpu.memref_slice %arg10[%dma_start3A_85, %dma_start3A_86] : memref<10000x128xf32, #tpu.memory_space<vmem_shared>> -> memref<10000x128xf32, #tpu.memory_space<vmem_shared>>
        tpu.enqueue_indirect_dma source(%arg9 : memref<80x128xf32, #tpu.memory_space<vmem>>) target(%dma_start3A_87 : memref<10000x128xf32, #tpu.memory_space<vmem_shared>>) offsets(%arg7 : memref<80xi32, #tpu.memory_space<vmem>>) semaphore(%run_scoped3A : memref<!tpu.dma_semaphore, #tpu.memory_space<semaphore_mem>>) {add = true}
        %dma_wait3A_88 = arith.constant 0 : i32
        %dma_wait3A_89 = arith.constant 0 : i32
        %dma_wait3A_90 = tpu.memref_slice %arg10[%dma_wait3A_88, %dma_wait3A_89] : memref<10000x128xf32, #tpu.memory_space<vmem_shared>> -> memref<10000x128xf32, #tpu.memory_space<vmem_shared>>
        tpu.wait_indirect_dma semaphore(%run_scoped3A : memref<!tpu.dma_semaphore, #tpu.memory_space<semaphore_mem>>) src(%arg9 : memref<80x128xf32, #tpu.memory_space<vmem>>) dst(%dma_wait3A_90 : memref<10000x128xf32, #tpu.memory_space<vmem_shared>>)
        tpu.yield
      }) : () -> ()
    }
    %scan3A_20 = arith.constant 12 : i32
    %dma_wait3A = arith.constant 0 : i32
    %dma_wait3A_21 = tpu.memref_slice %arg3[%dma_wait3A] : memref<320000xi32, #tpu.memory_space<hbm>> -> memref<80xi32, #tpu.memory_space<hbm>>
    %dma_wait3A_22 = arith.constant 0 : i32
    %dma_wait3A_23 = tpu.memref_slice %arg3[%dma_wait3A_22] : memref<320000xi32, #tpu.memory_space<hbm>> -> memref<80xi32, #tpu.memory_space<hbm>>
    tpu.wait_dma2 semaphore(%arg11 : memref<!tpu.dma_semaphore, #tpu.memory_space<semaphore_mem>>) src(%dma_wait3A_23 : memref<80xi32, #tpu.memory_space<hbm>>) dst(%arg6 : memref<80xi32, #tpu.memory_space<vmem>>)
    %dma_wait3A_24 = arith.constant 0 : i32
    %dma_wait3A_25 = arith.constant 0 : i32
    %dma_wait3A_26 = tpu.memref_slice %arg2[%dma_wait3A_24, %dma_wait3A_25] : memref<64000x128xf32, #tpu.memory_space<hbm>> -> memref<80x128xf32, #tpu.memory_space<hbm>>
    %dma_wait3A_27 = arith.constant 0 : i32
    %dma_wait3A_28 = arith.constant 0 : i32
    %dma_wait3A_29 = tpu.memref_slice %arg2[%dma_wait3A_27, %dma_wait3A_28] : memref<64000x128xf32, #tpu.memory_space<hbm>> -> memref<80x128xf32, #tpu.memory_space<hbm>>
    tpu.wait_dma2 semaphore(%arg11 : memref<!tpu.dma_semaphore, #tpu.memory_space<semaphore_mem>>) src(%dma_wait3A_29 : memref<80x128xf32, #tpu.memory_space<hbm>>) dst(%arg8 : memref<80x128xf32, #tpu.memory_space<vmem>>)
    %add3A_30 = arith.constant 24 : i32
    %add3A_31 = arith.constant 1 : i32
    %add3A_32 = arith.addi %add3A_30, %add3A_31 : i32
    %lt3A = arith.constant 25 : i32
    %lt3A_33 = arith.cmpi slt, %add3A_32, %lt3A : i32
    %convert_element_type3A_34 = arith.extui %lt3A_33 : i1 to i32
    %cond3A_35 = arith.constant 24 : i32
    %cond3A_36 = arith.constant 0 : i32
    %cond3A_37 = arith.cmpi ne, %convert_element_type3A_34, %cond3A_36 : i32
    scf.if %cond3A_37 {
      %add3A_44 = arith.constant 1 : i32
      %add3A_45 = arith.addi %cond3A_35, %add3A_44 : i32
      %add3A_46 = arith.constant 192000 : i32
      %add3A_47 = arith.addi %add3A_46, %mul3A_4 : i32
      %mul3A_48 = arith.constant 80 : i32
      %mul3A_49 = arith.muli %add3A_45, %mul3A_48 : i32
      %add3A_50 = arith.addi %add3A_47, %mul3A_49 : i32
      %dma_start3A_51 = tpu.memref_slice %arg3[%add3A_50] : memref<320000xi32, #tpu.memory_space<hbm>> -> memref<80xi32, #tpu.memory_space<hbm>>
      %dma_start3A_52 = tpu.memref_slice %arg3[%add3A_50] : memref<320000xi32, #tpu.memory_space<hbm>> -> memref<80xi32, #tpu.memory_space<hbm>>
      tpu.enqueue_dma source(%dma_start3A_52 : memref<80xi32, #tpu.memory_space<hbm>>) target(%arg7 : memref<80xi32, #tpu.memory_space<vmem>>) target_semaphore(%arg12 : memref<!tpu.dma_semaphore, #tpu.memory_space<semaphore_mem>>)
      %mul3A_53 = arith.constant 80 : i32
      %mul3A_54 = arith.muli %add3A_45, %mul3A_53 : i32
      %add3A_55 = arith.addi %mul3A_4, %mul3A_54 : i32
      %dma_start3A_56 = arith.constant 0 : i32
      %dma_start3A_57 = tpu.memref_slice %arg2[%add3A_55, %dma_start3A_56] : memref<64000x128xf32, #tpu.memory_space<hbm>> -> memref<80x128xf32, #tpu.memory_space<hbm>>
      %dma_start3A_58 = arith.constant 0 : i32
      %dma_start3A_59 = tpu.memref_slice %arg2[%add3A_55, %dma_start3A_58] : memref<64000x128xf32, #tpu.memory_space<hbm>> -> memref<80x128xf32, #tpu.memory_space<hbm>>
      tpu.enqueue_dma source(%dma_start3A_59 : memref<80x128xf32, #tpu.memory_space<hbm>>) target(%arg9 : memref<80x128xf32, #tpu.memory_space<vmem>>) target_semaphore(%arg12 : memref<!tpu.dma_semaphore, #tpu.memory_space<semaphore_mem>>)
    } else {
    }
    "tpu.region"() ({
      %run_scoped3A = tpu.sem_alloc : memref<!tpu.dma_semaphore, #tpu.memory_space<semaphore_mem>>
      %dma_start3A_44 = arith.constant 0 : i32
      %dma_start3A_45 = arith.constant 0 : i32
      %dma_start3A_46 = tpu.memref_slice %arg10[%dma_start3A_44, %dma_start3A_45] : memref<10000x128xf32, #tpu.memory_space<vmem_shared>> -> memref<10000x128xf32, #tpu.memory_space<vmem_shared>>
      tpu.enqueue_indirect_dma source(%arg8 : memref<80x128xf32, #tpu.memory_space<vmem>>) target(%dma_start3A_46 : memref<10000x128xf32, #tpu.memory_space<vmem_shared>>) offsets(%arg6 : memref<80xi32, #tpu.memory_space<vmem>>) semaphore(%run_scoped3A : memref<!tpu.dma_semaphore, #tpu.memory_space<semaphore_mem>>) {add = true}
      %dma_wait3A_47 = arith.constant 0 : i32
      %dma_wait3A_48 = arith.constant 0 : i32
      %dma_wait3A_49 = tpu.memref_slice %arg10[%dma_wait3A_47, %dma_wait3A_48] : memref<10000x128xf32, #tpu.memory_space<vmem_shared>> -> memref<10000x128xf32, #tpu.memory_space<vmem_shared>>
      tpu.wait_indirect_dma semaphore(%run_scoped3A : memref<!tpu.dma_semaphore, #tpu.memory_space<semaphore_mem>>) src(%arg8 : memref<80x128xf32, #tpu.memory_space<vmem>>) dst(%dma_wait3A_49 : memref<10000x128xf32, #tpu.memory_space<vmem_shared>>)
      tpu.yield
    }) : () -> ()
    %barrier3A_38 = arith.constant 0 : index
    tpu.barrier barrier_id(%barrier3A_38)
    %lt3A_39 = arith.constant 10 : i32
    %lt3A_40 = arith.cmpi slt, %arg1, %lt3A_39 : i32
    %convert_element_type3A_41 = arith.extui %lt3A_40 : i1 to i32
    %cond3A_42 = arith.constant 0 : i32
    %cond3A_43 = arith.cmpi ne, %convert_element_type3A_41, %cond3A_42 : i32
    scf.if %cond3A_43 {
      %mul3A_44 = arith.constant 1000 : i32
      %mul3A_45 = arith.muli %arg1, %mul3A_44 : i32
      %mul3A_46 = arith.constant 1000 : i32
      %mul3A_47 = arith.muli %arg1, %mul3A_46 : i32
      "tpu.region"() ({
        %run_scoped3A = tpu.sem_alloc : memref<!tpu.dma_semaphore, #tpu.memory_space<semaphore_mem>>
        %dma_start3A_48 = arith.constant 0 : i32
        %dma_start3A_49 = tpu.memref_slice %arg5[%arg0, %mul3A_47, %dma_start3A_48] : memref<2x10000x128xf32, #tpu.memory_space<hbm>> -> memref<1x1000x128xf32, #tpu.memory_space<hbm>>
        %dma_start3A_50 = tpu.memref_squeeze %dma_start3A_49 : memref<1x1000x128xf32, #tpu.memory_space<hbm>> -> memref<1000x128xf32, #tpu.memory_space<hbm>>
        %dma_start3A_51 = arith.constant 0 : i32
        %dma_start3A_52 = tpu.memref_slice %arg10[%mul3A_45, %dma_start3A_51] : memref<10000x128xf32, #tpu.memory_space<vmem_shared>> -> memref<1000x128xf32, #tpu.memory_space<vmem_shared>>
        tpu.enqueue_dma source(%dma_start3A_52 : memref<1000x128xf32, #tpu.memory_space<vmem_shared>>) target(%dma_start3A_50 : memref<1000x128xf32, #tpu.memory_space<hbm>>) target_semaphore(%run_scoped3A : memref<!tpu.dma_semaphore, #tpu.memory_space<semaphore_mem>>)
        %dma_wait3A_53 = arith.constant 0 : i32
        %dma_wait3A_54 = tpu.memref_slice %arg5[%arg0, %mul3A_47, %dma_wait3A_53] : memref<2x10000x128xf32, #tpu.memory_space<hbm>> -> memref<1x1000x128xf32, #tpu.memory_space<hbm>>
        %dma_wait3A_55 = tpu.memref_squeeze %dma_wait3A_54 : memref<1x1000x128xf32, #tpu.memory_space<hbm>> -> memref<1000x128xf32, #tpu.memory_space<hbm>>
        %dma_wait3A_56 = arith.constant 0 : i32
        %dma_wait3A_57 = tpu.memref_slice %arg10[%mul3A_45, %dma_wait3A_56] : memref<10000x128xf32, #tpu.memory_space<vmem_shared>> -> memref<1000x128xf32, #tpu.memory_space<vmem_shared>>
        tpu.wait_dma2 semaphore(%run_scoped3A : memref<!tpu.dma_semaphore, #tpu.memory_space<semaphore_mem>>) src(%dma_wait3A_57 : memref<1000x128xf32, #tpu.memory_space<vmem_shared>>) dst(%dma_wait3A_55 : memref<1000x128xf32, #tpu.memory_space<hbm>>)
        tpu.yield
      }) : () -> ()
    } else {
    }
    return
  }
}

#map = affine_map<(d0, d1) -> (0, 0)>
#map1 = affine_map<(d0, d1) -> (0)>
#map2 = affine_map<(d0, d1) -> (0, 0, 0)>
module attributes {stable_mosaic.version = 14 : i64} {
  func.func @k(%arg0: i32, %arg1: i32, %arg2: memref<64000x128xf32, #tpu.memory_space<hbm>>, %arg3: memref<320000xi32, #tpu.memory_space<hbm>>, %arg4: memref<10000x128xf32, #tpu.memory_space<hbm>>, %arg5: memref<2x10000x128xf32, #tpu.memory_space<hbm>>, %arg6: memref<80xi32, #tpu.memory_space<vmem>>, %arg7: memref<80xi32, #tpu.memory_space<vmem>>, %arg8: memref<80x128xf32, #tpu.memory_space<vmem>>, %arg9: memref<80x128xf32, #tpu.memory_space<vmem>>, %arg10: memref<10000x128xf32, #tpu.memory_space<vmem_shared>>, %arg11: memref<!tpu.dma_semaphore, #tpu.memory_space<semaphore_mem>>, %arg12: memref<!tpu.dma_semaphore, #tpu.memory_space<semaphore_mem>>) attributes {dimension_semantics = [#tpu.dimension_semantics<core_parallel>, #tpu.dimension_semantics<subcore_parallel>], iteration_bounds = array<i64: 2, 16>, scalar_prefetch = 0 : i64, scratch_operands = 7 : i64, tpu.core_type = #tpu.core_type<sc_vector_subcore>, window_params = [{transform_indices = #map}, {transform_indices = #map1}, {transform_indices = #map}, {transform_indices = #map2}]} {
    %mul3A = arith.constant 2 : i32
    %mul3A_0 = arith.muli %arg1, %mul3A : i32
    %add3A = arith.addi %mul3A_0, %arg0 : i32
    %eq3A = arith.constant 0 : i32
    %eq3A_1 = arith.cmpi eq, %arg1, %eq3A : i32
    %convert_element_type3A = arith.extui %eq3A_1 : i1 to i32
    %cond3A = arith.constant 0 : i32
    %cond3A_2 = arith.cmpi ne, %convert_element_type3A, %cond3A : i32
    scf.if %cond3A_2 {
      "tpu.region"() ({
        %run_scoped3A = tpu.sem_alloc : memref<!tpu.dma_semaphore, #tpu.memory_space<semaphore_mem>>
        tpu.enqueue_dma source(%arg4 : memref<10000x128xf32, #tpu.memory_space<hbm>>) target(%arg10 : memref<10000x128xf32, #tpu.memory_space<vmem_shared>>) target_semaphore(%run_scoped3A : memref<!tpu.dma_semaphore, #tpu.memory_space<semaphore_mem>>)
        tpu.wait_dma2 semaphore(%run_scoped3A : memref<!tpu.dma_semaphore, #tpu.memory_space<semaphore_mem>>) src(%arg4 : memref<10000x128xf32, #tpu.memory_space<hbm>>) dst(%arg10 : memref<10000x128xf32, #tpu.memory_space<vmem_shared>>)
        tpu.yield
      }) : () -> ()
    } else {
    }
    %barrier3A = arith.constant 0 : index
    tpu.barrier barrier_id(%barrier3A)
    %mul3A_3 = arith.constant 2000 : i32
    %mul3A_4 = arith.muli %add3A, %mul3A_3 : i32
    %add3A_5 = arith.constant 256000 : i32
    %add3A_6 = arith.addi %add3A_5, %mul3A_4 : i32
    %add3A_7 = arith.constant 0 : i32
    %add3A_8 = arith.addi %add3A_6, %add3A_7 : i32
    %dma_start3A = tpu.memref_slice %arg3[%add3A_8] : memref<320000xi32, #tpu.memory_space<hbm>> -> memref<80xi32, #tpu.memory_space<hbm>>
    %dma_start3A_9 = tpu.memref_slice %arg3[%add3A_8] : memref<320000xi32, #tpu.memory_space<hbm>> -> memref<80xi32, #tpu.memory_space<hbm>>
    tpu.enqueue_dma source(%dma_start3A_9 : memref<80xi32, #tpu.memory_space<hbm>>) target(%arg6 : memref<80xi32, #tpu.memory_space<vmem>>) target_semaphore(%arg11 : memref<!tpu.dma_semaphore, #tpu.memory_space<semaphore_mem>>)
    %add3A_10 = arith.constant 0 : i32
    %add3A_11 = arith.addi %mul3A_4, %add3A_10 : i32
    %dma_start3A_12 = arith.constant 0 : i32
    %dma_start3A_13 = tpu.memref_slice %arg2[%add3A_11, %dma_start3A_12] : memref<64000x128xf32, #tpu.memory_space<hbm>> -> memref<80x128xf32, #tpu.memory_space<hbm>>
    %dma_start3A_14 = arith.constant 0 : i32
    %dma_start3A_15 = tpu.memref_slice %arg2[%add3A_11, %dma_start3A_14] : memref<64000x128xf32, #tpu.memory_space<hbm>> -> memref<80x128xf32, #tpu.memory_space<hbm>>
    tpu.enqueue_dma source(%dma_start3A_15 : memref<80x128xf32, #tpu.memory_space<hbm>>) target(%arg8 : memref<80x128xf32, #tpu.memory_space<vmem>>) target_semaphore(%arg11 : memref<!tpu.dma_semaphore, #tpu.memory_space<semaphore_mem>>)
    %scan3A = arith.constant 0 : i32
    %scan3A_16 = arith.constant 0 : i32
    %scan3A_17 = arith.constant 12 : i32
    %scan3A_18 = arith.addi %scan3A_16, %scan3A_17 : i32
    %scan3A_19 = arith.constant 1 : i32
    scf.for %scan3A_44 = %scan3A_16 to %scan3A_18 step %scan3A_19  : i32 {
      %mul3A_45 = arith.constant 2 : i32
      %mul3A_46 = arith.muli %mul3A_45, %scan3A_44 : i32
      %dma_wait3A_47 = arith.constant 0 : i32
      %dma_wait3A_48 = tpu.memref_slice %arg3[%dma_wait3A_47] : memref<320000xi32, #tpu.memory_space<hbm>> -> memref<80xi32, #tpu.memory_space<hbm>>
      %dma_wait3A_49 = arith.constant 0 : i32
      %dma_wait3A_50 = tpu.memref_slice %arg3[%dma_wait3A_49] : memref<320000xi32, #tpu.memory_space<hbm>> -> memref<80xi32, #tpu.memory_space<hbm>>
      tpu.wait_dma2 semaphore(%arg11 : memref<!tpu.dma_semaphore, #tpu.memory_space<semaphore_mem>>) src(%dma_wait3A_50 : memref<80xi32, #tpu.memory_space<hbm>>) dst(%arg6 : memref<80xi32, #tpu.memory_space<vmem>>)
      %dma_wait3A_51 = arith.constant 0 : i32
      %dma_wait3A_52 = arith.constant 0 : i32
      %dma_wait3A_53 = tpu.memref_slice %arg2[%dma_wait3A_51, %dma_wait3A_52] : memref<64000x128xf32, #tpu.memory_space<hbm>> -> memref<80x128xf32, #tpu.memory_space<hbm>>
      %dma_wait3A_54 = arith.constant 0 : i32
      %dma_wait3A_55 = arith.constant 0 : i32
      %dma_wait3A_56 = tpu.memref_slice %arg2[%dma_wait3A_54, %dma_wait3A_55] : memref<64000x128xf32, #tpu.memory_space<hbm>> -> memref<80x128xf32, #tpu.memory_space<hbm>>
      tpu.wait_dma2 semaphore(%arg11 : memref<!tpu.dma_semaphore, #tpu.memory_space<semaphore_mem>>) src(%dma_wait3A_56 : memref<80x128xf32, #tpu.memory_space<hbm>>) dst(%arg8 : memref<80x128xf32, #tpu.memory_space<vmem>>)
      %add3A_57 = arith.constant 1 : i32
      %add3A_58 = arith.addi %mul3A_46, %add3A_57 : i32
      %lt3A_59 = arith.constant 25 : i32
      %lt3A_60 = arith.cmpi slt, %add3A_58, %lt3A_59 : i32
      %convert_element_type3A_61 = arith.extui %lt3A_60 : i1 to i32
      %cond3A_62 = arith.constant 0 : i32
      %cond3A_63 = arith.cmpi ne, %convert_element_type3A_61, %cond3A_62 : i32
      scf.if %cond3A_63 {
        %add3A_85 = arith.constant 1 : i32
        %add3A_86 = arith.addi %mul3A_46, %add3A_85 : i32
        %add3A_87 = arith.constant 256000 : i32
        %add3A_88 = arith.addi %add3A_87, %mul3A_4 : i32
        %mul3A_89 = arith.constant 80 : i32
        %mul3A_90 = arith.muli %add3A_86, %mul3A_89 : i32
        %add3A_91 = arith.addi %add3A_88, %mul3A_90 : i32
        %dma_start3A_92 = tpu.memref_slice %arg3[%add3A_91] : memref<320000xi32, #tpu.memory_space<hbm>> -> memref<80xi32, #tpu.memory_space<hbm>>
        %dma_start3A_93 = tpu.memref_slice %arg3[%add3A_91] : memref<320000xi32, #tpu.memory_space<hbm>> -> memref<80xi32, #tpu.memory_space<hbm>>
        tpu.enqueue_dma source(%dma_start3A_93 : memref<80xi32, #tpu.memory_space<hbm>>) target(%arg7 : memref<80xi32, #tpu.memory_space<vmem>>) target_semaphore(%arg12 : memref<!tpu.dma_semaphore, #tpu.memory_space<semaphore_mem>>)
        %mul3A_94 = arith.constant 80 : i32
        %mul3A_95 = arith.muli %add3A_86, %mul3A_94 : i32
        %add3A_96 = arith.addi %mul3A_4, %mul3A_95 : i32
        %dma_start3A_97 = arith.constant 0 : i32
        %dma_start3A_98 = tpu.memref_slice %arg2[%add3A_96, %dma_start3A_97] : memref<64000x128xf32, #tpu.memory_space<hbm>> -> memref<80x128xf32, #tpu.memory_space<hbm>>
        %dma_start3A_99 = arith.constant 0 : i32
        %dma_start3A_100 = tpu.memref_slice %arg2[%add3A_96, %dma_start3A_99] : memref<64000x128xf32, #tpu.memory_space<hbm>> -> memref<80x128xf32, #tpu.memory_space<hbm>>
        tpu.enqueue_dma source(%dma_start3A_100 : memref<80x128xf32, #tpu.memory_space<hbm>>) target(%arg9 : memref<80x128xf32, #tpu.memory_space<vmem>>) target_semaphore(%arg12 : memref<!tpu.dma_semaphore, #tpu.memory_space<semaphore_mem>>)
      } else {
      }
      "tpu.region"() ({
        %run_scoped3A = tpu.sem_alloc : memref<!tpu.dma_semaphore, #tpu.memory_space<semaphore_mem>>
        %dma_start3A_85 = arith.constant 0 : i32
        %dma_start3A_86 = arith.constant 0 : i32
        %dma_start3A_87 = tpu.memref_slice %arg10[%dma_start3A_85, %dma_start3A_86] : memref<10000x128xf32, #tpu.memory_space<vmem_shared>> -> memref<10000x128xf32, #tpu.memory_space<vmem_shared>>
        tpu.enqueue_indirect_dma source(%arg8 : memref<80x128xf32, #tpu.memory_space<vmem>>) target(%dma_start3A_87 : memref<10000x128xf32, #tpu.memory_space<vmem_shared>>) offsets(%arg6 : memref<80xi32, #tpu.memory_space<vmem>>) semaphore(%run_scoped3A : memref<!tpu.dma_semaphore, #tpu.memory_space<semaphore_mem>>) {add = true}
        %dma_wait3A_88 = arith.constant 0 : i32
        %dma_wait3A_89 = arith.constant 0 : i32
        %dma_wait3A_90 = tpu.memref_slice %arg10[%dma_wait3A_88, %dma_wait3A_89] : memref<10000x128xf32, #tpu.memory_space<vmem_shared>> -> memref<10000x128xf32, #tpu.memory_space<vmem_shared>>
        tpu.wait_indirect_dma semaphore(%run_scoped3A : memref<!tpu.dma_semaphore, #tpu.memory_space<semaphore_mem>>) src(%arg8 : memref<80x128xf32, #tpu.memory_space<vmem>>) dst(%dma_wait3A_90 : memref<10000x128xf32, #tpu.memory_space<vmem_shared>>)
        tpu.yield
      }) : () -> ()
      %mul3A_64 = arith.constant 2 : i32
      %mul3A_65 = arith.muli %mul3A_64, %scan3A_44 : i32
      %add3A_66 = arith.constant 1 : i32
      %add3A_67 = arith.addi %mul3A_65, %add3A_66 : i32
      %dma_wait3A_68 = arith.constant 0 : i32
      %dma_wait3A_69 = tpu.memref_slice %arg3[%dma_wait3A_68] : memref<320000xi32, #tpu.memory_space<hbm>> -> memref<80xi32, #tpu.memory_space<hbm>>
      %dma_wait3A_70 = arith.constant 0 : i32
      %dma_wait3A_71 = tpu.memref_slice %arg3[%dma_wait3A_70] : memref<320000xi32, #tpu.memory_space<hbm>> -> memref<80xi32, #tpu.memory_space<hbm>>
      tpu.wait_dma2 semaphore(%arg12 : memref<!tpu.dma_semaphore, #tpu.memory_space<semaphore_mem>>) src(%dma_wait3A_71 : memref<80xi32, #tpu.memory_space<hbm>>) dst(%arg7 : memref<80xi32, #tpu.memory_space<vmem>>)
      %dma_wait3A_72 = arith.constant 0 : i32
      %dma_wait3A_73 = arith.constant 0 : i32
      %dma_wait3A_74 = tpu.memref_slice %arg2[%dma_wait3A_72, %dma_wait3A_73] : memref<64000x128xf32, #tpu.memory_space<hbm>> -> memref<80x128xf32, #tpu.memory_space<hbm>>
      %dma_wait3A_75 = arith.constant 0 : i32
      %dma_wait3A_76 = arith.constant 0 : i32
      %dma_wait3A_77 = tpu.memref_slice %arg2[%dma_wait3A_75, %dma_wait3A_76] : memref<64000x128xf32, #tpu.memory_space<hbm>> -> memref<80x128xf32, #tpu.memory_space<hbm>>
      tpu.wait_dma2 semaphore(%arg12 : memref<!tpu.dma_semaphore, #tpu.memory_space<semaphore_mem>>) src(%dma_wait3A_77 : memref<80x128xf32, #tpu.memory_space<hbm>>) dst(%arg9 : memref<80x128xf32, #tpu.memory_space<vmem>>)
      %add3A_78 = arith.constant 1 : i32
      %add3A_79 = arith.addi %add3A_67, %add3A_78 : i32
      %lt3A_80 = arith.constant 25 : i32
      %lt3A_81 = arith.cmpi slt, %add3A_79, %lt3A_80 : i32
      %convert_element_type3A_82 = arith.extui %lt3A_81 : i1 to i32
      %cond3A_83 = arith.constant 0 : i32
      %cond3A_84 = arith.cmpi ne, %convert_element_type3A_82, %cond3A_83 : i32
      scf.if %cond3A_84 {
        %add3A_85 = arith.constant 1 : i32
        %add3A_86 = arith.addi %add3A_67, %add3A_85 : i32
        %add3A_87 = arith.constant 256000 : i32
        %add3A_88 = arith.addi %add3A_87, %mul3A_4 : i32
        %mul3A_89 = arith.constant 80 : i32
        %mul3A_90 = arith.muli %add3A_86, %mul3A_89 : i32
        %add3A_91 = arith.addi %add3A_88, %mul3A_90 : i32
        %dma_start3A_92 = tpu.memref_slice %arg3[%add3A_91] : memref<320000xi32, #tpu.memory_space<hbm>> -> memref<80xi32, #tpu.memory_space<hbm>>
        %dma_start3A_93 = tpu.memref_slice %arg3[%add3A_91] : memref<320000xi32, #tpu.memory_space<hbm>> -> memref<80xi32, #tpu.memory_space<hbm>>
        tpu.enqueue_dma source(%dma_start3A_93 : memref<80xi32, #tpu.memory_space<hbm>>) target(%arg6 : memref<80xi32, #tpu.memory_space<vmem>>) target_semaphore(%arg11 : memref<!tpu.dma_semaphore, #tpu.memory_space<semaphore_mem>>)
        %mul3A_94 = arith.constant 80 : i32
        %mul3A_95 = arith.muli %add3A_86, %mul3A_94 : i32
        %add3A_96 = arith.addi %mul3A_4, %mul3A_95 : i32
        %dma_start3A_97 = arith.constant 0 : i32
        %dma_start3A_98 = tpu.memref_slice %arg2[%add3A_96, %dma_start3A_97] : memref<64000x128xf32, #tpu.memory_space<hbm>> -> memref<80x128xf32, #tpu.memory_space<hbm>>
        %dma_start3A_99 = arith.constant 0 : i32
        %dma_start3A_100 = tpu.memref_slice %arg2[%add3A_96, %dma_start3A_99] : memref<64000x128xf32, #tpu.memory_space<hbm>> -> memref<80x128xf32, #tpu.memory_space<hbm>>
        tpu.enqueue_dma source(%dma_start3A_100 : memref<80x128xf32, #tpu.memory_space<hbm>>) target(%arg8 : memref<80x128xf32, #tpu.memory_space<vmem>>) target_semaphore(%arg11 : memref<!tpu.dma_semaphore, #tpu.memory_space<semaphore_mem>>)
      } else {
      }
      "tpu.region"() ({
        %run_scoped3A = tpu.sem_alloc : memref<!tpu.dma_semaphore, #tpu.memory_space<semaphore_mem>>
        %dma_start3A_85 = arith.constant 0 : i32
        %dma_start3A_86 = arith.constant 0 : i32
        %dma_start3A_87 = tpu.memref_slice %arg10[%dma_start3A_85, %dma_start3A_86] : memref<10000x128xf32, #tpu.memory_space<vmem_shared>> -> memref<10000x128xf32, #tpu.memory_space<vmem_shared>>
        tpu.enqueue_indirect_dma source(%arg9 : memref<80x128xf32, #tpu.memory_space<vmem>>) target(%dma_start3A_87 : memref<10000x128xf32, #tpu.memory_space<vmem_shared>>) offsets(%arg7 : memref<80xi32, #tpu.memory_space<vmem>>) semaphore(%run_scoped3A : memref<!tpu.dma_semaphore, #tpu.memory_space<semaphore_mem>>) {add = true}
        %dma_wait3A_88 = arith.constant 0 : i32
        %dma_wait3A_89 = arith.constant 0 : i32
        %dma_wait3A_90 = tpu.memref_slice %arg10[%dma_wait3A_88, %dma_wait3A_89] : memref<10000x128xf32, #tpu.memory_space<vmem_shared>> -> memref<10000x128xf32, #tpu.memory_space<vmem_shared>>
        tpu.wait_indirect_dma semaphore(%run_scoped3A : memref<!tpu.dma_semaphore, #tpu.memory_space<semaphore_mem>>) src(%arg9 : memref<80x128xf32, #tpu.memory_space<vmem>>) dst(%dma_wait3A_90 : memref<10000x128xf32, #tpu.memory_space<vmem_shared>>)
        tpu.yield
      }) : () -> ()
    }
    %scan3A_20 = arith.constant 12 : i32
    %dma_wait3A = arith.constant 0 : i32
    %dma_wait3A_21 = tpu.memref_slice %arg3[%dma_wait3A] : memref<320000xi32, #tpu.memory_space<hbm>> -> memref<80xi32, #tpu.memory_space<hbm>>
    %dma_wait3A_22 = arith.constant 0 : i32
    %dma_wait3A_23 = tpu.memref_slice %arg3[%dma_wait3A_22] : memref<320000xi32, #tpu.memory_space<hbm>> -> memref<80xi32, #tpu.memory_space<hbm>>
    tpu.wait_dma2 semaphore(%arg11 : memref<!tpu.dma_semaphore, #tpu.memory_space<semaphore_mem>>) src(%dma_wait3A_23 : memref<80xi32, #tpu.memory_space<hbm>>) dst(%arg6 : memref<80xi32, #tpu.memory_space<vmem>>)
    %dma_wait3A_24 = arith.constant 0 : i32
    %dma_wait3A_25 = arith.constant 0 : i32
    %dma_wait3A_26 = tpu.memref_slice %arg2[%dma_wait3A_24, %dma_wait3A_25] : memref<64000x128xf32, #tpu.memory_space<hbm>> -> memref<80x128xf32, #tpu.memory_space<hbm>>
    %dma_wait3A_27 = arith.constant 0 : i32
    %dma_wait3A_28 = arith.constant 0 : i32
    %dma_wait3A_29 = tpu.memref_slice %arg2[%dma_wait3A_27, %dma_wait3A_28] : memref<64000x128xf32, #tpu.memory_space<hbm>> -> memref<80x128xf32, #tpu.memory_space<hbm>>
    tpu.wait_dma2 semaphore(%arg11 : memref<!tpu.dma_semaphore, #tpu.memory_space<semaphore_mem>>) src(%dma_wait3A_29 : memref<80x128xf32, #tpu.memory_space<hbm>>) dst(%arg8 : memref<80x128xf32, #tpu.memory_space<vmem>>)
    %add3A_30 = arith.constant 24 : i32
    %add3A_31 = arith.constant 1 : i32
    %add3A_32 = arith.addi %add3A_30, %add3A_31 : i32
    %lt3A = arith.constant 25 : i32
    %lt3A_33 = arith.cmpi slt, %add3A_32, %lt3A : i32
    %convert_element_type3A_34 = arith.extui %lt3A_33 : i1 to i32
    %cond3A_35 = arith.constant 24 : i32
    %cond3A_36 = arith.constant 0 : i32
    %cond3A_37 = arith.cmpi ne, %convert_element_type3A_34, %cond3A_36 : i32
    scf.if %cond3A_37 {
      %add3A_44 = arith.constant 1 : i32
      %add3A_45 = arith.addi %cond3A_35, %add3A_44 : i32
      %add3A_46 = arith.constant 256000 : i32
      %add3A_47 = arith.addi %add3A_46, %mul3A_4 : i32
      %mul3A_48 = arith.constant 80 : i32
      %mul3A_49 = arith.muli %add3A_45, %mul3A_48 : i32
      %add3A_50 = arith.addi %add3A_47, %mul3A_49 : i32
      %dma_start3A_51 = tpu.memref_slice %arg3[%add3A_50] : memref<320000xi32, #tpu.memory_space<hbm>> -> memref<80xi32, #tpu.memory_space<hbm>>
      %dma_start3A_52 = tpu.memref_slice %arg3[%add3A_50] : memref<320000xi32, #tpu.memory_space<hbm>> -> memref<80xi32, #tpu.memory_space<hbm>>
      tpu.enqueue_dma source(%dma_start3A_52 : memref<80xi32, #tpu.memory_space<hbm>>) target(%arg7 : memref<80xi32, #tpu.memory_space<vmem>>) target_semaphore(%arg12 : memref<!tpu.dma_semaphore, #tpu.memory_space<semaphore_mem>>)
      %mul3A_53 = arith.constant 80 : i32
      %mul3A_54 = arith.muli %add3A_45, %mul3A_53 : i32
      %add3A_55 = arith.addi %mul3A_4, %mul3A_54 : i32
      %dma_start3A_56 = arith.constant 0 : i32
      %dma_start3A_57 = tpu.memref_slice %arg2[%add3A_55, %dma_start3A_56] : memref<64000x128xf32, #tpu.memory_space<hbm>> -> memref<80x128xf32, #tpu.memory_space<hbm>>
      %dma_start3A_58 = arith.constant 0 : i32
      %dma_start3A_59 = tpu.memref_slice %arg2[%add3A_55, %dma_start3A_58] : memref<64000x128xf32, #tpu.memory_space<hbm>> -> memref<80x128xf32, #tpu.memory_space<hbm>>
      tpu.enqueue_dma source(%dma_start3A_59 : memref<80x128xf32, #tpu.memory_space<hbm>>) target(%arg9 : memref<80x128xf32, #tpu.memory_space<vmem>>) target_semaphore(%arg12 : memref<!tpu.dma_semaphore, #tpu.memory_space<semaphore_mem>>)
    } else {
    }
    "tpu.region"() ({
      %run_scoped3A = tpu.sem_alloc : memref<!tpu.dma_semaphore, #tpu.memory_space<semaphore_mem>>
      %dma_start3A_44 = arith.constant 0 : i32
      %dma_start3A_45 = arith.constant 0 : i32
      %dma_start3A_46 = tpu.memref_slice %arg10[%dma_start3A_44, %dma_start3A_45] : memref<10000x128xf32, #tpu.memory_space<vmem_shared>> -> memref<10000x128xf32, #tpu.memory_space<vmem_shared>>
      tpu.enqueue_indirect_dma source(%arg8 : memref<80x128xf32, #tpu.memory_space<vmem>>) target(%dma_start3A_46 : memref<10000x128xf32, #tpu.memory_space<vmem_shared>>) offsets(%arg6 : memref<80xi32, #tpu.memory_space<vmem>>) semaphore(%run_scoped3A : memref<!tpu.dma_semaphore, #tpu.memory_space<semaphore_mem>>) {add = true}
      %dma_wait3A_47 = arith.constant 0 : i32
      %dma_wait3A_48 = arith.constant 0 : i32
      %dma_wait3A_49 = tpu.memref_slice %arg10[%dma_wait3A_47, %dma_wait3A_48] : memref<10000x128xf32, #tpu.memory_space<vmem_shared>> -> memref<10000x128xf32, #tpu.memory_space<vmem_shared>>
      tpu.wait_indirect_dma semaphore(%run_scoped3A : memref<!tpu.dma_semaphore, #tpu.memory_space<semaphore_mem>>) src(%arg8 : memref<80x128xf32, #tpu.memory_space<vmem>>) dst(%dma_wait3A_49 : memref<10000x128xf32, #tpu.memory_space<vmem_shared>>)
      tpu.yield
    }) : () -> ()
    %barrier3A_38 = arith.constant 0 : index
    tpu.barrier barrier_id(%barrier3A_38)
    %lt3A_39 = arith.constant 10 : i32
    %lt3A_40 = arith.cmpi slt, %arg1, %lt3A_39 : i32
    %convert_element_type3A_41 = arith.extui %lt3A_40 : i1 to i32
    %cond3A_42 = arith.constant 0 : i32
    %cond3A_43 = arith.cmpi ne, %convert_element_type3A_41, %cond3A_42 : i32
    scf.if %cond3A_43 {
      %mul3A_44 = arith.constant 1000 : i32
      %mul3A_45 = arith.muli %arg1, %mul3A_44 : i32
      %mul3A_46 = arith.constant 1000 : i32
      %mul3A_47 = arith.muli %arg1, %mul3A_46 : i32
      "tpu.region"() ({
        %run_scoped3A = tpu.sem_alloc : memref<!tpu.dma_semaphore, #tpu.memory_space<semaphore_mem>>
        %dma_start3A_48 = arith.constant 0 : i32
        %dma_start3A_49 = tpu.memref_slice %arg5[%arg0, %mul3A_47, %dma_start3A_48] : memref<2x10000x128xf32, #tpu.memory_space<hbm>> -> memref<1x1000x128xf32, #tpu.memory_space<hbm>>
        %dma_start3A_50 = tpu.memref_squeeze %dma_start3A_49 : memref<1x1000x128xf32, #tpu.memory_space<hbm>> -> memref<1000x128xf32, #tpu.memory_space<hbm>>
        %dma_start3A_51 = arith.constant 0 : i32
        %dma_start3A_52 = tpu.memref_slice %arg10[%mul3A_45, %dma_start3A_51] : memref<10000x128xf32, #tpu.memory_space<vmem_shared>> -> memref<1000x128xf32, #tpu.memory_space<vmem_shared>>
        tpu.enqueue_dma source(%dma_start3A_52 : memref<1000x128xf32, #tpu.memory_space<vmem_shared>>) target(%dma_start3A_50 : memref<1000x128xf32, #tpu.memory_space<hbm>>) target_semaphore(%run_scoped3A : memref<!tpu.dma_semaphore, #tpu.memory_space<semaphore_mem>>)
        %dma_wait3A_53 = arith.constant 0 : i32
        %dma_wait3A_54 = tpu.memref_slice %arg5[%arg0, %mul3A_47, %dma_wait3A_53] : memref<2x10000x128xf32, #tpu.memory_space<hbm>> -> memref<1x1000x128xf32, #tpu.memory_space<hbm>>
        %dma_wait3A_55 = tpu.memref_squeeze %dma_wait3A_54 : memref<1x1000x128xf32, #tpu.memory_space<hbm>> -> memref<1000x128xf32, #tpu.memory_space<hbm>>
        %dma_wait3A_56 = arith.constant 0 : i32
        %dma_wait3A_57 = tpu.memref_slice %arg10[%mul3A_45, %dma_wait3A_56] : memref<10000x128xf32, #tpu.memory_space<vmem_shared>> -> memref<1000x128xf32, #tpu.memory_space<vmem_shared>>
        tpu.wait_dma2 semaphore(%run_scoped3A : memref<!tpu.dma_semaphore, #tpu.memory_space<semaphore_mem>>) src(%dma_wait3A_57 : memref<1000x128xf32, #tpu.memory_space<vmem_shared>>) dst(%dma_wait3A_55 : memref<1000x128xf32, #tpu.memory_space<hbm>>)
        tpu.yield
      }) : () -> ()
    } else {
    }
    return
  }
}

module attributes {stable_mosaic.version = 14 : i64} {
  func.func @body(%arg0: i32, %arg1: memref<1000x128xf32, #tpu.memory_space<vmem>>, %arg2: memref<1000x16xf32, #tpu.memory_space<vmem>>, %arg3: memref<16x64xf32, #tpu.memory_space<vmem>>, %arg4: memref<16x64xf32, #tpu.memory_space<vmem>>, %arg5: memref<1000x128xi32, #tpu.memory_space<vmem>>) attributes {dimension_semantics = [#tpu.dimension_semantics<arbitrary>], iteration_bounds = array<i64: 10>, scalar_prefetch = 0 : i64, scratch_operands = 0 : i64, tpu.core_type = #tpu.core_type<tc>, window_params = [{transform_indices = @transform_0, window_bounds = array<i64: 1000, 128>}, {transform_indices = @transform_1, window_bounds = array<i64: 1000, 16>}, {pipeline_mode = #tpu.pipeline_mode<synchronous>, transform_indices = @transform_2, window_bounds = array<i64: 16, 64>}, {pipeline_mode = #tpu.pipeline_mode<synchronous>, transform_indices = @transform_3, window_bounds = array<i64: 16, 64>}, {transform_indices = @transform_4, window_bounds = array<i64: 1000, 128>}]} {
    %get3A = arith.constant 0 : index
    %get3A_0 = arith.constant 0 : index
    %get3A_1 = vector.load %arg2[%get3A, %get3A_0] : memref<1000x16xf32, #tpu.memory_space<vmem>>, vector<1000x16xf32>
    %get3A_2 = arith.constant 0 : index
    %get3A_3 = arith.constant 0 : index
    %get3A_4 = vector.load %arg3[%get3A_2, %get3A_3] : memref<16x64xf32, #tpu.memory_space<vmem>>, vector<16x64xf32>
    %dot_general3A = arith.constant dense<0.000000e+00> : vector<1000x64xf32>
    %dot_general3A_5 = tpu.matmul %get3A_1, %get3A_4, %dot_general3A {dimension_numbers = #tpu.dot_dimension_numbers<[1], [0], [0], [1], [0, 0, 1, 1], [], []>, transpose_lhs_hint = false} : vector<1000x16xf32>, vector<16x64xf32>, vector<1000x64xf32> -> vector<1000x64xf32>
    %get3A_6 = arith.constant 0 : index
    %get3A_7 = arith.constant 0 : index
    %get3A_8 = vector.load %arg2[%get3A_6, %get3A_7] : memref<1000x16xf32, #tpu.memory_space<vmem>>, vector<1000x16xf32>
    %get3A_9 = arith.constant 0 : index
    %get3A_10 = arith.constant 0 : index
    %get3A_11 = vector.load %arg4[%get3A_9, %get3A_10] : memref<16x64xf32, #tpu.memory_space<vmem>>, vector<16x64xf32>
    %dot_general3A_12 = arith.constant dense<0.000000e+00> : vector<1000x64xf32>
    %dot_general3A_13 = tpu.matmul %get3A_8, %get3A_11, %dot_general3A_12 {dimension_numbers = #tpu.dot_dimension_numbers<[1], [0], [0], [1], [0, 0, 1, 1], [], []>, transpose_lhs_hint = false} : vector<1000x16xf32>, vector<16x64xf32>, vector<1000x64xf32> -> vector<1000x64xf32>
    %concatenate3A = tpu.concatenate %dot_general3A_5, %dot_general3A_13 in 1 : vector<1000x64xf32>, vector<1000x64xf32> -> vector<1000x128xf32>
    %get3A_14 = arith.constant 0 : index
    %get3A_15 = arith.constant 0 : index
    %get3A_16 = vector.load %arg1[%get3A_14, %get3A_15] : memref<1000x128xf32, #tpu.memory_space<vmem>>, vector<1000x128xf32>
    %convert_element_type3A = arith.truncf %get3A_16 : vector<1000x128xf32> to vector<1000x128xbf16>
    %convert_element_type3A_17 = arith.extf %convert_element_type3A : vector<1000x128xbf16> to vector<1000x128xf32>
    %bitcast_convert_type3A = tpu.bitcast %convert_element_type3A_17 : vector<1000x128xf32> -> vector<1000x128xi32>
    %convert_element_type3A_18 = arith.truncf %concatenate3A : vector<1000x128xf32> to vector<1000x128xbf16>
    %convert_element_type3A_19 = arith.extf %convert_element_type3A_18 : vector<1000x128xbf16> to vector<1000x128xf32>
    %bitcast_convert_type3A_20 = tpu.bitcast %convert_element_type3A_19 : vector<1000x128xf32> -> vector<1000x128xi32>
    %shift_right_arithmetic3A = arith.constant 16 : i32
    %shift_right_arithmetic3A_21 = vector.broadcast %shift_right_arithmetic3A : i32 to vector<1000x128xi32>
    %shift_right_arithmetic3A_22 = arith.shrsi %bitcast_convert_type3A_20, %shift_right_arithmetic3A_21 : vector<1000x128xi32>
    %and3A = arith.constant 65535 : i32
    %and3A_23 = vector.broadcast %and3A : i32 to vector<1000x128xi32>
    %and3A_24 = arith.andi %shift_right_arithmetic3A_22, %and3A_23 : vector<1000x128xi32>
    %or3A = arith.ori %bitcast_convert_type3A, %and3A_24 : vector<1000x128xi32>
    %swap3A = arith.constant 0 : index
    %swap3A_25 = arith.constant 0 : index
    %swap3A_26 = vector.load %arg5[%swap3A, %swap3A_25] : memref<1000x128xi32, #tpu.memory_space<vmem>>, vector<1000x128xi32>
    tpu.vector_store %arg5[%swap3A, %swap3A_25], %or3A {strides = array<i32>} : memref<1000x128xi32, #tpu.memory_space<vmem>>, vector<1000x128xi32>,
    return
  }
  func.func @transform_0(%arg0: i32) -> (i32, i32) {
    %c0_i32 = arith.constant 0 : i32
    %c0_i32_0 = arith.constant 0 : i32
    return %arg0, %c0_i32 : i32, i32
  }
  func.func @transform_1(%arg0: i32) -> (i32, i32) {
    %c0_i32 = arith.constant 0 : i32
    %c0_i32_0 = arith.constant 0 : i32
    return %arg0, %c0_i32 : i32, i32
  }
  func.func @transform_2(%arg0: i32) -> (i32, i32) {
    %c0_i32 = arith.constant 0 : i32
    %c0_i32_0 = arith.constant 0 : i32
    %c0_i32_1 = arith.constant 0 : i32
    return %c0_i32, %c0_i32_0 : i32, i32
  }
  func.func @transform_3(%arg0: i32) -> (i32, i32) {
    %c0_i32 = arith.constant 0 : i32
    %c0_i32_0 = arith.constant 0 : i32
    %c0_i32_1 = arith.constant 0 : i32
    return %c0_i32, %c0_i32_0 : i32, i32
  }
  func.func @transform_4(%arg0: i32) -> (i32, i32) {
    %c0_i32 = arith.constant 0 : i32
    %c0_i32_0 = arith.constant 0 : i32
    return %arg0, %c0_i32 : i32, i32
  }
}

module attributes {stable_mosaic.version = 14 : i64} {
  func.func @body(%arg0: i32, %arg1: memref<2000x128xf32, #tpu.memory_space<vmem>>, %arg2: memref<2000x128xi32, #tpu.memory_space<vmem>>, %arg3: memref<2000x128xi32, #tpu.memory_space<vmem>>, %arg4: memref<2000x16xf32, #tpu.memory_space<vmem>>, %arg5: memref<2000x1xf32, #tpu.memory_space<vmem>>, %arg6: memref<128x512xbf16, #tpu.memory_space<vmem>>, %arg7: memref<128x512xbf16, #tpu.memory_space<vmem>>, %arg8: memref<128x512xbf16, #tpu.memory_space<vmem>>, %arg9: memref<512x16xbf16, #tpu.memory_space<vmem>>, %arg10: memref<16x64xf32, #tpu.memory_space<vmem>>, %arg11: memref<64x2048xbf16, #tpu.memory_space<vmem>>, %arg12: memref<2000x128xf32, #tpu.memory_space<vmem>>, %arg13: memref<2000x128xf32, #tpu.memory_space<vmem>>) attributes {dimension_semantics = [#tpu.dimension_semantics<arbitrary>], iteration_bounds = array<i64: 32>, scalar_prefetch = 0 : i64, scratch_operands = 0 : i64, tpu.core_type = #tpu.core_type<tc>, window_params = [{transform_indices = @transform_0, window_bounds = array<i64: 2000, 128>}, {transform_indices = @transform_1, window_bounds = array<i64: 2000, 128>}, {transform_indices = @transform_2, window_bounds = array<i64: 2000, 128>}, {transform_indices = @transform_3, window_bounds = array<i64: 2000, 16>}, {transform_indices = @transform_4, window_bounds = array<i64: 2000, 1>}, {pipeline_mode = #tpu.pipeline_mode<synchronous>, transform_indices = @transform_5, window_bounds = array<i64: 128, 512>}, {pipeline_mode = #tpu.pipeline_mode<synchronous>, transform_indices = @transform_6, window_bounds = array<i64: 128, 512>}, {pipeline_mode = #tpu.pipeline_mode<synchronous>, transform_indices = @transform_7, window_bounds = array<i64: 128, 512>}, {pipeline_mode = #tpu.pipeline_mode<synchronous>, transform_indices = @transform_8, window_bounds = array<i64: 512, 16>}, {pipeline_mode = #tpu.pipeline_mode<synchronous>, transform_indices = @transform_9, window_bounds = array<i64: 16, 64>}, {pipeline_mode = #tpu.pipeline_mode<synchronous>, transform_indices = @transform_10, window_bounds = array<i64: 64, 2048>}, {transform_indices = @transform_11, window_bounds = array<i64: 2000, 128>}, {transform_indices = @transform_12, window_bounds = array<i64: 2000, 128>}]} {
    %get3A = arith.constant 0 : index
    %get3A_0 = arith.constant 0 : index
    %get3A_1 = vector.load %arg2[%get3A, %get3A_0] : memref<2000x128xi32, #tpu.memory_space<vmem>>, vector<2000x128xi32>
    %get3A_2 = arith.constant 0 : index
    %get3A_3 = arith.constant 0 : index
    %get3A_4 = vector.load %arg3[%get3A_2, %get3A_3] : memref<2000x128xi32, #tpu.memory_space<vmem>>, vector<2000x128xi32>
    %and3A = arith.constant -65536 : i32
    %and3A_5 = vector.broadcast %and3A : i32 to vector<2000x128xi32>
    %and3A_6 = arith.andi %get3A_1, %and3A_5 : vector<2000x128xi32>
    %bitcast_convert_type3A = tpu.bitcast %and3A_6 : vector<2000x128xi32> -> vector<2000x128xf32>
    %and3A_7 = arith.constant -65536 : i32
    %and3A_8 = vector.broadcast %and3A_7 : i32 to vector<2000x128xi32>
    %and3A_9 = arith.andi %get3A_4, %and3A_8 : vector<2000x128xi32>
    %bitcast_convert_type3A_10 = tpu.bitcast %and3A_9 : vector<2000x128xi32> -> vector<2000x128xf32>
    %shift_left3A = arith.constant 16 : i32
    %shift_left3A_11 = vector.broadcast %shift_left3A : i32 to vector<2000x128xi32>
    %shift_left3A_12 = arith.shli %get3A_1, %shift_left3A_11 : vector<2000x128xi32>
    %bitcast_convert_type3A_13 = tpu.bitcast %shift_left3A_12 : vector<2000x128xi32> -> vector<2000x128xf32>
    %shift_left3A_14 = arith.constant 16 : i32
    %shift_left3A_15 = vector.broadcast %shift_left3A_14 : i32 to vector<2000x128xi32>
    %shift_left3A_16 = arith.shli %get3A_4, %shift_left3A_15 : vector<2000x128xi32>
    %bitcast_convert_type3A_17 = tpu.bitcast %shift_left3A_16 : vector<2000x128xi32> -> vector<2000x128xf32>
    %get3A_18 = arith.constant 0 : index
    %get3A_19 = arith.constant 0 : index
    %get3A_20 = vector.load %arg1[%get3A_18, %get3A_19] : memref<2000x128xf32, #tpu.memory_space<vmem>>, vector<2000x128xf32>
    %convert_element_type3A = arith.truncf %get3A_20 : vector<2000x128xf32> to vector<2000x128xbf16>
    %get3A_21 = arith.constant 0 : index
    %get3A_22 = arith.constant 0 : index
    %get3A_23 = vector.load %arg6[%get3A_21, %get3A_22] : memref<128x512xbf16, #tpu.memory_space<vmem>>, vector<128x512xbf16>
    %dot_general3A = arith.constant dense<0.000000e+00> : vector<2000x512xf32>
    %dot_general3A_24 = tpu.matmul %convert_element_type3A, %get3A_23, %dot_general3A {dimension_numbers = #tpu.dot_dimension_numbers<[1], [0], [0], [1], [0, 0, 1, 1], [], []>, transpose_lhs_hint = false} : vector<2000x128xbf16>, vector<128x512xbf16>, vector<2000x512xf32> -> vector<2000x512xf32>
    %convert_element_type3A_25 = arith.truncf %bitcast_convert_type3A : vector<2000x128xf32> to vector<2000x128xbf16>
    %get3A_26 = arith.constant 0 : index
    %get3A_27 = arith.constant 0 : index
    %get3A_28 = vector.load %arg7[%get3A_26, %get3A_27] : memref<128x512xbf16, #tpu.memory_space<vmem>>, vector<128x512xbf16>
    %dot_general3A_29 = arith.constant dense<0.000000e+00> : vector<2000x512xf32>
    %dot_general3A_30 = tpu.matmul %convert_element_type3A_25, %get3A_28, %dot_general3A_29 {dimension_numbers = #tpu.dot_dimension_numbers<[1], [0], [0], [1], [0, 0, 1, 1], [], []>, transpose_lhs_hint = false} : vector<2000x128xbf16>, vector<128x512xbf16>, vector<2000x512xf32> -> vector<2000x512xf32>
    %add3A = arith.addf %dot_general3A_24, %dot_general3A_30 : vector<2000x512xf32>
    %convert_element_type3A_31 = arith.truncf %bitcast_convert_type3A_10 : vector<2000x128xf32> to vector<2000x128xbf16>
    %get3A_32 = arith.constant 0 : index
    %get3A_33 = arith.constant 0 : index
    %get3A_34 = vector.load %arg8[%get3A_32, %get3A_33] : memref<128x512xbf16, #tpu.memory_space<vmem>>, vector<128x512xbf16>
    %dot_general3A_35 = arith.constant dense<0.000000e+00> : vector<2000x512xf32>
    %dot_general3A_36 = tpu.matmul %convert_element_type3A_31, %get3A_34, %dot_general3A_35 {dimension_numbers = #tpu.dot_dimension_numbers<[1], [0], [0], [1], [0, 0, 1, 1], [], []>, transpose_lhs_hint = false} : vector<2000x128xbf16>, vector<128x512xbf16>, vector<2000x512xf32> -> vector<2000x512xf32>
    %add3A_37 = arith.addf %add3A, %dot_general3A_36 : vector<2000x512xf32>
    %max3A = arith.constant 0.000000e+00 : f32
    %max3A_38 = vector.broadcast %max3A : f32 to vector<2000x512xf32>
    %max3A_39 = arith.maximumf %add3A_37, %max3A_38 : vector<2000x512xf32>
    %convert_element_type3A_40 = arith.truncf %max3A_39 : vector<2000x512xf32> to vector<2000x512xbf16>
    %get3A_41 = arith.constant 0 : index
    %get3A_42 = arith.constant 0 : index
    %get3A_43 = vector.load %arg9[%get3A_41, %get3A_42] : memref<512x16xbf16, #tpu.memory_space<vmem>>, vector<512x16xbf16>
    %dot_general3A_44 = arith.constant dense<0.000000e+00> : vector<2000x16xf32>
    %dot_general3A_45 = tpu.matmul %convert_element_type3A_40, %get3A_43, %dot_general3A_44 {dimension_numbers = #tpu.dot_dimension_numbers<[1], [0], [0], [1], [0, 0, 1, 1], [], []>, transpose_lhs_hint = false} : vector<2000x512xbf16>, vector<512x16xbf16>, vector<2000x16xf32> -> vector<2000x16xf32>
    %slice3A = vector.extract_strided_slice %bitcast_convert_type3A_13 {offsets = [0, 0], sizes = [2000, 64], strides = [1, 1]} : vector<2000x128xf32> to vector<2000x64xf32>
    %slice3A_46 = vector.extract_strided_slice %bitcast_convert_type3A_17 {offsets = [0, 64], sizes = [2000, 64], strides = [1, 1]} : vector<2000x128xf32> to vector<2000x64xf32>
    %add3A_47 = arith.addf %slice3A, %slice3A_46 : vector<2000x64xf32>
    %get3A_48 = arith.constant 0 : index
    %get3A_49 = arith.constant 0 : index
    %get3A_50 = vector.load %arg4[%get3A_48, %get3A_49] : memref<2000x16xf32, #tpu.memory_space<vmem>>, vector<2000x16xf32>
    %get3A_51 = arith.constant 0 : index
    %get3A_52 = arith.constant 0 : index
    %get3A_53 = vector.load %arg10[%get3A_51, %get3A_52] : memref<16x64xf32, #tpu.memory_space<vmem>>, vector<16x64xf32>
    %dot_general3A_54 = arith.constant dense<0.000000e+00> : vector<2000x64xf32>
    %dot_general3A_55 = tpu.matmul %get3A_50, %get3A_53, %dot_general3A_54 {dimension_numbers = #tpu.dot_dimension_numbers<[1], [0], [0], [1], [0, 0, 1, 1], [], []>, transpose_lhs_hint = false} : vector<2000x16xf32>, vector<16x64xf32>, vector<2000x64xf32> -> vector<2000x64xf32>
    %add3A_56 = arith.addf %add3A_47, %dot_general3A_55 : vector<2000x64xf32>
    %max3A_57 = arith.constant 0.000000e+00 : f32
    %max3A_58 = vector.broadcast %max3A_57 : f32 to vector<2000x64xf32>
    %max3A_59 = arith.maximumf %add3A_56, %max3A_58 : vector<2000x64xf32>
    %convert_element_type3A_60 = arith.truncf %max3A_59 : vector<2000x64xf32> to vector<2000x64xbf16>
    %get3A_61 = arith.constant 0 : index
    %get3A_62 = arith.constant 0 : index
    %get3A_63 = vector.load %arg11[%get3A_61, %get3A_62] : memref<64x2048xbf16, #tpu.memory_space<vmem>>, vector<64x2048xbf16>
    %dot_general3A_64 = arith.constant dense<0.000000e+00> : vector<2000x2048xf32>
    %dot_general3A_65 = tpu.matmul %convert_element_type3A_60, %get3A_63, %dot_general3A_64 {dimension_numbers = #tpu.dot_dimension_numbers<[1], [0], [0], [1], [0, 0, 1, 1], [], []>, transpose_lhs_hint = false} : vector<2000x64xbf16>, vector<64x2048xbf16>, vector<2000x2048xf32> -> vector<2000x2048xf32>
    %convert_element_type3A_66 = arith.truncf %dot_general3A_65 : vector<2000x2048xf32> to vector<2000x2048xbf16>
    %convert_element_type3A_67 = arith.truncf %dot_general3A_45 : vector<2000x16xf32> to vector<2000x16xbf16>
    %slice3A_68 = vector.extract_strided_slice %convert_element_type3A_67 {offsets = [0, 0], sizes = [2000, 1], strides = [1, 1]} : vector<2000x16xbf16> to vector<2000x1xbf16>
    %slice3A_69 = vector.extract_strided_slice %convert_element_type3A_66 {offsets = [0, 0], sizes = [2000, 128], strides = [1, 1]} : vector<2000x2048xbf16> to vector<2000x128xbf16>
    %mul3A = vector.broadcast %slice3A_68 : vector<2000x1xbf16> to vector<2000x128xbf16>
    %mul3A_70 = arith.mulf %mul3A, %slice3A_69 : vector<2000x128xbf16>
    %slice3A_71 = vector.extract_strided_slice %convert_element_type3A_67 {offsets = [0, 1], sizes = [2000, 1], strides = [1, 1]} : vector<2000x16xbf16> to vector<2000x1xbf16>
    %slice3A_72 = vector.extract_strided_slice %convert_element_type3A_66 {offsets = [0, 128], sizes = [2000, 128], strides = [1, 1]} : vector<2000x2048xbf16> to vector<2000x128xbf16>
    %mul3A_73 = vector.broadcast %slice3A_71 : vector<2000x1xbf16> to vector<2000x128xbf16>
    %mul3A_74 = arith.mulf %mul3A_73, %slice3A_72 : vector<2000x128xbf16>
    %slice3A_75 = vector.extract_strided_slice %convert_element_type3A_67 {offsets = [0, 2], sizes = [2000, 1], strides = [1, 1]} : vector<2000x16xbf16> to vector<2000x1xbf16>
    %slice3A_76 = vector.extract_strided_slice %convert_element_type3A_66 {offsets = [0, 256], sizes = [2000, 128], strides = [1, 1]} : vector<2000x2048xbf16> to vector<2000x128xbf16>
    %mul3A_77 = vector.broadcast %slice3A_75 : vector<2000x1xbf16> to vector<2000x128xbf16>
    %mul3A_78 = arith.mulf %mul3A_77, %slice3A_76 : vector<2000x128xbf16>
    %slice3A_79 = vector.extract_strided_slice %convert_element_type3A_67 {offsets = [0, 3], sizes = [2000, 1], strides = [1, 1]} : vector<2000x16xbf16> to vector<2000x1xbf16>
    %slice3A_80 = vector.extract_strided_slice %convert_element_type3A_66 {offsets = [0, 384], sizes = [2000, 128], strides = [1, 1]} : vector<2000x2048xbf16> to vector<2000x128xbf16>
    %mul3A_81 = vector.broadcast %slice3A_79 : vector<2000x1xbf16> to vector<2000x128xbf16>
    %mul3A_82 = arith.mulf %mul3A_81, %slice3A_80 : vector<2000x128xbf16>
    %slice3A_83 = vector.extract_strided_slice %convert_element_type3A_67 {offsets = [0, 4], sizes = [2000, 1], strides = [1, 1]} : vector<2000x16xbf16> to vector<2000x1xbf16>
    %slice3A_84 = vector.extract_strided_slice %convert_element_type3A_66 {offsets = [0, 512], sizes = [2000, 128], strides = [1, 1]} : vector<2000x2048xbf16> to vector<2000x128xbf16>
    %mul3A_85 = vector.broadcast %slice3A_83 : vector<2000x1xbf16> to vector<2000x128xbf16>
    %mul3A_86 = arith.mulf %mul3A_85, %slice3A_84 : vector<2000x128xbf16>
    %slice3A_87 = vector.extract_strided_slice %convert_element_type3A_67 {offsets = [0, 5], sizes = [2000, 1], strides = [1, 1]} : vector<2000x16xbf16> to vector<2000x1xbf16>
    %slice3A_88 = vector.extract_strided_slice %convert_element_type3A_66 {offsets = [0, 640], sizes = [2000, 128], strides = [1, 1]} : vector<2000x2048xbf16> to vector<2000x128xbf16>
    %mul3A_89 = vector.broadcast %slice3A_87 : vector<2000x1xbf16> to vector<2000x128xbf16>
    %mul3A_90 = arith.mulf %mul3A_89, %slice3A_88 : vector<2000x128xbf16>
    %slice3A_91 = vector.extract_strided_slice %convert_element_type3A_67 {offsets = [0, 6], sizes = [2000, 1], strides = [1, 1]} : vector<2000x16xbf16> to vector<2000x1xbf16>
    %slice3A_92 = vector.extract_strided_slice %convert_element_type3A_66 {offsets = [0, 768], sizes = [2000, 128], strides = [1, 1]} : vector<2000x2048xbf16> to vector<2000x128xbf16>
    %mul3A_93 = vector.broadcast %slice3A_91 : vector<2000x1xbf16> to vector<2000x128xbf16>
    %mul3A_94 = arith.mulf %mul3A_93, %slice3A_92 : vector<2000x128xbf16>
    %slice3A_95 = vector.extract_strided_slice %convert_element_type3A_67 {offsets = [0, 7], sizes = [2000, 1], strides = [1, 1]} : vector<2000x16xbf16> to vector<2000x1xbf16>
    %slice3A_96 = vector.extract_strided_slice %convert_element_type3A_66 {offsets = [0, 896], sizes = [2000, 128], strides = [1, 1]} : vector<2000x2048xbf16> to vector<2000x128xbf16>
    %mul3A_97 = vector.broadcast %slice3A_95 : vector<2000x1xbf16> to vector<2000x128xbf16>
    %mul3A_98 = arith.mulf %mul3A_97, %slice3A_96 : vector<2000x128xbf16>
    %slice3A_99 = vector.extract_strided_slice %convert_element_type3A_67 {offsets = [0, 8], sizes = [2000, 1], strides = [1, 1]} : vector<2000x16xbf16> to vector<2000x1xbf16>
    %slice3A_100 = vector.extract_strided_slice %convert_element_type3A_66 {offsets = [0, 1024], sizes = [2000, 128], strides = [1, 1]} : vector<2000x2048xbf16> to vector<2000x128xbf16>
    %mul3A_101 = vector.broadcast %slice3A_99 : vector<2000x1xbf16> to vector<2000x128xbf16>
    %mul3A_102 = arith.mulf %mul3A_101, %slice3A_100 : vector<2000x128xbf16>
    %slice3A_103 = vector.extract_strided_slice %convert_element_type3A_67 {offsets = [0, 9], sizes = [2000, 1], strides = [1, 1]} : vector<2000x16xbf16> to vector<2000x1xbf16>
    %slice3A_104 = vector.extract_strided_slice %convert_element_type3A_66 {offsets = [0, 1152], sizes = [2000, 128], strides = [1, 1]} : vector<2000x2048xbf16> to vector<2000x128xbf16>
    %mul3A_105 = vector.broadcast %slice3A_103 : vector<2000x1xbf16> to vector<2000x128xbf16>
    %mul3A_106 = arith.mulf %mul3A_105, %slice3A_104 : vector<2000x128xbf16>
    %slice3A_107 = vector.extract_strided_slice %convert_element_type3A_67 {offsets = [0, 10], sizes = [2000, 1], strides = [1, 1]} : vector<2000x16xbf16> to vector<2000x1xbf16>
    %slice3A_108 = vector.extract_strided_slice %convert_element_type3A_66 {offsets = [0, 1280], sizes = [2000, 128], strides = [1, 1]} : vector<2000x2048xbf16> to vector<2000x128xbf16>
    %mul3A_109 = vector.broadcast %slice3A_107 : vector<2000x1xbf16> to vector<2000x128xbf16>
    %mul3A_110 = arith.mulf %mul3A_109, %slice3A_108 : vector<2000x128xbf16>
    %slice3A_111 = vector.extract_strided_slice %convert_element_type3A_67 {offsets = [0, 11], sizes = [2000, 1], strides = [1, 1]} : vector<2000x16xbf16> to vector<2000x1xbf16>
    %slice3A_112 = vector.extract_strided_slice %convert_element_type3A_66 {offsets = [0, 1408], sizes = [2000, 128], strides = [1, 1]} : vector<2000x2048xbf16> to vector<2000x128xbf16>
    %mul3A_113 = vector.broadcast %slice3A_111 : vector<2000x1xbf16> to vector<2000x128xbf16>
    %mul3A_114 = arith.mulf %mul3A_113, %slice3A_112 : vector<2000x128xbf16>
    %slice3A_115 = vector.extract_strided_slice %convert_element_type3A_67 {offsets = [0, 12], sizes = [2000, 1], strides = [1, 1]} : vector<2000x16xbf16> to vector<2000x1xbf16>
    %slice3A_116 = vector.extract_strided_slice %convert_element_type3A_66 {offsets = [0, 1536], sizes = [2000, 128], strides = [1, 1]} : vector<2000x2048xbf16> to vector<2000x128xbf16>
    %mul3A_117 = vector.broadcast %slice3A_115 : vector<2000x1xbf16> to vector<2000x128xbf16>
    %mul3A_118 = arith.mulf %mul3A_117, %slice3A_116 : vector<2000x128xbf16>
    %slice3A_119 = vector.extract_strided_slice %convert_element_type3A_67 {offsets = [0, 13], sizes = [2000, 1], strides = [1, 1]} : vector<2000x16xbf16> to vector<2000x1xbf16>
    %slice3A_120 = vector.extract_strided_slice %convert_element_type3A_66 {offsets = [0, 1664], sizes = [2000, 128], strides = [1, 1]} : vector<2000x2048xbf16> to vector<2000x128xbf16>
    %mul3A_121 = vector.broadcast %slice3A_119 : vector<2000x1xbf16> to vector<2000x128xbf16>
    %mul3A_122 = arith.mulf %mul3A_121, %slice3A_120 : vector<2000x128xbf16>
    %slice3A_123 = vector.extract_strided_slice %convert_element_type3A_67 {offsets = [0, 14], sizes = [2000, 1], strides = [1, 1]} : vector<2000x16xbf16> to vector<2000x1xbf16>
    %slice3A_124 = vector.extract_strided_slice %convert_element_type3A_66 {offsets = [0, 1792], sizes = [2000, 128], strides = [1, 1]} : vector<2000x2048xbf16> to vector<2000x128xbf16>
    %mul3A_125 = vector.broadcast %slice3A_123 : vector<2000x1xbf16> to vector<2000x128xbf16>
    %mul3A_126 = arith.mulf %mul3A_125, %slice3A_124 : vector<2000x128xbf16>
    %slice3A_127 = vector.extract_strided_slice %convert_element_type3A_67 {offsets = [0, 15], sizes = [2000, 1], strides = [1, 1]} : vector<2000x16xbf16> to vector<2000x1xbf16>
    %slice3A_128 = vector.extract_strided_slice %convert_element_type3A_66 {offsets = [0, 1920], sizes = [2000, 128], strides = [1, 1]} : vector<2000x2048xbf16> to vector<2000x128xbf16>
    %mul3A_129 = vector.broadcast %slice3A_127 : vector<2000x1xbf16> to vector<2000x128xbf16>
    %mul3A_130 = arith.mulf %mul3A_129, %slice3A_128 : vector<2000x128xbf16>
    %add3A_131 = arith.addf %mul3A_70, %mul3A_74 : vector<2000x128xbf16>
    %add3A_132 = arith.addf %mul3A_78, %mul3A_82 : vector<2000x128xbf16>
    %add3A_133 = arith.addf %mul3A_86, %mul3A_90 : vector<2000x128xbf16>
    %add3A_134 = arith.addf %mul3A_94, %mul3A_98 : vector<2000x128xbf16>
    %add3A_135 = arith.addf %mul3A_102, %mul3A_106 : vector<2000x128xbf16>
    %add3A_136 = arith.addf %mul3A_110, %mul3A_114 : vector<2000x128xbf16>
    %add3A_137 = arith.addf %mul3A_118, %mul3A_122 : vector<2000x128xbf16>
    %add3A_138 = arith.addf %mul3A_126, %mul3A_130 : vector<2000x128xbf16>
    %add3A_139 = arith.addf %add3A_131, %add3A_132 : vector<2000x128xbf16>
    %add3A_140 = arith.addf %add3A_133, %add3A_134 : vector<2000x128xbf16>
    %add3A_141 = arith.addf %add3A_135, %add3A_136 : vector<2000x128xbf16>
    %add3A_142 = arith.addf %add3A_137, %add3A_138 : vector<2000x128xbf16>
    %add3A_143 = arith.addf %add3A_139, %add3A_140 : vector<2000x128xbf16>
    %add3A_144 = arith.addf %add3A_141, %add3A_142 : vector<2000x128xbf16>
    %add3A_145 = arith.addf %add3A_143, %add3A_144 : vector<2000x128xbf16>
    %get3A_146 = arith.constant 0 : index
    %get3A_147 = arith.constant 0 : index
    %get3A_148 = vector.load %arg1[%get3A_146, %get3A_147] : memref<2000x128xf32, #tpu.memory_space<vmem>>, vector<2000x128xf32>
    %convert_element_type3A_149 = arith.extf %add3A_145 : vector<2000x128xbf16> to vector<2000x128xf32>
    %add3A_150 = arith.addf %get3A_148, %convert_element_type3A_149 : vector<2000x128xf32>
    %swap3A = arith.constant 0 : index
    %swap3A_151 = arith.constant 0 : index
    %swap3A_152 = vector.load %arg12[%swap3A, %swap3A_151] : memref<2000x128xf32, #tpu.memory_space<vmem>>, vector<2000x128xf32>
    tpu.vector_store %arg12[%swap3A, %swap3A_151], %add3A_150 {strides = array<i32>} : memref<2000x128xf32, #tpu.memory_space<vmem>>, vector<2000x128xf32>,
    %get3A_153 = arith.constant 0 : index
    %get3A_154 = arith.constant 0 : index
    %get3A_155 = vector.load %arg5[%get3A_153, %get3A_154] : memref<2000x1xf32, #tpu.memory_space<vmem>>, vector<2000x1xf32>
    %mul3A_156 = vector.broadcast %get3A_155 : vector<2000x1xf32> to vector<2000x128xf32>
    %mul3A_157 = arith.mulf %add3A_150, %mul3A_156 : vector<2000x128xf32>
    %swap3A_158 = arith.constant 0 : index
    %swap3A_159 = arith.constant 0 : index
    %swap3A_160 = vector.load %arg13[%swap3A_158, %swap3A_159] : memref<2000x128xf32, #tpu.memory_space<vmem>>, vector<2000x128xf32>
    tpu.vector_store %arg13[%swap3A_158, %swap3A_159], %mul3A_157 {strides = array<i32>} : memref<2000x128xf32, #tpu.memory_space<vmem>>, vector<2000x128xf32>,
    return
  }
  func.func @transform_0(%arg0: i32) -> (i32, i32) {
    %add3A = arith.constant 0 : i32
    %add3A_0 = arith.addi %arg0, %add3A : i32
    %c0_i32 = arith.constant 0 : i32
    %c0_i32_1 = arith.constant 0 : i32
    return %add3A_0, %c0_i32 : i32, i32
  }
  func.func @transform_1(%arg0: i32) -> (i32, i32) {
    %c0_i32 = arith.constant 0 : i32
    %c0_i32_0 = arith.constant 0 : i32
    return %arg0, %c0_i32 : i32, i32
  }
  func.func @transform_2(%arg0: i32) -> (i32, i32) {
    %c0_i32 = arith.constant 0 : i32
    %c0_i32_0 = arith.constant 0 : i32
    return %arg0, %c0_i32 : i32, i32
  }
  func.func @transform_3(%arg0: i32) -> (i32, i32) {
    %add3A = arith.constant 0 : i32
    %add3A_0 = arith.addi %arg0, %add3A : i32
    %c0_i32 = arith.constant 0 : i32
    %c0_i32_1 = arith.constant 0 : i32
    return %add3A_0, %c0_i32 : i32, i32
  }
  func.func @transform_4(%arg0: i32) -> (i32, i32) {
    %add3A = arith.constant 0 : i32
    %add3A_0 = arith.addi %arg0, %add3A : i32
    %c0_i32 = arith.constant 0 : i32
    %c0_i32_1 = arith.constant 0 : i32
    return %add3A_0, %c0_i32 : i32, i32
  }
  func.func @transform_5(%arg0: i32) -> (i32, i32) {
    %c0_i32 = arith.constant 0 : i32
    %c0_i32_0 = arith.constant 0 : i32
    %c0_i32_1 = arith.constant 0 : i32
    return %c0_i32, %c0_i32_0 : i32, i32
  }
  func.func @transform_6(%arg0: i32) -> (i32, i32) {
    %c0_i32 = arith.constant 0 : i32
    %c0_i32_0 = arith.constant 0 : i32
    %c0_i32_1 = arith.constant 0 : i32
    return %c0_i32, %c0_i32_0 : i32, i32
  }
  func.func @transform_7(%arg0: i32) -> (i32, i32) {
    %c0_i32 = arith.constant 0 : i32
    %c0_i32_0 = arith.constant 0 : i32
    %c0_i32_1 = arith.constant 0 : i32
    return %c0_i32, %c0_i32_0 : i32, i32
  }
  func.func @transform_8(%arg0: i32) -> (i32, i32) {
    %c0_i32 = arith.constant 0 : i32
    %c0_i32_0 = arith.constant 0 : i32
    %c0_i32_1 = arith.constant 0 : i32
    return %c0_i32, %c0_i32_0 : i32, i32
  }
  func.func @transform_9(%arg0: i32) -> (i32, i32) {
    %c0_i32 = arith.constant 0 : i32
    %c0_i32_0 = arith.constant 0 : i32
    %c0_i32_1 = arith.constant 0 : i32
    return %c0_i32, %c0_i32_0 : i32, i32
  }
  func.func @transform_10(%arg0: i32) -> (i32, i32) {
    %c0_i32 = arith.constant 0 : i32
    %c0_i32_0 = arith.constant 0 : i32
    %c0_i32_1 = arith.constant 0 : i32
    return %c0_i32, %c0_i32_0 : i32, i32
  }
  func.func @transform_11(%arg0: i32) -> (i32, i32) {
    %add3A = arith.constant 0 : i32
    %add3A_0 = arith.addi %arg0, %add3A : i32
    %c0_i32 = arith.constant 0 : i32
    %c0_i32_1 = arith.constant 0 : i32
    return %add3A_0, %c0_i32 : i32, i32
  }
  func.func @transform_12(%arg0: i32) -> (i32, i32) {
    %c0_i32 = arith.constant 0 : i32
    %c0_i32_0 = arith.constant 0 : i32
    return %arg0, %c0_i32 : i32, i32
  }
}

module attributes {stable_mosaic.version = 14 : i64} {
  func.func @body(%arg0: i32, %arg1: memref<8x128xf32, #tpu.memory_space<vmem>>, %arg2: memref<2000x128xf32, #tpu.memory_space<vmem>>, %arg3: memref<2000x128xi32, #tpu.memory_space<vmem>>, %arg4: memref<2000x128xi32, #tpu.memory_space<vmem>>, %arg5: memref<2000x16xf32, #tpu.memory_space<vmem>>, %arg6: memref<2000x1xf32, #tpu.memory_space<vmem>>, %arg7: memref<128x512xbf16, #tpu.memory_space<vmem>>, %arg8: memref<128x512xbf16, #tpu.memory_space<vmem>>, %arg9: memref<128x512xbf16, #tpu.memory_space<vmem>>, %arg10: memref<512x16xbf16, #tpu.memory_space<vmem>>, %arg11: memref<16x64xf32, #tpu.memory_space<vmem>>, %arg12: memref<64x2048xbf16, #tpu.memory_space<vmem>>, %arg13: memref<2000x128xf32, #tpu.memory_space<vmem>>, %arg14: memref<2000x128xf32, #tpu.memory_space<vmem>>) attributes {dimension_semantics = [#tpu.dimension_semantics<arbitrary>], iteration_bounds = array<i64: 32>, scalar_prefetch = 0 : i64, scratch_operands = 0 : i64, tpu.core_type = #tpu.core_type<tc>, window_params = [{transform_indices = @transform_0, window_bounds = array<i64: 8, 128>}, {transform_indices = @transform_1, window_bounds = array<i64: 2000, 128>}, {transform_indices = @transform_2, window_bounds = array<i64: 2000, 128>}, {transform_indices = @transform_3, window_bounds = array<i64: 2000, 128>}, {transform_indices = @transform_4, window_bounds = array<i64: 2000, 16>}, {transform_indices = @transform_5, window_bounds = array<i64: 2000, 1>}, {pipeline_mode = #tpu.pipeline_mode<synchronous>, transform_indices = @transform_6, window_bounds = array<i64: 128, 512>}, {pipeline_mode = #tpu.pipeline_mode<synchronous>, transform_indices = @transform_7, window_bounds = array<i64: 128, 512>}, {pipeline_mode = #tpu.pipeline_mode<synchronous>, transform_indices = @transform_8, window_bounds = array<i64: 128, 512>}, {pipeline_mode = #tpu.pipeline_mode<synchronous>, transform_indices = @transform_9, window_bounds = array<i64: 512, 16>}, {pipeline_mode = #tpu.pipeline_mode<synchronous>, transform_indices = @transform_10, window_bounds = array<i64: 16, 64>}, {pipeline_mode = #tpu.pipeline_mode<synchronous>, transform_indices = @transform_11, window_bounds = array<i64: 64, 2048>}, {transform_indices = @transform_12, window_bounds = array<i64: 2000, 128>}, {transform_indices = @transform_13, window_bounds = array<i64: 2000, 128>}]} {
    %get3A = arith.constant 0 : index
    %get3A_0 = arith.constant 0 : index
    %get3A_1 = vector.load %arg3[%get3A, %get3A_0] : memref<2000x128xi32, #tpu.memory_space<vmem>>, vector<2000x128xi32>
    %get3A_2 = arith.constant 0 : index
    %get3A_3 = arith.constant 0 : index
    %get3A_4 = vector.load %arg4[%get3A_2, %get3A_3] : memref<2000x128xi32, #tpu.memory_space<vmem>>, vector<2000x128xi32>
    %and3A = arith.constant -65536 : i32
    %and3A_5 = vector.broadcast %and3A : i32 to vector<2000x128xi32>
    %and3A_6 = arith.andi %get3A_1, %and3A_5 : vector<2000x128xi32>
    %bitcast_convert_type3A = tpu.bitcast %and3A_6 : vector<2000x128xi32> -> vector<2000x128xf32>
    %and3A_7 = arith.constant -65536 : i32
    %and3A_8 = vector.broadcast %and3A_7 : i32 to vector<2000x128xi32>
    %and3A_9 = arith.andi %get3A_4, %and3A_8 : vector<2000x128xi32>
    %bitcast_convert_type3A_10 = tpu.bitcast %and3A_9 : vector<2000x128xi32> -> vector<2000x128xf32>
    %shift_left3A = arith.constant 16 : i32
    %shift_left3A_11 = vector.broadcast %shift_left3A : i32 to vector<2000x128xi32>
    %shift_left3A_12 = arith.shli %get3A_1, %shift_left3A_11 : vector<2000x128xi32>
    %bitcast_convert_type3A_13 = tpu.bitcast %shift_left3A_12 : vector<2000x128xi32> -> vector<2000x128xf32>
    %shift_left3A_14 = arith.constant 16 : i32
    %shift_left3A_15 = vector.broadcast %shift_left3A_14 : i32 to vector<2000x128xi32>
    %shift_left3A_16 = arith.shli %get3A_4, %shift_left3A_15 : vector<2000x128xi32>
    %bitcast_convert_type3A_17 = tpu.bitcast %shift_left3A_16 : vector<2000x128xi32> -> vector<2000x128xf32>
    %get3A_18 = arith.constant 0 : index
    %get3A_19 = arith.constant 0 : index
    %get3A_20 = vector.load %arg2[%get3A_18, %get3A_19] : memref<2000x128xf32, #tpu.memory_space<vmem>>, vector<2000x128xf32>
    %convert_element_type3A = arith.truncf %get3A_20 : vector<2000x128xf32> to vector<2000x128xbf16>
    %get3A_21 = arith.constant 0 : index
    %get3A_22 = arith.constant 0 : index
    %get3A_23 = vector.load %arg7[%get3A_21, %get3A_22] : memref<128x512xbf16, #tpu.memory_space<vmem>>, vector<128x512xbf16>
    %dot_general3A = arith.constant dense<0.000000e+00> : vector<2000x512xf32>
    %dot_general3A_24 = tpu.matmul %convert_element_type3A, %get3A_23, %dot_general3A {dimension_numbers = #tpu.dot_dimension_numbers<[1], [0], [0], [1], [0, 0, 1, 1], [], []>, transpose_lhs_hint = false} : vector<2000x128xbf16>, vector<128x512xbf16>, vector<2000x512xf32> -> vector<2000x512xf32>
    %convert_element_type3A_25 = arith.truncf %bitcast_convert_type3A : vector<2000x128xf32> to vector<2000x128xbf16>
    %get3A_26 = arith.constant 0 : index
    %get3A_27 = arith.constant 0 : index
    %get3A_28 = vector.load %arg8[%get3A_26, %get3A_27] : memref<128x512xbf16, #tpu.memory_space<vmem>>, vector<128x512xbf16>
    %dot_general3A_29 = arith.constant dense<0.000000e+00> : vector<2000x512xf32>
    %dot_general3A_30 = tpu.matmul %convert_element_type3A_25, %get3A_28, %dot_general3A_29 {dimension_numbers = #tpu.dot_dimension_numbers<[1], [0], [0], [1], [0, 0, 1, 1], [], []>, transpose_lhs_hint = false} : vector<2000x128xbf16>, vector<128x512xbf16>, vector<2000x512xf32> -> vector<2000x512xf32>
    %add3A = arith.addf %dot_general3A_24, %dot_general3A_30 : vector<2000x512xf32>
    %convert_element_type3A_31 = arith.truncf %bitcast_convert_type3A_10 : vector<2000x128xf32> to vector<2000x128xbf16>
    %get3A_32 = arith.constant 0 : index
    %get3A_33 = arith.constant 0 : index
    %get3A_34 = vector.load %arg9[%get3A_32, %get3A_33] : memref<128x512xbf16, #tpu.memory_space<vmem>>, vector<128x512xbf16>
    %dot_general3A_35 = arith.constant dense<0.000000e+00> : vector<2000x512xf32>
    %dot_general3A_36 = tpu.matmul %convert_element_type3A_31, %get3A_34, %dot_general3A_35 {dimension_numbers = #tpu.dot_dimension_numbers<[1], [0], [0], [1], [0, 0, 1, 1], [], []>, transpose_lhs_hint = false} : vector<2000x128xbf16>, vector<128x512xbf16>, vector<2000x512xf32> -> vector<2000x512xf32>
    %add3A_37 = arith.addf %add3A, %dot_general3A_36 : vector<2000x512xf32>
    %max3A = arith.constant 0.000000e+00 : f32
    %max3A_38 = vector.broadcast %max3A : f32 to vector<2000x512xf32>
    %max3A_39 = arith.maximumf %add3A_37, %max3A_38 : vector<2000x512xf32>
    %convert_element_type3A_40 = arith.truncf %max3A_39 : vector<2000x512xf32> to vector<2000x512xbf16>
    %get3A_41 = arith.constant 0 : index
    %get3A_42 = arith.constant 0 : index
    %get3A_43 = vector.load %arg10[%get3A_41, %get3A_42] : memref<512x16xbf16, #tpu.memory_space<vmem>>, vector<512x16xbf16>
    %dot_general3A_44 = arith.constant dense<0.000000e+00> : vector<2000x16xf32>
    %dot_general3A_45 = tpu.matmul %convert_element_type3A_40, %get3A_43, %dot_general3A_44 {dimension_numbers = #tpu.dot_dimension_numbers<[1], [0], [0], [1], [0, 0, 1, 1], [], []>, transpose_lhs_hint = false} : vector<2000x512xbf16>, vector<512x16xbf16>, vector<2000x16xf32> -> vector<2000x16xf32>
    %slice3A = vector.extract_strided_slice %bitcast_convert_type3A_13 {offsets = [0, 0], sizes = [2000, 64], strides = [1, 1]} : vector<2000x128xf32> to vector<2000x64xf32>
    %slice3A_46 = vector.extract_strided_slice %bitcast_convert_type3A_17 {offsets = [0, 64], sizes = [2000, 64], strides = [1, 1]} : vector<2000x128xf32> to vector<2000x64xf32>
    %add3A_47 = arith.addf %slice3A, %slice3A_46 : vector<2000x64xf32>
    %get3A_48 = arith.constant 0 : index
    %get3A_49 = arith.constant 0 : index
    %get3A_50 = vector.load %arg5[%get3A_48, %get3A_49] : memref<2000x16xf32, #tpu.memory_space<vmem>>, vector<2000x16xf32>
    %get3A_51 = arith.constant 0 : index
    %get3A_52 = arith.constant 0 : index
    %get3A_53 = vector.load %arg11[%get3A_51, %get3A_52] : memref<16x64xf32, #tpu.memory_space<vmem>>, vector<16x64xf32>
    %dot_general3A_54 = arith.constant dense<0.000000e+00> : vector<2000x64xf32>
    %dot_general3A_55 = tpu.matmul %get3A_50, %get3A_53, %dot_general3A_54 {dimension_numbers = #tpu.dot_dimension_numbers<[1], [0], [0], [1], [0, 0, 1, 1], [], []>, transpose_lhs_hint = false} : vector<2000x16xf32>, vector<16x64xf32>, vector<2000x64xf32> -> vector<2000x64xf32>
    %add3A_56 = arith.addf %add3A_47, %dot_general3A_55 : vector<2000x64xf32>
    %max3A_57 = arith.constant 0.000000e+00 : f32
    %max3A_58 = vector.broadcast %max3A_57 : f32 to vector<2000x64xf32>
    %max3A_59 = arith.maximumf %add3A_56, %max3A_58 : vector<2000x64xf32>
    %convert_element_type3A_60 = arith.truncf %max3A_59 : vector<2000x64xf32> to vector<2000x64xbf16>
    %get3A_61 = arith.constant 0 : index
    %get3A_62 = arith.constant 0 : index
    %get3A_63 = vector.load %arg12[%get3A_61, %get3A_62] : memref<64x2048xbf16, #tpu.memory_space<vmem>>, vector<64x2048xbf16>
    %dot_general3A_64 = arith.constant dense<0.000000e+00> : vector<2000x2048xf32>
    %dot_general3A_65 = tpu.matmul %convert_element_type3A_60, %get3A_63, %dot_general3A_64 {dimension_numbers = #tpu.dot_dimension_numbers<[1], [0], [0], [1], [0, 0, 1, 1], [], []>, transpose_lhs_hint = false} : vector<2000x64xbf16>, vector<64x2048xbf16>, vector<2000x2048xf32> -> vector<2000x2048xf32>
    %convert_element_type3A_66 = arith.truncf %dot_general3A_65 : vector<2000x2048xf32> to vector<2000x2048xbf16>
    %convert_element_type3A_67 = arith.truncf %dot_general3A_45 : vector<2000x16xf32> to vector<2000x16xbf16>
    %slice3A_68 = vector.extract_strided_slice %convert_element_type3A_67 {offsets = [0, 0], sizes = [2000, 1], strides = [1, 1]} : vector<2000x16xbf16> to vector<2000x1xbf16>
    %slice3A_69 = vector.extract_strided_slice %convert_element_type3A_66 {offsets = [0, 0], sizes = [2000, 128], strides = [1, 1]} : vector<2000x2048xbf16> to vector<2000x128xbf16>
    %mul3A = vector.broadcast %slice3A_68 : vector<2000x1xbf16> to vector<2000x128xbf16>
    %mul3A_70 = arith.mulf %mul3A, %slice3A_69 : vector<2000x128xbf16>
    %slice3A_71 = vector.extract_strided_slice %convert_element_type3A_67 {offsets = [0, 1], sizes = [2000, 1], strides = [1, 1]} : vector<2000x16xbf16> to vector<2000x1xbf16>
    %slice3A_72 = vector.extract_strided_slice %convert_element_type3A_66 {offsets = [0, 128], sizes = [2000, 128], strides = [1, 1]} : vector<2000x2048xbf16> to vector<2000x128xbf16>
    %mul3A_73 = vector.broadcast %slice3A_71 : vector<2000x1xbf16> to vector<2000x128xbf16>
    %mul3A_74 = arith.mulf %mul3A_73, %slice3A_72 : vector<2000x128xbf16>
    %slice3A_75 = vector.extract_strided_slice %convert_element_type3A_67 {offsets = [0, 2], sizes = [2000, 1], strides = [1, 1]} : vector<2000x16xbf16> to vector<2000x1xbf16>
    %slice3A_76 = vector.extract_strided_slice %convert_element_type3A_66 {offsets = [0, 256], sizes = [2000, 128], strides = [1, 1]} : vector<2000x2048xbf16> to vector<2000x128xbf16>
    %mul3A_77 = vector.broadcast %slice3A_75 : vector<2000x1xbf16> to vector<2000x128xbf16>
    %mul3A_78 = arith.mulf %mul3A_77, %slice3A_76 : vector<2000x128xbf16>
    %slice3A_79 = vector.extract_strided_slice %convert_element_type3A_67 {offsets = [0, 3], sizes = [2000, 1], strides = [1, 1]} : vector<2000x16xbf16> to vector<2000x1xbf16>
    %slice3A_80 = vector.extract_strided_slice %convert_element_type3A_66 {offsets = [0, 384], sizes = [2000, 128], strides = [1, 1]} : vector<2000x2048xbf16> to vector<2000x128xbf16>
    %mul3A_81 = vector.broadcast %slice3A_79 : vector<2000x1xbf16> to vector<2000x128xbf16>
    %mul3A_82 = arith.mulf %mul3A_81, %slice3A_80 : vector<2000x128xbf16>
    %slice3A_83 = vector.extract_strided_slice %convert_element_type3A_67 {offsets = [0, 4], sizes = [2000, 1], strides = [1, 1]} : vector<2000x16xbf16> to vector<2000x1xbf16>
    %slice3A_84 = vector.extract_strided_slice %convert_element_type3A_66 {offsets = [0, 512], sizes = [2000, 128], strides = [1, 1]} : vector<2000x2048xbf16> to vector<2000x128xbf16>
    %mul3A_85 = vector.broadcast %slice3A_83 : vector<2000x1xbf16> to vector<2000x128xbf16>
    %mul3A_86 = arith.mulf %mul3A_85, %slice3A_84 : vector<2000x128xbf16>
    %slice3A_87 = vector.extract_strided_slice %convert_element_type3A_67 {offsets = [0, 5], sizes = [2000, 1], strides = [1, 1]} : vector<2000x16xbf16> to vector<2000x1xbf16>
    %slice3A_88 = vector.extract_strided_slice %convert_element_type3A_66 {offsets = [0, 640], sizes = [2000, 128], strides = [1, 1]} : vector<2000x2048xbf16> to vector<2000x128xbf16>
    %mul3A_89 = vector.broadcast %slice3A_87 : vector<2000x1xbf16> to vector<2000x128xbf16>
    %mul3A_90 = arith.mulf %mul3A_89, %slice3A_88 : vector<2000x128xbf16>
    %slice3A_91 = vector.extract_strided_slice %convert_element_type3A_67 {offsets = [0, 6], sizes = [2000, 1], strides = [1, 1]} : vector<2000x16xbf16> to vector<2000x1xbf16>
    %slice3A_92 = vector.extract_strided_slice %convert_element_type3A_66 {offsets = [0, 768], sizes = [2000, 128], strides = [1, 1]} : vector<2000x2048xbf16> to vector<2000x128xbf16>
    %mul3A_93 = vector.broadcast %slice3A_91 : vector<2000x1xbf16> to vector<2000x128xbf16>
    %mul3A_94 = arith.mulf %mul3A_93, %slice3A_92 : vector<2000x128xbf16>
    %slice3A_95 = vector.extract_strided_slice %convert_element_type3A_67 {offsets = [0, 7], sizes = [2000, 1], strides = [1, 1]} : vector<2000x16xbf16> to vector<2000x1xbf16>
    %slice3A_96 = vector.extract_strided_slice %convert_element_type3A_66 {offsets = [0, 896], sizes = [2000, 128], strides = [1, 1]} : vector<2000x2048xbf16> to vector<2000x128xbf16>
    %mul3A_97 = vector.broadcast %slice3A_95 : vector<2000x1xbf16> to vector<2000x128xbf16>
    %mul3A_98 = arith.mulf %mul3A_97, %slice3A_96 : vector<2000x128xbf16>
    %slice3A_99 = vector.extract_strided_slice %convert_element_type3A_67 {offsets = [0, 8], sizes = [2000, 1], strides = [1, 1]} : vector<2000x16xbf16> to vector<2000x1xbf16>
    %slice3A_100 = vector.extract_strided_slice %convert_element_type3A_66 {offsets = [0, 1024], sizes = [2000, 128], strides = [1, 1]} : vector<2000x2048xbf16> to vector<2000x128xbf16>
    %mul3A_101 = vector.broadcast %slice3A_99 : vector<2000x1xbf16> to vector<2000x128xbf16>
    %mul3A_102 = arith.mulf %mul3A_101, %slice3A_100 : vector<2000x128xbf16>
    %slice3A_103 = vector.extract_strided_slice %convert_element_type3A_67 {offsets = [0, 9], sizes = [2000, 1], strides = [1, 1]} : vector<2000x16xbf16> to vector<2000x1xbf16>
    %slice3A_104 = vector.extract_strided_slice %convert_element_type3A_66 {offsets = [0, 1152], sizes = [2000, 128], strides = [1, 1]} : vector<2000x2048xbf16> to vector<2000x128xbf16>
    %mul3A_105 = vector.broadcast %slice3A_103 : vector<2000x1xbf16> to vector<2000x128xbf16>
    %mul3A_106 = arith.mulf %mul3A_105, %slice3A_104 : vector<2000x128xbf16>
    %slice3A_107 = vector.extract_strided_slice %convert_element_type3A_67 {offsets = [0, 10], sizes = [2000, 1], strides = [1, 1]} : vector<2000x16xbf16> to vector<2000x1xbf16>
    %slice3A_108 = vector.extract_strided_slice %convert_element_type3A_66 {offsets = [0, 1280], sizes = [2000, 128], strides = [1, 1]} : vector<2000x2048xbf16> to vector<2000x128xbf16>
    %mul3A_109 = vector.broadcast %slice3A_107 : vector<2000x1xbf16> to vector<2000x128xbf16>
    %mul3A_110 = arith.mulf %mul3A_109, %slice3A_108 : vector<2000x128xbf16>
    %slice3A_111 = vector.extract_strided_slice %convert_element_type3A_67 {offsets = [0, 11], sizes = [2000, 1], strides = [1, 1]} : vector<2000x16xbf16> to vector<2000x1xbf16>
    %slice3A_112 = vector.extract_strided_slice %convert_element_type3A_66 {offsets = [0, 1408], sizes = [2000, 128], strides = [1, 1]} : vector<2000x2048xbf16> to vector<2000x128xbf16>
    %mul3A_113 = vector.broadcast %slice3A_111 : vector<2000x1xbf16> to vector<2000x128xbf16>
    %mul3A_114 = arith.mulf %mul3A_113, %slice3A_112 : vector<2000x128xbf16>
    %slice3A_115 = vector.extract_strided_slice %convert_element_type3A_67 {offsets = [0, 12], sizes = [2000, 1], strides = [1, 1]} : vector<2000x16xbf16> to vector<2000x1xbf16>
    %slice3A_116 = vector.extract_strided_slice %convert_element_type3A_66 {offsets = [0, 1536], sizes = [2000, 128], strides = [1, 1]} : vector<2000x2048xbf16> to vector<2000x128xbf16>
    %mul3A_117 = vector.broadcast %slice3A_115 : vector<2000x1xbf16> to vector<2000x128xbf16>
    %mul3A_118 = arith.mulf %mul3A_117, %slice3A_116 : vector<2000x128xbf16>
    %slice3A_119 = vector.extract_strided_slice %convert_element_type3A_67 {offsets = [0, 13], sizes = [2000, 1], strides = [1, 1]} : vector<2000x16xbf16> to vector<2000x1xbf16>
    %slice3A_120 = vector.extract_strided_slice %convert_element_type3A_66 {offsets = [0, 1664], sizes = [2000, 128], strides = [1, 1]} : vector<2000x2048xbf16> to vector<2000x128xbf16>
    %mul3A_121 = vector.broadcast %slice3A_119 : vector<2000x1xbf16> to vector<2000x128xbf16>
    %mul3A_122 = arith.mulf %mul3A_121, %slice3A_120 : vector<2000x128xbf16>
    %slice3A_123 = vector.extract_strided_slice %convert_element_type3A_67 {offsets = [0, 14], sizes = [2000, 1], strides = [1, 1]} : vector<2000x16xbf16> to vector<2000x1xbf16>
    %slice3A_124 = vector.extract_strided_slice %convert_element_type3A_66 {offsets = [0, 1792], sizes = [2000, 128], strides = [1, 1]} : vector<2000x2048xbf16> to vector<2000x128xbf16>
    %mul3A_125 = vector.broadcast %slice3A_123 : vector<2000x1xbf16> to vector<2000x128xbf16>
    %mul3A_126 = arith.mulf %mul3A_125, %slice3A_124 : vector<2000x128xbf16>
    %slice3A_127 = vector.extract_strided_slice %convert_element_type3A_67 {offsets = [0, 15], sizes = [2000, 1], strides = [1, 1]} : vector<2000x16xbf16> to vector<2000x1xbf16>
    %slice3A_128 = vector.extract_strided_slice %convert_element_type3A_66 {offsets = [0, 1920], sizes = [2000, 128], strides = [1, 1]} : vector<2000x2048xbf16> to vector<2000x128xbf16>
    %mul3A_129 = vector.broadcast %slice3A_127 : vector<2000x1xbf16> to vector<2000x128xbf16>
    %mul3A_130 = arith.mulf %mul3A_129, %slice3A_128 : vector<2000x128xbf16>
    %add3A_131 = arith.addf %mul3A_70, %mul3A_74 : vector<2000x128xbf16>
    %add3A_132 = arith.addf %mul3A_78, %mul3A_82 : vector<2000x128xbf16>
    %add3A_133 = arith.addf %mul3A_86, %mul3A_90 : vector<2000x128xbf16>
    %add3A_134 = arith.addf %mul3A_94, %mul3A_98 : vector<2000x128xbf16>
    %add3A_135 = arith.addf %mul3A_102, %mul3A_106 : vector<2000x128xbf16>
    %add3A_136 = arith.addf %mul3A_110, %mul3A_114 : vector<2000x128xbf16>
    %add3A_137 = arith.addf %mul3A_118, %mul3A_122 : vector<2000x128xbf16>
    %add3A_138 = arith.addf %mul3A_126, %mul3A_130 : vector<2000x128xbf16>
    %add3A_139 = arith.addf %add3A_131, %add3A_132 : vector<2000x128xbf16>
    %add3A_140 = arith.addf %add3A_133, %add3A_134 : vector<2000x128xbf16>
    %add3A_141 = arith.addf %add3A_135, %add3A_136 : vector<2000x128xbf16>
    %add3A_142 = arith.addf %add3A_137, %add3A_138 : vector<2000x128xbf16>
    %add3A_143 = arith.addf %add3A_139, %add3A_140 : vector<2000x128xbf16>
    %add3A_144 = arith.addf %add3A_141, %add3A_142 : vector<2000x128xbf16>
    %add3A_145 = arith.addf %add3A_143, %add3A_144 : vector<2000x128xbf16>
    %get3A_146 = arith.constant 0 : index
    %get3A_147 = arith.constant 0 : index
    %get3A_148 = vector.load %arg2[%get3A_146, %get3A_147] : memref<2000x128xf32, #tpu.memory_space<vmem>>, vector<2000x128xf32>
    %convert_element_type3A_149 = arith.extf %add3A_145 : vector<2000x128xbf16> to vector<2000x128xf32>
    %add3A_150 = arith.addf %get3A_148, %convert_element_type3A_149 : vector<2000x128xf32>
    %swap3A = arith.constant 0 : index
    %swap3A_151 = arith.constant 0 : index
    %swap3A_152 = vector.load %arg13[%swap3A, %swap3A_151] : memref<2000x128xf32, #tpu.memory_space<vmem>>, vector<2000x128xf32>
    tpu.vector_store %arg13[%swap3A, %swap3A_151], %add3A_150 {strides = array<i32>} : memref<2000x128xf32, #tpu.memory_space<vmem>>, vector<2000x128xf32>,
    %get3A_153 = arith.constant 0 : index
    %get3A_154 = arith.constant 0 : index
    %get3A_155 = vector.load %arg6[%get3A_153, %get3A_154] : memref<2000x1xf32, #tpu.memory_space<vmem>>, vector<2000x1xf32>
    %mul3A_156 = vector.broadcast %get3A_155 : vector<2000x1xf32> to vector<2000x128xf32>
    %mul3A_157 = arith.mulf %add3A_150, %mul3A_156 : vector<2000x128xf32>
    %swap3A_158 = arith.constant 0 : index
    %swap3A_159 = arith.constant 0 : index
    %swap3A_160 = vector.load %arg14[%swap3A_158, %swap3A_159] : memref<2000x128xf32, #tpu.memory_space<vmem>>, vector<2000x128xf32>
    tpu.vector_store %arg14[%swap3A_158, %swap3A_159], %mul3A_157 {strides = array<i32>} : memref<2000x128xf32, #tpu.memory_space<vmem>>, vector<2000x128xf32>,
    return
  }
  func.func @transform_0(%arg0: i32) -> (i32, i32) {
    %c0_i32 = arith.constant 0 : i32
    %c0_i32_0 = arith.constant 0 : i32
    %c0_i32_1 = arith.constant 0 : i32
    return %c0_i32, %c0_i32_0 : i32, i32
  }
  func.func @transform_1(%arg0: i32) -> (i32, i32) {
    %add3A = arith.constant 32 : i32
    %add3A_0 = arith.addi %arg0, %add3A : i32
    %c0_i32 = arith.constant 0 : i32
    %c0_i32_1 = arith.constant 0 : i32
    return %add3A_0, %c0_i32 : i32, i32
  }
  func.func @transform_2(%arg0: i32) -> (i32, i32) {
    %c0_i32 = arith.constant 0 : i32
    %c0_i32_0 = arith.constant 0 : i32
    return %arg0, %c0_i32 : i32, i32
  }
  func.func @transform_3(%arg0: i32) -> (i32, i32) {
    %c0_i32 = arith.constant 0 : i32
    %c0_i32_0 = arith.constant 0 : i32
    return %arg0, %c0_i32 : i32, i32
  }
  func.func @transform_4(%arg0: i32) -> (i32, i32) {
    %add3A = arith.constant 32 : i32
    %add3A_0 = arith.addi %arg0, %add3A : i32
    %c0_i32 = arith.constant 0 : i32
    %c0_i32_1 = arith.constant 0 : i32
    return %add3A_0, %c0_i32 : i32, i32
  }
  func.func @transform_5(%arg0: i32) -> (i32, i32) {
    %add3A = arith.constant 32 : i32
    %add3A_0 = arith.addi %arg0, %add3A : i32
    %c0_i32 = arith.constant 0 : i32
    %c0_i32_1 = arith.constant 0 : i32
    return %add3A_0, %c0_i32 : i32, i32
  }
  func.func @transform_6(%arg0: i32) -> (i32, i32) {
    %c0_i32 = arith.constant 0 : i32
    %c0_i32_0 = arith.constant 0 : i32
    %c0_i32_1 = arith.constant 0 : i32
    return %c0_i32, %c0_i32_0 : i32, i32
  }
  func.func @transform_7(%arg0: i32) -> (i32, i32) {
    %c0_i32 = arith.constant 0 : i32
    %c0_i32_0 = arith.constant 0 : i32
    %c0_i32_1 = arith.constant 0 : i32
    return %c0_i32, %c0_i32_0 : i32, i32
  }
  func.func @transform_8(%arg0: i32) -> (i32, i32) {
    %c0_i32 = arith.constant 0 : i32
    %c0_i32_0 = arith.constant 0 : i32
    %c0_i32_1 = arith.constant 0 : i32
    return %c0_i32, %c0_i32_0 : i32, i32
  }
  func.func @transform_9(%arg0: i32) -> (i32, i32) {
    %c0_i32 = arith.constant 0 : i32
    %c0_i32_0 = arith.constant 0 : i32
    %c0_i32_1 = arith.constant 0 : i32
    return %c0_i32, %c0_i32_0 : i32, i32
  }
  func.func @transform_10(%arg0: i32) -> (i32, i32) {
    %c0_i32 = arith.constant 0 : i32
    %c0_i32_0 = arith.constant 0 : i32
    %c0_i32_1 = arith.constant 0 : i32
    return %c0_i32, %c0_i32_0 : i32, i32
  }
  func.func @transform_11(%arg0: i32) -> (i32, i32) {
    %c0_i32 = arith.constant 0 : i32
    %c0_i32_0 = arith.constant 0 : i32
    %c0_i32_1 = arith.constant 0 : i32
    return %c0_i32, %c0_i32_0 : i32, i32
  }
  func.func @transform_12(%arg0: i32) -> (i32, i32) {
    %add3A = arith.constant 32 : i32
    %add3A_0 = arith.addi %arg0, %add3A : i32
    %c0_i32 = arith.constant 0 : i32
    %c0_i32_1 = arith.constant 0 : i32
    return %add3A_0, %c0_i32 : i32, i32
  }
  func.func @transform_13(%arg0: i32) -> (i32, i32) {
    %c0_i32 = arith.constant 0 : i32
    %c0_i32_0 = arith.constant 0 : i32
    return %arg0, %c0_i32 : i32, i32
  }
}

module attributes {stable_mosaic.version = 14 : i64} {
  func.func @body(%arg0: i32, %arg1: memref<8x128xf32, #tpu.memory_space<vmem>>, %arg2: memref<2000x128xf32, #tpu.memory_space<vmem>>, %arg3: memref<2000x128xi32, #tpu.memory_space<vmem>>, %arg4: memref<2000x128xi32, #tpu.memory_space<vmem>>, %arg5: memref<2000x16xf32, #tpu.memory_space<vmem>>, %arg6: memref<2000x1xf32, #tpu.memory_space<vmem>>, %arg7: memref<128x512xbf16, #tpu.memory_space<vmem>>, %arg8: memref<128x512xbf16, #tpu.memory_space<vmem>>, %arg9: memref<128x512xbf16, #tpu.memory_space<vmem>>, %arg10: memref<512x16xbf16, #tpu.memory_space<vmem>>, %arg11: memref<16x64xf32, #tpu.memory_space<vmem>>, %arg12: memref<64x2048xbf16, #tpu.memory_space<vmem>>, %arg13: memref<2000x128xf32, #tpu.memory_space<vmem>>, %arg14: memref<2000x128xf32, #tpu.memory_space<vmem>>) attributes {dimension_semantics = [#tpu.dimension_semantics<arbitrary>], iteration_bounds = array<i64: 32>, scalar_prefetch = 0 : i64, scratch_operands = 0 : i64, tpu.core_type = #tpu.core_type<tc>, window_params = [{transform_indices = @transform_0, window_bounds = array<i64: 8, 128>}, {transform_indices = @transform_1, window_bounds = array<i64: 2000, 128>}, {transform_indices = @transform_2, window_bounds = array<i64: 2000, 128>}, {transform_indices = @transform_3, window_bounds = array<i64: 2000, 128>}, {transform_indices = @transform_4, window_bounds = array<i64: 2000, 16>}, {transform_indices = @transform_5, window_bounds = array<i64: 2000, 1>}, {pipeline_mode = #tpu.pipeline_mode<synchronous>, transform_indices = @transform_6, window_bounds = array<i64: 128, 512>}, {pipeline_mode = #tpu.pipeline_mode<synchronous>, transform_indices = @transform_7, window_bounds = array<i64: 128, 512>}, {pipeline_mode = #tpu.pipeline_mode<synchronous>, transform_indices = @transform_8, window_bounds = array<i64: 128, 512>}, {pipeline_mode = #tpu.pipeline_mode<synchronous>, transform_indices = @transform_9, window_bounds = array<i64: 512, 16>}, {pipeline_mode = #tpu.pipeline_mode<synchronous>, transform_indices = @transform_10, window_bounds = array<i64: 16, 64>}, {pipeline_mode = #tpu.pipeline_mode<synchronous>, transform_indices = @transform_11, window_bounds = array<i64: 64, 2048>}, {transform_indices = @transform_12, window_bounds = array<i64: 2000, 128>}, {transform_indices = @transform_13, window_bounds = array<i64: 2000, 128>}]} {
    %get3A = arith.constant 0 : index
    %get3A_0 = arith.constant 0 : index
    %get3A_1 = vector.load %arg3[%get3A, %get3A_0] : memref<2000x128xi32, #tpu.memory_space<vmem>>, vector<2000x128xi32>
    %get3A_2 = arith.constant 0 : index
    %get3A_3 = arith.constant 0 : index
    %get3A_4 = vector.load %arg4[%get3A_2, %get3A_3] : memref<2000x128xi32, #tpu.memory_space<vmem>>, vector<2000x128xi32>
    %and3A = arith.constant -65536 : i32
    %and3A_5 = vector.broadcast %and3A : i32 to vector<2000x128xi32>
    %and3A_6 = arith.andi %get3A_1, %and3A_5 : vector<2000x128xi32>
    %bitcast_convert_type3A = tpu.bitcast %and3A_6 : vector<2000x128xi32> -> vector<2000x128xf32>
    %and3A_7 = arith.constant -65536 : i32
    %and3A_8 = vector.broadcast %and3A_7 : i32 to vector<2000x128xi32>
    %and3A_9 = arith.andi %get3A_4, %and3A_8 : vector<2000x128xi32>
    %bitcast_convert_type3A_10 = tpu.bitcast %and3A_9 : vector<2000x128xi32> -> vector<2000x128xf32>
    %shift_left3A = arith.constant 16 : i32
    %shift_left3A_11 = vector.broadcast %shift_left3A : i32 to vector<2000x128xi32>
    %shift_left3A_12 = arith.shli %get3A_1, %shift_left3A_11 : vector<2000x128xi32>
    %bitcast_convert_type3A_13 = tpu.bitcast %shift_left3A_12 : vector<2000x128xi32> -> vector<2000x128xf32>
    %shift_left3A_14 = arith.constant 16 : i32
    %shift_left3A_15 = vector.broadcast %shift_left3A_14 : i32 to vector<2000x128xi32>
    %shift_left3A_16 = arith.shli %get3A_4, %shift_left3A_15 : vector<2000x128xi32>
    %bitcast_convert_type3A_17 = tpu.bitcast %shift_left3A_16 : vector<2000x128xi32> -> vector<2000x128xf32>
    %get3A_18 = arith.constant 0 : index
    %get3A_19 = arith.constant 0 : index
    %get3A_20 = vector.load %arg2[%get3A_18, %get3A_19] : memref<2000x128xf32, #tpu.memory_space<vmem>>, vector<2000x128xf32>
    %convert_element_type3A = arith.truncf %get3A_20 : vector<2000x128xf32> to vector<2000x128xbf16>
    %get3A_21 = arith.constant 0 : index
    %get3A_22 = arith.constant 0 : index
    %get3A_23 = vector.load %arg7[%get3A_21, %get3A_22] : memref<128x512xbf16, #tpu.memory_space<vmem>>, vector<128x512xbf16>
    %dot_general3A = arith.constant dense<0.000000e+00> : vector<2000x512xf32>
    %dot_general3A_24 = tpu.matmul %convert_element_type3A, %get3A_23, %dot_general3A {dimension_numbers = #tpu.dot_dimension_numbers<[1], [0], [0], [1], [0, 0, 1, 1], [], []>, transpose_lhs_hint = false} : vector<2000x128xbf16>, vector<128x512xbf16>, vector<2000x512xf32> -> vector<2000x512xf32>
    %convert_element_type3A_25 = arith.truncf %bitcast_convert_type3A : vector<2000x128xf32> to vector<2000x128xbf16>
    %get3A_26 = arith.constant 0 : index
    %get3A_27 = arith.constant 0 : index
    %get3A_28 = vector.load %arg8[%get3A_26, %get3A_27] : memref<128x512xbf16, #tpu.memory_space<vmem>>, vector<128x512xbf16>
    %dot_general3A_29 = arith.constant dense<0.000000e+00> : vector<2000x512xf32>
    %dot_general3A_30 = tpu.matmul %convert_element_type3A_25, %get3A_28, %dot_general3A_29 {dimension_numbers = #tpu.dot_dimension_numbers<[1], [0], [0], [1], [0, 0, 1, 1], [], []>, transpose_lhs_hint = false} : vector<2000x128xbf16>, vector<128x512xbf16>, vector<2000x512xf32> -> vector<2000x512xf32>
    %add3A = arith.addf %dot_general3A_24, %dot_general3A_30 : vector<2000x512xf32>
    %convert_element_type3A_31 = arith.truncf %bitcast_convert_type3A_10 : vector<2000x128xf32> to vector<2000x128xbf16>
    %get3A_32 = arith.constant 0 : index
    %get3A_33 = arith.constant 0 : index
    %get3A_34 = vector.load %arg9[%get3A_32, %get3A_33] : memref<128x512xbf16, #tpu.memory_space<vmem>>, vector<128x512xbf16>
    %dot_general3A_35 = arith.constant dense<0.000000e+00> : vector<2000x512xf32>
    %dot_general3A_36 = tpu.matmul %convert_element_type3A_31, %get3A_34, %dot_general3A_35 {dimension_numbers = #tpu.dot_dimension_numbers<[1], [0], [0], [1], [0, 0, 1, 1], [], []>, transpose_lhs_hint = false} : vector<2000x128xbf16>, vector<128x512xbf16>, vector<2000x512xf32> -> vector<2000x512xf32>
    %add3A_37 = arith.addf %add3A, %dot_general3A_36 : vector<2000x512xf32>
    %max3A = arith.constant 0.000000e+00 : f32
    %max3A_38 = vector.broadcast %max3A : f32 to vector<2000x512xf32>
    %max3A_39 = arith.maximumf %add3A_37, %max3A_38 : vector<2000x512xf32>
    %convert_element_type3A_40 = arith.truncf %max3A_39 : vector<2000x512xf32> to vector<2000x512xbf16>
    %get3A_41 = arith.constant 0 : index
    %get3A_42 = arith.constant 0 : index
    %get3A_43 = vector.load %arg10[%get3A_41, %get3A_42] : memref<512x16xbf16, #tpu.memory_space<vmem>>, vector<512x16xbf16>
    %dot_general3A_44 = arith.constant dense<0.000000e+00> : vector<2000x16xf32>
    %dot_general3A_45 = tpu.matmul %convert_element_type3A_40, %get3A_43, %dot_general3A_44 {dimension_numbers = #tpu.dot_dimension_numbers<[1], [0], [0], [1], [0, 0, 1, 1], [], []>, transpose_lhs_hint = false} : vector<2000x512xbf16>, vector<512x16xbf16>, vector<2000x16xf32> -> vector<2000x16xf32>
    %slice3A = vector.extract_strided_slice %bitcast_convert_type3A_13 {offsets = [0, 0], sizes = [2000, 64], strides = [1, 1]} : vector<2000x128xf32> to vector<2000x64xf32>
    %slice3A_46 = vector.extract_strided_slice %bitcast_convert_type3A_17 {offsets = [0, 64], sizes = [2000, 64], strides = [1, 1]} : vector<2000x128xf32> to vector<2000x64xf32>
    %add3A_47 = arith.addf %slice3A, %slice3A_46 : vector<2000x64xf32>
    %get3A_48 = arith.constant 0 : index
    %get3A_49 = arith.constant 0 : index
    %get3A_50 = vector.load %arg5[%get3A_48, %get3A_49] : memref<2000x16xf32, #tpu.memory_space<vmem>>, vector<2000x16xf32>
    %get3A_51 = arith.constant 0 : index
    %get3A_52 = arith.constant 0 : index
    %get3A_53 = vector.load %arg11[%get3A_51, %get3A_52] : memref<16x64xf32, #tpu.memory_space<vmem>>, vector<16x64xf32>
    %dot_general3A_54 = arith.constant dense<0.000000e+00> : vector<2000x64xf32>
    %dot_general3A_55 = tpu.matmul %get3A_50, %get3A_53, %dot_general3A_54 {dimension_numbers = #tpu.dot_dimension_numbers<[1], [0], [0], [1], [0, 0, 1, 1], [], []>, transpose_lhs_hint = false} : vector<2000x16xf32>, vector<16x64xf32>, vector<2000x64xf32> -> vector<2000x64xf32>
    %add3A_56 = arith.addf %add3A_47, %dot_general3A_55 : vector<2000x64xf32>
    %max3A_57 = arith.constant 0.000000e+00 : f32
    %max3A_58 = vector.broadcast %max3A_57 : f32 to vector<2000x64xf32>
    %max3A_59 = arith.maximumf %add3A_56, %max3A_58 : vector<2000x64xf32>
    %convert_element_type3A_60 = arith.truncf %max3A_59 : vector<2000x64xf32> to vector<2000x64xbf16>
    %get3A_61 = arith.constant 0 : index
    %get3A_62 = arith.constant 0 : index
    %get3A_63 = vector.load %arg12[%get3A_61, %get3A_62] : memref<64x2048xbf16, #tpu.memory_space<vmem>>, vector<64x2048xbf16>
    %dot_general3A_64 = arith.constant dense<0.000000e+00> : vector<2000x2048xf32>
    %dot_general3A_65 = tpu.matmul %convert_element_type3A_60, %get3A_63, %dot_general3A_64 {dimension_numbers = #tpu.dot_dimension_numbers<[1], [0], [0], [1], [0, 0, 1, 1], [], []>, transpose_lhs_hint = false} : vector<2000x64xbf16>, vector<64x2048xbf16>, vector<2000x2048xf32> -> vector<2000x2048xf32>
    %convert_element_type3A_66 = arith.truncf %dot_general3A_65 : vector<2000x2048xf32> to vector<2000x2048xbf16>
    %convert_element_type3A_67 = arith.truncf %dot_general3A_45 : vector<2000x16xf32> to vector<2000x16xbf16>
    %slice3A_68 = vector.extract_strided_slice %convert_element_type3A_67 {offsets = [0, 0], sizes = [2000, 1], strides = [1, 1]} : vector<2000x16xbf16> to vector<2000x1xbf16>
    %slice3A_69 = vector.extract_strided_slice %convert_element_type3A_66 {offsets = [0, 0], sizes = [2000, 128], strides = [1, 1]} : vector<2000x2048xbf16> to vector<2000x128xbf16>
    %mul3A = vector.broadcast %slice3A_68 : vector<2000x1xbf16> to vector<2000x128xbf16>
    %mul3A_70 = arith.mulf %mul3A, %slice3A_69 : vector<2000x128xbf16>
    %slice3A_71 = vector.extract_strided_slice %convert_element_type3A_67 {offsets = [0, 1], sizes = [2000, 1], strides = [1, 1]} : vector<2000x16xbf16> to vector<2000x1xbf16>
    %slice3A_72 = vector.extract_strided_slice %convert_element_type3A_66 {offsets = [0, 128], sizes = [2000, 128], strides = [1, 1]} : vector<2000x2048xbf16> to vector<2000x128xbf16>
    %mul3A_73 = vector.broadcast %slice3A_71 : vector<2000x1xbf16> to vector<2000x128xbf16>
    %mul3A_74 = arith.mulf %mul3A_73, %slice3A_72 : vector<2000x128xbf16>
    %slice3A_75 = vector.extract_strided_slice %convert_element_type3A_67 {offsets = [0, 2], sizes = [2000, 1], strides = [1, 1]} : vector<2000x16xbf16> to vector<2000x1xbf16>
    %slice3A_76 = vector.extract_strided_slice %convert_element_type3A_66 {offsets = [0, 256], sizes = [2000, 128], strides = [1, 1]} : vector<2000x2048xbf16> to vector<2000x128xbf16>
    %mul3A_77 = vector.broadcast %slice3A_75 : vector<2000x1xbf16> to vector<2000x128xbf16>
    %mul3A_78 = arith.mulf %mul3A_77, %slice3A_76 : vector<2000x128xbf16>
    %slice3A_79 = vector.extract_strided_slice %convert_element_type3A_67 {offsets = [0, 3], sizes = [2000, 1], strides = [1, 1]} : vector<2000x16xbf16> to vector<2000x1xbf16>
    %slice3A_80 = vector.extract_strided_slice %convert_element_type3A_66 {offsets = [0, 384], sizes = [2000, 128], strides = [1, 1]} : vector<2000x2048xbf16> to vector<2000x128xbf16>
    %mul3A_81 = vector.broadcast %slice3A_79 : vector<2000x1xbf16> to vector<2000x128xbf16>
    %mul3A_82 = arith.mulf %mul3A_81, %slice3A_80 : vector<2000x128xbf16>
    %slice3A_83 = vector.extract_strided_slice %convert_element_type3A_67 {offsets = [0, 4], sizes = [2000, 1], strides = [1, 1]} : vector<2000x16xbf16> to vector<2000x1xbf16>
    %slice3A_84 = vector.extract_strided_slice %convert_element_type3A_66 {offsets = [0, 512], sizes = [2000, 128], strides = [1, 1]} : vector<2000x2048xbf16> to vector<2000x128xbf16>
    %mul3A_85 = vector.broadcast %slice3A_83 : vector<2000x1xbf16> to vector<2000x128xbf16>
    %mul3A_86 = arith.mulf %mul3A_85, %slice3A_84 : vector<2000x128xbf16>
    %slice3A_87 = vector.extract_strided_slice %convert_element_type3A_67 {offsets = [0, 5], sizes = [2000, 1], strides = [1, 1]} : vector<2000x16xbf16> to vector<2000x1xbf16>
    %slice3A_88 = vector.extract_strided_slice %convert_element_type3A_66 {offsets = [0, 640], sizes = [2000, 128], strides = [1, 1]} : vector<2000x2048xbf16> to vector<2000x128xbf16>
    %mul3A_89 = vector.broadcast %slice3A_87 : vector<2000x1xbf16> to vector<2000x128xbf16>
    %mul3A_90 = arith.mulf %mul3A_89, %slice3A_88 : vector<2000x128xbf16>
    %slice3A_91 = vector.extract_strided_slice %convert_element_type3A_67 {offsets = [0, 6], sizes = [2000, 1], strides = [1, 1]} : vector<2000x16xbf16> to vector<2000x1xbf16>
    %slice3A_92 = vector.extract_strided_slice %convert_element_type3A_66 {offsets = [0, 768], sizes = [2000, 128], strides = [1, 1]} : vector<2000x2048xbf16> to vector<2000x128xbf16>
    %mul3A_93 = vector.broadcast %slice3A_91 : vector<2000x1xbf16> to vector<2000x128xbf16>
    %mul3A_94 = arith.mulf %mul3A_93, %slice3A_92 : vector<2000x128xbf16>
    %slice3A_95 = vector.extract_strided_slice %convert_element_type3A_67 {offsets = [0, 7], sizes = [2000, 1], strides = [1, 1]} : vector<2000x16xbf16> to vector<2000x1xbf16>
    %slice3A_96 = vector.extract_strided_slice %convert_element_type3A_66 {offsets = [0, 896], sizes = [2000, 128], strides = [1, 1]} : vector<2000x2048xbf16> to vector<2000x128xbf16>
    %mul3A_97 = vector.broadcast %slice3A_95 : vector<2000x1xbf16> to vector<2000x128xbf16>
    %mul3A_98 = arith.mulf %mul3A_97, %slice3A_96 : vector<2000x128xbf16>
    %slice3A_99 = vector.extract_strided_slice %convert_element_type3A_67 {offsets = [0, 8], sizes = [2000, 1], strides = [1, 1]} : vector<2000x16xbf16> to vector<2000x1xbf16>
    %slice3A_100 = vector.extract_strided_slice %convert_element_type3A_66 {offsets = [0, 1024], sizes = [2000, 128], strides = [1, 1]} : vector<2000x2048xbf16> to vector<2000x128xbf16>
    %mul3A_101 = vector.broadcast %slice3A_99 : vector<2000x1xbf16> to vector<2000x128xbf16>
    %mul3A_102 = arith.mulf %mul3A_101, %slice3A_100 : vector<2000x128xbf16>
    %slice3A_103 = vector.extract_strided_slice %convert_element_type3A_67 {offsets = [0, 9], sizes = [2000, 1], strides = [1, 1]} : vector<2000x16xbf16> to vector<2000x1xbf16>
    %slice3A_104 = vector.extract_strided_slice %convert_element_type3A_66 {offsets = [0, 1152], sizes = [2000, 128], strides = [1, 1]} : vector<2000x2048xbf16> to vector<2000x128xbf16>
    %mul3A_105 = vector.broadcast %slice3A_103 : vector<2000x1xbf16> to vector<2000x128xbf16>
    %mul3A_106 = arith.mulf %mul3A_105, %slice3A_104 : vector<2000x128xbf16>
    %slice3A_107 = vector.extract_strided_slice %convert_element_type3A_67 {offsets = [0, 10], sizes = [2000, 1], strides = [1, 1]} : vector<2000x16xbf16> to vector<2000x1xbf16>
    %slice3A_108 = vector.extract_strided_slice %convert_element_type3A_66 {offsets = [0, 1280], sizes = [2000, 128], strides = [1, 1]} : vector<2000x2048xbf16> to vector<2000x128xbf16>
    %mul3A_109 = vector.broadcast %slice3A_107 : vector<2000x1xbf16> to vector<2000x128xbf16>
    %mul3A_110 = arith.mulf %mul3A_109, %slice3A_108 : vector<2000x128xbf16>
    %slice3A_111 = vector.extract_strided_slice %convert_element_type3A_67 {offsets = [0, 11], sizes = [2000, 1], strides = [1, 1]} : vector<2000x16xbf16> to vector<2000x1xbf16>
    %slice3A_112 = vector.extract_strided_slice %convert_element_type3A_66 {offsets = [0, 1408], sizes = [2000, 128], strides = [1, 1]} : vector<2000x2048xbf16> to vector<2000x128xbf16>
    %mul3A_113 = vector.broadcast %slice3A_111 : vector<2000x1xbf16> to vector<2000x128xbf16>
    %mul3A_114 = arith.mulf %mul3A_113, %slice3A_112 : vector<2000x128xbf16>
    %slice3A_115 = vector.extract_strided_slice %convert_element_type3A_67 {offsets = [0, 12], sizes = [2000, 1], strides = [1, 1]} : vector<2000x16xbf16> to vector<2000x1xbf16>
    %slice3A_116 = vector.extract_strided_slice %convert_element_type3A_66 {offsets = [0, 1536], sizes = [2000, 128], strides = [1, 1]} : vector<2000x2048xbf16> to vector<2000x128xbf16>
    %mul3A_117 = vector.broadcast %slice3A_115 : vector<2000x1xbf16> to vector<2000x128xbf16>
    %mul3A_118 = arith.mulf %mul3A_117, %slice3A_116 : vector<2000x128xbf16>
    %slice3A_119 = vector.extract_strided_slice %convert_element_type3A_67 {offsets = [0, 13], sizes = [2000, 1], strides = [1, 1]} : vector<2000x16xbf16> to vector<2000x1xbf16>
    %slice3A_120 = vector.extract_strided_slice %convert_element_type3A_66 {offsets = [0, 1664], sizes = [2000, 128], strides = [1, 1]} : vector<2000x2048xbf16> to vector<2000x128xbf16>
    %mul3A_121 = vector.broadcast %slice3A_119 : vector<2000x1xbf16> to vector<2000x128xbf16>
    %mul3A_122 = arith.mulf %mul3A_121, %slice3A_120 : vector<2000x128xbf16>
    %slice3A_123 = vector.extract_strided_slice %convert_element_type3A_67 {offsets = [0, 14], sizes = [2000, 1], strides = [1, 1]} : vector<2000x16xbf16> to vector<2000x1xbf16>
    %slice3A_124 = vector.extract_strided_slice %convert_element_type3A_66 {offsets = [0, 1792], sizes = [2000, 128], strides = [1, 1]} : vector<2000x2048xbf16> to vector<2000x128xbf16>
    %mul3A_125 = vector.broadcast %slice3A_123 : vector<2000x1xbf16> to vector<2000x128xbf16>
    %mul3A_126 = arith.mulf %mul3A_125, %slice3A_124 : vector<2000x128xbf16>
    %slice3A_127 = vector.extract_strided_slice %convert_element_type3A_67 {offsets = [0, 15], sizes = [2000, 1], strides = [1, 1]} : vector<2000x16xbf16> to vector<2000x1xbf16>
    %slice3A_128 = vector.extract_strided_slice %convert_element_type3A_66 {offsets = [0, 1920], sizes = [2000, 128], strides = [1, 1]} : vector<2000x2048xbf16> to vector<2000x128xbf16>
    %mul3A_129 = vector.broadcast %slice3A_127 : vector<2000x1xbf16> to vector<2000x128xbf16>
    %mul3A_130 = arith.mulf %mul3A_129, %slice3A_128 : vector<2000x128xbf16>
    %add3A_131 = arith.addf %mul3A_70, %mul3A_74 : vector<2000x128xbf16>
    %add3A_132 = arith.addf %mul3A_78, %mul3A_82 : vector<2000x128xbf16>
    %add3A_133 = arith.addf %mul3A_86, %mul3A_90 : vector<2000x128xbf16>
    %add3A_134 = arith.addf %mul3A_94, %mul3A_98 : vector<2000x128xbf16>
    %add3A_135 = arith.addf %mul3A_102, %mul3A_106 : vector<2000x128xbf16>
    %add3A_136 = arith.addf %mul3A_110, %mul3A_114 : vector<2000x128xbf16>
    %add3A_137 = arith.addf %mul3A_118, %mul3A_122 : vector<2000x128xbf16>
    %add3A_138 = arith.addf %mul3A_126, %mul3A_130 : vector<2000x128xbf16>
    %add3A_139 = arith.addf %add3A_131, %add3A_132 : vector<2000x128xbf16>
    %add3A_140 = arith.addf %add3A_133, %add3A_134 : vector<2000x128xbf16>
    %add3A_141 = arith.addf %add3A_135, %add3A_136 : vector<2000x128xbf16>
    %add3A_142 = arith.addf %add3A_137, %add3A_138 : vector<2000x128xbf16>
    %add3A_143 = arith.addf %add3A_139, %add3A_140 : vector<2000x128xbf16>
    %add3A_144 = arith.addf %add3A_141, %add3A_142 : vector<2000x128xbf16>
    %add3A_145 = arith.addf %add3A_143, %add3A_144 : vector<2000x128xbf16>
    %get3A_146 = arith.constant 0 : index
    %get3A_147 = arith.constant 0 : index
    %get3A_148 = vector.load %arg2[%get3A_146, %get3A_147] : memref<2000x128xf32, #tpu.memory_space<vmem>>, vector<2000x128xf32>
    %convert_element_type3A_149 = arith.extf %add3A_145 : vector<2000x128xbf16> to vector<2000x128xf32>
    %add3A_150 = arith.addf %get3A_148, %convert_element_type3A_149 : vector<2000x128xf32>
    %swap3A = arith.constant 0 : index
    %swap3A_151 = arith.constant 0 : index
    %swap3A_152 = vector.load %arg13[%swap3A, %swap3A_151] : memref<2000x128xf32, #tpu.memory_space<vmem>>, vector<2000x128xf32>
    tpu.vector_store %arg13[%swap3A, %swap3A_151], %add3A_150 {strides = array<i32>} : memref<2000x128xf32, #tpu.memory_space<vmem>>, vector<2000x128xf32>,
    %get3A_153 = arith.constant 0 : index
    %get3A_154 = arith.constant 0 : index
    %get3A_155 = vector.load %arg6[%get3A_153, %get3A_154] : memref<2000x1xf32, #tpu.memory_space<vmem>>, vector<2000x1xf32>
    %mul3A_156 = vector.broadcast %get3A_155 : vector<2000x1xf32> to vector<2000x128xf32>
    %mul3A_157 = arith.mulf %add3A_150, %mul3A_156 : vector<2000x128xf32>
    %swap3A_158 = arith.constant 0 : index
    %swap3A_159 = arith.constant 0 : index
    %swap3A_160 = vector.load %arg14[%swap3A_158, %swap3A_159] : memref<2000x128xf32, #tpu.memory_space<vmem>>, vector<2000x128xf32>
    tpu.vector_store %arg14[%swap3A_158, %swap3A_159], %mul3A_157 {strides = array<i32>} : memref<2000x128xf32, #tpu.memory_space<vmem>>, vector<2000x128xf32>,
    return
  }
  func.func @transform_0(%arg0: i32) -> (i32, i32) {
    %c0_i32 = arith.constant 0 : i32
    %c0_i32_0 = arith.constant 0 : i32
    %c0_i32_1 = arith.constant 0 : i32
    return %c0_i32, %c0_i32_0 : i32, i32
  }
  func.func @transform_1(%arg0: i32) -> (i32, i32) {
    %add3A = arith.constant 64 : i32
    %add3A_0 = arith.addi %arg0, %add3A : i32
    %c0_i32 = arith.constant 0 : i32
    %c0_i32_1 = arith.constant 0 : i32
    return %add3A_0, %c0_i32 : i32, i32
  }
  func.func @transform_2(%arg0: i32) -> (i32, i32) {
    %c0_i32 = arith.constant 0 : i32
    %c0_i32_0 = arith.constant 0 : i32
    return %arg0, %c0_i32 : i32, i32
  }
  func.func @transform_3(%arg0: i32) -> (i32, i32) {
    %c0_i32 = arith.constant 0 : i32
    %c0_i32_0 = arith.constant 0 : i32
    return %arg0, %c0_i32 : i32, i32
  }
  func.func @transform_4(%arg0: i32) -> (i32, i32) {
    %add3A = arith.constant 64 : i32
    %add3A_0 = arith.addi %arg0, %add3A : i32
    %c0_i32 = arith.constant 0 : i32
    %c0_i32_1 = arith.constant 0 : i32
    return %add3A_0, %c0_i32 : i32, i32
  }
  func.func @transform_5(%arg0: i32) -> (i32, i32) {
    %add3A = arith.constant 64 : i32
    %add3A_0 = arith.addi %arg0, %add3A : i32
    %c0_i32 = arith.constant 0 : i32
    %c0_i32_1 = arith.constant 0 : i32
    return %add3A_0, %c0_i32 : i32, i32
  }
  func.func @transform_6(%arg0: i32) -> (i32, i32) {
    %c0_i32 = arith.constant 0 : i32
    %c0_i32_0 = arith.constant 0 : i32
    %c0_i32_1 = arith.constant 0 : i32
    return %c0_i32, %c0_i32_0 : i32, i32
  }
  func.func @transform_7(%arg0: i32) -> (i32, i32) {
    %c0_i32 = arith.constant 0 : i32
    %c0_i32_0 = arith.constant 0 : i32
    %c0_i32_1 = arith.constant 0 : i32
    return %c0_i32, %c0_i32_0 : i32, i32
  }
  func.func @transform_8(%arg0: i32) -> (i32, i32) {
    %c0_i32 = arith.constant 0 : i32
    %c0_i32_0 = arith.constant 0 : i32
    %c0_i32_1 = arith.constant 0 : i32
    return %c0_i32, %c0_i32_0 : i32, i32
  }
  func.func @transform_9(%arg0: i32) -> (i32, i32) {
    %c0_i32 = arith.constant 0 : i32
    %c0_i32_0 = arith.constant 0 : i32
    %c0_i32_1 = arith.constant 0 : i32
    return %c0_i32, %c0_i32_0 : i32, i32
  }
  func.func @transform_10(%arg0: i32) -> (i32, i32) {
    %c0_i32 = arith.constant 0 : i32
    %c0_i32_0 = arith.constant 0 : i32
    %c0_i32_1 = arith.constant 0 : i32
    return %c0_i32, %c0_i32_0 : i32, i32
  }
  func.func @transform_11(%arg0: i32) -> (i32, i32) {
    %c0_i32 = arith.constant 0 : i32
    %c0_i32_0 = arith.constant 0 : i32
    %c0_i32_1 = arith.constant 0 : i32
    return %c0_i32, %c0_i32_0 : i32, i32
  }
  func.func @transform_12(%arg0: i32) -> (i32, i32) {
    %add3A = arith.constant 64 : i32
    %add3A_0 = arith.addi %arg0, %add3A : i32
    %c0_i32 = arith.constant 0 : i32
    %c0_i32_1 = arith.constant 0 : i32
    return %add3A_0, %c0_i32 : i32, i32
  }
  func.func @transform_13(%arg0: i32) -> (i32, i32) {
    %c0_i32 = arith.constant 0 : i32
    %c0_i32_0 = arith.constant 0 : i32
    return %arg0, %c0_i32 : i32, i32
  }
}

module attributes {stable_mosaic.version = 14 : i64} {
  func.func @body(%arg0: i32, %arg1: memref<8x128xf32, #tpu.memory_space<vmem>>, %arg2: memref<2000x128xf32, #tpu.memory_space<vmem>>, %arg3: memref<2000x128xi32, #tpu.memory_space<vmem>>, %arg4: memref<2000x128xi32, #tpu.memory_space<vmem>>, %arg5: memref<2000x16xf32, #tpu.memory_space<vmem>>, %arg6: memref<2000x1xf32, #tpu.memory_space<vmem>>, %arg7: memref<128x512xbf16, #tpu.memory_space<vmem>>, %arg8: memref<128x512xbf16, #tpu.memory_space<vmem>>, %arg9: memref<128x512xbf16, #tpu.memory_space<vmem>>, %arg10: memref<512x16xbf16, #tpu.memory_space<vmem>>, %arg11: memref<16x64xf32, #tpu.memory_space<vmem>>, %arg12: memref<64x2048xbf16, #tpu.memory_space<vmem>>, %arg13: memref<2000x128xf32, #tpu.memory_space<vmem>>, %arg14: memref<2000x128xf32, #tpu.memory_space<vmem>>) attributes {dimension_semantics = [#tpu.dimension_semantics<arbitrary>], iteration_bounds = array<i64: 32>, scalar_prefetch = 0 : i64, scratch_operands = 0 : i64, tpu.core_type = #tpu.core_type<tc>, window_params = [{transform_indices = @transform_0, window_bounds = array<i64: 8, 128>}, {transform_indices = @transform_1, window_bounds = array<i64: 2000, 128>}, {transform_indices = @transform_2, window_bounds = array<i64: 2000, 128>}, {transform_indices = @transform_3, window_bounds = array<i64: 2000, 128>}, {transform_indices = @transform_4, window_bounds = array<i64: 2000, 16>}, {transform_indices = @transform_5, window_bounds = array<i64: 2000, 1>}, {pipeline_mode = #tpu.pipeline_mode<synchronous>, transform_indices = @transform_6, window_bounds = array<i64: 128, 512>}, {pipeline_mode = #tpu.pipeline_mode<synchronous>, transform_indices = @transform_7, window_bounds = array<i64: 128, 512>}, {pipeline_mode = #tpu.pipeline_mode<synchronous>, transform_indices = @transform_8, window_bounds = array<i64: 128, 512>}, {pipeline_mode = #tpu.pipeline_mode<synchronous>, transform_indices = @transform_9, window_bounds = array<i64: 512, 16>}, {pipeline_mode = #tpu.pipeline_mode<synchronous>, transform_indices = @transform_10, window_bounds = array<i64: 16, 64>}, {pipeline_mode = #tpu.pipeline_mode<synchronous>, transform_indices = @transform_11, window_bounds = array<i64: 64, 2048>}, {transform_indices = @transform_12, window_bounds = array<i64: 2000, 128>}, {transform_indices = @transform_13, window_bounds = array<i64: 2000, 128>}]} {
    %get3A = arith.constant 0 : index
    %get3A_0 = arith.constant 0 : index
    %get3A_1 = vector.load %arg3[%get3A, %get3A_0] : memref<2000x128xi32, #tpu.memory_space<vmem>>, vector<2000x128xi32>
    %get3A_2 = arith.constant 0 : index
    %get3A_3 = arith.constant 0 : index
    %get3A_4 = vector.load %arg4[%get3A_2, %get3A_3] : memref<2000x128xi32, #tpu.memory_space<vmem>>, vector<2000x128xi32>
    %and3A = arith.constant -65536 : i32
    %and3A_5 = vector.broadcast %and3A : i32 to vector<2000x128xi32>
    %and3A_6 = arith.andi %get3A_1, %and3A_5 : vector<2000x128xi32>
    %bitcast_convert_type3A = tpu.bitcast %and3A_6 : vector<2000x128xi32> -> vector<2000x128xf32>
    %and3A_7 = arith.constant -65536 : i32
    %and3A_8 = vector.broadcast %and3A_7 : i32 to vector<2000x128xi32>
    %and3A_9 = arith.andi %get3A_4, %and3A_8 : vector<2000x128xi32>
    %bitcast_convert_type3A_10 = tpu.bitcast %and3A_9 : vector<2000x128xi32> -> vector<2000x128xf32>
    %shift_left3A = arith.constant 16 : i32
    %shift_left3A_11 = vector.broadcast %shift_left3A : i32 to vector<2000x128xi32>
    %shift_left3A_12 = arith.shli %get3A_1, %shift_left3A_11 : vector<2000x128xi32>
    %bitcast_convert_type3A_13 = tpu.bitcast %shift_left3A_12 : vector<2000x128xi32> -> vector<2000x128xf32>
    %shift_left3A_14 = arith.constant 16 : i32
    %shift_left3A_15 = vector.broadcast %shift_left3A_14 : i32 to vector<2000x128xi32>
    %shift_left3A_16 = arith.shli %get3A_4, %shift_left3A_15 : vector<2000x128xi32>
    %bitcast_convert_type3A_17 = tpu.bitcast %shift_left3A_16 : vector<2000x128xi32> -> vector<2000x128xf32>
    %get3A_18 = arith.constant 0 : index
    %get3A_19 = arith.constant 0 : index
    %get3A_20 = vector.load %arg2[%get3A_18, %get3A_19] : memref<2000x128xf32, #tpu.memory_space<vmem>>, vector<2000x128xf32>
    %convert_element_type3A = arith.truncf %get3A_20 : vector<2000x128xf32> to vector<2000x128xbf16>
    %get3A_21 = arith.constant 0 : index
    %get3A_22 = arith.constant 0 : index
    %get3A_23 = vector.load %arg7[%get3A_21, %get3A_22] : memref<128x512xbf16, #tpu.memory_space<vmem>>, vector<128x512xbf16>
    %dot_general3A = arith.constant dense<0.000000e+00> : vector<2000x512xf32>
    %dot_general3A_24 = tpu.matmul %convert_element_type3A, %get3A_23, %dot_general3A {dimension_numbers = #tpu.dot_dimension_numbers<[1], [0], [0], [1], [0, 0, 1, 1], [], []>, transpose_lhs_hint = false} : vector<2000x128xbf16>, vector<128x512xbf16>, vector<2000x512xf32> -> vector<2000x512xf32>
    %convert_element_type3A_25 = arith.truncf %bitcast_convert_type3A : vector<2000x128xf32> to vector<2000x128xbf16>
    %get3A_26 = arith.constant 0 : index
    %get3A_27 = arith.constant 0 : index
    %get3A_28 = vector.load %arg8[%get3A_26, %get3A_27] : memref<128x512xbf16, #tpu.memory_space<vmem>>, vector<128x512xbf16>
    %dot_general3A_29 = arith.constant dense<0.000000e+00> : vector<2000x512xf32>
    %dot_general3A_30 = tpu.matmul %convert_element_type3A_25, %get3A_28, %dot_general3A_29 {dimension_numbers = #tpu.dot_dimension_numbers<[1], [0], [0], [1], [0, 0, 1, 1], [], []>, transpose_lhs_hint = false} : vector<2000x128xbf16>, vector<128x512xbf16>, vector<2000x512xf32> -> vector<2000x512xf32>
    %add3A = arith.addf %dot_general3A_24, %dot_general3A_30 : vector<2000x512xf32>
    %convert_element_type3A_31 = arith.truncf %bitcast_convert_type3A_10 : vector<2000x128xf32> to vector<2000x128xbf16>
    %get3A_32 = arith.constant 0 : index
    %get3A_33 = arith.constant 0 : index
    %get3A_34 = vector.load %arg9[%get3A_32, %get3A_33] : memref<128x512xbf16, #tpu.memory_space<vmem>>, vector<128x512xbf16>
    %dot_general3A_35 = arith.constant dense<0.000000e+00> : vector<2000x512xf32>
    %dot_general3A_36 = tpu.matmul %convert_element_type3A_31, %get3A_34, %dot_general3A_35 {dimension_numbers = #tpu.dot_dimension_numbers<[1], [0], [0], [1], [0, 0, 1, 1], [], []>, transpose_lhs_hint = false} : vector<2000x128xbf16>, vector<128x512xbf16>, vector<2000x512xf32> -> vector<2000x512xf32>
    %add3A_37 = arith.addf %add3A, %dot_general3A_36 : vector<2000x512xf32>
    %max3A = arith.constant 0.000000e+00 : f32
    %max3A_38 = vector.broadcast %max3A : f32 to vector<2000x512xf32>
    %max3A_39 = arith.maximumf %add3A_37, %max3A_38 : vector<2000x512xf32>
    %convert_element_type3A_40 = arith.truncf %max3A_39 : vector<2000x512xf32> to vector<2000x512xbf16>
    %get3A_41 = arith.constant 0 : index
    %get3A_42 = arith.constant 0 : index
    %get3A_43 = vector.load %arg10[%get3A_41, %get3A_42] : memref<512x16xbf16, #tpu.memory_space<vmem>>, vector<512x16xbf16>
    %dot_general3A_44 = arith.constant dense<0.000000e+00> : vector<2000x16xf32>
    %dot_general3A_45 = tpu.matmul %convert_element_type3A_40, %get3A_43, %dot_general3A_44 {dimension_numbers = #tpu.dot_dimension_numbers<[1], [0], [0], [1], [0, 0, 1, 1], [], []>, transpose_lhs_hint = false} : vector<2000x512xbf16>, vector<512x16xbf16>, vector<2000x16xf32> -> vector<2000x16xf32>
    %slice3A = vector.extract_strided_slice %bitcast_convert_type3A_13 {offsets = [0, 0], sizes = [2000, 64], strides = [1, 1]} : vector<2000x128xf32> to vector<2000x64xf32>
    %slice3A_46 = vector.extract_strided_slice %bitcast_convert_type3A_17 {offsets = [0, 64], sizes = [2000, 64], strides = [1, 1]} : vector<2000x128xf32> to vector<2000x64xf32>
    %add3A_47 = arith.addf %slice3A, %slice3A_46 : vector<2000x64xf32>
    %get3A_48 = arith.constant 0 : index
    %get3A_49 = arith.constant 0 : index
    %get3A_50 = vector.load %arg5[%get3A_48, %get3A_49] : memref<2000x16xf32, #tpu.memory_space<vmem>>, vector<2000x16xf32>
    %get3A_51 = arith.constant 0 : index
    %get3A_52 = arith.constant 0 : index
    %get3A_53 = vector.load %arg11[%get3A_51, %get3A_52] : memref<16x64xf32, #tpu.memory_space<vmem>>, vector<16x64xf32>
    %dot_general3A_54 = arith.constant dense<0.000000e+00> : vector<2000x64xf32>
    %dot_general3A_55 = tpu.matmul %get3A_50, %get3A_53, %dot_general3A_54 {dimension_numbers = #tpu.dot_dimension_numbers<[1], [0], [0], [1], [0, 0, 1, 1], [], []>, transpose_lhs_hint = false} : vector<2000x16xf32>, vector<16x64xf32>, vector<2000x64xf32> -> vector<2000x64xf32>
    %add3A_56 = arith.addf %add3A_47, %dot_general3A_55 : vector<2000x64xf32>
    %max3A_57 = arith.constant 0.000000e+00 : f32
    %max3A_58 = vector.broadcast %max3A_57 : f32 to vector<2000x64xf32>
    %max3A_59 = arith.maximumf %add3A_56, %max3A_58 : vector<2000x64xf32>
    %convert_element_type3A_60 = arith.truncf %max3A_59 : vector<2000x64xf32> to vector<2000x64xbf16>
    %get3A_61 = arith.constant 0 : index
    %get3A_62 = arith.constant 0 : index
    %get3A_63 = vector.load %arg12[%get3A_61, %get3A_62] : memref<64x2048xbf16, #tpu.memory_space<vmem>>, vector<64x2048xbf16>
    %dot_general3A_64 = arith.constant dense<0.000000e+00> : vector<2000x2048xf32>
    %dot_general3A_65 = tpu.matmul %convert_element_type3A_60, %get3A_63, %dot_general3A_64 {dimension_numbers = #tpu.dot_dimension_numbers<[1], [0], [0], [1], [0, 0, 1, 1], [], []>, transpose_lhs_hint = false} : vector<2000x64xbf16>, vector<64x2048xbf16>, vector<2000x2048xf32> -> vector<2000x2048xf32>
    %convert_element_type3A_66 = arith.truncf %dot_general3A_65 : vector<2000x2048xf32> to vector<2000x2048xbf16>
    %convert_element_type3A_67 = arith.truncf %dot_general3A_45 : vector<2000x16xf32> to vector<2000x16xbf16>
    %slice3A_68 = vector.extract_strided_slice %convert_element_type3A_67 {offsets = [0, 0], sizes = [2000, 1], strides = [1, 1]} : vector<2000x16xbf16> to vector<2000x1xbf16>
    %slice3A_69 = vector.extract_strided_slice %convert_element_type3A_66 {offsets = [0, 0], sizes = [2000, 128], strides = [1, 1]} : vector<2000x2048xbf16> to vector<2000x128xbf16>
    %mul3A = vector.broadcast %slice3A_68 : vector<2000x1xbf16> to vector<2000x128xbf16>
    %mul3A_70 = arith.mulf %mul3A, %slice3A_69 : vector<2000x128xbf16>
    %slice3A_71 = vector.extract_strided_slice %convert_element_type3A_67 {offsets = [0, 1], sizes = [2000, 1], strides = [1, 1]} : vector<2000x16xbf16> to vector<2000x1xbf16>
    %slice3A_72 = vector.extract_strided_slice %convert_element_type3A_66 {offsets = [0, 128], sizes = [2000, 128], strides = [1, 1]} : vector<2000x2048xbf16> to vector<2000x128xbf16>
    %mul3A_73 = vector.broadcast %slice3A_71 : vector<2000x1xbf16> to vector<2000x128xbf16>
    %mul3A_74 = arith.mulf %mul3A_73, %slice3A_72 : vector<2000x128xbf16>
    %slice3A_75 = vector.extract_strided_slice %convert_element_type3A_67 {offsets = [0, 2], sizes = [2000, 1], strides = [1, 1]} : vector<2000x16xbf16> to vector<2000x1xbf16>
    %slice3A_76 = vector.extract_strided_slice %convert_element_type3A_66 {offsets = [0, 256], sizes = [2000, 128], strides = [1, 1]} : vector<2000x2048xbf16> to vector<2000x128xbf16>
    %mul3A_77 = vector.broadcast %slice3A_75 : vector<2000x1xbf16> to vector<2000x128xbf16>
    %mul3A_78 = arith.mulf %mul3A_77, %slice3A_76 : vector<2000x128xbf16>
    %slice3A_79 = vector.extract_strided_slice %convert_element_type3A_67 {offsets = [0, 3], sizes = [2000, 1], strides = [1, 1]} : vector<2000x16xbf16> to vector<2000x1xbf16>
    %slice3A_80 = vector.extract_strided_slice %convert_element_type3A_66 {offsets = [0, 384], sizes = [2000, 128], strides = [1, 1]} : vector<2000x2048xbf16> to vector<2000x128xbf16>
    %mul3A_81 = vector.broadcast %slice3A_79 : vector<2000x1xbf16> to vector<2000x128xbf16>
    %mul3A_82 = arith.mulf %mul3A_81, %slice3A_80 : vector<2000x128xbf16>
    %slice3A_83 = vector.extract_strided_slice %convert_element_type3A_67 {offsets = [0, 4], sizes = [2000, 1], strides = [1, 1]} : vector<2000x16xbf16> to vector<2000x1xbf16>
    %slice3A_84 = vector.extract_strided_slice %convert_element_type3A_66 {offsets = [0, 512], sizes = [2000, 128], strides = [1, 1]} : vector<2000x2048xbf16> to vector<2000x128xbf16>
    %mul3A_85 = vector.broadcast %slice3A_83 : vector<2000x1xbf16> to vector<2000x128xbf16>
    %mul3A_86 = arith.mulf %mul3A_85, %slice3A_84 : vector<2000x128xbf16>
    %slice3A_87 = vector.extract_strided_slice %convert_element_type3A_67 {offsets = [0, 5], sizes = [2000, 1], strides = [1, 1]} : vector<2000x16xbf16> to vector<2000x1xbf16>
    %slice3A_88 = vector.extract_strided_slice %convert_element_type3A_66 {offsets = [0, 640], sizes = [2000, 128], strides = [1, 1]} : vector<2000x2048xbf16> to vector<2000x128xbf16>
    %mul3A_89 = vector.broadcast %slice3A_87 : vector<2000x1xbf16> to vector<2000x128xbf16>
    %mul3A_90 = arith.mulf %mul3A_89, %slice3A_88 : vector<2000x128xbf16>
    %slice3A_91 = vector.extract_strided_slice %convert_element_type3A_67 {offsets = [0, 6], sizes = [2000, 1], strides = [1, 1]} : vector<2000x16xbf16> to vector<2000x1xbf16>
    %slice3A_92 = vector.extract_strided_slice %convert_element_type3A_66 {offsets = [0, 768], sizes = [2000, 128], strides = [1, 1]} : vector<2000x2048xbf16> to vector<2000x128xbf16>
    %mul3A_93 = vector.broadcast %slice3A_91 : vector<2000x1xbf16> to vector<2000x128xbf16>
    %mul3A_94 = arith.mulf %mul3A_93, %slice3A_92 : vector<2000x128xbf16>
    %slice3A_95 = vector.extract_strided_slice %convert_element_type3A_67 {offsets = [0, 7], sizes = [2000, 1], strides = [1, 1]} : vector<2000x16xbf16> to vector<2000x1xbf16>
    %slice3A_96 = vector.extract_strided_slice %convert_element_type3A_66 {offsets = [0, 896], sizes = [2000, 128], strides = [1, 1]} : vector<2000x2048xbf16> to vector<2000x128xbf16>
    %mul3A_97 = vector.broadcast %slice3A_95 : vector<2000x1xbf16> to vector<2000x128xbf16>
    %mul3A_98 = arith.mulf %mul3A_97, %slice3A_96 : vector<2000x128xbf16>
    %slice3A_99 = vector.extract_strided_slice %convert_element_type3A_67 {offsets = [0, 8], sizes = [2000, 1], strides = [1, 1]} : vector<2000x16xbf16> to vector<2000x1xbf16>
    %slice3A_100 = vector.extract_strided_slice %convert_element_type3A_66 {offsets = [0, 1024], sizes = [2000, 128], strides = [1, 1]} : vector<2000x2048xbf16> to vector<2000x128xbf16>
    %mul3A_101 = vector.broadcast %slice3A_99 : vector<2000x1xbf16> to vector<2000x128xbf16>
    %mul3A_102 = arith.mulf %mul3A_101, %slice3A_100 : vector<2000x128xbf16>
    %slice3A_103 = vector.extract_strided_slice %convert_element_type3A_67 {offsets = [0, 9], sizes = [2000, 1], strides = [1, 1]} : vector<2000x16xbf16> to vector<2000x1xbf16>
    %slice3A_104 = vector.extract_strided_slice %convert_element_type3A_66 {offsets = [0, 1152], sizes = [2000, 128], strides = [1, 1]} : vector<2000x2048xbf16> to vector<2000x128xbf16>
    %mul3A_105 = vector.broadcast %slice3A_103 : vector<2000x1xbf16> to vector<2000x128xbf16>
    %mul3A_106 = arith.mulf %mul3A_105, %slice3A_104 : vector<2000x128xbf16>
    %slice3A_107 = vector.extract_strided_slice %convert_element_type3A_67 {offsets = [0, 10], sizes = [2000, 1], strides = [1, 1]} : vector<2000x16xbf16> to vector<2000x1xbf16>
    %slice3A_108 = vector.extract_strided_slice %convert_element_type3A_66 {offsets = [0, 1280], sizes = [2000, 128], strides = [1, 1]} : vector<2000x2048xbf16> to vector<2000x128xbf16>
    %mul3A_109 = vector.broadcast %slice3A_107 : vector<2000x1xbf16> to vector<2000x128xbf16>
    %mul3A_110 = arith.mulf %mul3A_109, %slice3A_108 : vector<2000x128xbf16>
    %slice3A_111 = vector.extract_strided_slice %convert_element_type3A_67 {offsets = [0, 11], sizes = [2000, 1], strides = [1, 1]} : vector<2000x16xbf16> to vector<2000x1xbf16>
    %slice3A_112 = vector.extract_strided_slice %convert_element_type3A_66 {offsets = [0, 1408], sizes = [2000, 128], strides = [1, 1]} : vector<2000x2048xbf16> to vector<2000x128xbf16>
    %mul3A_113 = vector.broadcast %slice3A_111 : vector<2000x1xbf16> to vector<2000x128xbf16>
    %mul3A_114 = arith.mulf %mul3A_113, %slice3A_112 : vector<2000x128xbf16>
    %slice3A_115 = vector.extract_strided_slice %convert_element_type3A_67 {offsets = [0, 12], sizes = [2000, 1], strides = [1, 1]} : vector<2000x16xbf16> to vector<2000x1xbf16>
    %slice3A_116 = vector.extract_strided_slice %convert_element_type3A_66 {offsets = [0, 1536], sizes = [2000, 128], strides = [1, 1]} : vector<2000x2048xbf16> to vector<2000x128xbf16>
    %mul3A_117 = vector.broadcast %slice3A_115 : vector<2000x1xbf16> to vector<2000x128xbf16>
    %mul3A_118 = arith.mulf %mul3A_117, %slice3A_116 : vector<2000x128xbf16>
    %slice3A_119 = vector.extract_strided_slice %convert_element_type3A_67 {offsets = [0, 13], sizes = [2000, 1], strides = [1, 1]} : vector<2000x16xbf16> to vector<2000x1xbf16>
    %slice3A_120 = vector.extract_strided_slice %convert_element_type3A_66 {offsets = [0, 1664], sizes = [2000, 128], strides = [1, 1]} : vector<2000x2048xbf16> to vector<2000x128xbf16>
    %mul3A_121 = vector.broadcast %slice3A_119 : vector<2000x1xbf16> to vector<2000x128xbf16>
    %mul3A_122 = arith.mulf %mul3A_121, %slice3A_120 : vector<2000x128xbf16>
    %slice3A_123 = vector.extract_strided_slice %convert_element_type3A_67 {offsets = [0, 14], sizes = [2000, 1], strides = [1, 1]} : vector<2000x16xbf16> to vector<2000x1xbf16>
    %slice3A_124 = vector.extract_strided_slice %convert_element_type3A_66 {offsets = [0, 1792], sizes = [2000, 128], strides = [1, 1]} : vector<2000x2048xbf16> to vector<2000x128xbf16>
    %mul3A_125 = vector.broadcast %slice3A_123 : vector<2000x1xbf16> to vector<2000x128xbf16>
    %mul3A_126 = arith.mulf %mul3A_125, %slice3A_124 : vector<2000x128xbf16>
    %slice3A_127 = vector.extract_strided_slice %convert_element_type3A_67 {offsets = [0, 15], sizes = [2000, 1], strides = [1, 1]} : vector<2000x16xbf16> to vector<2000x1xbf16>
    %slice3A_128 = vector.extract_strided_slice %convert_element_type3A_66 {offsets = [0, 1920], sizes = [2000, 128], strides = [1, 1]} : vector<2000x2048xbf16> to vector<2000x128xbf16>
    %mul3A_129 = vector.broadcast %slice3A_127 : vector<2000x1xbf16> to vector<2000x128xbf16>
    %mul3A_130 = arith.mulf %mul3A_129, %slice3A_128 : vector<2000x128xbf16>
    %add3A_131 = arith.addf %mul3A_70, %mul3A_74 : vector<2000x128xbf16>
    %add3A_132 = arith.addf %mul3A_78, %mul3A_82 : vector<2000x128xbf16>
    %add3A_133 = arith.addf %mul3A_86, %mul3A_90 : vector<2000x128xbf16>
    %add3A_134 = arith.addf %mul3A_94, %mul3A_98 : vector<2000x128xbf16>
    %add3A_135 = arith.addf %mul3A_102, %mul3A_106 : vector<2000x128xbf16>
    %add3A_136 = arith.addf %mul3A_110, %mul3A_114 : vector<2000x128xbf16>
    %add3A_137 = arith.addf %mul3A_118, %mul3A_122 : vector<2000x128xbf16>
    %add3A_138 = arith.addf %mul3A_126, %mul3A_130 : vector<2000x128xbf16>
    %add3A_139 = arith.addf %add3A_131, %add3A_132 : vector<2000x128xbf16>
    %add3A_140 = arith.addf %add3A_133, %add3A_134 : vector<2000x128xbf16>
    %add3A_141 = arith.addf %add3A_135, %add3A_136 : vector<2000x128xbf16>
    %add3A_142 = arith.addf %add3A_137, %add3A_138 : vector<2000x128xbf16>
    %add3A_143 = arith.addf %add3A_139, %add3A_140 : vector<2000x128xbf16>
    %add3A_144 = arith.addf %add3A_141, %add3A_142 : vector<2000x128xbf16>
    %add3A_145 = arith.addf %add3A_143, %add3A_144 : vector<2000x128xbf16>
    %get3A_146 = arith.constant 0 : index
    %get3A_147 = arith.constant 0 : index
    %get3A_148 = vector.load %arg2[%get3A_146, %get3A_147] : memref<2000x128xf32, #tpu.memory_space<vmem>>, vector<2000x128xf32>
    %convert_element_type3A_149 = arith.extf %add3A_145 : vector<2000x128xbf16> to vector<2000x128xf32>
    %add3A_150 = arith.addf %get3A_148, %convert_element_type3A_149 : vector<2000x128xf32>
    %swap3A = arith.constant 0 : index
    %swap3A_151 = arith.constant 0 : index
    %swap3A_152 = vector.load %arg13[%swap3A, %swap3A_151] : memref<2000x128xf32, #tpu.memory_space<vmem>>, vector<2000x128xf32>
    tpu.vector_store %arg13[%swap3A, %swap3A_151], %add3A_150 {strides = array<i32>} : memref<2000x128xf32, #tpu.memory_space<vmem>>, vector<2000x128xf32>,
    %get3A_153 = arith.constant 0 : index
    %get3A_154 = arith.constant 0 : index
    %get3A_155 = vector.load %arg6[%get3A_153, %get3A_154] : memref<2000x1xf32, #tpu.memory_space<vmem>>, vector<2000x1xf32>
    %mul3A_156 = vector.broadcast %get3A_155 : vector<2000x1xf32> to vector<2000x128xf32>
    %mul3A_157 = arith.mulf %add3A_150, %mul3A_156 : vector<2000x128xf32>
    %swap3A_158 = arith.constant 0 : index
    %swap3A_159 = arith.constant 0 : index
    %swap3A_160 = vector.load %arg14[%swap3A_158, %swap3A_159] : memref<2000x128xf32, #tpu.memory_space<vmem>>, vector<2000x128xf32>
    tpu.vector_store %arg14[%swap3A_158, %swap3A_159], %mul3A_157 {strides = array<i32>} : memref<2000x128xf32, #tpu.memory_space<vmem>>, vector<2000x128xf32>,
    return
  }
  func.func @transform_0(%arg0: i32) -> (i32, i32) {
    %c0_i32 = arith.constant 0 : i32
    %c0_i32_0 = arith.constant 0 : i32
    %c0_i32_1 = arith.constant 0 : i32
    return %c0_i32, %c0_i32_0 : i32, i32
  }
  func.func @transform_1(%arg0: i32) -> (i32, i32) {
    %add3A = arith.constant 96 : i32
    %add3A_0 = arith.addi %arg0, %add3A : i32
    %c0_i32 = arith.constant 0 : i32
    %c0_i32_1 = arith.constant 0 : i32
    return %add3A_0, %c0_i32 : i32, i32
  }
  func.func @transform_2(%arg0: i32) -> (i32, i32) {
    %c0_i32 = arith.constant 0 : i32
    %c0_i32_0 = arith.constant 0 : i32
    return %arg0, %c0_i32 : i32, i32
  }
  func.func @transform_3(%arg0: i32) -> (i32, i32) {
    %c0_i32 = arith.constant 0 : i32
    %c0_i32_0 = arith.constant 0 : i32
    return %arg0, %c0_i32 : i32, i32
  }
  func.func @transform_4(%arg0: i32) -> (i32, i32) {
    %add3A = arith.constant 96 : i32
    %add3A_0 = arith.addi %arg0, %add3A : i32
    %c0_i32 = arith.constant 0 : i32
    %c0_i32_1 = arith.constant 0 : i32
    return %add3A_0, %c0_i32 : i32, i32
  }
  func.func @transform_5(%arg0: i32) -> (i32, i32) {
    %add3A = arith.constant 96 : i32
    %add3A_0 = arith.addi %arg0, %add3A : i32
    %c0_i32 = arith.constant 0 : i32
    %c0_i32_1 = arith.constant 0 : i32
    return %add3A_0, %c0_i32 : i32, i32
  }
  func.func @transform_6(%arg0: i32) -> (i32, i32) {
    %c0_i32 = arith.constant 0 : i32
    %c0_i32_0 = arith.constant 0 : i32
    %c0_i32_1 = arith.constant 0 : i32
    return %c0_i32, %c0_i32_0 : i32, i32
  }
  func.func @transform_7(%arg0: i32) -> (i32, i32) {
    %c0_i32 = arith.constant 0 : i32
    %c0_i32_0 = arith.constant 0 : i32
    %c0_i32_1 = arith.constant 0 : i32
    return %c0_i32, %c0_i32_0 : i32, i32
  }
  func.func @transform_8(%arg0: i32) -> (i32, i32) {
    %c0_i32 = arith.constant 0 : i32
    %c0_i32_0 = arith.constant 0 : i32
    %c0_i32_1 = arith.constant 0 : i32
    return %c0_i32, %c0_i32_0 : i32, i32
  }
  func.func @transform_9(%arg0: i32) -> (i32, i32) {
    %c0_i32 = arith.constant 0 : i32
    %c0_i32_0 = arith.constant 0 : i32
    %c0_i32_1 = arith.constant 0 : i32
    return %c0_i32, %c0_i32_0 : i32, i32
  }
  func.func @transform_10(%arg0: i32) -> (i32, i32) {
    %c0_i32 = arith.constant 0 : i32
    %c0_i32_0 = arith.constant 0 : i32
    %c0_i32_1 = arith.constant 0 : i32
    return %c0_i32, %c0_i32_0 : i32, i32
  }
  func.func @transform_11(%arg0: i32) -> (i32, i32) {
    %c0_i32 = arith.constant 0 : i32
    %c0_i32_0 = arith.constant 0 : i32
    %c0_i32_1 = arith.constant 0 : i32
    return %c0_i32, %c0_i32_0 : i32, i32
  }
  func.func @transform_12(%arg0: i32) -> (i32, i32) {
    %add3A = arith.constant 96 : i32
    %add3A_0 = arith.addi %arg0, %add3A : i32
    %c0_i32 = arith.constant 0 : i32
    %c0_i32_1 = arith.constant 0 : i32
    return %add3A_0, %c0_i32 : i32, i32
  }
  func.func @transform_13(%arg0: i32) -> (i32, i32) {
    %c0_i32 = arith.constant 0 : i32
    %c0_i32_0 = arith.constant 0 : i32
    return %arg0, %c0_i32 : i32, i32
  }
}

module attributes {stable_mosaic.version = 14 : i64} {
  func.func @body(%arg0: i32, %arg1: memref<8x128xf32, #tpu.memory_space<vmem>>, %arg2: memref<2000x128xf32, #tpu.memory_space<vmem>>, %arg3: memref<2000x128xi32, #tpu.memory_space<vmem>>, %arg4: memref<2000x128xi32, #tpu.memory_space<vmem>>, %arg5: memref<2000x16xf32, #tpu.memory_space<vmem>>, %arg6: memref<2000x1xf32, #tpu.memory_space<vmem>>, %arg7: memref<128x512xbf16, #tpu.memory_space<vmem>>, %arg8: memref<128x512xbf16, #tpu.memory_space<vmem>>, %arg9: memref<128x512xbf16, #tpu.memory_space<vmem>>, %arg10: memref<512x16xbf16, #tpu.memory_space<vmem>>, %arg11: memref<16x64xf32, #tpu.memory_space<vmem>>, %arg12: memref<64x2048xbf16, #tpu.memory_space<vmem>>, %arg13: memref<2000x128xf32, #tpu.memory_space<vmem>>, %arg14: memref<2000x128xf32, #tpu.memory_space<vmem>>) attributes {dimension_semantics = [#tpu.dimension_semantics<arbitrary>], iteration_bounds = array<i64: 32>, scalar_prefetch = 0 : i64, scratch_operands = 0 : i64, tpu.core_type = #tpu.core_type<tc>, window_params = [{transform_indices = @transform_0, window_bounds = array<i64: 8, 128>}, {transform_indices = @transform_1, window_bounds = array<i64: 2000, 128>}, {transform_indices = @transform_2, window_bounds = array<i64: 2000, 128>}, {transform_indices = @transform_3, window_bounds = array<i64: 2000, 128>}, {transform_indices = @transform_4, window_bounds = array<i64: 2000, 16>}, {transform_indices = @transform_5, window_bounds = array<i64: 2000, 1>}, {pipeline_mode = #tpu.pipeline_mode<synchronous>, transform_indices = @transform_6, window_bounds = array<i64: 128, 512>}, {pipeline_mode = #tpu.pipeline_mode<synchronous>, transform_indices = @transform_7, window_bounds = array<i64: 128, 512>}, {pipeline_mode = #tpu.pipeline_mode<synchronous>, transform_indices = @transform_8, window_bounds = array<i64: 128, 512>}, {pipeline_mode = #tpu.pipeline_mode<synchronous>, transform_indices = @transform_9, window_bounds = array<i64: 512, 16>}, {pipeline_mode = #tpu.pipeline_mode<synchronous>, transform_indices = @transform_10, window_bounds = array<i64: 16, 64>}, {pipeline_mode = #tpu.pipeline_mode<synchronous>, transform_indices = @transform_11, window_bounds = array<i64: 64, 2048>}, {transform_indices = @transform_12, window_bounds = array<i64: 2000, 128>}, {transform_indices = @transform_13, window_bounds = array<i64: 2000, 128>}]} {
    %get3A = arith.constant 0 : index
    %get3A_0 = arith.constant 0 : index
    %get3A_1 = vector.load %arg3[%get3A, %get3A_0] : memref<2000x128xi32, #tpu.memory_space<vmem>>, vector<2000x128xi32>
    %get3A_2 = arith.constant 0 : index
    %get3A_3 = arith.constant 0 : index
    %get3A_4 = vector.load %arg4[%get3A_2, %get3A_3] : memref<2000x128xi32, #tpu.memory_space<vmem>>, vector<2000x128xi32>
    %and3A = arith.constant -65536 : i32
    %and3A_5 = vector.broadcast %and3A : i32 to vector<2000x128xi32>
    %and3A_6 = arith.andi %get3A_1, %and3A_5 : vector<2000x128xi32>
    %bitcast_convert_type3A = tpu.bitcast %and3A_6 : vector<2000x128xi32> -> vector<2000x128xf32>
    %and3A_7 = arith.constant -65536 : i32
    %and3A_8 = vector.broadcast %and3A_7 : i32 to vector<2000x128xi32>
    %and3A_9 = arith.andi %get3A_4, %and3A_8 : vector<2000x128xi32>
    %bitcast_convert_type3A_10 = tpu.bitcast %and3A_9 : vector<2000x128xi32> -> vector<2000x128xf32>
    %shift_left3A = arith.constant 16 : i32
    %shift_left3A_11 = vector.broadcast %shift_left3A : i32 to vector<2000x128xi32>
    %shift_left3A_12 = arith.shli %get3A_1, %shift_left3A_11 : vector<2000x128xi32>
    %bitcast_convert_type3A_13 = tpu.bitcast %shift_left3A_12 : vector<2000x128xi32> -> vector<2000x128xf32>
    %shift_left3A_14 = arith.constant 16 : i32
    %shift_left3A_15 = vector.broadcast %shift_left3A_14 : i32 to vector<2000x128xi32>
    %shift_left3A_16 = arith.shli %get3A_4, %shift_left3A_15 : vector<2000x128xi32>
    %bitcast_convert_type3A_17 = tpu.bitcast %shift_left3A_16 : vector<2000x128xi32> -> vector<2000x128xf32>
    %get3A_18 = arith.constant 0 : index
    %get3A_19 = arith.constant 0 : index
    %get3A_20 = vector.load %arg2[%get3A_18, %get3A_19] : memref<2000x128xf32, #tpu.memory_space<vmem>>, vector<2000x128xf32>
    %convert_element_type3A = arith.truncf %get3A_20 : vector<2000x128xf32> to vector<2000x128xbf16>
    %get3A_21 = arith.constant 0 : index
    %get3A_22 = arith.constant 0 : index
    %get3A_23 = vector.load %arg7[%get3A_21, %get3A_22] : memref<128x512xbf16, #tpu.memory_space<vmem>>, vector<128x512xbf16>
    %dot_general3A = arith.constant dense<0.000000e+00> : vector<2000x512xf32>
    %dot_general3A_24 = tpu.matmul %convert_element_type3A, %get3A_23, %dot_general3A {dimension_numbers = #tpu.dot_dimension_numbers<[1], [0], [0], [1], [0, 0, 1, 1], [], []>, transpose_lhs_hint = false} : vector<2000x128xbf16>, vector<128x512xbf16>, vector<2000x512xf32> -> vector<2000x512xf32>
    %convert_element_type3A_25 = arith.truncf %bitcast_convert_type3A : vector<2000x128xf32> to vector<2000x128xbf16>
    %get3A_26 = arith.constant 0 : index
    %get3A_27 = arith.constant 0 : index
    %get3A_28 = vector.load %arg8[%get3A_26, %get3A_27] : memref<128x512xbf16, #tpu.memory_space<vmem>>, vector<128x512xbf16>
    %dot_general3A_29 = arith.constant dense<0.000000e+00> : vector<2000x512xf32>
    %dot_general3A_30 = tpu.matmul %convert_element_type3A_25, %get3A_28, %dot_general3A_29 {dimension_numbers = #tpu.dot_dimension_numbers<[1], [0], [0], [1], [0, 0, 1, 1], [], []>, transpose_lhs_hint = false} : vector<2000x128xbf16>, vector<128x512xbf16>, vector<2000x512xf32> -> vector<2000x512xf32>
    %add3A = arith.addf %dot_general3A_24, %dot_general3A_30 : vector<2000x512xf32>
    %convert_element_type3A_31 = arith.truncf %bitcast_convert_type3A_10 : vector<2000x128xf32> to vector<2000x128xbf16>
    %get3A_32 = arith.constant 0 : index
    %get3A_33 = arith.constant 0 : index
    %get3A_34 = vector.load %arg9[%get3A_32, %get3A_33] : memref<128x512xbf16, #tpu.memory_space<vmem>>, vector<128x512xbf16>
    %dot_general3A_35 = arith.constant dense<0.000000e+00> : vector<2000x512xf32>
    %dot_general3A_36 = tpu.matmul %convert_element_type3A_31, %get3A_34, %dot_general3A_35 {dimension_numbers = #tpu.dot_dimension_numbers<[1], [0], [0], [1], [0, 0, 1, 1], [], []>, transpose_lhs_hint = false} : vector<2000x128xbf16>, vector<128x512xbf16>, vector<2000x512xf32> -> vector<2000x512xf32>
    %add3A_37 = arith.addf %add3A, %dot_general3A_36 : vector<2000x512xf32>
    %max3A = arith.constant 0.000000e+00 : f32
    %max3A_38 = vector.broadcast %max3A : f32 to vector<2000x512xf32>
    %max3A_39 = arith.maximumf %add3A_37, %max3A_38 : vector<2000x512xf32>
    %convert_element_type3A_40 = arith.truncf %max3A_39 : vector<2000x512xf32> to vector<2000x512xbf16>
    %get3A_41 = arith.constant 0 : index
    %get3A_42 = arith.constant 0 : index
    %get3A_43 = vector.load %arg10[%get3A_41, %get3A_42] : memref<512x16xbf16, #tpu.memory_space<vmem>>, vector<512x16xbf16>
    %dot_general3A_44 = arith.constant dense<0.000000e+00> : vector<2000x16xf32>
    %dot_general3A_45 = tpu.matmul %convert_element_type3A_40, %get3A_43, %dot_general3A_44 {dimension_numbers = #tpu.dot_dimension_numbers<[1], [0], [0], [1], [0, 0, 1, 1], [], []>, transpose_lhs_hint = false} : vector<2000x512xbf16>, vector<512x16xbf16>, vector<2000x16xf32> -> vector<2000x16xf32>
    %slice3A = vector.extract_strided_slice %bitcast_convert_type3A_13 {offsets = [0, 0], sizes = [2000, 64], strides = [1, 1]} : vector<2000x128xf32> to vector<2000x64xf32>
    %slice3A_46 = vector.extract_strided_slice %bitcast_convert_type3A_17 {offsets = [0, 64], sizes = [2000, 64], strides = [1, 1]} : vector<2000x128xf32> to vector<2000x64xf32>
    %add3A_47 = arith.addf %slice3A, %slice3A_46 : vector<2000x64xf32>
    %get3A_48 = arith.constant 0 : index
    %get3A_49 = arith.constant 0 : index
    %get3A_50 = vector.load %arg5[%get3A_48, %get3A_49] : memref<2000x16xf32, #tpu.memory_space<vmem>>, vector<2000x16xf32>
    %get3A_51 = arith.constant 0 : index
    %get3A_52 = arith.constant 0 : index
    %get3A_53 = vector.load %arg11[%get3A_51, %get3A_52] : memref<16x64xf32, #tpu.memory_space<vmem>>, vector<16x64xf32>
    %dot_general3A_54 = arith.constant dense<0.000000e+00> : vector<2000x64xf32>
    %dot_general3A_55 = tpu.matmul %get3A_50, %get3A_53, %dot_general3A_54 {dimension_numbers = #tpu.dot_dimension_numbers<[1], [0], [0], [1], [0, 0, 1, 1], [], []>, transpose_lhs_hint = false} : vector<2000x16xf32>, vector<16x64xf32>, vector<2000x64xf32> -> vector<2000x64xf32>
    %add3A_56 = arith.addf %add3A_47, %dot_general3A_55 : vector<2000x64xf32>
    %max3A_57 = arith.constant 0.000000e+00 : f32
    %max3A_58 = vector.broadcast %max3A_57 : f32 to vector<2000x64xf32>
    %max3A_59 = arith.maximumf %add3A_56, %max3A_58 : vector<2000x64xf32>
    %convert_element_type3A_60 = arith.truncf %max3A_59 : vector<2000x64xf32> to vector<2000x64xbf16>
    %get3A_61 = arith.constant 0 : index
    %get3A_62 = arith.constant 0 : index
    %get3A_63 = vector.load %arg12[%get3A_61, %get3A_62] : memref<64x2048xbf16, #tpu.memory_space<vmem>>, vector<64x2048xbf16>
    %dot_general3A_64 = arith.constant dense<0.000000e+00> : vector<2000x2048xf32>
    %dot_general3A_65 = tpu.matmul %convert_element_type3A_60, %get3A_63, %dot_general3A_64 {dimension_numbers = #tpu.dot_dimension_numbers<[1], [0], [0], [1], [0, 0, 1, 1], [], []>, transpose_lhs_hint = false} : vector<2000x64xbf16>, vector<64x2048xbf16>, vector<2000x2048xf32> -> vector<2000x2048xf32>
    %convert_element_type3A_66 = arith.truncf %dot_general3A_65 : vector<2000x2048xf32> to vector<2000x2048xbf16>
    %convert_element_type3A_67 = arith.truncf %dot_general3A_45 : vector<2000x16xf32> to vector<2000x16xbf16>
    %slice3A_68 = vector.extract_strided_slice %convert_element_type3A_67 {offsets = [0, 0], sizes = [2000, 1], strides = [1, 1]} : vector<2000x16xbf16> to vector<2000x1xbf16>
    %slice3A_69 = vector.extract_strided_slice %convert_element_type3A_66 {offsets = [0, 0], sizes = [2000, 128], strides = [1, 1]} : vector<2000x2048xbf16> to vector<2000x128xbf16>
    %mul3A = vector.broadcast %slice3A_68 : vector<2000x1xbf16> to vector<2000x128xbf16>
    %mul3A_70 = arith.mulf %mul3A, %slice3A_69 : vector<2000x128xbf16>
    %slice3A_71 = vector.extract_strided_slice %convert_element_type3A_67 {offsets = [0, 1], sizes = [2000, 1], strides = [1, 1]} : vector<2000x16xbf16> to vector<2000x1xbf16>
    %slice3A_72 = vector.extract_strided_slice %convert_element_type3A_66 {offsets = [0, 128], sizes = [2000, 128], strides = [1, 1]} : vector<2000x2048xbf16> to vector<2000x128xbf16>
    %mul3A_73 = vector.broadcast %slice3A_71 : vector<2000x1xbf16> to vector<2000x128xbf16>
    %mul3A_74 = arith.mulf %mul3A_73, %slice3A_72 : vector<2000x128xbf16>
    %slice3A_75 = vector.extract_strided_slice %convert_element_type3A_67 {offsets = [0, 2], sizes = [2000, 1], strides = [1, 1]} : vector<2000x16xbf16> to vector<2000x1xbf16>
    %slice3A_76 = vector.extract_strided_slice %convert_element_type3A_66 {offsets = [0, 256], sizes = [2000, 128], strides = [1, 1]} : vector<2000x2048xbf16> to vector<2000x128xbf16>
    %mul3A_77 = vector.broadcast %slice3A_75 : vector<2000x1xbf16> to vector<2000x128xbf16>
    %mul3A_78 = arith.mulf %mul3A_77, %slice3A_76 : vector<2000x128xbf16>
    %slice3A_79 = vector.extract_strided_slice %convert_element_type3A_67 {offsets = [0, 3], sizes = [2000, 1], strides = [1, 1]} : vector<2000x16xbf16> to vector<2000x1xbf16>
    %slice3A_80 = vector.extract_strided_slice %convert_element_type3A_66 {offsets = [0, 384], sizes = [2000, 128], strides = [1, 1]} : vector<2000x2048xbf16> to vector<2000x128xbf16>
    %mul3A_81 = vector.broadcast %slice3A_79 : vector<2000x1xbf16> to vector<2000x128xbf16>
    %mul3A_82 = arith.mulf %mul3A_81, %slice3A_80 : vector<2000x128xbf16>
    %slice3A_83 = vector.extract_strided_slice %convert_element_type3A_67 {offsets = [0, 4], sizes = [2000, 1], strides = [1, 1]} : vector<2000x16xbf16> to vector<2000x1xbf16>
    %slice3A_84 = vector.extract_strided_slice %convert_element_type3A_66 {offsets = [0, 512], sizes = [2000, 128], strides = [1, 1]} : vector<2000x2048xbf16> to vector<2000x128xbf16>
    %mul3A_85 = vector.broadcast %slice3A_83 : vector<2000x1xbf16> to vector<2000x128xbf16>
    %mul3A_86 = arith.mulf %mul3A_85, %slice3A_84 : vector<2000x128xbf16>
    %slice3A_87 = vector.extract_strided_slice %convert_element_type3A_67 {offsets = [0, 5], sizes = [2000, 1], strides = [1, 1]} : vector<2000x16xbf16> to vector<2000x1xbf16>
    %slice3A_88 = vector.extract_strided_slice %convert_element_type3A_66 {offsets = [0, 640], sizes = [2000, 128], strides = [1, 1]} : vector<2000x2048xbf16> to vector<2000x128xbf16>
    %mul3A_89 = vector.broadcast %slice3A_87 : vector<2000x1xbf16> to vector<2000x128xbf16>
    %mul3A_90 = arith.mulf %mul3A_89, %slice3A_88 : vector<2000x128xbf16>
    %slice3A_91 = vector.extract_strided_slice %convert_element_type3A_67 {offsets = [0, 6], sizes = [2000, 1], strides = [1, 1]} : vector<2000x16xbf16> to vector<2000x1xbf16>
    %slice3A_92 = vector.extract_strided_slice %convert_element_type3A_66 {offsets = [0, 768], sizes = [2000, 128], strides = [1, 1]} : vector<2000x2048xbf16> to vector<2000x128xbf16>
    %mul3A_93 = vector.broadcast %slice3A_91 : vector<2000x1xbf16> to vector<2000x128xbf16>
    %mul3A_94 = arith.mulf %mul3A_93, %slice3A_92 : vector<2000x128xbf16>
    %slice3A_95 = vector.extract_strided_slice %convert_element_type3A_67 {offsets = [0, 7], sizes = [2000, 1], strides = [1, 1]} : vector<2000x16xbf16> to vector<2000x1xbf16>
    %slice3A_96 = vector.extract_strided_slice %convert_element_type3A_66 {offsets = [0, 896], sizes = [2000, 128], strides = [1, 1]} : vector<2000x2048xbf16> to vector<2000x128xbf16>
    %mul3A_97 = vector.broadcast %slice3A_95 : vector<2000x1xbf16> to vector<2000x128xbf16>
    %mul3A_98 = arith.mulf %mul3A_97, %slice3A_96 : vector<2000x128xbf16>
    %slice3A_99 = vector.extract_strided_slice %convert_element_type3A_67 {offsets = [0, 8], sizes = [2000, 1], strides = [1, 1]} : vector<2000x16xbf16> to vector<2000x1xbf16>
    %slice3A_100 = vector.extract_strided_slice %convert_element_type3A_66 {offsets = [0, 1024], sizes = [2000, 128], strides = [1, 1]} : vector<2000x2048xbf16> to vector<2000x128xbf16>
    %mul3A_101 = vector.broadcast %slice3A_99 : vector<2000x1xbf16> to vector<2000x128xbf16>
    %mul3A_102 = arith.mulf %mul3A_101, %slice3A_100 : vector<2000x128xbf16>
    %slice3A_103 = vector.extract_strided_slice %convert_element_type3A_67 {offsets = [0, 9], sizes = [2000, 1], strides = [1, 1]} : vector<2000x16xbf16> to vector<2000x1xbf16>
    %slice3A_104 = vector.extract_strided_slice %convert_element_type3A_66 {offsets = [0, 1152], sizes = [2000, 128], strides = [1, 1]} : vector<2000x2048xbf16> to vector<2000x128xbf16>
    %mul3A_105 = vector.broadcast %slice3A_103 : vector<2000x1xbf16> to vector<2000x128xbf16>
    %mul3A_106 = arith.mulf %mul3A_105, %slice3A_104 : vector<2000x128xbf16>
    %slice3A_107 = vector.extract_strided_slice %convert_element_type3A_67 {offsets = [0, 10], sizes = [2000, 1], strides = [1, 1]} : vector<2000x16xbf16> to vector<2000x1xbf16>
    %slice3A_108 = vector.extract_strided_slice %convert_element_type3A_66 {offsets = [0, 1280], sizes = [2000, 128], strides = [1, 1]} : vector<2000x2048xbf16> to vector<2000x128xbf16>
    %mul3A_109 = vector.broadcast %slice3A_107 : vector<2000x1xbf16> to vector<2000x128xbf16>
    %mul3A_110 = arith.mulf %mul3A_109, %slice3A_108 : vector<2000x128xbf16>
    %slice3A_111 = vector.extract_strided_slice %convert_element_type3A_67 {offsets = [0, 11], sizes = [2000, 1], strides = [1, 1]} : vector<2000x16xbf16> to vector<2000x1xbf16>
    %slice3A_112 = vector.extract_strided_slice %convert_element_type3A_66 {offsets = [0, 1408], sizes = [2000, 128], strides = [1, 1]} : vector<2000x2048xbf16> to vector<2000x128xbf16>
    %mul3A_113 = vector.broadcast %slice3A_111 : vector<2000x1xbf16> to vector<2000x128xbf16>
    %mul3A_114 = arith.mulf %mul3A_113, %slice3A_112 : vector<2000x128xbf16>
    %slice3A_115 = vector.extract_strided_slice %convert_element_type3A_67 {offsets = [0, 12], sizes = [2000, 1], strides = [1, 1]} : vector<2000x16xbf16> to vector<2000x1xbf16>
    %slice3A_116 = vector.extract_strided_slice %convert_element_type3A_66 {offsets = [0, 1536], sizes = [2000, 128], strides = [1, 1]} : vector<2000x2048xbf16> to vector<2000x128xbf16>
    %mul3A_117 = vector.broadcast %slice3A_115 : vector<2000x1xbf16> to vector<2000x128xbf16>
    %mul3A_118 = arith.mulf %mul3A_117, %slice3A_116 : vector<2000x128xbf16>
    %slice3A_119 = vector.extract_strided_slice %convert_element_type3A_67 {offsets = [0, 13], sizes = [2000, 1], strides = [1, 1]} : vector<2000x16xbf16> to vector<2000x1xbf16>
    %slice3A_120 = vector.extract_strided_slice %convert_element_type3A_66 {offsets = [0, 1664], sizes = [2000, 128], strides = [1, 1]} : vector<2000x2048xbf16> to vector<2000x128xbf16>
    %mul3A_121 = vector.broadcast %slice3A_119 : vector<2000x1xbf16> to vector<2000x128xbf16>
    %mul3A_122 = arith.mulf %mul3A_121, %slice3A_120 : vector<2000x128xbf16>
    %slice3A_123 = vector.extract_strided_slice %convert_element_type3A_67 {offsets = [0, 14], sizes = [2000, 1], strides = [1, 1]} : vector<2000x16xbf16> to vector<2000x1xbf16>
    %slice3A_124 = vector.extract_strided_slice %convert_element_type3A_66 {offsets = [0, 1792], sizes = [2000, 128], strides = [1, 1]} : vector<2000x2048xbf16> to vector<2000x128xbf16>
    %mul3A_125 = vector.broadcast %slice3A_123 : vector<2000x1xbf16> to vector<2000x128xbf16>
    %mul3A_126 = arith.mulf %mul3A_125, %slice3A_124 : vector<2000x128xbf16>
    %slice3A_127 = vector.extract_strided_slice %convert_element_type3A_67 {offsets = [0, 15], sizes = [2000, 1], strides = [1, 1]} : vector<2000x16xbf16> to vector<2000x1xbf16>
    %slice3A_128 = vector.extract_strided_slice %convert_element_type3A_66 {offsets = [0, 1920], sizes = [2000, 128], strides = [1, 1]} : vector<2000x2048xbf16> to vector<2000x128xbf16>
    %mul3A_129 = vector.broadcast %slice3A_127 : vector<2000x1xbf16> to vector<2000x128xbf16>
    %mul3A_130 = arith.mulf %mul3A_129, %slice3A_128 : vector<2000x128xbf16>
    %add3A_131 = arith.addf %mul3A_70, %mul3A_74 : vector<2000x128xbf16>
    %add3A_132 = arith.addf %mul3A_78, %mul3A_82 : vector<2000x128xbf16>
    %add3A_133 = arith.addf %mul3A_86, %mul3A_90 : vector<2000x128xbf16>
    %add3A_134 = arith.addf %mul3A_94, %mul3A_98 : vector<2000x128xbf16>
    %add3A_135 = arith.addf %mul3A_102, %mul3A_106 : vector<2000x128xbf16>
    %add3A_136 = arith.addf %mul3A_110, %mul3A_114 : vector<2000x128xbf16>
    %add3A_137 = arith.addf %mul3A_118, %mul3A_122 : vector<2000x128xbf16>
    %add3A_138 = arith.addf %mul3A_126, %mul3A_130 : vector<2000x128xbf16>
    %add3A_139 = arith.addf %add3A_131, %add3A_132 : vector<2000x128xbf16>
    %add3A_140 = arith.addf %add3A_133, %add3A_134 : vector<2000x128xbf16>
    %add3A_141 = arith.addf %add3A_135, %add3A_136 : vector<2000x128xbf16>
    %add3A_142 = arith.addf %add3A_137, %add3A_138 : vector<2000x128xbf16>
    %add3A_143 = arith.addf %add3A_139, %add3A_140 : vector<2000x128xbf16>
    %add3A_144 = arith.addf %add3A_141, %add3A_142 : vector<2000x128xbf16>
    %add3A_145 = arith.addf %add3A_143, %add3A_144 : vector<2000x128xbf16>
    %get3A_146 = arith.constant 0 : index
    %get3A_147 = arith.constant 0 : index
    %get3A_148 = vector.load %arg2[%get3A_146, %get3A_147] : memref<2000x128xf32, #tpu.memory_space<vmem>>, vector<2000x128xf32>
    %convert_element_type3A_149 = arith.extf %add3A_145 : vector<2000x128xbf16> to vector<2000x128xf32>
    %add3A_150 = arith.addf %get3A_148, %convert_element_type3A_149 : vector<2000x128xf32>
    %swap3A = arith.constant 0 : index
    %swap3A_151 = arith.constant 0 : index
    %swap3A_152 = vector.load %arg13[%swap3A, %swap3A_151] : memref<2000x128xf32, #tpu.memory_space<vmem>>, vector<2000x128xf32>
    tpu.vector_store %arg13[%swap3A, %swap3A_151], %add3A_150 {strides = array<i32>} : memref<2000x128xf32, #tpu.memory_space<vmem>>, vector<2000x128xf32>,
    %get3A_153 = arith.constant 0 : index
    %get3A_154 = arith.constant 0 : index
    %get3A_155 = vector.load %arg6[%get3A_153, %get3A_154] : memref<2000x1xf32, #tpu.memory_space<vmem>>, vector<2000x1xf32>
    %mul3A_156 = vector.broadcast %get3A_155 : vector<2000x1xf32> to vector<2000x128xf32>
    %mul3A_157 = arith.mulf %add3A_150, %mul3A_156 : vector<2000x128xf32>
    %swap3A_158 = arith.constant 0 : index
    %swap3A_159 = arith.constant 0 : index
    %swap3A_160 = vector.load %arg14[%swap3A_158, %swap3A_159] : memref<2000x128xf32, #tpu.memory_space<vmem>>, vector<2000x128xf32>
    tpu.vector_store %arg14[%swap3A_158, %swap3A_159], %mul3A_157 {strides = array<i32>} : memref<2000x128xf32, #tpu.memory_space<vmem>>, vector<2000x128xf32>,
    return
  }
  func.func @transform_0(%arg0: i32) -> (i32, i32) {
    %c0_i32 = arith.constant 0 : i32
    %c0_i32_0 = arith.constant 0 : i32
    %c0_i32_1 = arith.constant 0 : i32
    return %c0_i32, %c0_i32_0 : i32, i32
  }
  func.func @transform_1(%arg0: i32) -> (i32, i32) {
    %add3A = arith.constant 128 : i32
    %add3A_0 = arith.addi %arg0, %add3A : i32
    %c0_i32 = arith.constant 0 : i32
    %c0_i32_1 = arith.constant 0 : i32
    return %add3A_0, %c0_i32 : i32, i32
  }
  func.func @transform_2(%arg0: i32) -> (i32, i32) {
    %c0_i32 = arith.constant 0 : i32
    %c0_i32_0 = arith.constant 0 : i32
    return %arg0, %c0_i32 : i32, i32
  }
  func.func @transform_3(%arg0: i32) -> (i32, i32) {
    %c0_i32 = arith.constant 0 : i32
    %c0_i32_0 = arith.constant 0 : i32
    return %arg0, %c0_i32 : i32, i32
  }
  func.func @transform_4(%arg0: i32) -> (i32, i32) {
    %add3A = arith.constant 128 : i32
    %add3A_0 = arith.addi %arg0, %add3A : i32
    %c0_i32 = arith.constant 0 : i32
    %c0_i32_1 = arith.constant 0 : i32
    return %add3A_0, %c0_i32 : i32, i32
  }
  func.func @transform_5(%arg0: i32) -> (i32, i32) {
    %add3A = arith.constant 128 : i32
    %add3A_0 = arith.addi %arg0, %add3A : i32
    %c0_i32 = arith.constant 0 : i32
    %c0_i32_1 = arith.constant 0 : i32
    return %add3A_0, %c0_i32 : i32, i32
  }
  func.func @transform_6(%arg0: i32) -> (i32, i32) {
    %c0_i32 = arith.constant 0 : i32
    %c0_i32_0 = arith.constant 0 : i32
    %c0_i32_1 = arith.constant 0 : i32
    return %c0_i32, %c0_i32_0 : i32, i32
  }
  func.func @transform_7(%arg0: i32) -> (i32, i32) {
    %c0_i32 = arith.constant 0 : i32
    %c0_i32_0 = arith.constant 0 : i32
    %c0_i32_1 = arith.constant 0 : i32
    return %c0_i32, %c0_i32_0 : i32, i32
  }
  func.func @transform_8(%arg0: i32) -> (i32, i32) {
    %c0_i32 = arith.constant 0 : i32
    %c0_i32_0 = arith.constant 0 : i32
    %c0_i32_1 = arith.constant 0 : i32
    return %c0_i32, %c0_i32_0 : i32, i32
  }
  func.func @transform_9(%arg0: i32) -> (i32, i32) {
    %c0_i32 = arith.constant 0 : i32
    %c0_i32_0 = arith.constant 0 : i32
    %c0_i32_1 = arith.constant 0 : i32
    return %c0_i32, %c0_i32_0 : i32, i32
  }
  func.func @transform_10(%arg0: i32) -> (i32, i32) {
    %c0_i32 = arith.constant 0 : i32
    %c0_i32_0 = arith.constant 0 : i32
    %c0_i32_1 = arith.constant 0 : i32
    return %c0_i32, %c0_i32_0 : i32, i32
  }
  func.func @transform_11(%arg0: i32) -> (i32, i32) {
    %c0_i32 = arith.constant 0 : i32
    %c0_i32_0 = arith.constant 0 : i32
    %c0_i32_1 = arith.constant 0 : i32
    return %c0_i32, %c0_i32_0 : i32, i32
  }
  func.func @transform_12(%arg0: i32) -> (i32, i32) {
    %add3A = arith.constant 128 : i32
    %add3A_0 = arith.addi %arg0, %add3A : i32
    %c0_i32 = arith.constant 0 : i32
    %c0_i32_1 = arith.constant 0 : i32
    return %add3A_0, %c0_i32 : i32, i32
  }
  func.func @transform_13(%arg0: i32) -> (i32, i32) {
    %c0_i32 = arith.constant 0 : i32
    %c0_i32_0 = arith.constant 0 : i32
    return %arg0, %c0_i32 : i32, i32
  }
}

module attributes {stable_mosaic.version = 14 : i64} {
  func.func @body(%arg0: i32, %arg1: memref<1000x128xf32, #tpu.memory_space<vmem>>, %arg2: memref<2x1000x128xf32, #tpu.memory_space<vmem>>, %arg3: memref<2x1000x128xf32, #tpu.memory_space<vmem>>, %arg4: memref<2x1000x128xf32, #tpu.memory_space<vmem>>, %arg5: memref<2x1000x128xf32, #tpu.memory_space<vmem>>, %arg6: memref<2x1000x128xf32, #tpu.memory_space<vmem>>, %arg7: memref<128x512xf32, #tpu.memory_space<vmem>>, %arg8: memref<128x512xf32, #tpu.memory_space<vmem>>, %arg9: memref<512x128xf32, #tpu.memory_space<vmem>>, %arg10: memref<1000x128xf32, #tpu.memory_space<vmem>>) attributes {dimension_semantics = [#tpu.dimension_semantics<arbitrary>], iteration_bounds = array<i64: 10>, scalar_prefetch = 0 : i64, scratch_operands = 0 : i64, tpu.core_type = #tpu.core_type<tc>, window_params = [{transform_indices = @transform_0, window_bounds = array<i64: 1000, 128>}, {transform_indices = @transform_1, window_bounds = array<i64: 2, 1000, 128>}, {transform_indices = @transform_2, window_bounds = array<i64: 2, 1000, 128>}, {transform_indices = @transform_3, window_bounds = array<i64: 2, 1000, 128>}, {transform_indices = @transform_4, window_bounds = array<i64: 2, 1000, 128>}, {transform_indices = @transform_5, window_bounds = array<i64: 2, 1000, 128>}, {pipeline_mode = #tpu.pipeline_mode<synchronous>, transform_indices = @transform_6, window_bounds = array<i64: 128, 512>}, {pipeline_mode = #tpu.pipeline_mode<synchronous>, transform_indices = @transform_7, window_bounds = array<i64: 128, 512>}, {pipeline_mode = #tpu.pipeline_mode<synchronous>, transform_indices = @transform_8, window_bounds = array<i64: 512, 128>}, {transform_indices = @transform_9, window_bounds = array<i64: 1000, 128>}]} {
    %get3A = arith.constant 0 : index
    %get3A_0 = arith.constant 0 : index
    %get3A_1 = arith.constant 0 : index
    %get3A_2 = vector.load %arg2[%get3A, %get3A_0, %get3A_1] : memref<2x1000x128xf32, #tpu.memory_space<vmem>>, vector<1x1000x128xf32>
    %get3A_3 = vector.shape_cast %get3A_2 : vector<1x1000x128xf32> to vector<1000x128xf32>
    %get3A_4 = arith.constant 1 : index
    %get3A_5 = arith.constant 0 : index
    %get3A_6 = arith.constant 0 : index
    %get3A_7 = vector.load %arg2[%get3A_4, %get3A_5, %get3A_6] : memref<2x1000x128xf32, #tpu.memory_space<vmem>>, vector<1x1000x128xf32>
    %get3A_8 = vector.shape_cast %get3A_7 : vector<1x1000x128xf32> to vector<1000x128xf32>
    %add3A = arith.addf %get3A_3, %get3A_8 : vector<1000x128xf32>
    %get3A_9 = arith.constant 0 : index
    %get3A_10 = arith.constant 0 : index
    %get3A_11 = arith.constant 0 : index
    %get3A_12 = vector.load %arg3[%get3A_9, %get3A_10, %get3A_11] : memref<2x1000x128xf32, #tpu.memory_space<vmem>>, vector<1x1000x128xf32>
    %get3A_13 = vector.shape_cast %get3A_12 : vector<1x1000x128xf32> to vector<1000x128xf32>
    %add3A_14 = arith.addf %add3A, %get3A_13 : vector<1000x128xf32>
    %get3A_15 = arith.constant 1 : index
    %get3A_16 = arith.constant 0 : index
    %get3A_17 = arith.constant 0 : index
    %get3A_18 = vector.load %arg3[%get3A_15, %get3A_16, %get3A_17] : memref<2x1000x128xf32, #tpu.memory_space<vmem>>, vector<1x1000x128xf32>
    %get3A_19 = vector.shape_cast %get3A_18 : vector<1x1000x128xf32> to vector<1000x128xf32>
    %add3A_20 = arith.addf %add3A_14, %get3A_19 : vector<1000x128xf32>
    %get3A_21 = arith.constant 0 : index
    %get3A_22 = arith.constant 0 : index
    %get3A_23 = arith.constant 0 : index
    %get3A_24 = vector.load %arg4[%get3A_21, %get3A_22, %get3A_23] : memref<2x1000x128xf32, #tpu.memory_space<vmem>>, vector<1x1000x128xf32>
    %get3A_25 = vector.shape_cast %get3A_24 : vector<1x1000x128xf32> to vector<1000x128xf32>
    %add3A_26 = arith.addf %add3A_20, %get3A_25 : vector<1000x128xf32>
    %get3A_27 = arith.constant 1 : index
    %get3A_28 = arith.constant 0 : index
    %get3A_29 = arith.constant 0 : index
    %get3A_30 = vector.load %arg4[%get3A_27, %get3A_28, %get3A_29] : memref<2x1000x128xf32, #tpu.memory_space<vmem>>, vector<1x1000x128xf32>
    %get3A_31 = vector.shape_cast %get3A_30 : vector<1x1000x128xf32> to vector<1000x128xf32>
    %add3A_32 = arith.addf %add3A_26, %get3A_31 : vector<1000x128xf32>
    %get3A_33 = arith.constant 0 : index
    %get3A_34 = arith.constant 0 : index
    %get3A_35 = arith.constant 0 : index
    %get3A_36 = vector.load %arg5[%get3A_33, %get3A_34, %get3A_35] : memref<2x1000x128xf32, #tpu.memory_space<vmem>>, vector<1x1000x128xf32>
    %get3A_37 = vector.shape_cast %get3A_36 : vector<1x1000x128xf32> to vector<1000x128xf32>
    %add3A_38 = arith.addf %add3A_32, %get3A_37 : vector<1000x128xf32>
    %get3A_39 = arith.constant 1 : index
    %get3A_40 = arith.constant 0 : index
    %get3A_41 = arith.constant 0 : index
    %get3A_42 = vector.load %arg5[%get3A_39, %get3A_40, %get3A_41] : memref<2x1000x128xf32, #tpu.memory_space<vmem>>, vector<1x1000x128xf32>
    %get3A_43 = vector.shape_cast %get3A_42 : vector<1x1000x128xf32> to vector<1000x128xf32>
    %add3A_44 = arith.addf %add3A_38, %get3A_43 : vector<1000x128xf32>
    %get3A_45 = arith.constant 0 : index
    %get3A_46 = arith.constant 0 : index
    %get3A_47 = arith.constant 0 : index
    %get3A_48 = vector.load %arg6[%get3A_45, %get3A_46, %get3A_47] : memref<2x1000x128xf32, #tpu.memory_space<vmem>>, vector<1x1000x128xf32>
    %get3A_49 = vector.shape_cast %get3A_48 : vector<1x1000x128xf32> to vector<1000x128xf32>
    %add3A_50 = arith.addf %add3A_44, %get3A_49 : vector<1000x128xf32>
    %get3A_51 = arith.constant 1 : index
    %get3A_52 = arith.constant 0 : index
    %get3A_53 = arith.constant 0 : index
    %get3A_54 = vector.load %arg6[%get3A_51, %get3A_52, %get3A_53] : memref<2x1000x128xf32, #tpu.memory_space<vmem>>, vector<1x1000x128xf32>
    %get3A_55 = vector.shape_cast %get3A_54 : vector<1x1000x128xf32> to vector<1000x128xf32>
    %add3A_56 = arith.addf %add3A_50, %get3A_55 : vector<1000x128xf32>
    %get3A_57 = arith.constant 0 : index
    %get3A_58 = arith.constant 0 : index
    %get3A_59 = vector.load %arg1[%get3A_57, %get3A_58] : memref<1000x128xf32, #tpu.memory_space<vmem>>, vector<1000x128xf32>
    %get3A_60 = arith.constant 0 : index
    %get3A_61 = arith.constant 0 : index
    %get3A_62 = vector.load %arg7[%get3A_60, %get3A_61] : memref<128x512xf32, #tpu.memory_space<vmem>>, vector<128x512xf32>
    %dot_general3A = arith.constant dense<0.000000e+00> : vector<1000x512xf32>
    %dot_general3A_63 = tpu.matmul %get3A_59, %get3A_62, %dot_general3A {dimension_numbers = #tpu.dot_dimension_numbers<[1], [0], [0], [1], [0, 0, 1, 1], [], []>, transpose_lhs_hint = false} : vector<1000x128xf32>, vector<128x512xf32>, vector<1000x512xf32> -> vector<1000x512xf32>
    %get3A_64 = arith.constant 0 : index
    %get3A_65 = arith.constant 0 : index
    %get3A_66 = vector.load %arg8[%get3A_64, %get3A_65] : memref<128x512xf32, #tpu.memory_space<vmem>>, vector<128x512xf32>
    %dot_general3A_67 = arith.constant dense<0.000000e+00> : vector<1000x512xf32>
    %dot_general3A_68 = tpu.matmul %add3A_56, %get3A_66, %dot_general3A_67 {dimension_numbers = #tpu.dot_dimension_numbers<[1], [0], [0], [1], [0, 0, 1, 1], [], []>, transpose_lhs_hint = false} : vector<1000x128xf32>, vector<128x512xf32>, vector<1000x512xf32> -> vector<1000x512xf32>
    %add3A_69 = arith.addf %dot_general3A_63, %dot_general3A_68 : vector<1000x512xf32>
    %max3A = arith.constant 0.000000e+00 : f32
    %max3A_70 = vector.broadcast %max3A : f32 to vector<1000x512xf32>
    %max3A_71 = arith.maximumf %add3A_69, %max3A_70 : vector<1000x512xf32>
    %get3A_72 = arith.constant 0 : index
    %get3A_73 = arith.constant 0 : index
    %get3A_74 = vector.load %arg1[%get3A_72, %get3A_73] : memref<1000x128xf32, #tpu.memory_space<vmem>>, vector<1000x128xf32>
    %get3A_75 = arith.constant 0 : index
    %get3A_76 = arith.constant 0 : index
    %get3A_77 = vector.load %arg9[%get3A_75, %get3A_76] : memref<512x128xf32, #tpu.memory_space<vmem>>, vector<512x128xf32>
    %dot_general3A_78 = arith.constant dense<0.000000e+00> : vector<1000x128xf32>
    %dot_general3A_79 = tpu.matmul %max3A_71, %get3A_77, %dot_general3A_78 {dimension_numbers = #tpu.dot_dimension_numbers<[1], [0], [0], [1], [0, 0, 1, 1], [], []>, transpose_lhs_hint = false} : vector<1000x512xf32>, vector<512x128xf32>, vector<1000x128xf32> -> vector<1000x128xf32>
    %add3A_80 = arith.addf %get3A_74, %dot_general3A_79 : vector<1000x128xf32>
    %swap3A = arith.constant 0 : index
    %swap3A_81 = arith.constant 0 : index
    %swap3A_82 = vector.load %arg10[%swap3A, %swap3A_81] : memref<1000x128xf32, #tpu.memory_space<vmem>>, vector<1000x128xf32>
    tpu.vector_store %arg10[%swap3A, %swap3A_81], %add3A_80 {strides = array<i32>} : memref<1000x128xf32, #tpu.memory_space<vmem>>, vector<1000x128xf32>,
    return
  }
  func.func @transform_0(%arg0: i32) -> (i32, i32) {
    %c0_i32 = arith.constant 0 : i32
    %c0_i32_0 = arith.constant 0 : i32
    return %arg0, %c0_i32 : i32, i32
  }
  func.func @transform_1(%arg0: i32) -> (i32, i32, i32) {
    %c0_i32 = arith.constant 0 : i32
    %c0_i32_0 = arith.constant 0 : i32
    %c0_i32_1 = arith.constant 0 : i32
    return %c0_i32, %arg0, %c0_i32_0 : i32, i32, i32
  }
  func.func @transform_2(%arg0: i32) -> (i32, i32, i32) {
    %c0_i32 = arith.constant 0 : i32
    %c0_i32_0 = arith.constant 0 : i32
    %c0_i32_1 = arith.constant 0 : i32
    return %c0_i32, %arg0, %c0_i32_0 : i32, i32, i32
  }
  func.func @transform_3(%arg0: i32) -> (i32, i32, i32) {
    %c0_i32 = arith.constant 0 : i32
    %c0_i32_0 = arith.constant 0 : i32
    %c0_i32_1 = arith.constant 0 : i32
    return %c0_i32, %arg0, %c0_i32_0 : i32, i32, i32
  }
  func.func @transform_4(%arg0: i32) -> (i32, i32, i32) {
    %c0_i32 = arith.constant 0 : i32
    %c0_i32_0 = arith.constant 0 : i32
    %c0_i32_1 = arith.constant 0 : i32
    return %c0_i32, %arg0, %c0_i32_0 : i32, i32, i32
  }
  func.func @transform_5(%arg0: i32) -> (i32, i32, i32) {
    %c0_i32 = arith.constant 0 : i32
    %c0_i32_0 = arith.constant 0 : i32
    %c0_i32_1 = arith.constant 0 : i32
    return %c0_i32, %arg0, %c0_i32_0 : i32, i32, i32
  }
  func.func @transform_6(%arg0: i32) -> (i32, i32) {
    %c0_i32 = arith.constant 0 : i32
    %c0_i32_0 = arith.constant 0 : i32
    %c0_i32_1 = arith.constant 0 : i32
    return %c0_i32, %c0_i32_0 : i32, i32
  }
  func.func @transform_7(%arg0: i32) -> (i32, i32) {
    %c0_i32 = arith.constant 0 : i32
    %c0_i32_0 = arith.constant 0 : i32
    %c0_i32_1 = arith.constant 0 : i32
    return %c0_i32, %c0_i32_0 : i32, i32
  }
  func.func @transform_8(%arg0: i32) -> (i32, i32) {
    %c0_i32 = arith.constant 0 : i32
    %c0_i32_0 = arith.constant 0 : i32
    %c0_i32_1 = arith.constant 0 : i32
    return %c0_i32, %c0_i32_0 : i32, i32
  }
  func.func @transform_9(%arg0: i32) -> (i32, i32) {
    %c0_i32 = arith.constant 0 : i32
    %c0_i32_0 = arith.constant 0 : i32
    return %arg0, %c0_i32 : i32, i32
  }
}

</mosaic_0001>

<sc_bundles>
// kernel: kernel.19.cloned.1.call-start
scs
__scs_entry_jumppad:
0x0: {  	(pc) =	sbr.rel $0x88, $3  }
0x1: {  	(tag) =	ssettag $0x0;
	lr =	simm.s32 $0x1  }
0x2: {  	[smem:$0x3F95] =	sst lr;
	_ =	strace $0xD0000000  }
0x3: {  	_ = 	snop  }
0x4: {  	_ = 	snop  }
0x5: {  	_ = 	snop  }
0x6: {  	_ = 	snop  }
0x7: {  	_ = 	snop  }
__scs_overlays_trampoline_lowered:
0x8: {  	[smem:$0x3FA4] =	sst s0  }
0x9: {  	[smem:$0x3FA5] =	sst s1  }
0xa: {  	[smem:$0x3FA6] =	sst s2  }
0xb: {  	[smem:$0x3FA7] =	sst s3  }
0xc: {  	[smem:$0x3FA8] =	sst s4  }
0xd: {  	[smem:$0x3FA9] =	sst s5  }
0xe: {  	[smem:$0x3FAA] =	sst s6  }
0xf: {  	[smem:$0x3FAB] =	sst s7  }
0x10: {  	[smem:$0x3FAC] =	sst s8  }
0x11: {  	[smem:$0x3FAD] =	sst s9;
	s0 =	simm.s32 @!p0 $0x0  }
0x12: {  	s1 =	sld [smem:$0x3F93];
	s0 =	simm.s32 @p0 $0x1  }
0x13: {  	[smem:$0x3FAE] =	sst s0;
	s0 =	simm.s32 @!p1 $0x0  }
0x14: {  	s2 =	sld [smem:$0x3F92];
	s0 =	simm.s32 @p1 $0x1  }
0x15: {  	[smem:$0x3FAF] =	sst s0;
	s0 =	simm.s32 @!p2 $0x0  }
0x16: {  	s3 =	sld [smem:$0x3FDB];
	s0 =	simm.s32 @p2 $0x1  }
0x17: {  	s4 =	simm.s32 $0x1BF5;
	[smem:$0x3FB1] =	sst s0  }
0x18: {  	s0 =	sld [smem:$0x3F94];
	_ =	swait.ge [sflag:s4], $0x0  }
0x19: {  	s7 =	sld [smem:$0x3F95]  }
0x1a: {  	s8 =	sadd.s32 $0xFFFFE003, lr  }
0x1b: {  	s9 =	sadd.s32 $0xFFFFFEF7, lr;
	s5 =	simm.s32 $0xFFFFFFFF;
	p2 =	slt.u32 s8, $0xFFFFF086  }
0x1c: {  	p1 =	slt.u32 s9, $0xF7A;
	s5 =	simm.s32 @!p2 $0x0  }
0x1d: {  	s5 =	simm.s32 @p1 $0x1;
	p0 =	seq.s32 s7, s2  }
0x1e: {  	s7 =	smul.u32 @!p0 $0xF7A, s2;
	p2 =	seq.s32 @!p0 s5, $0x0  }
0x1f: {  	s9 =	smul.u32 $0xF7A, s1;
	s8 =	simm.s32 @!p0 $0x1BF5;
	p2 =	por !p2, p0  }
0x20: {  	[sflag:s8] =	ssyncset.s32 @!p0 $0xFFFFF086;
	s6 =	sadd.s32 @!p0 s3, s7;
	s7 =	simm.s32 @!p0 $0x108  }
0x21: {  	s3 =	sadd.s32 s3, s9;
	s6 =	sadd.s32 @!p0 $0x88, s6;
	s7 =	simm.s32 @p2 $0x1082  }
0x22: {  	[simem:s7], [sflag:s8] =	dma.local @!p0 [hbm:s6], $0xF7A  }
0x23: {  	s9 =	sor.u32 $0xD0000000, s2;
	s6 =	simm.s32 $0x108;
	_ =	swait.ge @!p0 [sflag:s8], $0x0  }
0x24: {  	s3 =	sadd.s32 $0x88, s3;
	s6 =	simm.s32 @!p1 $0x1082;
	[sflag:s4] =	ssyncset.s32 $0xFFFFF086  }
0x25: {  	[simem:s6], [sflag:s4] =	dma.local [hbm:s3], $0xF7A  }
0x26: {  	[smem:$0x3F95] =	sst s1;
	(tag) =	ssettag s2;
	_ =	strace s9  }
0x27: {  	s1 =	sld [smem:$0x3FA5]  }
0x28: {  	s2 =	sld [smem:$0x3FA6]  }
0x29: {  	s4 =	sld [smem:$0x3FA8]  }
0x2a: {  	p0 =	seq.s32 s5, $0x0;
	s5 =	sld [smem:$0x3FA9]  }
0x2b: {  	s6 =	sld [smem:$0x3FAA]  }
0x2c: {  	s7 =	sld [smem:$0x3FAB]  }
0x2d: {  	s3 =	simm.s32 $0x108;
	s8 =	sld [smem:$0x3FAC]  }
0x2e: {  	s3 =	simm.s32 @!p0 $0x1082;
	s9 =	sld [smem:$0x3FAD]  }
0x2f: {  	lr =	sadd.s32 s0, s3;
	s0 =	sld [smem:$0x3FA4]  }
0x30: {  	s3 =	sld [smem:$0x3FA7]  }
0x31: {  	[smem:$0x3FB0] =	sst s10  }
0x32: {  	s10 =	sld [smem:$0x3FAE];
	_ =	sdelay $0x3  }
0x33: {  	p0 =	seq.s32 s10, $0x1;
	s10 =	sld [smem:$0x3FB0];
	_ =	sdelay $0x3  }
0x34: {  	[smem:$0x3FB0] =	sst s10  }
0x35: {  	s10 =	sld [smem:$0x3FAF];
	_ =	sdelay $0x3  }
0x36: {  	p1 =	seq.s32 s10, $0x1;
	s10 =	sld [smem:$0x3FB0];
	_ =	sdelay $0x3  }
0x37: {  	[smem:$0x3FB0] =	sst s10  }
0x38: {  	s10 =	sld [smem:$0x3FB1]  }
0x39: {  	_ = 	snop;
	(pc) =	sbr.ind lr, $3  }
0x3a: {  	_ = 	snop  }
0x3b: {  	_ = 	snop  }
0x3c: {  	p2 =	seq.s32 s10, $0x1;
	s10 =	sld [smem:$0x3FB0]  }
0x3d: {  	_ =	shalt  }
0x3e: {  	_ =	shalt  }
0x3f: {  	_ =	shalt  }
0x40: {  	_ =	shalt  }
0x41: {  	_ =	shalt  }
0x42: {  	_ =	shalt  }
0x43: {  	_ =	shalt  }
0x44: {  	_ =	shalt  }
0x45: {  	_ =	shalt  }
0x46: {  	_ =	shalt  }
0x47: {  	_ =	shalt  }
0x48: {  	_ =	shalt  }
0x49: {  	_ =	shalt  }
0x4a: {  	_ =	shalt  }
0x4b: {  	_ =	shalt  }
0x4c: {  	_ =	shalt  }
0x4d: {  	_ =	shalt  }
0x4e: {  	_ =	shalt  }
0x4f: {  	_ =	shalt  }
0x50: {  	_ =	shalt  }
0x51: {  	_ =	shalt  }
0x52: {  	_ =	shalt  }
0x53: {  	_ =	shalt  }
0x54: {  	_ =	shalt  }
0x55: {  	_ =	shalt  }
0x56: {  	_ =	shalt  }
0x57: {  	_ =	shalt  }
0x58: {  	_ =	shalt  }
0x59: {  	_ =	shalt  }
0x5a: {  	_ =	shalt  }
0x5b: {  	_ =	shalt  }
0x5c: {  	_ =	shalt  }
0x5d: {  	_ =	shalt  }
0x5e: {  	_ =	shalt  }
0x5f: {  	_ =	shalt  }
0x60: {  	_ =	shalt  }
0x61: {  	_ =	shalt  }
0x62: {  	_ =	shalt  }
0x63: {  	_ =	shalt  }
0x64: {  	_ =	shalt  }
0x65: {  	_ =	shalt  }
0x66: {  	_ =	shalt  }
0x67: {  	_ =	shalt  }
0x68: {  	_ =	shalt  }
0x69: {  	_ =	shalt  }
0x6a: {  	_ =	shalt  }
0x6b: {  	_ =	shalt  }
0x6c: {  	_ =	shalt  }
0x6d: {  	_ =	shalt  }
0x6e: {  	_ =	shalt  }
0x6f: {  	_ =	shalt  }
0x70: {  	_ =	shalt  }
0x71: {  	_ =	shalt  }
0x72: {  	_ =	shalt  }
0x73: {  	_ =	shalt  }
0x74: {  	_ =	shalt  }
0x75: {  	_ =	shalt  }
0x76: {  	_ =	shalt  }
0x77: {  	_ =	shalt  }
0x78: {  	_ =	shalt  }
0x79: {  	_ =	shalt  }
0x7a: {  	_ =	shalt  }
0x7b: {  	_ =	shalt  }
0x7c: {  	_ =	shalt  }
0x7d: {  	_ =	shalt  }
0x7e: {  	_ =	shalt  }
0x7f: {  	_ =	shalt  }
0x80: {  	_ =	shalt  }
0x81: {  	_ =	shalt  }
0x82: {  	_ =	shalt  }
0x83: {  	_ =	shalt  }
0x84: {  	_ =	shalt  }
0x85: {  	_ =	shalt  }
0x86: {  	_ =	shalt  }
0x87: {  	_ =	shalt  }
.Lfunc_end0:
.L_simem_size_0:
called_computation_lowered:
.L_overlay_start_0:
0x88: {  	s2 =	sld [smem:$0x3FD9]  }
0x89: {  	s3 =	sld [smem:$0x3FFE];
	_ =	sdelay $0x1  }
0x8a: {  	s1 =	srdreg.scid  }
0x8b: {  	s0 =	sand.u32 $0x1, s1  }
0x8c: {  	s14 =	sshll.u32 s0, $0xA;
	s2 =	sadd.s32 s3, s2  }
0x8d: {  	s2 =	sadd.s32 s2, s14  }
0x8e: {  	[smem:$0x3FBC] =	sst s2  }
0x8f: {  	_ = 	snop  }
0x90: {  	s2 =	sld [smem:$0x3FD0];
	_ =	sdelay $0x2  }
0x91: {  	s15 =	simm.s32 $0xE;
	s4 =	simm.s32 $0x10  }
0x92: {  	[smem:s4], [sflag:s15] =	dma.local [hbm:s2], $0x1  }
0x93: {  	_ =	swait.eq [sflag:s15], $0x1  }
0x94: {  	[sflag:s15] =	ssyncset.done $0x0  }
0x95: {  	[sflag:s15] =	ssyncadd.s32 $0xFFFFFFFF  }
0x96: {  	s16 =	sld [smem:$0x10];
	(tm) =	ssettm $0x1  }
0x97: {  	s17 =	sld [smem:$0x3FFB];
	_ =	sdelay $0x3  }
0x98: {  	_ =	strace s17  }
0x99: {  	s3 =	sld [smem:$0x3FFC];
	_ =	sdelay $0x3  }
0x9a: {  	_ =	strace s3  }
0x9b: {  	s3 =	sld [smem:$0x3FFD];
	_ =	sdelay $0x3  }
0x9c: {  	_ =	strace s3  }
0x9d: {  	_ =	strace $0x8FFFFFFF  }
0x9e: {  	s18 =	sld [smem:$0x3FDB];
	_ =	sdelay $0x1  }
0x9f: {  	s19 =	simm.s32 $_scs_section_size  }
0xa0: {  	s5 =	simm.s32 $_size__tile_overlayer_lowered;
	s6 =	simm.s32 $_tile_overlayer_lowered  }
0xa1: {  	s22 =	simm.s32 $0x1BFF;
	s21 =	sshll.u32 s6, $0x1;
	s3 =	sadd.s32 s19, s18  }
0xa2: {  	s7 =	simm.s32 $0x0;
	s20 =	sshll.u32 s5, $0x1;
	s5 =	sadd.s32 s21, s3  }
0xa3: {  	[timem:s7], [sflag:s22] =	dma.local [hbm:s5], s20  }
0xa4: {  	_ =	swait.ge [sflag:s22], s20  }
0xa5: {  	s4 =	ssub.s32 $0x0, s20;
	[sflag:s22] =	ssyncset.done $0x0  }
0xa6: {  	[sflag:s22] =	ssyncadd.s32 s4;
	_ =	sdelay $0x1  }
0xa7: {  	s23 =	simm.s32 $0x1B8B  }
0xa8: {  	_ =	swait.ge [sflag:s23], $0x1  }
0xa9: {  	[sflag:s23] =	ssyncset.done $0x0  }
0xaa: {  	s25 =	simm.s32 $0x1B8E;
	s24 =	sld [smem:$0x3FFE];
	[sflag:s23] =	ssyncadd.s32 $0xFFFFFFFF  }
0xab: {  	s26 =	simm.s32 $execute0_lowered;
	[smem:$0x3FD2] =	sst s25  }
0xac: {  	s5 =	sshll.u32 s26, $0x1;
	_ =	strace $0x80000046;
	[dreg:$0x1] =	wrdreg $0xFFFFFFFF  }
0xad: {  	s28 =	simm.s32 $_size_execute0_lowered;
	s3 =	sadd.s32 s3, s5;
	[dreg:$0x0] =	wrdreg $0x0  }
0xae: {  	s5 =	sshll.u32 s28, $0x1;
	[dreg:$0x2] =	wrdreg s3  }
0xaf: {  	[dreg:$0x3] =	wrdreg s5  }
0xb0: {  	[dreg:$0x4] =	wrdreg $0xC0  }
0xb1: {  	_ =	task [dreg:s7], $0x5FFFF  }
0xb2: {  	[dreg:$0x1] =	wrdreg $0xFFFFFFFF  }
0xb3: {  	[dreg:$0x0] =	wrdreg $0x60  }
0xb4: {  	[dreg:$0x2] =	wrdreg s16  }
0xb5: {  	[dreg:$0x3] =	wrdreg s24  }
0xb6: {  	[dreg:$0x4] =	wrdreg $0xA  }
0xb7: {  	_ =	task.clear_ibuf [dreg:s7], $0x5FFFF;
	_ =	strace $0x90000046  }
0xb8: {  	s29 =	simm.s32 $0xA;
	_ =	strace $0x80000048  }
0xb9: {  	_ =	swait.ge [sflag:s29], $0x1  }
0xba: {  	[sflag:s29] =	ssyncadd.s32 $0xFFFFFFFF  }
0xbb: {  	_ =	strace $0x90000048  }
0xbc: {  	_ =	sfence  }
0xbd: {  	s30 =	sld [smem:$0x0];
	_ =	sdelay $0x2  }
0xbe: {  	s31 =	sshll.u32 s1, $0xD;
	s1 =	sshrl.u32 s1, $0x2  }
0xbf: {  	s3 =	sand.u32 $0x4000, s31;
	s1 =	sadd.s32 s1, s30  }
0xc0: {  	s0 =	sor.u32 s3, s0;
	s1 =	sshll.u32 s1, $0x11  }
0xc1: {  	s0 =	sor.u32 s1, s0  }
0xc2: {  	s0 =	sadd.s32 $0x8F2B, s0  }
0xc3: {  	[sflag:s0] =	ssyncadd.remote.s32 $0x1  }
0xc4: {  	_ =	sfence.sel $0xFFFF  }
0xc5: {  	[dreg:$0x0] =	wrdreg $0xFFFFFFFF;
	(pc) =	sbr.abs _section_cstart, $3  }
0xc6: {  	[dreg:$0x1] =	wrdreg $0xFFFFFFFF  }
0xc7: {  	_ =	task.clear_ibuf [dreg:s7], $0x2FFFF;
	_ =	strace $0x9FFFFFFF  }
0xc8: {  	(tm) =	ssettm $0x7FFFFFFF  }
0xc9: {  	_ =	shalt  }
tec
execute0_lowered:
.L_overlay_start_1:
0x0: {  	(tag) =	ssettag $0x1  }
0x1: {  	s2 =	rddreg [dreg:$0x0]  }
0x2: {  	s4 =	rddreg [dreg:$0x1]  }
0x3: {  	s0 =	rddreg [dreg:$0x2]  }
0x4: {  	s5 =	srdreg.scid;
	s1 =	stileid.u32;
	s3 =	simm.s32 $0x0  }
0x5: {  	s11 =	simm.s32 $0x50;
	s12 =	simm.s32 $0x100;
	s6 =	smul.u32 $0xFA0, s1  }
0x6: {  	s13 =	simm.s32 $0x2900;
	s5 =	sand.u32 $0x1, s5;
	s8 =	smul.u32 $0xFA00, s1  }
0x7: {  	s14 =	simm.s32 $0x1;
	s15 =	simm.s32 $0x0;
	s7 =	smul.u32 $0x7D0, s5  }
0x8: {  	[smem:$0x7FF] =	sst s3;
	s29 =	ssub.s32 $0x2, s5;
	s5 =	smul.u32 $0x7D00, s5  }
0x9: {  	_ =	strace $0x80000047;
	s8 =	sadd.s32 s8, s4;
	s9 =	sshrl.u32 s29, $0x1  }
0xa: {  	s6 =	sadd.s32 s7, s6;
	s30 =	ssub.s32 s29, s9;
	s31 =	sadd.s32 s5, s8  }
0xb: {  	s9 =	simm.s32 $0x2;
	s6 =	sshrl.u32 s6, $0x3;
	s5 =	sadd.s32 $0x1A800, s31  }
0xc: {  	s10 =	sadd.s32 s6, s4;
	s4 =	smax.u32 s30, $0x1;
	s6 =	sadd.s32 $0x114800, s31  }
0xd: {  	s7 =	sadd.s32 $0x10A00, s10;
	s8 =	sadd.s32 $0x6C00, s10;
	s10 =	simm.s32 $0x80  }
.LBB2_1:
0xe: {  	s16 =	sadd.s32 $0x0, s8  }
0xf: {  	[tilespmem:s3], [sflag:$0x2] =	stream.linear.gather [hbm4b:s16+s3], $0x50, $0x38;
	[tilespmem:$0x5100] =	vst v63  }
0x10: {  	_ =	swait.ge [sflag:s9], $0x50  }
0x11: {  	[sflag:s9] =	ssyncset.done $0x0  }
0x12: {  	s31 =	sadd.s32 $0x0, s7;
	[sflag:s9] =	ssyncadd.s32 $0xFFFFFFB0  }
0x13: {  	[tilespmem:s10], [sflag:$0x2] =	stream.linear.gather [hbm4b:s31+s3], $0x50, $0x38;
	[tilespmem:$0x5100] =	vst v63  }
0x14: {  	_ =	swait.ge [sflag:s9], $0x50  }
0x15: {  	[sflag:s9] =	ssyncset.done $0x0  }
0x16: {  	[sflag:s9] =	ssyncadd.s32 $0xFFFFFFB0  }
0x17: {  	[tilespmem:s12], [sflag:$0x1] =	stream.indirect.gather [hbm4b:s2+s11], $0x80, s3, s11, $0xb8;
	[tilespmem:$0x5100] =	vst v63  }
0x18: {  	_ = 	snop  }
0x19: {  	[tilespmem:s13], [sflag:$0x1] =	stream.indirect.gather [hbm4b:s2+s11], $0x80, s10, s11, $0xb8;
	[tilespmem:$0x5100] =	vst v63  }
0x1a: {  	_ =	swait.ge [sflag:s14], $0x2800  }
0x1b: {  	[sflag:s14] =	ssyncset.done $0x0  }
0x1c: {  	[sflag:s14] =	ssyncadd.s32 $0xFFFFD800  }
0x1d: {  	_ =	swait.ge [sflag:s14], $0x2800  }
0x1e: {  	[sflag:s14] =	ssyncset.done $0x0  }
0x1f: {  	[sflag:s14] =	ssyncadd.s32 $0xFFFFD800  }
0x20: {  	[hbm4b:s5+s3] =	stream.linear.scatter [tilespmem:s12], [sflag:$0x2], $0x2800, $0x38;
	[tilespmem:$0x5100] =	vst v63  }
0x21: {  	_ =	swait.ge [sflag:s9], $0x2800  }
0x22: {  	[sflag:s9] =	ssyncset.done $0x0  }
0x23: {  	[sflag:s9] =	ssyncadd.s32 $0xFFFFD800  }
0x24: {  	[hbm4b:s6+s3] =	stream.linear.scatter [tilespmem:s13], [sflag:$0x2], $0x2800, $0x38;
	[tilespmem:$0x5100] =	vst v63  }
0x25: {  	s18 =	simm.s32 $0xA;
	s19 =	simm.s32 $0x14;
	_ =	swait.ge [sflag:s9], $0x2800  }
0x26: {  	s17 =	sadd.s32 $0x500, s5;
	s16 =	sadd.s32 $0x500, s6;
	[sflag:s9] =	ssyncset.done $0x0  }
.LBB2_2:
0x27: {  	s20 =	sadd.s32 s18, s8  }
0x28: {  	[sflag:s9] =	ssyncadd.s32 $0xFFFFD800;
	s21 =	smov.u32 s19;
	s22 =	sadd.s32 $0xA, s19  }
0x29: {  	[tilespmem:s3], [sflag:$0x2] =	stream.linear.gather [hbm4b:s20+s3], $0x50, $0x38;
	[tilespmem:$0x5100] =	vst v63  }
0x2a: {  	p0 =	sne.s32 s19, $0xF0;
	_ =	swait.ge [sflag:s9], $0x50  }
0x2b: {  	[sflag:s9] =	ssyncset.done $0x0  }
0x2c: {  	s19 =	sadd.s32 s18, s7;
	s18 =	smov.u32 s21;
	[sflag:s9] =	ssyncadd.s32 $0xFFFFFFB0  }
0x2d: {  	[tilespmem:s10], [sflag:$0x2] =	stream.linear.gather [hbm4b:s19+s3], $0x50, $0x38;
	[tilespmem:$0x5100] =	vst v63  }
0x2e: {  	_ =	swait.ge [sflag:s9], $0x50  }
0x2f: {  	[sflag:s9] =	ssyncset.done $0x0  }
0x30: {  	[sflag:s9] =	ssyncadd.s32 $0xFFFFFFB0  }
0x31: {  	[tilespmem:s12], [sflag:$0x1] =	stream.indirect.gather [hbm4b:s2+s11], $0x80, s3, s11, $0xb8;
	[tilespmem:$0x5100] =	vst v63  }
0x32: {  	_ = 	snop  }
0x33: {  	[tilespmem:s13], [sflag:$0x1] =	stream.indirect.gather [hbm4b:s2+s11], $0x80, s10, s11, $0xb8;
	[tilespmem:$0x5100] =	vst v63  }
0x34: {  	_ =	swait.ge [sflag:s14], $0x2800  }
0x35: {  	[sflag:s14] =	ssyncset.done $0x0  }
0x36: {  	[sflag:s14] =	ssyncadd.s32 $0xFFFFD800  }
0x37: {  	_ =	swait.ge [sflag:s14], $0x2800  }
0x38: {  	[sflag:s14] =	ssyncset.done $0x0  }
0x39: {  	[sflag:s14] =	ssyncadd.s32 $0xFFFFD800  }
0x3a: {  	[hbm4b:s17+s3] =	stream.linear.scatter [tilespmem:s12], [sflag:$0x2], $0x2800, $0x38;
	[tilespmem:$0x5100] =	vst v63  }
0x3b: {  	_ =	swait.ge [sflag:s9], $0x2800  }
.Ltmp0:
0x3c: {  	[sflag:s9] =	ssyncset.done $0x0;
	(pc) =	sbr.rel @p0 .LBB2_2-.Ltmp0, $4  }
0x3d: {  	[sflag:s9] =	ssyncadd.s32 $0xFFFFD800  }
0x3e: {  	[hbm4b:s16+s3] =	stream.linear.scatter [tilespmem:s13], [sflag:$0x2], $0x2800, $0x38;
	[tilespmem:$0x5100] =	vst v63  }
0x3f: {  	s19 =	smov.u32 s22;
	_ =	swait.ge [sflag:s9], $0x2800  }
0x40: {  	s17 =	sadd.s32 $0x500, s17;
	s16 =	sadd.s32 $0x500, s16;
	[sflag:s9] =	ssyncset.done $0x0  }
0x41: {  	s19 =	sadd.s32 s18, s8;
	[sflag:s9] =	ssyncadd.s32 $0xFFFFD800  }
0x42: {  	[tilespmem:s3], [sflag:$0x2] =	stream.linear.gather [hbm4b:s19+s3], $0x50, $0x38;
	[tilespmem:$0x5100] =	vst v63  }
0x43: {  	_ =	swait.ge [sflag:s9], $0x50  }
0x44: {  	[sflag:s9] =	ssyncset.done $0x0  }
0x45: {  	s31 =	sadd.s32 s18, s7;
	[sflag:s9] =	ssyncadd.s32 $0xFFFFFFB0  }
0x46: {  	[tilespmem:s10], [sflag:$0x2] =	stream.linear.gather [hbm4b:s31+s3], $0x50, $0x38;
	[tilespmem:$0x5100] =	vst v63  }
0x47: {  	_ =	swait.ge [sflag:s9], $0x50  }
0x48: {  	[sflag:s9] =	ssyncset.done $0x0  }
0x49: {  	[sflag:s9] =	ssyncadd.s32 $0xFFFFFFB0  }
0x4a: {  	[tilespmem:s12], [sflag:$0x1] =	stream.indirect.gather [hbm4b:s2+s11], $0x80, s3, s11, $0xb8;
	[tilespmem:$0x5100] =	vst v63  }
0x4b: {  	_ = 	snop  }
0x4c: {  	[tilespmem:s13], [sflag:$0x1] =	stream.indirect.gather [hbm4b:s2+s11], $0x80, s10, s11, $0xb8;
	[tilespmem:$0x5100] =	vst v63  }
0x4d: {  	_ =	swait.ge [sflag:s14], $0x2800  }
0x4e: {  	[sflag:s14] =	ssyncset.done $0x0  }
0x4f: {  	[sflag:s14] =	ssyncadd.s32 $0xFFFFD800  }
0x50: {  	_ =	swait.ge [sflag:s14], $0x2800  }
0x51: {  	[sflag:s14] =	ssyncset.done $0x0  }
0x52: {  	[sflag:s14] =	ssyncadd.s32 $0xFFFFD800  }
0x53: {  	[hbm4b:s17+s3] =	stream.linear.scatter [tilespmem:s12], [sflag:$0x2], $0x2800, $0x38;
	[tilespmem:$0x5100] =	vst v63  }
0x54: {  	s15 =	sadd.s32 $0x1, s15;
	_ =	swait.ge [sflag:s9], $0x2800  }
0x55: {  	p0 =	sne.s32 s15, s4;
	[sflag:s9] =	ssyncset.done $0x0  }
.Ltmp1:
0x56: {  	[sflag:s9] =	ssyncadd.s32 $0xFFFFD800;
	(pc) =	sbr.rel @p0 .LBB2_1-.Ltmp1, $4  }
0x57: {  	[hbm4b:s16+s3] =	stream.linear.scatter [tilespmem:s13], [sflag:$0x2], $0x2800, $0x38;
	[tilespmem:$0x5100] =	vst v63  }
0x58: {  	_ =	swait.ge [sflag:s9], $0x2800  }
0x59: {  	[sflag:s9] =	ssyncset.done $0x0  }
0x5a: {  	[sflag:s9] =	ssyncadd.s32 $0xFFFFD800  }
0x5b: {  	_ =	sfence.sel $0x180000  }
0x5c: {  	[bflag:$0x0] =	sbarrier.arrive $0xFFFF  }
0x5d: {  	p0 =	sne.s32 s1, $0x0;
	_ =	strace $0x90000047  }
0x5e: {  	s0 =	sadd.s32 @!p0 $0x100000, s0;
	[bflag:$0x2] =	sbarrier.arrive $0xFFFF  }
0x5f: {  	[sflag:s0] =	ssyncadd.tile.s32 @!p0 $0x1;
	_ =	shalt  }
.Lfunc_end2:
_tile_overlayer_lowered:
.L_overlay_start_2:
0x60: {  	(tag) =	ssettag $0x2  }
0x61: {  	s0 =	rddreg [dreg:$0x0];
	s2 =	stileid.u32  }
0x62: {  	s1 =	rddreg [dreg:$0x1];
	p0 =	sne.s32 s2, $0x0  }
0x63: {  	s3 =	rddreg [dreg:$0x2];
	[bflag:$0x3] =	sbarrier.arrive $0xFFFF;
	s2 =	simm.s32 @!p0 $0x1C02  }
0x64: {  	[timem:s3], [sflag:s2] =	dma.local @!p0 [hbm:s0], s1  }
0x65: {  	s0 =	simm.s32 @!p0 $0x2  }
0x66: {  	_ =	swait.ge @!p0 [sflag:s0], s1  }
0x67: {  	s1 =	ssub.s32 @!p0 $0x0, s1;
	[sflag:s0] =	ssyncset.done @!p0 $0x0  }
0x68: {  	[sflag:s0] =	ssyncadd.s32 @!p0 s1  }
0x69: {  	[bflag:$0x3] =	sbarrier.arrive $0xFFFF  }
0x6a: {  	_ =	shalt  }

// kernel: kernel.22.cloned.1.call-start
scs
__scs_entry_jumppad:
0x0: {  	(pc) =	sbr.rel $0x88, $3  }
0x1: {  	(tag) =	ssettag $0x0;
	lr =	simm.s32 $0x1  }
0x2: {  	[smem:$0x3F95] =	sst lr;
	_ =	strace $0xD0000000  }
0x3: {  	_ = 	snop  }
0x4: {  	_ = 	snop  }
0x5: {  	_ = 	snop  }
0x6: {  	_ = 	snop  }
0x7: {  	_ = 	snop  }
__scs_overlays_trampoline_lowered:
0x8: {  	[smem:$0x3FA4] =	sst s0  }
0x9: {  	[smem:$0x3FA5] =	sst s1  }
0xa: {  	[smem:$0x3FA6] =	sst s2  }
0xb: {  	[smem:$0x3FA7] =	sst s3  }
0xc: {  	[smem:$0x3FA8] =	sst s4  }
0xd: {  	[smem:$0x3FA9] =	sst s5  }
0xe: {  	[smem:$0x3FAA] =	sst s6  }
0xf: {  	[smem:$0x3FAB] =	sst s7  }
0x10: {  	[smem:$0x3FAC] =	sst s8  }
0x11: {  	[smem:$0x3FAD] =	sst s9;
	s0 =	simm.s32 @!p0 $0x0  }
0x12: {  	s1 =	sld [smem:$0x3F93];
	s0 =	simm.s32 @p0 $0x1  }
0x13: {  	[smem:$0x3FAE] =	sst s0;
	s0 =	simm.s32 @!p1 $0x0  }
0x14: {  	s2 =	sld [smem:$0x3F92];
	s0 =	simm.s32 @p1 $0x1  }
0x15: {  	[smem:$0x3FAF] =	sst s0;
	s0 =	simm.s32 @!p2 $0x0  }
0x16: {  	s3 =	sld [smem:$0x3FDB];
	s0 =	simm.s32 @p2 $0x1  }
0x17: {  	s4 =	simm.s32 $0x1BF5;
	[smem:$0x3FB1] =	sst s0  }
0x18: {  	s0 =	sld [smem:$0x3F94];
	_ =	swait.ge [sflag:s4], $0x0  }
0x19: {  	s7 =	sld [smem:$0x3F95]  }
0x1a: {  	s8 =	sadd.s32 $0xFFFFE003, lr  }
0x1b: {  	s9 =	sadd.s32 $0xFFFFFEF7, lr;
	s5 =	simm.s32 $0xFFFFFFFF;
	p2 =	slt.u32 s8, $0xFFFFF086  }
0x1c: {  	p1 =	slt.u32 s9, $0xF7A;
	s5 =	simm.s32 @!p2 $0x0  }
0x1d: {  	s5 =	simm.s32 @p1 $0x1;
	p0 =	seq.s32 s7, s2  }
0x1e: {  	s7 =	smul.u32 @!p0 $0xF7A, s2;
	p2 =	seq.s32 @!p0 s5, $0x0  }
0x1f: {  	s9 =	smul.u32 $0xF7A, s1;
	s8 =	simm.s32 @!p0 $0x1BF5;
	p2 =	por !p2, p0  }
0x20: {  	[sflag:s8] =	ssyncset.s32 @!p0 $0xFFFFF086;
	s6 =	sadd.s32 @!p0 s3, s7;
	s7 =	simm.s32 @!p0 $0x108  }
0x21: {  	s3 =	sadd.s32 s3, s9;
	s6 =	sadd.s32 @!p0 $0x88, s6;
	s7 =	simm.s32 @p2 $0x1082  }
0x22: {  	[simem:s7], [sflag:s8] =	dma.local @!p0 [hbm:s6], $0xF7A  }
0x23: {  	s9 =	sor.u32 $0xD0000000, s2;
	s6 =	simm.s32 $0x108;
	_ =	swait.ge @!p0 [sflag:s8], $0x0  }
0x24: {  	s3 =	sadd.s32 $0x88, s3;
	s6 =	simm.s32 @!p1 $0x1082;
	[sflag:s4] =	ssyncset.s32 $0xFFFFF086  }
0x25: {  	[simem:s6], [sflag:s4] =	dma.local [hbm:s3], $0xF7A  }
0x26: {  	[smem:$0x3F95] =	sst s1;
	(tag) =	ssettag s2;
	_ =	strace s9  }
0x27: {  	s1 =	sld [smem:$0x3FA5]  }
0x28: {  	s2 =	sld [smem:$0x3FA6]  }
0x29: {  	s4 =	sld [smem:$0x3FA8]  }
0x2a: {  	p0 =	seq.s32 s5, $0x0;
	s5 =	sld [smem:$0x3FA9]  }
0x2b: {  	s6 =	sld [smem:$0x3FAA]  }
0x2c: {  	s7 =	sld [smem:$0x3FAB]  }
0x2d: {  	s3 =	simm.s32 $0x108;
	s8 =	sld [smem:$0x3FAC]  }
0x2e: {  	s3 =	simm.s32 @!p0 $0x1082;
	s9 =	sld [smem:$0x3FAD]  }
0x2f: {  	lr =	sadd.s32 s0, s3;
	s0 =	sld [smem:$0x3FA4]  }
0x30: {  	s3 =	sld [smem:$0x3FA7]  }
0x31: {  	[smem:$0x3FB0] =	sst s10  }
0x32: {  	s10 =	sld [smem:$0x3FAE];
	_ =	sdelay $0x3  }
0x33: {  	p0 =	seq.s32 s10, $0x1;
	s10 =	sld [smem:$0x3FB0];
	_ =	sdelay $0x3  }
0x34: {  	[smem:$0x3FB0] =	sst s10  }
0x35: {  	s10 =	sld [smem:$0x3FAF];
	_ =	sdelay $0x3  }
0x36: {  	p1 =	seq.s32 s10, $0x1;
	s10 =	sld [smem:$0x3FB0];
	_ =	sdelay $0x3  }
0x37: {  	[smem:$0x3FB0] =	sst s10  }
0x38: {  	s10 =	sld [smem:$0x3FB1]  }
0x39: {  	_ = 	snop;
	(pc) =	sbr.ind lr, $3  }
0x3a: {  	_ = 	snop  }
0x3b: {  	_ = 	snop  }
0x3c: {  	p2 =	seq.s32 s10, $0x1;
	s10 =	sld [smem:$0x3FB0]  }
0x3d: {  	_ =	shalt  }
0x3e: {  	_ =	shalt  }
0x3f: {  	_ =	shalt  }
0x40: {  	_ =	shalt  }
0x41: {  	_ =	shalt  }
0x42: {  	_ =	shalt  }
0x43: {  	_ =	shalt  }
0x44: {  	_ =	shalt  }
0x45: {  	_ =	shalt  }
0x46: {  	_ =	shalt  }
0x47: {  	_ =	shalt  }
0x48: {  	_ =	shalt  }
0x49: {  	_ =	shalt  }
0x4a: {  	_ =	shalt  }
0x4b: {  	_ =	shalt  }
0x4c: {  	_ =	shalt  }
0x4d: {  	_ =	shalt  }
0x4e: {  	_ =	shalt  }
0x4f: {  	_ =	shalt  }
0x50: {  	_ =	shalt  }
0x51: {  	_ =	shalt  }
0x52: {  	_ =	shalt  }
0x53: {  	_ =	shalt  }
0x54: {  	_ =	shalt  }
0x55: {  	_ =	shalt  }
0x56: {  	_ =	shalt  }
0x57: {  	_ =	shalt  }
0x58: {  	_ =	shalt  }
0x59: {  	_ =	shalt  }
0x5a: {  	_ =	shalt  }
0x5b: {  	_ =	shalt  }
0x5c: {  	_ =	shalt  }
0x5d: {  	_ =	shalt  }
0x5e: {  	_ =	shalt  }
0x5f: {  	_ =	shalt  }
0x60: {  	_ =	shalt  }
0x61: {  	_ =	shalt  }
0x62: {  	_ =	shalt  }
0x63: {  	_ =	shalt  }
0x64: {  	_ =	shalt  }
0x65: {  	_ =	shalt  }
0x66: {  	_ =	shalt  }
0x67: {  	_ =	shalt  }
0x68: {  	_ =	shalt  }
0x69: {  	_ =	shalt  }
0x6a: {  	_ =	shalt  }
0x6b: {  	_ =	shalt  }
0x6c: {  	_ =	shalt  }
0x6d: {  	_ =	shalt  }
0x6e: {  	_ =	shalt  }
0x6f: {  	_ =	shalt  }
0x70: {  	_ =	shalt  }
0x71: {  	_ =	shalt  }
0x72: {  	_ =	shalt  }
0x73: {  	_ =	shalt  }
0x74: {  	_ =	shalt  }
0x75: {  	_ =	shalt  }
0x76: {  	_ =	shalt  }
0x77: {  	_ =	shalt  }
0x78: {  	_ =	shalt  }
0x79: {  	_ =	shalt  }
0x7a: {  	_ =	shalt  }
0x7b: {  	_ =	shalt  }
0x7c: {  	_ =	shalt  }
0x7d: {  	_ =	shalt  }
0x7e: {  	_ =	shalt  }
0x7f: {  	_ =	shalt  }
0x80: {  	_ =	shalt  }
0x81: {  	_ =	shalt  }
0x82: {  	_ =	shalt  }
0x83: {  	_ =	shalt  }
0x84: {  	_ =	shalt  }
0x85: {  	_ =	shalt  }
0x86: {  	_ =	shalt  }
0x87: {  	_ =	shalt  }
.Lfunc_end0:
.L_simem_size_0:
called_computation.1_lowered:
.L_overlay_start_0:
0x88: {  	s2 =	sld [smem:$0x3FD9]  }
0x89: {  	s3 =	sld [smem:$0x3FFE];
	_ =	sdelay $0x1  }
0x8a: {  	s1 =	srdreg.scid  }
0x8b: {  	s0 =	sand.u32 $0x1, s1  }
0x8c: {  	s15 =	sshll.u32 s0, $0xA;
	s2 =	sadd.s32 s3, s2  }
0x8d: {  	s2 =	sadd.s32 s2, s15  }
0x8e: {  	[smem:$0x3FBC] =	sst s2  }
0x8f: {  	_ = 	snop  }
0x90: {  	s2 =	sld [smem:$0x3FD0];
	_ =	sdelay $0x2  }
0x91: {  	s16 =	simm.s32 $0xE;
	s4 =	simm.s32 $0x10  }
0x92: {  	[smem:s4], [sflag:s16] =	dma.local [hbm:s2], $0x1  }
0x93: {  	_ =	swait.eq [sflag:s16], $0x1  }
0x94: {  	[sflag:s16] =	ssyncset.done $0x0  }
0x95: {  	[sflag:s16] =	ssyncadd.s32 $0xFFFFFFFF  }
0x96: {  	s17 =	sld [smem:$0x10];
	(tm) =	ssettm $0x1  }
0x97: {  	s18 =	sld [smem:$0x3FFB];
	_ =	sdelay $0x3  }
0x98: {  	_ =	strace s18  }
0x99: {  	s2 =	sld [smem:$0x3FFC];
	_ =	sdelay $0x3  }
0x9a: {  	_ =	strace s2  }
0x9b: {  	s2 =	sld [smem:$0x3FFD];
	_ =	sdelay $0x3  }
0x9c: {  	_ =	strace s2  }
0x9d: {  	_ =	strace $0x8FFFFFFF  }
0x9e: {  	s19 =	sld [smem:$0x3FDB];
	_ =	sdelay $0x1  }
0x9f: {  	s20 =	simm.s32 $_scs_section_size  }
0xa0: {  	s5 =	simm.s32 $_size__tile_overlayer_lowered;
	s6 =	simm.s32 $_tile_overlayer_lowered  }
0xa1: {  	s7 =	simm.s32 $0x1BFF;
	s21 =	sshll.u32 s6, $0x1;
	s4 =	sadd.s32 s20, s19  }
0xa2: {  	s22 =	simm.s32 $0x0;
	s5 =	sshll.u32 s5, $0x1;
	s6 =	sadd.s32 s21, s4  }
0xa3: {  	[timem:s22], [sflag:s7] =	dma.local [hbm:s6], s5  }
0xa4: {  	_ =	swait.ge [sflag:s7], s5  }
0xa5: {  	s5 =	ssub.s32 $0x0, s5;
	[sflag:s7] =	ssyncset.done $0x0  }
0xa6: {  	[sflag:s7] =	ssyncadd.s32 s5;
	_ =	sdelay $0x1  }
0xa7: {  	s23 =	simm.s32 $0x1B8B  }
0xa8: {  	_ =	swait.ge [sflag:s23], $0x1  }
0xa9: {  	[sflag:s23] =	ssyncset.done $0x0  }
0xaa: {  	[sflag:s23] =	ssyncadd.s32 $0xFFFFFFFF  }
0xab: {  	s5 =	sld [smem:$0x0]  }
0xac: {  	s6 =	sand.u32 $0xFFFFFFFE, s1  }
0xad: {  	p0 =	sne.s32 s1, s6  }
0xae: {  	s6 =	sshll.u32 @p0 s6, $0xE  }
0xaf: {  	s6 =	sadd.s32 @p0 $0x11B8D, s6;
	s7 =	sshll.u32 @p0 s5, $0x11  }
0xb0: {  	s6 =	sor.u32 @p0 s7, s6  }
0xb1: {  	[sflag:s6] =	ssyncadd.remote.s32 @p0 $0x1;
	_ =	sdelay $0x1  }
0xb2: {  	s6 =	simm.s32 @p0 $0x1B8D  }
0xb3: {  	_ =	swait.eq @p0 [sflag:s6], $0x1  }
0xb4: {  	[sflag:s6] =	ssyncadd.s32 @p0 $0xFFFFFFFF  }
0xb5: {  	s7 =	sshll.u32 @!p0 s1, $0xE  }
0xb6: {  	s7 =	sor.u32 @!p0 $0x4000, s7;
	s6 =	simm.s32 @!p0 $0x1B8D  }
0xb7: {  	s5 =	sshll.u32 @!p0 s5, $0x11;
	s7 =	sadd.s32 @!p0 $0x11B8D, s7;
	_ =	swait.eq @!p0 [sflag:s6], $0x1  }
0xb8: {  	s5 =	sor.u32 @!p0 s5, s7;
	[sflag:s6] =	ssyncadd.s32 @!p0 $0xFFFFFFFF  }
0xb9: {  	s25 =	simm.s32 $0x1B8E;
	s24 =	sld [smem:$0x3FFE];
	[sflag:s5] =	ssyncadd.remote.s32 @!p0 $0x1  }
0xba: {  	s26 =	simm.s32 $execute0_lowered;
	[smem:$0x3FD2] =	sst s25  }
0xbb: {  	s6 =	sshll.u32 s26, $0x1;
	_ =	strace $0x80000049;
	[dreg:$0x1] =	wrdreg $0xFFFFFFFF  }
0xbc: {  	s28 =	simm.s32 $_size_execute0_lowered;
	s4 =	sadd.s32 s4, s6;
	[dreg:$0x0] =	wrdreg $0x0  }
0xbd: {  	s6 =	sshll.u32 s28, $0x1;
	[dreg:$0x2] =	wrdreg s4  }
0xbe: {  	[dreg:$0x3] =	wrdreg s6  }
0xbf: {  	[dreg:$0x4] =	wrdreg $0xC0  }
0xc0: {  	_ =	task [dreg:s22], $0x5FFFF  }
0xc1: {  	[dreg:$0x1] =	wrdreg $0xFFFFFFFF  }
0xc2: {  	[dreg:$0x0] =	wrdreg $0x60  }
0xc3: {  	[dreg:$0x2] =	wrdreg s17  }
0xc4: {  	[dreg:$0x3] =	wrdreg s24  }
0xc5: {  	[dreg:$0x4] =	wrdreg $0xC  }
0xc6: {  	_ =	task.clear_ibuf [dreg:s22], $0x5FFFF;
	_ =	strace $0x90000049  }
0xc7: {  	s29 =	simm.s32 $0xC;
	_ =	strace $0x8000004B  }
0xc8: {  	_ =	swait.ge [sflag:s29], $0x1  }
0xc9: {  	[sflag:s29] =	ssyncadd.s32 $0xFFFFFFFF  }
0xca: {  	_ =	strace $0x9000004B  }
0xcb: {  	_ =	sfence  }
0xcc: {  	s30 =	sld [smem:$0x0];
	_ =	sdelay $0x2  }
0xcd: {  	s31 =	sshll.u32 s1, $0xD;
	s1 =	sshrl.u32 s1, $0x2  }
0xce: {  	s4 =	sand.u32 $0x4000, s31;
	s1 =	sadd.s32 s1, s30  }
0xcf: {  	s0 =	sor.u32 s4, s0;
	s1 =	sshll.u32 s1, $0x11  }
0xd0: {  	s0 =	sor.u32 s1, s0  }
0xd1: {  	s0 =	sadd.s32 $0x8F2B, s0  }
0xd2: {  	[sflag:s0] =	ssyncadd.remote.s32 $0x1  }
0xd3: {  	_ =	sfence.sel $0xFFFF  }
0xd4: {  	[dreg:$0x0] =	wrdreg $0xFFFFFFFF;
	(pc) =	sbr.abs _section_cstart, $3  }
0xd5: {  	[dreg:$0x1] =	wrdreg $0xFFFFFFFF  }
0xd6: {  	_ =	task.clear_ibuf [dreg:s22], $0x2FFFF;
	_ =	strace $0x9FFFFFFF  }
0xd7: {  	(tm) =	ssettm $0x7FFFFFFF  }
tec
execute0_lowered:
.L_overlay_start_1:
0x0: {  	(tag) =	ssettag $0x1  }
0x1: {  	s2 =	rddreg [dreg:$0x0];
	s1 =	srdreg.scid  }
0x2: {  	s0 =	stileid.u32;
	s4 =	rddreg [dreg:$0x1]  }
0x3: {  	s3 =	simm.s32 $0x0;
	s11 =	simm.s32 $0x50;
	s12 =	simm.s32 $0x100  }
0x4: {  	s13 =	simm.s32 $0x2900;
	s14 =	simm.s32 $0x1;
	s6 =	smul.u32 $0xFA0, s0  }
0x5: {  	s5 =	sand.u32 $0x1, s1;
	s1 =	rddreg [dreg:$0x2];
	s29 =	smul.u32 $0xFA00, s0  }
0x6: {  	s15 =	simm.s32 $0x0;
	[smem:$0x7FF] =	sst s3;
	s7 =	smul.u32 $0x7D0, s5  }
0x7: {  	_ =	strace $0x8000004A;
	s8 =	ssub.s32 $0x2, s5;
	s5 =	smul.u32 $0x7D00, s5  }
0x8: {  	s9 =	sshrl.u32 s8, $0x1;
	s6 =	sadd.s32 s7, s6;
	s7 =	sadd.s32 s29, s4  }
0x9: {  	s30 =	ssub.s32 s8, s9;
	s6 =	sadd.s32 $0xFA00, s6;
	s31 =	sadd.s32 s5, s7  }
0xa: {  	s9 =	simm.s32 $0x2;
	s6 =	sshrl.u32 s6, $0x3;
	s5 =	sadd.s32 $0x20E800, s31  }
0xb: {  	s10 =	sadd.s32 s6, s4;
	s4 =	smax.u32 s30, $0x1;
	s6 =	sadd.s32 $0x308800, s31  }
0xc: {  	s7 =	sadd.s32 $0x10A00, s10;
	s8 =	sadd.s32 $0x6C00, s10;
	s10 =	simm.s32 $0x80  }
.LBB2_1:
0xd: {  	s16 =	sadd.s32 $0x0, s8  }
0xe: {  	[tilespmem:s3], [sflag:$0x2] =	stream.linear.gather [hbm4b:s16+s3], $0x50, $0x38;
	[tilespmem:$0x5100] =	vst v63  }
0xf: {  	_ =	swait.ge [sflag:s9], $0x50  }
0x10: {  	[sflag:s9] =	ssyncset.done $0x0  }
0x11: {  	s31 =	sadd.s32 $0x0, s7;
	[sflag:s9] =	ssyncadd.s32 $0xFFFFFFB0  }
0x12: {  	[tilespmem:s10], [sflag:$0x2] =	stream.linear.gather [hbm4b:s31+s3], $0x50, $0x38;
	[tilespmem:$0x5100] =	vst v63  }
0x13: {  	_ =	swait.ge [sflag:s9], $0x50  }
0x14: {  	[sflag:s9] =	ssyncset.done $0x0  }
0x15: {  	[sflag:s9] =	ssyncadd.s32 $0xFFFFFFB0  }
0x16: {  	[tilespmem:s12], [sflag:$0x1] =	stream.indirect.gather [hbm4b:s2+s11], $0x80, s3, s11, $0xb8;
	[tilespmem:$0x5100] =	vst v63  }
0x17: {  	_ = 	snop  }
0x18: {  	[tilespmem:s13], [sflag:$0x1] =	stream.indirect.gather [hbm4b:s2+s11], $0x80, s10, s11, $0xb8;
	[tilespmem:$0x5100] =	vst v63  }
0x19: {  	_ =	swait.ge [sflag:s14], $0x2800  }
0x1a: {  	[sflag:s14] =	ssyncset.done $0x0  }
0x1b: {  	[sflag:s14] =	ssyncadd.s32 $0xFFFFD800  }
0x1c: {  	_ =	swait.ge [sflag:s14], $0x2800  }
0x1d: {  	[sflag:s14] =	ssyncset.done $0x0  }
0x1e: {  	[sflag:s14] =	ssyncadd.s32 $0xFFFFD800  }
0x1f: {  	[hbm4b:s5+s3] =	stream.linear.scatter [tilespmem:s12], [sflag:$0x2], $0x2800, $0x38;
	[tilespmem:$0x5100] =	vst v63  }
0x20: {  	_ =	swait.ge [sflag:s9], $0x2800  }
0x21: {  	[sflag:s9] =	ssyncset.done $0x0  }
0x22: {  	[sflag:s9] =	ssyncadd.s32 $0xFFFFD800  }
0x23: {  	[hbm4b:s6+s3] =	stream.linear.scatter [tilespmem:s13], [sflag:$0x2], $0x2800, $0x38;
	[tilespmem:$0x5100] =	vst v63  }
0x24: {  	s18 =	simm.s32 $0xA;
	s19 =	simm.s32 $0x14;
	_ =	swait.ge [sflag:s9], $0x2800  }
0x25: {  	s17 =	sadd.s32 $0x500, s5;
	s16 =	sadd.s32 $0x500, s6;
	[sflag:s9] =	ssyncset.done $0x0  }
.LBB2_2:
0x26: {  	s20 =	sadd.s32 s18, s8  }
0x27: {  	[sflag:s9] =	ssyncadd.s32 $0xFFFFD800;
	s21 =	smov.u32 s19;
	s22 =	sadd.s32 $0xA, s19  }
0x28: {  	[tilespmem:s3], [sflag:$0x2] =	stream.linear.gather [hbm4b:s20+s3], $0x50, $0x38;
	[tilespmem:$0x5100] =	vst v63  }
0x29: {  	p0 =	sne.s32 s19, $0xF0;
	_ =	swait.ge [sflag:s9], $0x50  }
0x2a: {  	[sflag:s9] =	ssyncset.done $0x0  }
0x2b: {  	s19 =	sadd.s32 s18, s7;
	s18 =	smov.u32 s21;
	[sflag:s9] =	ssyncadd.s32 $0xFFFFFFB0  }
0x2c: {  	[tilespmem:s10], [sflag:$0x2] =	stream.linear.gather [hbm4b:s19+s3], $0x50, $0x38;
	[tilespmem:$0x5100] =	vst v63  }
0x2d: {  	_ =	swait.ge [sflag:s9], $0x50  }
0x2e: {  	[sflag:s9] =	ssyncset.done $0x0  }
0x2f: {  	[sflag:s9] =	ssyncadd.s32 $0xFFFFFFB0  }
0x30: {  	[tilespmem:s12], [sflag:$0x1] =	stream.indirect.gather [hbm4b:s2+s11], $0x80, s3, s11, $0xb8;
	[tilespmem:$0x5100] =	vst v63  }
0x31: {  	_ = 	snop  }
0x32: {  	[tilespmem:s13], [sflag:$0x1] =	stream.indirect.gather [hbm4b:s2+s11], $0x80, s10, s11, $0xb8;
	[tilespmem:$0x5100] =	vst v63  }
0x33: {  	_ =	swait.ge [sflag:s14], $0x2800  }
0x34: {  	[sflag:s14] =	ssyncset.done $0x0  }
0x35: {  	[sflag:s14] =	ssyncadd.s32 $0xFFFFD800  }
0x36: {  	_ =	swait.ge [sflag:s14], $0x2800  }
0x37: {  	[sflag:s14] =	ssyncset.done $0x0  }
0x38: {  	[sflag:s14] =	ssyncadd.s32 $0xFFFFD800  }
0x39: {  	[hbm4b:s17+s3] =	stream.linear.scatter [tilespmem:s12], [sflag:$0x2], $0x2800, $0x38;
	[tilespmem:$0x5100] =	vst v63  }
0x3a: {  	_ =	swait.ge [sflag:s9], $0x2800  }
.Ltmp0:
0x3b: {  	[sflag:s9] =	ssyncset.done $0x0;
	(pc) =	sbr.rel @p0 .LBB2_2-.Ltmp0, $4  }
0x3c: {  	[sflag:s9] =	ssyncadd.s32 $0xFFFFD800  }
0x3d: {  	[hbm4b:s16+s3] =	stream.linear.scatter [tilespmem:s13], [sflag:$0x2], $0x2800, $0x38;
	[tilespmem:$0x5100] =	vst v63  }
0x3e: {  	s19 =	smov.u32 s22;
	_ =	swait.ge [sflag:s9], $0x2800  }
0x3f: {  	s17 =	sadd.s32 $0x500, s17;
	s16 =	sadd.s32 $0x500, s16;
	[sflag:s9] =	ssyncset.done $0x0  }
0x40: {  	s19 =	sadd.s32 s18, s8;
	[sflag:s9] =	ssyncadd.s32 $0xFFFFD800  }
0x41: {  	[tilespmem:s3], [sflag:$0x2] =	stream.linear.gather [hbm4b:s19+s3], $0x50, $0x38;
	[tilespmem:$0x5100] =	vst v63  }
0x42: {  	_ =	swait.ge [sflag:s9], $0x50  }
0x43: {  	[sflag:s9] =	ssyncset.done $0x0  }
0x44: {  	s31 =	sadd.s32 s18, s7;
	[sflag:s9] =	ssyncadd.s32 $0xFFFFFFB0  }
0x45: {  	[tilespmem:s10], [sflag:$0x2] =	stream.linear.gather [hbm4b:s31+s3], $0x50, $0x38;
	[tilespmem:$0x5100] =	vst v63  }
0x46: {  	_ =	swait.ge [sflag:s9], $0x50  }
0x47: {  	[sflag:s9] =	ssyncset.done $0x0  }
0x48: {  	[sflag:s9] =	ssyncadd.s32 $0xFFFFFFB0  }
0x49: {  	[tilespmem:s12], [sflag:$0x1] =	stream.indirect.gather [hbm4b:s2+s11], $0x80, s3, s11, $0xb8;
	[tilespmem:$0x5100] =	vst v63  }
0x4a: {  	_ = 	snop  }
0x4b: {  	[tilespmem:s13], [sflag:$0x1] =	stream.indirect.gather [hbm4b:s2+s11], $0x80, s10, s11, $0xb8;
	[tilespmem:$0x5100] =	vst v63  }
0x4c: {  	_ =	swait.ge [sflag:s14], $0x2800  }
0x4d: {  	[sflag:s14] =	ssyncset.done $0x0  }
0x4e: {  	[sflag:s14] =	ssyncadd.s32 $0xFFFFD800  }
0x4f: {  	_ =	swait.ge [sflag:s14], $0x2800  }
0x50: {  	[sflag:s14] =	ssyncset.done $0x0  }
0x51: {  	[sflag:s14] =	ssyncadd.s32 $0xFFFFD800  }
0x52: {  	[hbm4b:s17+s3] =	stream.linear.scatter [tilespmem:s12], [sflag:$0x2], $0x2800, $0x38;
	[tilespmem:$0x5100] =	vst v63  }
0x53: {  	s15 =	sadd.s32 $0x1, s15;
	_ =	swait.ge [sflag:s9], $0x2800  }
0x54: {  	p0 =	sne.s32 s15, s4;
	[sflag:s9] =	ssyncset.done $0x0  }
.Ltmp1:
0x55: {  	[sflag:s9] =	ssyncadd.s32 $0xFFFFD800;
	(pc) =	sbr.rel @p0 .LBB2_1-.Ltmp1, $4  }
0x56: {  	[hbm4b:s16+s3] =	stream.linear.scatter [tilespmem:s13], [sflag:$0x2], $0x2800, $0x38;
	[tilespmem:$0x5100] =	vst v63  }
0x57: {  	_ =	swait.ge [sflag:s9], $0x2800  }
0x58: {  	[sflag:s9] =	ssyncset.done $0x0  }
0x59: {  	[sflag:s9] =	ssyncadd.s32 $0xFFFFD800  }
0x5a: {  	_ =	sfence.sel $0x180000  }
0x5b: {  	[bflag:$0x0] =	sbarrier.arrive $0xFFFF  }
0x5c: {  	p0 =	sne.s32 s0, $0x0;
	_ =	strace $0x9000004A  }
0x5d: {  	s0 =	sadd.s32 @!p0 $0x100000, s1;
	[bflag:$0x2] =	sbarrier.arrive $0xFFFF  }
0x5e: {  	[sflag:s0] =	ssyncadd.tile.s32 @!p0 $0x1;
	_ =	shalt  }
.Lfunc_end2:
_tile_overlayer_lowered:
.L_overlay_start_2:
0x5f: {  	(tag) =	ssettag $0x2  }
0x60: {  	s0 =	rddreg [dreg:$0x0];
	s2 =	stileid.u32  }
0x61: {  	s1 =	rddreg [dreg:$0x1];
	p0 =	sne.s32 s2, $0x0  }
0x62: {  	s3 =	rddreg [dreg:$0x2];
	[bflag:$0x3] =	sbarrier.arrive $0xFFFF;
	s2 =	simm.s32 @!p0 $0x1C02  }
0x63: {  	[timem:s3], [sflag:s2] =	dma.local @!p0 [hbm:s0], s1  }
0x64: {  	s0 =	simm.s32 @!p0 $0x2  }
0x65: {  	_ =	swait.ge @!p0 [sflag:s0], s1  }
0x66: {  	s1 =	ssub.s32 @!p0 $0x0, s1;
	[sflag:s0] =	ssyncset.done @!p0 $0x0  }
0x67: {  	[sflag:s0] =	ssyncadd.s32 @!p0 s1  }
0x68: {  	[bflag:$0x3] =	sbarrier.arrive $0xFFFF  }
0x69: {  	_ =	shalt  }

// kernel: kernel.25.cloned.1.call-start
scs
__scs_entry_jumppad:
0x0: {  	(pc) =	sbr.rel $0x88, $3  }
0x1: {  	(tag) =	ssettag $0x0;
	lr =	simm.s32 $0x1  }
0x2: {  	[smem:$0x3F95] =	sst lr;
	_ =	strace $0xD0000000  }
0x3: {  	_ = 	snop  }
0x4: {  	_ = 	snop  }
0x5: {  	_ = 	snop  }
0x6: {  	_ = 	snop  }
0x7: {  	_ = 	snop  }
__scs_overlays_trampoline_lowered:
0x8: {  	[smem:$0x3FA4] =	sst s0  }
0x9: {  	[smem:$0x3FA5] =	sst s1  }
0xa: {  	[smem:$0x3FA6] =	sst s2  }
0xb: {  	[smem:$0x3FA7] =	sst s3  }
0xc: {  	[smem:$0x3FA8] =	sst s4  }
0xd: {  	[smem:$0x3FA9] =	sst s5  }
0xe: {  	[smem:$0x3FAA] =	sst s6  }
0xf: {  	[smem:$0x3FAB] =	sst s7  }
0x10: {  	[smem:$0x3FAC] =	sst s8  }
0x11: {  	[smem:$0x3FAD] =	sst s9;
	s0 =	simm.s32 @!p0 $0x0  }
0x12: {  	s1 =	sld [smem:$0x3F93];
	s0 =	simm.s32 @p0 $0x1  }
0x13: {  	[smem:$0x3FAE] =	sst s0;
	s0 =	simm.s32 @!p1 $0x0  }
0x14: {  	s2 =	sld [smem:$0x3F92];
	s0 =	simm.s32 @p1 $0x1  }
0x15: {  	[smem:$0x3FAF] =	sst s0;
	s0 =	simm.s32 @!p2 $0x0  }
0x16: {  	s3 =	sld [smem:$0x3FDB];
	s0 =	simm.s32 @p2 $0x1  }
0x17: {  	s4 =	simm.s32 $0x1BF5;
	[smem:$0x3FB1] =	sst s0  }
0x18: {  	s0 =	sld [smem:$0x3F94];
	_ =	swait.ge [sflag:s4], $0x0  }
0x19: {  	s7 =	sld [smem:$0x3F95]  }
0x1a: {  	s8 =	sadd.s32 $0xFFFFE003, lr  }
0x1b: {  	s9 =	sadd.s32 $0xFFFFFEF7, lr;
	s5 =	simm.s32 $0xFFFFFFFF;
	p2 =	slt.u32 s8, $0xFFFFF086  }
0x1c: {  	p1 =	slt.u32 s9, $0xF7A;
	s5 =	simm.s32 @!p2 $0x0  }
0x1d: {  	s5 =	simm.s32 @p1 $0x1;
	p0 =	seq.s32 s7, s2  }
0x1e: {  	s7 =	smul.u32 @!p0 $0xF7A, s2;
	p2 =	seq.s32 @!p0 s5, $0x0  }
0x1f: {  	s9 =	smul.u32 $0xF7A, s1;
	s8 =	simm.s32 @!p0 $0x1BF5;
	p2 =	por !p2, p0  }
0x20: {  	[sflag:s8] =	ssyncset.s32 @!p0 $0xFFFFF086;
	s6 =	sadd.s32 @!p0 s3, s7;
	s7 =	simm.s32 @!p0 $0x108  }
0x21: {  	s3 =	sadd.s32 s3, s9;
	s6 =	sadd.s32 @!p0 $0x88, s6;
	s7 =	simm.s32 @p2 $0x1082  }
0x22: {  	[simem:s7], [sflag:s8] =	dma.local @!p0 [hbm:s6], $0xF7A  }
0x23: {  	s9 =	sor.u32 $0xD0000000, s2;
	s6 =	simm.s32 $0x108;
	_ =	swait.ge @!p0 [sflag:s8], $0x0  }
0x24: {  	s3 =	sadd.s32 $0x88, s3;
	s6 =	simm.s32 @!p1 $0x1082;
	[sflag:s4] =	ssyncset.s32 $0xFFFFF086  }
0x25: {  	[simem:s6], [sflag:s4] =	dma.local [hbm:s3], $0xF7A  }
0x26: {  	[smem:$0x3F95] =	sst s1;
	(tag) =	ssettag s2;
	_ =	strace s9  }
0x27: {  	s1 =	sld [smem:$0x3FA5]  }
0x28: {  	s2 =	sld [smem:$0x3FA6]  }
0x29: {  	s4 =	sld [smem:$0x3FA8]  }
0x2a: {  	p0 =	seq.s32 s5, $0x0;
	s5 =	sld [smem:$0x3FA9]  }
0x2b: {  	s6 =	sld [smem:$0x3FAA]  }
0x2c: {  	s7 =	sld [smem:$0x3FAB]  }
0x2d: {  	s3 =	simm.s32 $0x108;
	s8 =	sld [smem:$0x3FAC]  }
0x2e: {  	s3 =	simm.s32 @!p0 $0x1082;
	s9 =	sld [smem:$0x3FAD]  }
0x2f: {  	lr =	sadd.s32 s0, s3;
	s0 =	sld [smem:$0x3FA4]  }
0x30: {  	s3 =	sld [smem:$0x3FA7]  }
0x31: {  	[smem:$0x3FB0] =	sst s10  }
0x32: {  	s10 =	sld [smem:$0x3FAE];
	_ =	sdelay $0x3  }
0x33: {  	p0 =	seq.s32 s10, $0x1;
	s10 =	sld [smem:$0x3FB0];
	_ =	sdelay $0x3  }
0x34: {  	[smem:$0x3FB0] =	sst s10  }
0x35: {  	s10 =	sld [smem:$0x3FAF];
	_ =	sdelay $0x3  }
0x36: {  	p1 =	seq.s32 s10, $0x1;
	s10 =	sld [smem:$0x3FB0];
	_ =	sdelay $0x3  }
0x37: {  	[smem:$0x3FB0] =	sst s10  }
0x38: {  	s10 =	sld [smem:$0x3FB1]  }
0x39: {  	_ = 	snop;
	(pc) =	sbr.ind lr, $3  }
0x3a: {  	_ = 	snop  }
0x3b: {  	_ = 	snop  }
0x3c: {  	p2 =	seq.s32 s10, $0x1;
	s10 =	sld [smem:$0x3FB0]  }
0x3d: {  	_ =	shalt  }
0x3e: {  	_ =	shalt  }
0x3f: {  	_ =	shalt  }
0x40: {  	_ =	shalt  }
0x41: {  	_ =	shalt  }
0x42: {  	_ =	shalt  }
0x43: {  	_ =	shalt  }
0x44: {  	_ =	shalt  }
0x45: {  	_ =	shalt  }
0x46: {  	_ =	shalt  }
0x47: {  	_ =	shalt  }
0x48: {  	_ =	shalt  }
0x49: {  	_ =	shalt  }
0x4a: {  	_ =	shalt  }
0x4b: {  	_ =	shalt  }
0x4c: {  	_ =	shalt  }
0x4d: {  	_ =	shalt  }
0x4e: {  	_ =	shalt  }
0x4f: {  	_ =	shalt  }
0x50: {  	_ =	shalt  }
0x51: {  	_ =	shalt  }
0x52: {  	_ =	shalt  }
0x53: {  	_ =	shalt  }
0x54: {  	_ =	shalt  }
0x55: {  	_ =	shalt  }
0x56: {  	_ =	shalt  }
0x57: {  	_ =	shalt  }
0x58: {  	_ =	shalt  }
0x59: {  	_ =	shalt  }
0x5a: {  	_ =	shalt  }
0x5b: {  	_ =	shalt  }
0x5c: {  	_ =	shalt  }
0x5d: {  	_ =	shalt  }
0x5e: {  	_ =	shalt  }
0x5f: {  	_ =	shalt  }
0x60: {  	_ =	shalt  }
0x61: {  	_ =	shalt  }
0x62: {  	_ =	shalt  }
0x63: {  	_ =	shalt  }
0x64: {  	_ =	shalt  }
0x65: {  	_ =	shalt  }
0x66: {  	_ =	shalt  }
0x67: {  	_ =	shalt  }
0x68: {  	_ =	shalt  }
0x69: {  	_ =	shalt  }
0x6a: {  	_ =	shalt  }
0x6b: {  	_ =	shalt  }
0x6c: {  	_ =	shalt  }
0x6d: {  	_ =	shalt  }
0x6e: {  	_ =	shalt  }
0x6f: {  	_ =	shalt  }
0x70: {  	_ =	shalt  }
0x71: {  	_ =	shalt  }
0x72: {  	_ =	shalt  }
0x73: {  	_ =	shalt  }
0x74: {  	_ =	shalt  }
0x75: {  	_ =	shalt  }
0x76: {  	_ =	shalt  }
0x77: {  	_ =	shalt  }
0x78: {  	_ =	shalt  }
0x79: {  	_ =	shalt  }
0x7a: {  	_ =	shalt  }
0x7b: {  	_ =	shalt  }
0x7c: {  	_ =	shalt  }
0x7d: {  	_ =	shalt  }
0x7e: {  	_ =	shalt  }
0x7f: {  	_ =	shalt  }
0x80: {  	_ =	shalt  }
0x81: {  	_ =	shalt  }
0x82: {  	_ =	shalt  }
0x83: {  	_ =	shalt  }
0x84: {  	_ =	shalt  }
0x85: {  	_ =	shalt  }
0x86: {  	_ =	shalt  }
0x87: {  	_ =	shalt  }
.Lfunc_end0:
.L_simem_size_0:
called_computation.2_lowered:
.L_overlay_start_0:
0x88: {  	s2 =	sld [smem:$0x3FD9]  }
0x89: {  	s3 =	sld [smem:$0x3FFE];
	_ =	sdelay $0x1  }
0x8a: {  	s1 =	srdreg.scid  }
0x8b: {  	s0 =	sand.u32 $0x1, s1  }
0x8c: {  	s15 =	sshll.u32 s0, $0xA;
	s2 =	sadd.s32 s3, s2  }
0x8d: {  	s2 =	sadd.s32 s2, s15  }
0x8e: {  	[smem:$0x3FBC] =	sst s2  }
0x8f: {  	_ = 	snop  }
0x90: {  	s2 =	sld [smem:$0x3FD0];
	_ =	sdelay $0x2  }
0x91: {  	s16 =	simm.s32 $0xE;
	s4 =	simm.s32 $0x10  }
0x92: {  	[smem:s4], [sflag:s16] =	dma.local [hbm:s2], $0x1  }
0x93: {  	_ =	swait.eq [sflag:s16], $0x1  }
0x94: {  	[sflag:s16] =	ssyncset.done $0x0  }
0x95: {  	[sflag:s16] =	ssyncadd.s32 $0xFFFFFFFF  }
0x96: {  	s17 =	sld [smem:$0x10];
	(tm) =	ssettm $0x1  }
0x97: {  	s18 =	sld [smem:$0x3FFB];
	_ =	sdelay $0x3  }
0x98: {  	_ =	strace s18  }
0x99: {  	s2 =	sld [smem:$0x3FFC];
	_ =	sdelay $0x3  }
0x9a: {  	_ =	strace s2  }
0x9b: {  	s2 =	sld [smem:$0x3FFD];
	_ =	sdelay $0x3  }
0x9c: {  	_ =	strace s2  }
0x9d: {  	_ =	strace $0x8FFFFFFF  }
0x9e: {  	s19 =	sld [smem:$0x3FDB];
	_ =	sdelay $0x1  }
0x9f: {  	s20 =	simm.s32 $_scs_section_size  }
0xa0: {  	s5 =	simm.s32 $_size__tile_overlayer_lowered;
	s6 =	simm.s32 $_tile_overlayer_lowered  }
0xa1: {  	s7 =	simm.s32 $0x1BFF;
	s21 =	sshll.u32 s6, $0x1;
	s4 =	sadd.s32 s20, s19  }
0xa2: {  	s22 =	simm.s32 $0x0;
	s5 =	sshll.u32 s5, $0x1;
	s6 =	sadd.s32 s21, s4  }
0xa3: {  	[timem:s22], [sflag:s7] =	dma.local [hbm:s6], s5  }
0xa4: {  	_ =	swait.ge [sflag:s7], s5  }
0xa5: {  	s5 =	ssub.s32 $0x0, s5;
	[sflag:s7] =	ssyncset.done $0x0  }
0xa6: {  	[sflag:s7] =	ssyncadd.s32 s5;
	_ =	sdelay $0x1  }
0xa7: {  	s23 =	simm.s32 $0x1B8B  }
0xa8: {  	_ =	swait.ge [sflag:s23], $0x1  }
0xa9: {  	[sflag:s23] =	ssyncset.done $0x0  }
0xaa: {  	[sflag:s23] =	ssyncadd.s32 $0xFFFFFFFF  }
0xab: {  	s5 =	sld [smem:$0x0]  }
0xac: {  	s6 =	sand.u32 $0xFFFFFFFE, s1  }
0xad: {  	p0 =	sne.s32 s1, s6  }
0xae: {  	s6 =	sshll.u32 @p0 s6, $0xE  }
0xaf: {  	s6 =	sadd.s32 @p0 $0x11B8D, s6;
	s7 =	sshll.u32 @p0 s5, $0x11  }
0xb0: {  	s6 =	sor.u32 @p0 s7, s6  }
0xb1: {  	[sflag:s6] =	ssyncadd.remote.s32 @p0 $0x1;
	_ =	sdelay $0x1  }
0xb2: {  	s6 =	simm.s32 @p0 $0x1B8D  }
0xb3: {  	_ =	swait.eq @p0 [sflag:s6], $0x1  }
0xb4: {  	[sflag:s6] =	ssyncadd.s32 @p0 $0xFFFFFFFF  }
0xb5: {  	s7 =	sshll.u32 @!p0 s1, $0xE  }
0xb6: {  	s7 =	sor.u32 @!p0 $0x4000, s7;
	s6 =	simm.s32 @!p0 $0x1B8D  }
0xb7: {  	s5 =	sshll.u32 @!p0 s5, $0x11;
	s7 =	sadd.s32 @!p0 $0x11B8D, s7;
	_ =	swait.eq @!p0 [sflag:s6], $0x1  }
0xb8: {  	s5 =	sor.u32 @!p0 s5, s7;
	[sflag:s6] =	ssyncadd.s32 @!p0 $0xFFFFFFFF  }
0xb9: {  	s25 =	simm.s32 $0x1B8E;
	s24 =	sld [smem:$0x3FFE];
	[sflag:s5] =	ssyncadd.remote.s32 @!p0 $0x1  }
0xba: {  	s26 =	simm.s32 $execute0_lowered;
	[smem:$0x3FD2] =	sst s25  }
0xbb: {  	s6 =	sshll.u32 s26, $0x1;
	_ =	strace $0x8000004C;
	[dreg:$0x1] =	wrdreg $0xFFFFFFFF  }
0xbc: {  	s28 =	simm.s32 $_size_execute0_lowered;
	s4 =	sadd.s32 s4, s6;
	[dreg:$0x0] =	wrdreg $0x0  }
0xbd: {  	s6 =	sshll.u32 s28, $0x1;
	[dreg:$0x2] =	wrdreg s4  }
0xbe: {  	[dreg:$0x3] =	wrdreg s6  }
0xbf: {  	[dreg:$0x4] =	wrdreg $0xC0  }
0xc0: {  	_ =	task [dreg:s22], $0x5FFFF  }
0xc1: {  	[dreg:$0x1] =	wrdreg $0xFFFFFFFF  }
0xc2: {  	[dreg:$0x0] =	wrdreg $0x60  }
0xc3: {  	[dreg:$0x2] =	wrdreg s17  }
0xc4: {  	[dreg:$0x3] =	wrdreg s24  }
0xc5: {  	[dreg:$0x4] =	wrdreg $0xD  }
0xc6: {  	_ =	task.clear_ibuf [dreg:s22], $0x5FFFF;
	_ =	strace $0x9000004C  }
0xc7: {  	s29 =	simm.s32 $0xD;
	_ =	strace $0x8000004E  }
0xc8: {  	_ =	swait.ge [sflag:s29], $0x1  }
0xc9: {  	[sflag:s29] =	ssyncadd.s32 $0xFFFFFFFF  }
0xca: {  	_ =	strace $0x9000004E  }
0xcb: {  	_ =	sfence  }
0xcc: {  	s30 =	sld [smem:$0x0];
	_ =	sdelay $0x2  }
0xcd: {  	s31 =	sshll.u32 s1, $0xD;
	s1 =	sshrl.u32 s1, $0x2  }
0xce: {  	s4 =	sand.u32 $0x4000, s31;
	s1 =	sadd.s32 s1, s30  }
0xcf: {  	s0 =	sor.u32 s4, s0;
	s1 =	sshll.u32 s1, $0x11  }
0xd0: {  	s0 =	sor.u32 s1, s0  }
0xd1: {  	s0 =	sadd.s32 $0x8F2B, s0  }
0xd2: {  	[sflag:s0] =	ssyncadd.remote.s32 $0x1  }
0xd3: {  	_ =	sfence.sel $0xFFFF  }
0xd4: {  	[dreg:$0x0] =	wrdreg $0xFFFFFFFF;
	(pc) =	sbr.abs _section_cstart, $3  }
0xd5: {  	[dreg:$0x1] =	wrdreg $0xFFFFFFFF  }
0xd6: {  	_ =	task.clear_ibuf [dreg:s22], $0x2FFFF;
	_ =	strace $0x9FFFFFFF  }
0xd7: {  	(tm) =	ssettm $0x7FFFFFFF  }
tec
execute0_lowered:
.L_overlay_start_1:
0x0: {  	(tag) =	ssettag $0x1  }
0x1: {  	s2 =	rddreg [dreg:$0x0];
	s1 =	srdreg.scid  }
0x2: {  	s0 =	stileid.u32;
	s4 =	rddreg [dreg:$0x1]  }
0x3: {  	s3 =	simm.s32 $0x0;
	s11 =	simm.s32 $0x50;
	s12 =	simm.s32 $0x100  }
0x4: {  	s13 =	simm.s32 $0x2900;
	s14 =	simm.s32 $0x1;
	s6 =	smul.u32 $0xFA0, s0  }
0x5: {  	s5 =	sand.u32 $0x1, s1;
	s1 =	rddreg [dreg:$0x2];
	s29 =	smul.u32 $0xFA00, s0  }
0x6: {  	s15 =	simm.s32 $0x0;
	[smem:$0x7FF] =	sst s3;
	s7 =	smul.u32 $0x7D0, s5  }
0x7: {  	_ =	strace $0x8000004D;
	s8 =	ssub.s32 $0x2, s5;
	s5 =	smul.u32 $0x7D00, s5  }
0x8: {  	s9 =	sshrl.u32 s8, $0x1;
	s6 =	sadd.s32 s7, s6;
	s7 =	sadd.s32 s29, s4  }
0x9: {  	s30 =	ssub.s32 s8, s9;
	s6 =	sadd.s32 $0x1F400, s6;
	s31 =	sadd.s32 s5, s7  }
0xa: {  	s9 =	simm.s32 $0x2;
	s6 =	sshrl.u32 s6, $0x3;
	s5 =	sadd.s32 $0x402800, s31  }
0xb: {  	s10 =	sadd.s32 s6, s4;
	s4 =	smax.u32 s30, $0x1;
	s6 =	sadd.s32 $0x4FC800, s31  }
0xc: {  	s7 =	sadd.s32 $0x10A00, s10;
	s8 =	sadd.s32 $0x6C00, s10;
	s10 =	simm.s32 $0x80  }
.LBB2_1:
0xd: {  	s16 =	sadd.s32 $0x0, s8  }
0xe: {  	[tilespmem:s3], [sflag:$0x2] =	stream.linear.gather [hbm4b:s16+s3], $0x50, $0x38;
	[tilespmem:$0x5100] =	vst v63  }
0xf: {  	_ =	swait.ge [sflag:s9], $0x50  }
0x10: {  	[sflag:s9] =	ssyncset.done $0x0  }
0x11: {  	s31 =	sadd.s32 $0x0, s7;
	[sflag:s9] =	ssyncadd.s32 $0xFFFFFFB0  }
0x12: {  	[tilespmem:s10], [sflag:$0x2] =	stream.linear.gather [hbm4b:s31+s3], $0x50, $0x38;
	[tilespmem:$0x5100] =	vst v63  }
0x13: {  	_ =	swait.ge [sflag:s9], $0x50  }
0x14: {  	[sflag:s9] =	ssyncset.done $0x0  }
0x15: {  	[sflag:s9] =	ssyncadd.s32 $0xFFFFFFB0  }
0x16: {  	[tilespmem:s12], [sflag:$0x1] =	stream.indirect.gather [hbm4b:s2+s11], $0x80, s3, s11, $0xb8;
	[tilespmem:$0x5100] =	vst v63  }
0x17: {  	_ = 	snop  }
0x18: {  	[tilespmem:s13], [sflag:$0x1] =	stream.indirect.gather [hbm4b:s2+s11], $0x80, s10, s11, $0xb8;
	[tilespmem:$0x5100] =	vst v63  }
0x19: {  	_ =	swait.ge [sflag:s14], $0x2800  }
0x1a: {  	[sflag:s14] =	ssyncset.done $0x0  }
0x1b: {  	[sflag:s14] =	ssyncadd.s32 $0xFFFFD800  }
0x1c: {  	_ =	swait.ge [sflag:s14], $0x2800  }
0x1d: {  	[sflag:s14] =	ssyncset.done $0x0  }
0x1e: {  	[sflag:s14] =	ssyncadd.s32 $0xFFFFD800  }
0x1f: {  	[hbm4b:s5+s3] =	stream.linear.scatter [tilespmem:s12], [sflag:$0x2], $0x2800, $0x38;
	[tilespmem:$0x5100] =	vst v63  }
0x20: {  	_ =	swait.ge [sflag:s9], $0x2800  }
0x21: {  	[sflag:s9] =	ssyncset.done $0x0  }
0x22: {  	[sflag:s9] =	ssyncadd.s32 $0xFFFFD800  }
0x23: {  	[hbm4b:s6+s3] =	stream.linear.scatter [tilespmem:s13], [sflag:$0x2], $0x2800, $0x38;
	[tilespmem:$0x5100] =	vst v63  }
0x24: {  	s18 =	simm.s32 $0xA;
	s19 =	simm.s32 $0x14;
	_ =	swait.ge [sflag:s9], $0x2800  }
0x25: {  	s17 =	sadd.s32 $0x500, s5;
	s16 =	sadd.s32 $0x500, s6;
	[sflag:s9] =	ssyncset.done $0x0  }
.LBB2_2:
0x26: {  	s20 =	sadd.s32 s18, s8  }
0x27: {  	[sflag:s9] =	ssyncadd.s32 $0xFFFFD800;
	s21 =	smov.u32 s19;
	s22 =	sadd.s32 $0xA, s19  }
0x28: {  	[tilespmem:s3], [sflag:$0x2] =	stream.linear.gather [hbm4b:s20+s3], $0x50, $0x38;
	[tilespmem:$0x5100] =	vst v63  }
0x29: {  	p0 =	sne.s32 s19, $0xF0;
	_ =	swait.ge [sflag:s9], $0x50  }
0x2a: {  	[sflag:s9] =	ssyncset.done $0x0  }
0x2b: {  	s19 =	sadd.s32 s18, s7;
	s18 =	smov.u32 s21;
	[sflag:s9] =	ssyncadd.s32 $0xFFFFFFB0  }
0x2c: {  	[tilespmem:s10], [sflag:$0x2] =	stream.linear.gather [hbm4b:s19+s3], $0x50, $0x38;
	[tilespmem:$0x5100] =	vst v63  }
0x2d: {  	_ =	swait.ge [sflag:s9], $0x50  }
0x2e: {  	[sflag:s9] =	ssyncset.done $0x0  }
0x2f: {  	[sflag:s9] =	ssyncadd.s32 $0xFFFFFFB0  }
0x30: {  	[tilespmem:s12], [sflag:$0x1] =	stream.indirect.gather [hbm4b:s2+s11], $0x80, s3, s11, $0xb8;
	[tilespmem:$0x5100] =	vst v63  }
0x31: {  	_ = 	snop  }
0x32: {  	[tilespmem:s13], [sflag:$0x1] =	stream.indirect.gather [hbm4b:s2+s11], $0x80, s10, s11, $0xb8;
	[tilespmem:$0x5100] =	vst v63  }
0x33: {  	_ =	swait.ge [sflag:s14], $0x2800  }
0x34: {  	[sflag:s14] =	ssyncset.done $0x0  }
0x35: {  	[sflag:s14] =	ssyncadd.s32 $0xFFFFD800  }
0x36: {  	_ =	swait.ge [sflag:s14], $0x2800  }
0x37: {  	[sflag:s14] =	ssyncset.done $0x0  }
0x38: {  	[sflag:s14] =	ssyncadd.s32 $0xFFFFD800  }
0x39: {  	[hbm4b:s17+s3] =	stream.linear.scatter [tilespmem:s12], [sflag:$0x2], $0x2800, $0x38;
	[tilespmem:$0x5100] =	vst v63  }
0x3a: {  	_ =	swait.ge [sflag:s9], $0x2800  }
.Ltmp0:
0x3b: {  	[sflag:s9] =	ssyncset.done $0x0;
	(pc) =	sbr.rel @p0 .LBB2_2-.Ltmp0, $4  }
0x3c: {  	[sflag:s9] =	ssyncadd.s32 $0xFFFFD800  }
0x3d: {  	[hbm4b:s16+s3] =	stream.linear.scatter [tilespmem:s13], [sflag:$0x2], $0x2800, $0x38;
	[tilespmem:$0x5100] =	vst v63  }
0x3e: {  	s19 =	smov.u32 s22;
	_ =	swait.ge [sflag:s9], $0x2800  }
0x3f: {  	s17 =	sadd.s32 $0x500, s17;
	s16 =	sadd.s32 $0x500, s16;
	[sflag:s9] =	ssyncset.done $0x0  }
0x40: {  	s19 =	sadd.s32 s18, s8;
	[sflag:s9] =	ssyncadd.s32 $0xFFFFD800  }
0x41: {  	[tilespmem:s3], [sflag:$0x2] =	stream.linear.gather [hbm4b:s19+s3], $0x50, $0x38;
	[tilespmem:$0x5100] =	vst v63  }
0x42: {  	_ =	swait.ge [sflag:s9], $0x50  }
0x43: {  	[sflag:s9] =	ssyncset.done $0x0  }
0x44: {  	s31 =	sadd.s32 s18, s7;
	[sflag:s9] =	ssyncadd.s32 $0xFFFFFFB0  }
0x45: {  	[tilespmem:s10], [sflag:$0x2] =	stream.linear.gather [hbm4b:s31+s3], $0x50, $0x38;
	[tilespmem:$0x5100] =	vst v63  }
0x46: {  	_ =	swait.ge [sflag:s9], $0x50  }
0x47: {  	[sflag:s9] =	ssyncset.done $0x0  }
0x48: {  	[sflag:s9] =	ssyncadd.s32 $0xFFFFFFB0  }
0x49: {  	[tilespmem:s12], [sflag:$0x1] =	stream.indirect.gather [hbm4b:s2+s11], $0x80, s3, s11, $0xb8;
	[tilespmem:$0x5100] =	vst v63  }
0x4a: {  	_ = 	snop  }
0x4b: {  	[tilespmem:s13], [sflag:$0x1] =	stream.indirect.gather [hbm4b:s2+s11], $0x80, s10, s11, $0xb8;
	[tilespmem:$0x5100] =	vst v63  }
0x4c: {  	_ =	swait.ge [sflag:s14], $0x2800  }
0x4d: {  	[sflag:s14] =	ssyncset.done $0x0  }
0x4e: {  	[sflag:s14] =	ssyncadd.s32 $0xFFFFD800  }
0x4f: {  	_ =	swait.ge [sflag:s14], $0x2800  }
0x50: {  	[sflag:s14] =	ssyncset.done $0x0  }
0x51: {  	[sflag:s14] =	ssyncadd.s32 $0xFFFFD800  }
0x52: {  	[hbm4b:s17+s3] =	stream.linear.scatter [tilespmem:s12], [sflag:$0x2], $0x2800, $0x38;
	[tilespmem:$0x5100] =	vst v63  }
0x53: {  	s15 =	sadd.s32 $0x1, s15;
	_ =	swait.ge [sflag:s9], $0x2800  }
0x54: {  	p0 =	sne.s32 s15, s4;
	[sflag:s9] =	ssyncset.done $0x0  }
.Ltmp1:
0x55: {  	[sflag:s9] =	ssyncadd.s32 $0xFFFFD800;
	(pc) =	sbr.rel @p0 .LBB2_1-.Ltmp1, $4  }
0x56: {  	[hbm4b:s16+s3] =	stream.linear.scatter [tilespmem:s13], [sflag:$0x2], $0x2800, $0x38;
	[tilespmem:$0x5100] =	vst v63  }
0x57: {  	_ =	swait.ge [sflag:s9], $0x2800  }
0x58: {  	[sflag:s9] =	ssyncset.done $0x0  }
0x59: {  	[sflag:s9] =	ssyncadd.s32 $0xFFFFD800  }
0x5a: {  	_ =	sfence.sel $0x180000  }
0x5b: {  	[bflag:$0x0] =	sbarrier.arrive $0xFFFF  }
0x5c: {  	p0 =	sne.s32 s0, $0x0;
	_ =	strace $0x9000004D  }
0x5d: {  	s0 =	sadd.s32 @!p0 $0x100000, s1;
	[bflag:$0x2] =	sbarrier.arrive $0xFFFF  }
0x5e: {  	[sflag:s0] =	ssyncadd.tile.s32 @!p0 $0x1;
	_ =	shalt  }
.Lfunc_end2:
_tile_overlayer_lowered:
.L_overlay_start_2:
0x5f: {  	(tag) =	ssettag $0x2  }
0x60: {  	s0 =	rddreg [dreg:$0x0];
	s2 =	stileid.u32  }
0x61: {  	s1 =	rddreg [dreg:$0x1];
	p0 =	sne.s32 s2, $0x0  }
0x62: {  	s3 =	rddreg [dreg:$0x2];
	[bflag:$0x3] =	sbarrier.arrive $0xFFFF;
	s2 =	simm.s32 @!p0 $0x1C02  }
0x63: {  	[timem:s3], [sflag:s2] =	dma.local @!p0 [hbm:s0], s1  }
0x64: {  	s0 =	simm.s32 @!p0 $0x2  }
0x65: {  	_ =	swait.ge @!p0 [sflag:s0], s1  }
0x66: {  	s1 =	ssub.s32 @!p0 $0x0, s1;
	[sflag:s0] =	ssyncset.done @!p0 $0x0  }
0x67: {  	[sflag:s0] =	ssyncadd.s32 @!p0 s1  }
0x68: {  	[bflag:$0x3] =	sbarrier.arrive $0xFFFF  }
0x69: {  	_ =	shalt  }

// kernel: kernel.28.cloned.1.call-start
scs
__scs_entry_jumppad:
0x0: {  	(pc) =	sbr.rel $0x88, $3  }
0x1: {  	(tag) =	ssettag $0x0;
	lr =	simm.s32 $0x1  }
0x2: {  	[smem:$0x3F95] =	sst lr;
	_ =	strace $0xD0000000  }
0x3: {  	_ = 	snop  }
0x4: {  	_ = 	snop  }
0x5: {  	_ = 	snop  }
0x6: {  	_ = 	snop  }
0x7: {  	_ = 	snop  }
__scs_overlays_trampoline_lowered:
0x8: {  	[smem:$0x3FA4] =	sst s0  }
0x9: {  	[smem:$0x3FA5] =	sst s1  }
0xa: {  	[smem:$0x3FA6] =	sst s2  }
0xb: {  	[smem:$0x3FA7] =	sst s3  }
0xc: {  	[smem:$0x3FA8] =	sst s4  }
0xd: {  	[smem:$0x3FA9] =	sst s5  }
0xe: {  	[smem:$0x3FAA] =	sst s6  }
0xf: {  	[smem:$0x3FAB] =	sst s7  }
0x10: {  	[smem:$0x3FAC] =	sst s8  }
0x11: {  	[smem:$0x3FAD] =	sst s9;
	s0 =	simm.s32 @!p0 $0x0  }
0x12: {  	s1 =	sld [smem:$0x3F93];
	s0 =	simm.s32 @p0 $0x1  }
0x13: {  	[smem:$0x3FAE] =	sst s0;
	s0 =	simm.s32 @!p1 $0x0  }
0x14: {  	s2 =	sld [smem:$0x3F92];
	s0 =	simm.s32 @p1 $0x1  }
0x15: {  	[smem:$0x3FAF] =	sst s0;
	s0 =	simm.s32 @!p2 $0x0  }
0x16: {  	s3 =	sld [smem:$0x3FDB];
	s0 =	simm.s32 @p2 $0x1  }
0x17: {  	s4 =	simm.s32 $0x1BF5;
	[smem:$0x3FB1] =	sst s0  }
0x18: {  	s0 =	sld [smem:$0x3F94];
	_ =	swait.ge [sflag:s4], $0x0  }
0x19: {  	s7 =	sld [smem:$0x3F95]  }
0x1a: {  	s8 =	sadd.s32 $0xFFFFE003, lr  }
0x1b: {  	s9 =	sadd.s32 $0xFFFFFEF7, lr;
	s5 =	simm.s32 $0xFFFFFFFF;
	p2 =	slt.u32 s8, $0xFFFFF086  }
0x1c: {  	p1 =	slt.u32 s9, $0xF7A;
	s5 =	simm.s32 @!p2 $0x0  }
0x1d: {  	s5 =	simm.s32 @p1 $0x1;
	p0 =	seq.s32 s7, s2  }
0x1e: {  	s7 =	smul.u32 @!p0 $0xF7A, s2;
	p2 =	seq.s32 @!p0 s5, $0x0  }
0x1f: {  	s9 =	smul.u32 $0xF7A, s1;
	s8 =	simm.s32 @!p0 $0x1BF5;
	p2 =	por !p2, p0  }
0x20: {  	[sflag:s8] =	ssyncset.s32 @!p0 $0xFFFFF086;
	s6 =	sadd.s32 @!p0 s3, s7;
	s7 =	simm.s32 @!p0 $0x108  }
0x21: {  	s3 =	sadd.s32 s3, s9;
	s6 =	sadd.s32 @!p0 $0x88, s6;
	s7 =	simm.s32 @p2 $0x1082  }
0x22: {  	[simem:s7], [sflag:s8] =	dma.local @!p0 [hbm:s6], $0xF7A  }
0x23: {  	s9 =	sor.u32 $0xD0000000, s2;
	s6 =	simm.s32 $0x108;
	_ =	swait.ge @!p0 [sflag:s8], $0x0  }
0x24: {  	s3 =	sadd.s32 $0x88, s3;
	s6 =	simm.s32 @!p1 $0x1082;
	[sflag:s4] =	ssyncset.s32 $0xFFFFF086  }
0x25: {  	[simem:s6], [sflag:s4] =	dma.local [hbm:s3], $0xF7A  }
0x26: {  	[smem:$0x3F95] =	sst s1;
	(tag) =	ssettag s2;
	_ =	strace s9  }
0x27: {  	s1 =	sld [smem:$0x3FA5]  }
0x28: {  	s2 =	sld [smem:$0x3FA6]  }
0x29: {  	s4 =	sld [smem:$0x3FA8]  }
0x2a: {  	p0 =	seq.s32 s5, $0x0;
	s5 =	sld [smem:$0x3FA9]  }
0x2b: {  	s6 =	sld [smem:$0x3FAA]  }
0x2c: {  	s7 =	sld [smem:$0x3FAB]  }
0x2d: {  	s3 =	simm.s32 $0x108;
	s8 =	sld [smem:$0x3FAC]  }
0x2e: {  	s3 =	simm.s32 @!p0 $0x1082;
	s9 =	sld [smem:$0x3FAD]  }
0x2f: {  	lr =	sadd.s32 s0, s3;
	s0 =	sld [smem:$0x3FA4]  }
0x30: {  	s3 =	sld [smem:$0x3FA7]  }
0x31: {  	[smem:$0x3FB0] =	sst s10  }
0x32: {  	s10 =	sld [smem:$0x3FAE];
	_ =	sdelay $0x3  }
0x33: {  	p0 =	seq.s32 s10, $0x1;
	s10 =	sld [smem:$0x3FB0];
	_ =	sdelay $0x3  }
0x34: {  	[smem:$0x3FB0] =	sst s10  }
0x35: {  	s10 =	sld [smem:$0x3FAF];
	_ =	sdelay $0x3  }
0x36: {  	p1 =	seq.s32 s10, $0x1;
	s10 =	sld [smem:$0x3FB0];
	_ =	sdelay $0x3  }
0x37: {  	[smem:$0x3FB0] =	sst s10  }
0x38: {  	s10 =	sld [smem:$0x3FB1]  }
0x39: {  	_ = 	snop;
	(pc) =	sbr.ind lr, $3  }
0x3a: {  	_ = 	snop  }
0x3b: {  	_ = 	snop  }
0x3c: {  	p2 =	seq.s32 s10, $0x1;
	s10 =	sld [smem:$0x3FB0]  }
0x3d: {  	_ =	shalt  }
0x3e: {  	_ =	shalt  }
0x3f: {  	_ =	shalt  }
0x40: {  	_ =	shalt  }
0x41: {  	_ =	shalt  }
0x42: {  	_ =	shalt  }
0x43: {  	_ =	shalt  }
0x44: {  	_ =	shalt  }
0x45: {  	_ =	shalt  }
0x46: {  	_ =	shalt  }
0x47: {  	_ =	shalt  }
0x48: {  	_ =	shalt  }
0x49: {  	_ =	shalt  }
0x4a: {  	_ =	shalt  }
0x4b: {  	_ =	shalt  }
0x4c: {  	_ =	shalt  }
0x4d: {  	_ =	shalt  }
0x4e: {  	_ =	shalt  }
0x4f: {  	_ =	shalt  }
0x50: {  	_ =	shalt  }
0x51: {  	_ =	shalt  }
0x52: {  	_ =	shalt  }
0x53: {  	_ =	shalt  }
0x54: {  	_ =	shalt  }
0x55: {  	_ =	shalt  }
0x56: {  	_ =	shalt  }
0x57: {  	_ =	shalt  }
0x58: {  	_ =	shalt  }
0x59: {  	_ =	shalt  }
0x5a: {  	_ =	shalt  }
0x5b: {  	_ =	shalt  }
0x5c: {  	_ =	shalt  }
0x5d: {  	_ =	shalt  }
0x5e: {  	_ =	shalt  }
0x5f: {  	_ =	shalt  }
0x60: {  	_ =	shalt  }
0x61: {  	_ =	shalt  }
0x62: {  	_ =	shalt  }
0x63: {  	_ =	shalt  }
0x64: {  	_ =	shalt  }
0x65: {  	_ =	shalt  }
0x66: {  	_ =	shalt  }
0x67: {  	_ =	shalt  }
0x68: {  	_ =	shalt  }
0x69: {  	_ =	shalt  }
0x6a: {  	_ =	shalt  }
0x6b: {  	_ =	shalt  }
0x6c: {  	_ =	shalt  }
0x6d: {  	_ =	shalt  }
0x6e: {  	_ =	shalt  }
0x6f: {  	_ =	shalt  }
0x70: {  	_ =	shalt  }
0x71: {  	_ =	shalt  }
0x72: {  	_ =	shalt  }
0x73: {  	_ =	shalt  }
0x74: {  	_ =	shalt  }
0x75: {  	_ =	shalt  }
0x76: {  	_ =	shalt  }
0x77: {  	_ =	shalt  }
0x78: {  	_ =	shalt  }
0x79: {  	_ =	shalt  }
0x7a: {  	_ =	shalt  }
0x7b: {  	_ =	shalt  }
0x7c: {  	_ =	shalt  }
0x7d: {  	_ =	shalt  }
0x7e: {  	_ =	shalt  }
0x7f: {  	_ =	shalt  }
0x80: {  	_ =	shalt  }
0x81: {  	_ =	shalt  }
0x82: {  	_ =	shalt  }
0x83: {  	_ =	shalt  }
0x84: {  	_ =	shalt  }
0x85: {  	_ =	shalt  }
0x86: {  	_ =	shalt  }
0x87: {  	_ =	shalt  }
.Lfunc_end0:
.L_simem_size_0:
called_computation.3_lowered:
.L_overlay_start_0:
0x88: {  	s2 =	sld [smem:$0x3FD9]  }
0x89: {  	s3 =	sld [smem:$0x3FFE];
	_ =	sdelay $0x1  }
0x8a: {  	s1 =	srdreg.scid  }
0x8b: {  	s0 =	sand.u32 $0x1, s1  }
0x8c: {  	s15 =	sshll.u32 s0, $0xA;
	s2 =	sadd.s32 s3, s2  }
0x8d: {  	s2 =	sadd.s32 s2, s15  }
0x8e: {  	[smem:$0x3FBC] =	sst s2  }
0x8f: {  	_ = 	snop  }
0x90: {  	s2 =	sld [smem:$0x3FD0];
	_ =	sdelay $0x2  }
0x91: {  	s16 =	simm.s32 $0xE;
	s4 =	simm.s32 $0x10  }
0x92: {  	[smem:s4], [sflag:s16] =	dma.local [hbm:s2], $0x1  }
0x93: {  	_ =	swait.eq [sflag:s16], $0x1  }
0x94: {  	[sflag:s16] =	ssyncset.done $0x0  }
0x95: {  	[sflag:s16] =	ssyncadd.s32 $0xFFFFFFFF  }
0x96: {  	s17 =	sld [smem:$0x10];
	(tm) =	ssettm $0x1  }
0x97: {  	s18 =	sld [smem:$0x3FFB];
	_ =	sdelay $0x3  }
0x98: {  	_ =	strace s18  }
0x99: {  	s2 =	sld [smem:$0x3FFC];
	_ =	sdelay $0x3  }
0x9a: {  	_ =	strace s2  }
0x9b: {  	s2 =	sld [smem:$0x3FFD];
	_ =	sdelay $0x3  }
0x9c: {  	_ =	strace s2  }
0x9d: {  	_ =	strace $0x8FFFFFFF  }
0x9e: {  	s19 =	sld [smem:$0x3FDB];
	_ =	sdelay $0x1  }
0x9f: {  	s20 =	simm.s32 $_scs_section_size  }
0xa0: {  	s5 =	simm.s32 $_size__tile_overlayer_lowered;
	s6 =	simm.s32 $_tile_overlayer_lowered  }
0xa1: {  	s7 =	simm.s32 $0x1BFF;
	s21 =	sshll.u32 s6, $0x1;
	s4 =	sadd.s32 s20, s19  }
0xa2: {  	s22 =	simm.s32 $0x0;
	s5 =	sshll.u32 s5, $0x1;
	s6 =	sadd.s32 s21, s4  }
0xa3: {  	[timem:s22], [sflag:s7] =	dma.local [hbm:s6], s5  }
0xa4: {  	_ =	swait.ge [sflag:s7], s5  }
0xa5: {  	s5 =	ssub.s32 $0x0, s5;
	[sflag:s7] =	ssyncset.done $0x0  }
0xa6: {  	[sflag:s7] =	ssyncadd.s32 s5;
	_ =	sdelay $0x1  }
0xa7: {  	s23 =	simm.s32 $0x1B8B  }
0xa8: {  	_ =	swait.ge [sflag:s23], $0x1  }
0xa9: {  	[sflag:s23] =	ssyncset.done $0x0  }
0xaa: {  	[sflag:s23] =	ssyncadd.s32 $0xFFFFFFFF  }
0xab: {  	s5 =	sld [smem:$0x0]  }
0xac: {  	s6 =	sand.u32 $0xFFFFFFFE, s1  }
0xad: {  	p0 =	sne.s32 s1, s6  }
0xae: {  	s6 =	sshll.u32 @p0 s6, $0xE  }
0xaf: {  	s6 =	sadd.s32 @p0 $0x11B8D, s6;
	s7 =	sshll.u32 @p0 s5, $0x11  }
0xb0: {  	s6 =	sor.u32 @p0 s7, s6  }
0xb1: {  	[sflag:s6] =	ssyncadd.remote.s32 @p0 $0x1;
	_ =	sdelay $0x1  }
0xb2: {  	s6 =	simm.s32 @p0 $0x1B8D  }
0xb3: {  	_ =	swait.eq @p0 [sflag:s6], $0x1  }
0xb4: {  	[sflag:s6] =	ssyncadd.s32 @p0 $0xFFFFFFFF  }
0xb5: {  	s7 =	sshll.u32 @!p0 s1, $0xE  }
0xb6: {  	s7 =	sor.u32 @!p0 $0x4000, s7;
	s6 =	simm.s32 @!p0 $0x1B8D  }
0xb7: {  	s5 =	sshll.u32 @!p0 s5, $0x11;
	s7 =	sadd.s32 @!p0 $0x11B8D, s7;
	_ =	swait.eq @!p0 [sflag:s6], $0x1  }
0xb8: {  	s5 =	sor.u32 @!p0 s5, s7;
	[sflag:s6] =	ssyncadd.s32 @!p0 $0xFFFFFFFF  }
0xb9: {  	s25 =	simm.s32 $0x1B8E;
	s24 =	sld [smem:$0x3FFE];
	[sflag:s5] =	ssyncadd.remote.s32 @!p0 $0x1  }
0xba: {  	s26 =	simm.s32 $execute0_lowered;
	[smem:$0x3FD2] =	sst s25  }
0xbb: {  	s6 =	sshll.u32 s26, $0x1;
	_ =	strace $0x8000004F;
	[dreg:$0x1] =	wrdreg $0xFFFFFFFF  }
0xbc: {  	s28 =	simm.s32 $_size_execute0_lowered;
	s4 =	sadd.s32 s4, s6;
	[dreg:$0x0] =	wrdreg $0x0  }
0xbd: {  	s6 =	sshll.u32 s28, $0x1;
	[dreg:$0x2] =	wrdreg s4  }
0xbe: {  	[dreg:$0x3] =	wrdreg s6  }
0xbf: {  	[dreg:$0x4] =	wrdreg $0xC0  }
0xc0: {  	_ =	task [dreg:s22], $0x5FFFF  }
0xc1: {  	[dreg:$0x1] =	wrdreg $0xFFFFFFFF  }
0xc2: {  	[dreg:$0x0] =	wrdreg $0x60  }
0xc3: {  	[dreg:$0x2] =	wrdreg s17  }
0xc4: {  	[dreg:$0x3] =	wrdreg s24  }
0xc5: {  	[dreg:$0x4] =	wrdreg $0xB  }
0xc6: {  	_ =	task.clear_ibuf [dreg:s22], $0x5FFFF;
	_ =	strace $0x9000004F  }
0xc7: {  	s29 =	simm.s32 $0xB;
	_ =	strace $0x80000051  }
0xc8: {  	_ =	swait.ge [sflag:s29], $0x1  }
0xc9: {  	[sflag:s29] =	ssyncadd.s32 $0xFFFFFFFF  }
0xca: {  	_ =	strace $0x90000051  }
0xcb: {  	_ =	sfence  }
0xcc: {  	s30 =	sld [smem:$0x0];
	_ =	sdelay $0x2  }
0xcd: {  	s31 =	sshll.u32 s1, $0xD;
	s1 =	sshrl.u32 s1, $0x2  }
0xce: {  	s4 =	sand.u32 $0x4000, s31;
	s1 =	sadd.s32 s1, s30  }
0xcf: {  	s0 =	sor.u32 s4, s0;
	s1 =	sshll.u32 s1, $0x11  }
0xd0: {  	s0 =	sor.u32 s1, s0  }
0xd1: {  	s0 =	sadd.s32 $0x8F2B, s0  }
0xd2: {  	[sflag:s0] =	ssyncadd.remote.s32 $0x1  }
0xd3: {  	_ =	sfence.sel $0xFFFF  }
0xd4: {  	[dreg:$0x0] =	wrdreg $0xFFFFFFFF;
	(pc) =	sbr.abs _section_cstart, $3  }
0xd5: {  	[dreg:$0x1] =	wrdreg $0xFFFFFFFF  }
0xd6: {  	_ =	task.clear_ibuf [dreg:s22], $0x2FFFF;
	_ =	strace $0x9FFFFFFF  }
0xd7: {  	(tm) =	ssettm $0x7FFFFFFF  }
tec
execute0_lowered:
.L_overlay_start_1:
0x0: {  	(tag) =	ssettag $0x1  }
0x1: {  	s2 =	rddreg [dreg:$0x0];
	s1 =	srdreg.scid  }
0x2: {  	s0 =	stileid.u32;
	s4 =	rddreg [dreg:$0x1]  }
0x3: {  	s3 =	simm.s32 $0x0;
	s11 =	simm.s32 $0x50;
	s12 =	simm.s32 $0x100  }
0x4: {  	s13 =	simm.s32 $0x2900;
	s14 =	simm.s32 $0x1;
	s6 =	smul.u32 $0xFA0, s0  }
0x5: {  	s5 =	sand.u32 $0x1, s1;
	s1 =	rddreg [dreg:$0x2];
	s29 =	smul.u32 $0xFA00, s0  }
0x6: {  	s15 =	simm.s32 $0x0;
	[smem:$0x7FF] =	sst s3;
	s7 =	smul.u32 $0x7D0, s5  }
0x7: {  	_ =	strace $0x80000050;
	s8 =	ssub.s32 $0x2, s5;
	s5 =	smul.u32 $0x7D00, s5  }
0x8: {  	s9 =	sshrl.u32 s8, $0x1;
	s6 =	sadd.s32 s7, s6;
	s7 =	sadd.s32 s29, s4  }
0x9: {  	s30 =	ssub.s32 s8, s9;
	s6 =	sadd.s32 $0x2EE00, s6;
	s31 =	sadd.s32 s5, s7  }
0xa: {  	s9 =	simm.s32 $0x2;
	s6 =	sshrl.u32 s6, $0x3;
	s5 =	sadd.s32 $0x5F6800, s31  }
0xb: {  	s10 =	sadd.s32 s6, s4;
	s4 =	smax.u32 s30, $0x1;
	s6 =	sadd.s32 $0x6F0800, s31  }
0xc: {  	s7 =	sadd.s32 $0x10A00, s10;
	s8 =	sadd.s32 $0x6C00, s10;
	s10 =	simm.s32 $0x80  }
.LBB2_1:
0xd: {  	s16 =	sadd.s32 $0x0, s8  }
0xe: {  	[tilespmem:s3], [sflag:$0x2] =	stream.linear.gather [hbm4b:s16+s3], $0x50, $0x38;
	[tilespmem:$0x5100] =	vst v63  }
0xf: {  	_ =	swait.ge [sflag:s9], $0x50  }
0x10: {  	[sflag:s9] =	ssyncset.done $0x0  }
0x11: {  	s31 =	sadd.s32 $0x0, s7;
	[sflag:s9] =	ssyncadd.s32 $0xFFFFFFB0  }
0x12: {  	[tilespmem:s10], [sflag:$0x2] =	stream.linear.gather [hbm4b:s31+s3], $0x50, $0x38;
	[tilespmem:$0x5100] =	vst v63  }
0x13: {  	_ =	swait.ge [sflag:s9], $0x50  }
0x14: {  	[sflag:s9] =	ssyncset.done $0x0  }
0x15: {  	[sflag:s9] =	ssyncadd.s32 $0xFFFFFFB0  }
0x16: {  	[tilespmem:s12], [sflag:$0x1] =	stream.indirect.gather [hbm4b:s2+s11], $0x80, s3, s11, $0xb8;
	[tilespmem:$0x5100] =	vst v63  }
0x17: {  	_ = 	snop  }
0x18: {  	[tilespmem:s13], [sflag:$0x1] =	stream.indirect.gather [hbm4b:s2+s11], $0x80, s10, s11, $0xb8;
	[tilespmem:$0x5100] =	vst v63  }
0x19: {  	_ =	swait.ge [sflag:s14], $0x2800  }
0x1a: {  	[sflag:s14] =	ssyncset.done $0x0  }
0x1b: {  	[sflag:s14] =	ssyncadd.s32 $0xFFFFD800  }
0x1c: {  	_ =	swait.ge [sflag:s14], $0x2800  }
0x1d: {  	[sflag:s14] =	ssyncset.done $0x0  }
0x1e: {  	[sflag:s14] =	ssyncadd.s32 $0xFFFFD800  }
0x1f: {  	[hbm4b:s5+s3] =	stream.linear.scatter [tilespmem:s12], [sflag:$0x2], $0x2800, $0x38;
	[tilespmem:$0x5100] =	vst v63  }
0x20: {  	_ =	swait.ge [sflag:s9], $0x2800  }
0x21: {  	[sflag:s9] =	ssyncset.done $0x0  }
0x22: {  	[sflag:s9] =	ssyncadd.s32 $0xFFFFD800  }
0x23: {  	[hbm4b:s6+s3] =	stream.linear.scatter [tilespmem:s13], [sflag:$0x2], $0x2800, $0x38;
	[tilespmem:$0x5100] =	vst v63  }
0x24: {  	s18 =	simm.s32 $0xA;
	s19 =	simm.s32 $0x14;
	_ =	swait.ge [sflag:s9], $0x2800  }
0x25: {  	s17 =	sadd.s32 $0x500, s5;
	s16 =	sadd.s32 $0x500, s6;
	[sflag:s9] =	ssyncset.done $0x0  }
.LBB2_2:
0x26: {  	s20 =	sadd.s32 s18, s8  }
0x27: {  	[sflag:s9] =	ssyncadd.s32 $0xFFFFD800;
	s21 =	smov.u32 s19;
	s22 =	sadd.s32 $0xA, s19  }
0x28: {  	[tilespmem:s3], [sflag:$0x2] =	stream.linear.gather [hbm4b:s20+s3], $0x50, $0x38;
	[tilespmem:$0x5100] =	vst v63  }
0x29: {  	p0 =	sne.s32 s19, $0xF0;
	_ =	swait.ge [sflag:s9], $0x50  }
0x2a: {  	[sflag:s9] =	ssyncset.done $0x0  }
0x2b: {  	s19 =	sadd.s32 s18, s7;
	s18 =	smov.u32 s21;
	[sflag:s9] =	ssyncadd.s32 $0xFFFFFFB0  }
0x2c: {  	[tilespmem:s10], [sflag:$0x2] =	stream.linear.gather [hbm4b:s19+s3], $0x50, $0x38;
	[tilespmem:$0x5100] =	vst v63  }
0x2d: {  	_ =	swait.ge [sflag:s9], $0x50  }
0x2e: {  	[sflag:s9] =	ssyncset.done $0x0  }
0x2f: {  	[sflag:s9] =	ssyncadd.s32 $0xFFFFFFB0  }
0x30: {  	[tilespmem:s12], [sflag:$0x1] =	stream.indirect.gather [hbm4b:s2+s11], $0x80, s3, s11, $0xb8;
	[tilespmem:$0x5100] =	vst v63  }
0x31: {  	_ = 	snop  }
0x32: {  	[tilespmem:s13], [sflag:$0x1] =	stream.indirect.gather [hbm4b:s2+s11], $0x80, s10, s11, $0xb8;
	[tilespmem:$0x5100] =	vst v63  }
0x33: {  	_ =	swait.ge [sflag:s14], $0x2800  }
0x34: {  	[sflag:s14] =	ssyncset.done $0x0  }
0x35: {  	[sflag:s14] =	ssyncadd.s32 $0xFFFFD800  }
0x36: {  	_ =	swait.ge [sflag:s14], $0x2800  }
0x37: {  	[sflag:s14] =	ssyncset.done $0x0  }
0x38: {  	[sflag:s14] =	ssyncadd.s32 $0xFFFFD800  }
0x39: {  	[hbm4b:s17+s3] =	stream.linear.scatter [tilespmem:s12], [sflag:$0x2], $0x2800, $0x38;
	[tilespmem:$0x5100] =	vst v63  }
0x3a: {  	_ =	swait.ge [sflag:s9], $0x2800  }
.Ltmp0:
0x3b: {  	[sflag:s9] =	ssyncset.done $0x0;
	(pc) =	sbr.rel @p0 .LBB2_2-.Ltmp0, $4  }
0x3c: {  	[sflag:s9] =	ssyncadd.s32 $0xFFFFD800  }
0x3d: {  	[hbm4b:s16+s3] =	stream.linear.scatter [tilespmem:s13], [sflag:$0x2], $0x2800, $0x38;
	[tilespmem:$0x5100] =	vst v63  }
0x3e: {  	s19 =	smov.u32 s22;
	_ =	swait.ge [sflag:s9], $0x2800  }
0x3f: {  	s17 =	sadd.s32 $0x500, s17;
	s16 =	sadd.s32 $0x500, s16;
	[sflag:s9] =	ssyncset.done $0x0  }
0x40: {  	s19 =	sadd.s32 s18, s8;
	[sflag:s9] =	ssyncadd.s32 $0xFFFFD800  }
0x41: {  	[tilespmem:s3], [sflag:$0x2] =	stream.linear.gather [hbm4b:s19+s3], $0x50, $0x38;
	[tilespmem:$0x5100] =	vst v63  }
0x42: {  	_ =	swait.ge [sflag:s9], $0x50  }
0x43: {  	[sflag:s9] =	ssyncset.done $0x0  }
0x44: {  	s31 =	sadd.s32 s18, s7;
	[sflag:s9] =	ssyncadd.s32 $0xFFFFFFB0  }
0x45: {  	[tilespmem:s10], [sflag:$0x2] =	stream.linear.gather [hbm4b:s31+s3], $0x50, $0x38;
	[tilespmem:$0x5100] =	vst v63  }
0x46: {  	_ =	swait.ge [sflag:s9], $0x50  }
0x47: {  	[sflag:s9] =	ssyncset.done $0x0  }
0x48: {  	[sflag:s9] =	ssyncadd.s32 $0xFFFFFFB0  }
0x49: {  	[tilespmem:s12], [sflag:$0x1] =	stream.indirect.gather [hbm4b:s2+s11], $0x80, s3, s11, $0xb8;
	[tilespmem:$0x5100] =	vst v63  }
0x4a: {  	_ = 	snop  }
0x4b: {  	[tilespmem:s13], [sflag:$0x1] =	stream.indirect.gather [hbm4b:s2+s11], $0x80, s10, s11, $0xb8;
	[tilespmem:$0x5100] =	vst v63  }
0x4c: {  	_ =	swait.ge [sflag:s14], $0x2800  }
0x4d: {  	[sflag:s14] =	ssyncset.done $0x0  }
0x4e: {  	[sflag:s14] =	ssyncadd.s32 $0xFFFFD800  }
0x4f: {  	_ =	swait.ge [sflag:s14], $0x2800  }
0x50: {  	[sflag:s14] =	ssyncset.done $0x0  }
0x51: {  	[sflag:s14] =	ssyncadd.s32 $0xFFFFD800  }
0x52: {  	[hbm4b:s17+s3] =	stream.linear.scatter [tilespmem:s12], [sflag:$0x2], $0x2800, $0x38;
	[tilespmem:$0x5100] =	vst v63  }
0x53: {  	s15 =	sadd.s32 $0x1, s15;
	_ =	swait.ge [sflag:s9], $0x2800  }
0x54: {  	p0 =	sne.s32 s15, s4;
	[sflag:s9] =	ssyncset.done $0x0  }
.Ltmp1:
0x55: {  	[sflag:s9] =	ssyncadd.s32 $0xFFFFD800;
	(pc) =	sbr.rel @p0 .LBB2_1-.Ltmp1, $4  }
0x56: {  	[hbm4b:s16+s3] =	stream.linear.scatter [tilespmem:s13], [sflag:$0x2], $0x2800, $0x38;
	[tilespmem:$0x5100] =	vst v63  }
0x57: {  	_ =	swait.ge [sflag:s9], $0x2800  }
0x58: {  	[sflag:s9] =	ssyncset.done $0x0  }
0x59: {  	[sflag:s9] =	ssyncadd.s32 $0xFFFFD800  }
0x5a: {  	_ =	sfence.sel $0x180000  }
0x5b: {  	[bflag:$0x0] =	sbarrier.arrive $0xFFFF  }
0x5c: {  	p0 =	sne.s32 s0, $0x0;
	_ =	strace $0x90000050  }
0x5d: {  	s0 =	sadd.s32 @!p0 $0x100000, s1;
	[bflag:$0x2] =	sbarrier.arrive $0xFFFF  }
0x5e: {  	[sflag:s0] =	ssyncadd.tile.s32 @!p0 $0x1;
	_ =	shalt  }
.Lfunc_end2:
_tile_overlayer_lowered:
.L_overlay_start_2:
0x5f: {  	(tag) =	ssettag $0x2  }
0x60: {  	s0 =	rddreg [dreg:$0x0];
	s2 =	stileid.u32  }
0x61: {  	s1 =	rddreg [dreg:$0x1];
	p0 =	sne.s32 s2, $0x0  }
0x62: {  	s3 =	rddreg [dreg:$0x2];
	[bflag:$0x3] =	sbarrier.arrive $0xFFFF;
	s2 =	simm.s32 @!p0 $0x1C02  }
0x63: {  	[timem:s3], [sflag:s2] =	dma.local @!p0 [hbm:s0], s1  }
0x64: {  	s0 =	simm.s32 @!p0 $0x2  }
0x65: {  	_ =	swait.ge @!p0 [sflag:s0], s1  }
0x66: {  	s1 =	ssub.s32 @!p0 $0x0, s1;
	[sflag:s0] =	ssyncset.done @!p0 $0x0  }
0x67: {  	[sflag:s0] =	ssyncadd.s32 @!p0 s1  }
0x68: {  	[bflag:$0x3] =	sbarrier.arrive $0xFFFF  }
0x69: {  	_ =	shalt  }

// kernel: kernel.31.cloned.1.call-start
scs
__scs_entry_jumppad:
0x0: {  	(pc) =	sbr.rel $0x88, $3  }
0x1: {  	(tag) =	ssettag $0x0;
	lr =	simm.s32 $0x1  }
0x2: {  	[smem:$0x3F95] =	sst lr;
	_ =	strace $0xD0000000  }
0x3: {  	_ = 	snop  }
0x4: {  	_ = 	snop  }
0x5: {  	_ = 	snop  }
0x6: {  	_ = 	snop  }
0x7: {  	_ = 	snop  }
__scs_overlays_trampoline_lowered:
0x8: {  	[smem:$0x3FA4] =	sst s0  }
0x9: {  	[smem:$0x3FA5] =	sst s1  }
0xa: {  	[smem:$0x3FA6] =	sst s2  }
0xb: {  	[smem:$0x3FA7] =	sst s3  }
0xc: {  	[smem:$0x3FA8] =	sst s4  }
0xd: {  	[smem:$0x3FA9] =	sst s5  }
0xe: {  	[smem:$0x3FAA] =	sst s6  }
0xf: {  	[smem:$0x3FAB] =	sst s7  }
0x10: {  	[smem:$0x3FAC] =	sst s8  }
0x11: {  	[smem:$0x3FAD] =	sst s9;
	s0 =	simm.s32 @!p0 $0x0  }
0x12: {  	s1 =	sld [smem:$0x3F93];
	s0 =	simm.s32 @p0 $0x1  }
0x13: {  	[smem:$0x3FAE] =	sst s0;
	s0 =	simm.s32 @!p1 $0x0  }
0x14: {  	s2 =	sld [smem:$0x3F92];
	s0 =	simm.s32 @p1 $0x1  }
0x15: {  	[smem:$0x3FAF] =	sst s0;
	s0 =	simm.s32 @!p2 $0x0  }
0x16: {  	s3 =	sld [smem:$0x3FDB];
	s0 =	simm.s32 @p2 $0x1  }
0x17: {  	s4 =	simm.s32 $0x1BF5;
	[smem:$0x3FB1] =	sst s0  }
0x18: {  	s0 =	sld [smem:$0x3F94];
	_ =	swait.ge [sflag:s4], $0x0  }
0x19: {  	s7 =	sld [smem:$0x3F95]  }
0x1a: {  	s8 =	sadd.s32 $0xFFFFE003, lr  }
0x1b: {  	s9 =	sadd.s32 $0xFFFFFEF7, lr;
	s5 =	simm.s32 $0xFFFFFFFF;
	p2 =	slt.u32 s8, $0xFFFFF086  }
0x1c: {  	p1 =	slt.u32 s9, $0xF7A;
	s5 =	simm.s32 @!p2 $0x0  }
0x1d: {  	s5 =	simm.s32 @p1 $0x1;
	p0 =	seq.s32 s7, s2  }
0x1e: {  	s7 =	smul.u32 @!p0 $0xF7A, s2;
	p2 =	seq.s32 @!p0 s5, $0x0  }
0x1f: {  	s9 =	smul.u32 $0xF7A, s1;
	s8 =	simm.s32 @!p0 $0x1BF5;
	p2 =	por !p2, p0  }
0x20: {  	[sflag:s8] =	ssyncset.s32 @!p0 $0xFFFFF086;
	s6 =	sadd.s32 @!p0 s3, s7;
	s7 =	simm.s32 @!p0 $0x108  }
0x21: {  	s3 =	sadd.s32 s3, s9;
	s6 =	sadd.s32 @!p0 $0x88, s6;
	s7 =	simm.s32 @p2 $0x1082  }
0x22: {  	[simem:s7], [sflag:s8] =	dma.local @!p0 [hbm:s6], $0xF7A  }
0x23: {  	s9 =	sor.u32 $0xD0000000, s2;
	s6 =	simm.s32 $0x108;
	_ =	swait.ge @!p0 [sflag:s8], $0x0  }
0x24: {  	s3 =	sadd.s32 $0x88, s3;
	s6 =	simm.s32 @!p1 $0x1082;
	[sflag:s4] =	ssyncset.s32 $0xFFFFF086  }
0x25: {  	[simem:s6], [sflag:s4] =	dma.local [hbm:s3], $0xF7A  }
0x26: {  	[smem:$0x3F95] =	sst s1;
	(tag) =	ssettag s2;
	_ =	strace s9  }
0x27: {  	s1 =	sld [smem:$0x3FA5]  }
0x28: {  	s2 =	sld [smem:$0x3FA6]  }
0x29: {  	s4 =	sld [smem:$0x3FA8]  }
0x2a: {  	p0 =	seq.s32 s5, $0x0;
	s5 =	sld [smem:$0x3FA9]  }
0x2b: {  	s6 =	sld [smem:$0x3FAA]  }
0x2c: {  	s7 =	sld [smem:$0x3FAB]  }
0x2d: {  	s3 =	simm.s32 $0x108;
	s8 =	sld [smem:$0x3FAC]  }
0x2e: {  	s3 =	simm.s32 @!p0 $0x1082;
	s9 =	sld [smem:$0x3FAD]  }
0x2f: {  	lr =	sadd.s32 s0, s3;
	s0 =	sld [smem:$0x3FA4]  }
0x30: {  	s3 =	sld [smem:$0x3FA7]  }
0x31: {  	[smem:$0x3FB0] =	sst s10  }
0x32: {  	s10 =	sld [smem:$0x3FAE];
	_ =	sdelay $0x3  }
0x33: {  	p0 =	seq.s32 s10, $0x1;
	s10 =	sld [smem:$0x3FB0];
	_ =	sdelay $0x3  }
0x34: {  	[smem:$0x3FB0] =	sst s10  }
0x35: {  	s10 =	sld [smem:$0x3FAF];
	_ =	sdelay $0x3  }
0x36: {  	p1 =	seq.s32 s10, $0x1;
	s10 =	sld [smem:$0x3FB0];
	_ =	sdelay $0x3  }
0x37: {  	[smem:$0x3FB0] =	sst s10  }
0x38: {  	s10 =	sld [smem:$0x3FB1]  }
0x39: {  	_ = 	snop;
	(pc) =	sbr.ind lr, $3  }
0x3a: {  	_ = 	snop  }
0x3b: {  	_ = 	snop  }
0x3c: {  	p2 =	seq.s32 s10, $0x1;
	s10 =	sld [smem:$0x3FB0]  }
0x3d: {  	_ =	shalt  }
0x3e: {  	_ =	shalt  }
0x3f: {  	_ =	shalt  }
0x40: {  	_ =	shalt  }
0x41: {  	_ =	shalt  }
0x42: {  	_ =	shalt  }
0x43: {  	_ =	shalt  }
0x44: {  	_ =	shalt  }
0x45: {  	_ =	shalt  }
0x46: {  	_ =	shalt  }
0x47: {  	_ =	shalt  }
0x48: {  	_ =	shalt  }
0x49: {  	_ =	shalt  }
0x4a: {  	_ =	shalt  }
0x4b: {  	_ =	shalt  }
0x4c: {  	_ =	shalt  }
0x4d: {  	_ =	shalt  }
0x4e: {  	_ =	shalt  }
0x4f: {  	_ =	shalt  }
0x50: {  	_ =	shalt  }
0x51: {  	_ =	shalt  }
0x52: {  	_ =	shalt  }
0x53: {  	_ =	shalt  }
0x54: {  	_ =	shalt  }
0x55: {  	_ =	shalt  }
0x56: {  	_ =	shalt  }
0x57: {  	_ =	shalt  }
0x58: {  	_ =	shalt  }
0x59: {  	_ =	shalt  }
0x5a: {  	_ =	shalt  }
0x5b: {  	_ =	shalt  }
0x5c: {  	_ =	shalt  }
0x5d: {  	_ =	shalt  }
0x5e: {  	_ =	shalt  }
0x5f: {  	_ =	shalt  }
0x60: {  	_ =	shalt  }
0x61: {  	_ =	shalt  }
0x62: {  	_ =	shalt  }
0x63: {  	_ =	shalt  }
0x64: {  	_ =	shalt  }
0x65: {  	_ =	shalt  }
0x66: {  	_ =	shalt  }
0x67: {  	_ =	shalt  }
0x68: {  	_ =	shalt  }
0x69: {  	_ =	shalt  }
0x6a: {  	_ =	shalt  }
0x6b: {  	_ =	shalt  }
0x6c: {  	_ =	shalt  }
0x6d: {  	_ =	shalt  }
0x6e: {  	_ =	shalt  }
0x6f: {  	_ =	shalt  }
0x70: {  	_ =	shalt  }
0x71: {  	_ =	shalt  }
0x72: {  	_ =	shalt  }
0x73: {  	_ =	shalt  }
0x74: {  	_ =	shalt  }
0x75: {  	_ =	shalt  }
0x76: {  	_ =	shalt  }
0x77: {  	_ =	shalt  }
0x78: {  	_ =	shalt  }
0x79: {  	_ =	shalt  }
0x7a: {  	_ =	shalt  }
0x7b: {  	_ =	shalt  }
0x7c: {  	_ =	shalt  }
0x7d: {  	_ =	shalt  }
0x7e: {  	_ =	shalt  }
0x7f: {  	_ =	shalt  }
0x80: {  	_ =	shalt  }
0x81: {  	_ =	shalt  }
0x82: {  	_ =	shalt  }
0x83: {  	_ =	shalt  }
0x84: {  	_ =	shalt  }
0x85: {  	_ =	shalt  }
0x86: {  	_ =	shalt  }
0x87: {  	_ =	shalt  }
.Lfunc_end0:
.L_simem_size_0:
called_computation.4_lowered:
.L_overlay_start_0:
0x88: {  	s2 =	sld [smem:$0x3FD9]  }
0x89: {  	s3 =	sld [smem:$0x3FFE];
	_ =	sdelay $0x1  }
0x8a: {  	s1 =	srdreg.scid  }
0x8b: {  	s0 =	sand.u32 $0x1, s1  }
0x8c: {  	s15 =	sshll.u32 s0, $0xA;
	s2 =	sadd.s32 s3, s2  }
0x8d: {  	s2 =	sadd.s32 s2, s15  }
0x8e: {  	[smem:$0x3FBC] =	sst s2  }
0x8f: {  	_ = 	snop  }
0x90: {  	s2 =	sld [smem:$0x3FD0];
	_ =	sdelay $0x2  }
0x91: {  	s16 =	simm.s32 $0xE;
	s4 =	simm.s32 $0x10  }
0x92: {  	[smem:s4], [sflag:s16] =	dma.local [hbm:s2], $0x1  }
0x93: {  	_ =	swait.eq [sflag:s16], $0x1  }
0x94: {  	[sflag:s16] =	ssyncset.done $0x0  }
0x95: {  	[sflag:s16] =	ssyncadd.s32 $0xFFFFFFFF  }
0x96: {  	s17 =	sld [smem:$0x10];
	(tm) =	ssettm $0x1  }
0x97: {  	s18 =	sld [smem:$0x3FFB];
	_ =	sdelay $0x3  }
0x98: {  	_ =	strace s18  }
0x99: {  	s2 =	sld [smem:$0x3FFC];
	_ =	sdelay $0x3  }
0x9a: {  	_ =	strace s2  }
0x9b: {  	s2 =	sld [smem:$0x3FFD];
	_ =	sdelay $0x3  }
0x9c: {  	_ =	strace s2  }
0x9d: {  	_ =	strace $0x8FFFFFFF  }
0x9e: {  	s19 =	sld [smem:$0x3FDB];
	_ =	sdelay $0x1  }
0x9f: {  	s20 =	simm.s32 $_scs_section_size  }
0xa0: {  	s5 =	simm.s32 $_size__tile_overlayer_lowered;
	s6 =	simm.s32 $_tile_overlayer_lowered  }
0xa1: {  	s7 =	simm.s32 $0x1BFF;
	s21 =	sshll.u32 s6, $0x1;
	s4 =	sadd.s32 s20, s19  }
0xa2: {  	s22 =	simm.s32 $0x0;
	s5 =	sshll.u32 s5, $0x1;
	s6 =	sadd.s32 s21, s4  }
0xa3: {  	[timem:s22], [sflag:s7] =	dma.local [hbm:s6], s5  }
0xa4: {  	_ =	swait.ge [sflag:s7], s5  }
0xa5: {  	s5 =	ssub.s32 $0x0, s5;
	[sflag:s7] =	ssyncset.done $0x0  }
0xa6: {  	[sflag:s7] =	ssyncadd.s32 s5;
	_ =	sdelay $0x1  }
0xa7: {  	s23 =	simm.s32 $0x1B8B  }
0xa8: {  	_ =	swait.ge [sflag:s23], $0x1  }
0xa9: {  	[sflag:s23] =	ssyncset.done $0x0  }
0xaa: {  	[sflag:s23] =	ssyncadd.s32 $0xFFFFFFFF  }
0xab: {  	s5 =	sld [smem:$0x0]  }
0xac: {  	s6 =	sand.u32 $0xFFFFFFFE, s1  }
0xad: {  	p0 =	sne.s32 s1, s6  }
0xae: {  	s6 =	sshll.u32 @p0 s6, $0xE  }
0xaf: {  	s6 =	sadd.s32 @p0 $0x11B8D, s6;
	s7 =	sshll.u32 @p0 s5, $0x11  }
0xb0: {  	s6 =	sor.u32 @p0 s7, s6  }
0xb1: {  	[sflag:s6] =	ssyncadd.remote.s32 @p0 $0x1;
	_ =	sdelay $0x1  }
0xb2: {  	s6 =	simm.s32 @p0 $0x1B8D  }
0xb3: {  	_ =	swait.eq @p0 [sflag:s6], $0x1  }
0xb4: {  	[sflag:s6] =	ssyncadd.s32 @p0 $0xFFFFFFFF  }
0xb5: {  	s7 =	sshll.u32 @!p0 s1, $0xE  }
0xb6: {  	s7 =	sor.u32 @!p0 $0x4000, s7;
	s6 =	simm.s32 @!p0 $0x1B8D  }
0xb7: {  	s5 =	sshll.u32 @!p0 s5, $0x11;
	s7 =	sadd.s32 @!p0 $0x11B8D, s7;
	_ =	swait.eq @!p0 [sflag:s6], $0x1  }
0xb8: {  	s5 =	sor.u32 @!p0 s5, s7;
	[sflag:s6] =	ssyncadd.s32 @!p0 $0xFFFFFFFF  }
0xb9: {  	s25 =	simm.s32 $0x1B8E;
	s24 =	sld [smem:$0x3FFE];
	[sflag:s5] =	ssyncadd.remote.s32 @!p0 $0x1  }
0xba: {  	s26 =	simm.s32 $execute0_lowered;
	[smem:$0x3FD2] =	sst s25  }
0xbb: {  	s6 =	sshll.u32 s26, $0x1;
	_ =	strace $0x80000052;
	[dreg:$0x1] =	wrdreg $0xFFFFFFFF  }
0xbc: {  	s28 =	simm.s32 $_size_execute0_lowered;
	s4 =	sadd.s32 s4, s6;
	[dreg:$0x0] =	wrdreg $0x0  }
0xbd: {  	s6 =	sshll.u32 s28, $0x1;
	[dreg:$0x2] =	wrdreg s4  }
0xbe: {  	[dreg:$0x3] =	wrdreg s6  }
0xbf: {  	[dreg:$0x4] =	wrdreg $0xC0  }
0xc0: {  	_ =	task [dreg:s22], $0x5FFFF  }
0xc1: {  	[dreg:$0x1] =	wrdreg $0xFFFFFFFF  }
0xc2: {  	[dreg:$0x0] =	wrdreg $0x60  }
0xc3: {  	[dreg:$0x2] =	wrdreg s17  }
0xc4: {  	[dreg:$0x3] =	wrdreg s24  }
0xc5: {  	[dreg:$0x4] =	wrdreg $0x9  }
0xc6: {  	_ =	task.clear_ibuf [dreg:s22], $0x5FFFF;
	_ =	strace $0x90000052  }
0xc7: {  	s29 =	simm.s32 $0x9;
	_ =	strace $0x80000054  }
0xc8: {  	_ =	swait.ge [sflag:s29], $0x1  }
0xc9: {  	[sflag:s29] =	ssyncadd.s32 $0xFFFFFFFF  }
0xca: {  	_ =	strace $0x90000054  }
0xcb: {  	_ =	sfence  }
0xcc: {  	s30 =	sld [smem:$0x0];
	_ =	sdelay $0x2  }
0xcd: {  	s31 =	sshll.u32 s1, $0xD;
	s1 =	sshrl.u32 s1, $0x2  }
0xce: {  	s4 =	sand.u32 $0x4000, s31;
	s1 =	sadd.s32 s1, s30  }
0xcf: {  	s0 =	sor.u32 s4, s0;
	s1 =	sshll.u32 s1, $0x11  }
0xd0: {  	s0 =	sor.u32 s1, s0  }
0xd1: {  	s0 =	sadd.s32 $0x8F2B, s0  }
0xd2: {  	[sflag:s0] =	ssyncadd.remote.s32 $0x1  }
0xd3: {  	_ =	sfence.sel $0xFFFF  }
0xd4: {  	[dreg:$0x0] =	wrdreg $0xFFFFFFFF;
	(pc) =	sbr.abs _section_cstart, $3  }
0xd5: {  	[dreg:$0x1] =	wrdreg $0xFFFFFFFF  }
0xd6: {  	_ =	task.clear_ibuf [dreg:s22], $0x2FFFF;
	_ =	strace $0x9FFFFFFF  }
0xd7: {  	(tm) =	ssettm $0x7FFFFFFF  }
tec
execute0_lowered:
.L_overlay_start_1:
0x0: {  	(tag) =	ssettag $0x1  }
0x1: {  	s2 =	rddreg [dreg:$0x0];
	s1 =	srdreg.scid  }
0x2: {  	s0 =	stileid.u32;
	s4 =	rddreg [dreg:$0x1]  }
0x3: {  	s3 =	simm.s32 $0x0;
	s11 =	simm.s32 $0x50;
	s12 =	simm.s32 $0x100  }
0x4: {  	s13 =	simm.s32 $0x2900;
	s14 =	simm.s32 $0x1;
	s6 =	smul.u32 $0xFA0, s0  }
0x5: {  	s5 =	sand.u32 $0x1, s1;
	s1 =	rddreg [dreg:$0x2];
	s29 =	smul.u32 $0xFA00, s0  }
0x6: {  	s15 =	simm.s32 $0x0;
	[smem:$0x7FF] =	sst s3;
	s7 =	smul.u32 $0x7D0, s5  }
0x7: {  	_ =	strace $0x80000053;
	s8 =	ssub.s32 $0x2, s5;
	s5 =	smul.u32 $0x7D00, s5  }
0x8: {  	s9 =	sshrl.u32 s8, $0x1;
	s6 =	sadd.s32 s7, s6;
	s7 =	sadd.s32 s29, s4  }
0x9: {  	s30 =	ssub.s32 s8, s9;
	s6 =	sadd.s32 $0x3E800, s6;
	s31 =	sadd.s32 s5, s7  }
0xa: {  	s9 =	simm.s32 $0x2;
	s6 =	sshrl.u32 s6, $0x3;
	s5 =	sadd.s32 $0x7EA800, s31  }
0xb: {  	s10 =	sadd.s32 s6, s4;
	s4 =	smax.u32 s30, $0x1;
	s6 =	sadd.s32 $0x8E4800, s31  }
0xc: {  	s7 =	sadd.s32 $0x10A00, s10;
	s8 =	sadd.s32 $0x6C00, s10;
	s10 =	simm.s32 $0x80  }
.LBB2_1:
0xd: {  	s16 =	sadd.s32 $0x0, s8  }
0xe: {  	[tilespmem:s3], [sflag:$0x2] =	stream.linear.gather [hbm4b:s16+s3], $0x50, $0x38;
	[tilespmem:$0x5100] =	vst v63  }
0xf: {  	_ =	swait.ge [sflag:s9], $0x50  }
0x10: {  	[sflag:s9] =	ssyncset.done $0x0  }
0x11: {  	s31 =	sadd.s32 $0x0, s7;
	[sflag:s9] =	ssyncadd.s32 $0xFFFFFFB0  }
0x12: {  	[tilespmem:s10], [sflag:$0x2] =	stream.linear.gather [hbm4b:s31+s3], $0x50, $0x38;
	[tilespmem:$0x5100] =	vst v63  }
0x13: {  	_ =	swait.ge [sflag:s9], $0x50  }
0x14: {  	[sflag:s9] =	ssyncset.done $0x0  }
0x15: {  	[sflag:s9] =	ssyncadd.s32 $0xFFFFFFB0  }
0x16: {  	[tilespmem:s12], [sflag:$0x1] =	stream.indirect.gather [hbm4b:s2+s11], $0x80, s3, s11, $0xb8;
	[tilespmem:$0x5100] =	vst v63  }
0x17: {  	_ = 	snop  }
0x18: {  	[tilespmem:s13], [sflag:$0x1] =	stream.indirect.gather [hbm4b:s2+s11], $0x80, s10, s11, $0xb8;
	[tilespmem:$0x5100] =	vst v63  }
0x19: {  	_ =	swait.ge [sflag:s14], $0x2800  }
0x1a: {  	[sflag:s14] =	ssyncset.done $0x0  }
0x1b: {  	[sflag:s14] =	ssyncadd.s32 $0xFFFFD800  }
0x1c: {  	_ =	swait.ge [sflag:s14], $0x2800  }
0x1d: {  	[sflag:s14] =	ssyncset.done $0x0  }
0x1e: {  	[sflag:s14] =	ssyncadd.s32 $0xFFFFD800  }
0x1f: {  	[hbm4b:s5+s3] =	stream.linear.scatter [tilespmem:s12], [sflag:$0x2], $0x2800, $0x38;
	[tilespmem:$0x5100] =	vst v63  }
0x20: {  	_ =	swait.ge [sflag:s9], $0x2800  }
0x21: {  	[sflag:s9] =	ssyncset.done $0x0  }
0x22: {  	[sflag:s9] =	ssyncadd.s32 $0xFFFFD800  }
0x23: {  	[hbm4b:s6+s3] =	stream.linear.scatter [tilespmem:s13], [sflag:$0x2], $0x2800, $0x38;
	[tilespmem:$0x5100] =	vst v63  }
0x24: {  	s18 =	simm.s32 $0xA;
	s19 =	simm.s32 $0x14;
	_ =	swait.ge [sflag:s9], $0x2800  }
0x25: {  	s17 =	sadd.s32 $0x500, s5;
	s16 =	sadd.s32 $0x500, s6;
	[sflag:s9] =	ssyncset.done $0x0  }
.LBB2_2:
0x26: {  	s20 =	sadd.s32 s18, s8  }
0x27: {  	[sflag:s9] =	ssyncadd.s32 $0xFFFFD800;
	s21 =	smov.u32 s19;
	s22 =	sadd.s32 $0xA, s19  }
0x28: {  	[tilespmem:s3], [sflag:$0x2] =	stream.linear.gather [hbm4b:s20+s3], $0x50, $0x38;
	[tilespmem:$0x5100] =	vst v63  }
0x29: {  	p0 =	sne.s32 s19, $0xF0;
	_ =	swait.ge [sflag:s9], $0x50  }
0x2a: {  	[sflag:s9] =	ssyncset.done $0x0  }
0x2b: {  	s19 =	sadd.s32 s18, s7;
	s18 =	smov.u32 s21;
	[sflag:s9] =	ssyncadd.s32 $0xFFFFFFB0  }
0x2c: {  	[tilespmem:s10], [sflag:$0x2] =	stream.linear.gather [hbm4b:s19+s3], $0x50, $0x38;
	[tilespmem:$0x5100] =	vst v63  }
0x2d: {  	_ =	swait.ge [sflag:s9], $0x50  }
0x2e: {  	[sflag:s9] =	ssyncset.done $0x0  }
0x2f: {  	[sflag:s9] =	ssyncadd.s32 $0xFFFFFFB0  }
0x30: {  	[tilespmem:s12], [sflag:$0x1] =	stream.indirect.gather [hbm4b:s2+s11], $0x80, s3, s11, $0xb8;
	[tilespmem:$0x5100] =	vst v63  }
0x31: {  	_ = 	snop  }
0x32: {  	[tilespmem:s13], [sflag:$0x1] =	stream.indirect.gather [hbm4b:s2+s11], $0x80, s10, s11, $0xb8;
	[tilespmem:$0x5100] =	vst v63  }
0x33: {  	_ =	swait.ge [sflag:s14], $0x2800  }
0x34: {  	[sflag:s14] =	ssyncset.done $0x0  }
0x35: {  	[sflag:s14] =	ssyncadd.s32 $0xFFFFD800  }
0x36: {  	_ =	swait.ge [sflag:s14], $0x2800  }
0x37: {  	[sflag:s14] =	ssyncset.done $0x0  }
0x38: {  	[sflag:s14] =	ssyncadd.s32 $0xFFFFD800  }
0x39: {  	[hbm4b:s17+s3] =	stream.linear.scatter [tilespmem:s12], [sflag:$0x2], $0x2800, $0x38;
	[tilespmem:$0x5100] =	vst v63  }
0x3a: {  	_ =	swait.ge [sflag:s9], $0x2800  }
.Ltmp0:
0x3b: {  	[sflag:s9] =	ssyncset.done $0x0;
	(pc) =	sbr.rel @p0 .LBB2_2-.Ltmp0, $4  }
0x3c: {  	[sflag:s9] =	ssyncadd.s32 $0xFFFFD800  }
0x3d: {  	[hbm4b:s16+s3] =	stream.linear.scatter [tilespmem:s13], [sflag:$0x2], $0x2800, $0x38;
	[tilespmem:$0x5100] =	vst v63  }
0x3e: {  	s19 =	smov.u32 s22;
	_ =	swait.ge [sflag:s9], $0x2800  }
0x3f: {  	s17 =	sadd.s32 $0x500, s17;
	s16 =	sadd.s32 $0x500, s16;
	[sflag:s9] =	ssyncset.done $0x0  }
0x40: {  	s19 =	sadd.s32 s18, s8;
	[sflag:s9] =	ssyncadd.s32 $0xFFFFD800  }
0x41: {  	[tilespmem:s3], [sflag:$0x2] =	stream.linear.gather [hbm4b:s19+s3], $0x50, $0x38;
	[tilespmem:$0x5100] =	vst v63  }
0x42: {  	_ =	swait.ge [sflag:s9], $0x50  }
0x43: {  	[sflag:s9] =	ssyncset.done $0x0  }
0x44: {  	s31 =	sadd.s32 s18, s7;
	[sflag:s9] =	ssyncadd.s32 $0xFFFFFFB0  }
0x45: {  	[tilespmem:s10], [sflag:$0x2] =	stream.linear.gather [hbm4b:s31+s3], $0x50, $0x38;
	[tilespmem:$0x5100] =	vst v63  }
0x46: {  	_ =	swait.ge [sflag:s9], $0x50  }
0x47: {  	[sflag:s9] =	ssyncset.done $0x0  }
0x48: {  	[sflag:s9] =	ssyncadd.s32 $0xFFFFFFB0  }
0x49: {  	[tilespmem:s12], [sflag:$0x1] =	stream.indirect.gather [hbm4b:s2+s11], $0x80, s3, s11, $0xb8;
	[tilespmem:$0x5100] =	vst v63  }
0x4a: {  	_ = 	snop  }
0x4b: {  	[tilespmem:s13], [sflag:$0x1] =	stream.indirect.gather [hbm4b:s2+s11], $0x80, s10, s11, $0xb8;
	[tilespmem:$0x5100] =	vst v63  }
0x4c: {  	_ =	swait.ge [sflag:s14], $0x2800  }
0x4d: {  	[sflag:s14] =	ssyncset.done $0x0  }
0x4e: {  	[sflag:s14] =	ssyncadd.s32 $0xFFFFD800  }
0x4f: {  	_ =	swait.ge [sflag:s14], $0x2800  }
0x50: {  	[sflag:s14] =	ssyncset.done $0x0  }
0x51: {  	[sflag:s14] =	ssyncadd.s32 $0xFFFFD800  }
0x52: {  	[hbm4b:s17+s3] =	stream.linear.scatter [tilespmem:s12], [sflag:$0x2], $0x2800, $0x38;
	[tilespmem:$0x5100] =	vst v63  }
0x53: {  	s15 =	sadd.s32 $0x1, s15;
	_ =	swait.ge [sflag:s9], $0x2800  }
0x54: {  	p0 =	sne.s32 s15, s4;
	[sflag:s9] =	ssyncset.done $0x0  }
.Ltmp1:
0x55: {  	[sflag:s9] =	ssyncadd.s32 $0xFFFFD800;
	(pc) =	sbr.rel @p0 .LBB2_1-.Ltmp1, $4  }
0x56: {  	[hbm4b:s16+s3] =	stream.linear.scatter [tilespmem:s13], [sflag:$0x2], $0x2800, $0x38;
	[tilespmem:$0x5100] =	vst v63  }
0x57: {  	_ =	swait.ge [sflag:s9], $0x2800  }
0x58: {  	[sflag:s9] =	ssyncset.done $0x0  }
0x59: {  	[sflag:s9] =	ssyncadd.s32 $0xFFFFD800  }
0x5a: {  	_ =	sfence.sel $0x180000  }
0x5b: {  	[bflag:$0x0] =	sbarrier.arrive $0xFFFF  }
0x5c: {  	p0 =	sne.s32 s0, $0x0;
	_ =	strace $0x90000053  }
0x5d: {  	s0 =	sadd.s32 @!p0 $0x100000, s1;
	[bflag:$0x2] =	sbarrier.arrive $0xFFFF  }
0x5e: {  	[sflag:s0] =	ssyncadd.tile.s32 @!p0 $0x1;
	_ =	shalt  }
.Lfunc_end2:
_tile_overlayer_lowered:
.L_overlay_start_2:
0x5f: {  	(tag) =	ssettag $0x2  }
0x60: {  	s0 =	rddreg [dreg:$0x0];
	s2 =	stileid.u32  }
0x61: {  	s1 =	rddreg [dreg:$0x1];
	p0 =	sne.s32 s2, $0x0  }
0x62: {  	s3 =	rddreg [dreg:$0x2];
	[bflag:$0x3] =	sbarrier.arrive $0xFFFF;
	s2 =	simm.s32 @!p0 $0x1C02  }
0x63: {  	[timem:s3], [sflag:s2] =	dma.local @!p0 [hbm:s0], s1  }
0x64: {  	s0 =	simm.s32 @!p0 $0x2  }
0x65: {  	_ =	swait.ge @!p0 [sflag:s0], s1  }
0x66: {  	s1 =	ssub.s32 @!p0 $0x0, s1;
	[sflag:s0] =	ssyncset.done @!p0 $0x0  }
0x67: {  	[sflag:s0] =	ssyncadd.s32 @!p0 s1  }
0x68: {  	[bflag:$0x3] =	sbarrier.arrive $0xFFFF  }
0x69: {  	_ =	shalt  }

// kernel: kernel.34.cloned.1.call-start
scs
__scs_entry_jumppad:
0x0: {  	(pc) =	sbr.rel $0x88, $3  }
0x1: {  	(tag) =	ssettag $0x0;
	lr =	simm.s32 $0x1  }
0x2: {  	[smem:$0x3F95] =	sst lr;
	_ =	strace $0xD0000000  }
0x3: {  	_ = 	snop  }
0x4: {  	_ = 	snop  }
0x5: {  	_ = 	snop  }
0x6: {  	_ = 	snop  }
0x7: {  	_ = 	snop  }
__scs_overlays_trampoline_lowered:
0x8: {  	[smem:$0x3FA4] =	sst s0  }
0x9: {  	[smem:$0x3FA5] =	sst s1  }
0xa: {  	[smem:$0x3FA6] =	sst s2  }
0xb: {  	[smem:$0x3FA7] =	sst s3  }
0xc: {  	[smem:$0x3FA8] =	sst s4  }
0xd: {  	[smem:$0x3FA9] =	sst s5  }
0xe: {  	[smem:$0x3FAA] =	sst s6  }
0xf: {  	[smem:$0x3FAB] =	sst s7  }
0x10: {  	[smem:$0x3FAC] =	sst s8  }
0x11: {  	[smem:$0x3FAD] =	sst s9;
	s0 =	simm.s32 @!p0 $0x0  }
0x12: {  	s1 =	sld [smem:$0x3F93];
	s0 =	simm.s32 @p0 $0x1  }
0x13: {  	[smem:$0x3FAE] =	sst s0;
	s0 =	simm.s32 @!p1 $0x0  }
0x14: {  	s2 =	sld [smem:$0x3F92];
	s0 =	simm.s32 @p1 $0x1  }
0x15: {  	[smem:$0x3FAF] =	sst s0;
	s0 =	simm.s32 @!p2 $0x0  }
0x16: {  	s3 =	sld [smem:$0x3FDB];
	s0 =	simm.s32 @p2 $0x1  }
0x17: {  	s4 =	simm.s32 $0x1BF5;
	[smem:$0x3FB1] =	sst s0  }
0x18: {  	s0 =	sld [smem:$0x3F94];
	_ =	swait.ge [sflag:s4], $0x0  }
0x19: {  	s7 =	sld [smem:$0x3F95]  }
0x1a: {  	s8 =	sadd.s32 $0xFFFFE003, lr  }
0x1b: {  	s9 =	sadd.s32 $0xFFFFFEF7, lr;
	s5 =	simm.s32 $0xFFFFFFFF;
	p2 =	slt.u32 s8, $0xFFFFF086  }
0x1c: {  	p1 =	slt.u32 s9, $0xF7A;
	s5 =	simm.s32 @!p2 $0x0  }
0x1d: {  	s5 =	simm.s32 @p1 $0x1;
	p0 =	seq.s32 s7, s2  }
0x1e: {  	s7 =	smul.u32 @!p0 $0xF7A, s2;
	p2 =	seq.s32 @!p0 s5, $0x0  }
0x1f: {  	s9 =	smul.u32 $0xF7A, s1;
	s8 =	simm.s32 @!p0 $0x1BF5;
	p2 =	por !p2, p0  }
0x20: {  	[sflag:s8] =	ssyncset.s32 @!p0 $0xFFFFF086;
	s6 =	sadd.s32 @!p0 s3, s7;
	s7 =	simm.s32 @!p0 $0x108  }
0x21: {  	s3 =	sadd.s32 s3, s9;
	s6 =	sadd.s32 @!p0 $0x88, s6;
	s7 =	simm.s32 @p2 $0x1082  }
0x22: {  	[simem:s7], [sflag:s8] =	dma.local @!p0 [hbm:s6], $0xF7A  }
0x23: {  	s9 =	sor.u32 $0xD0000000, s2;
	s6 =	simm.s32 $0x108;
	_ =	swait.ge @!p0 [sflag:s8], $0x0  }
0x24: {  	s3 =	sadd.s32 $0x88, s3;
	s6 =	simm.s32 @!p1 $0x1082;
	[sflag:s4] =	ssyncset.s32 $0xFFFFF086  }
0x25: {  	[simem:s6], [sflag:s4] =	dma.local [hbm:s3], $0xF7A  }
0x26: {  	[smem:$0x3F95] =	sst s1;
	(tag) =	ssettag s2;
	_ =	strace s9  }
0x27: {  	s1 =	sld [smem:$0x3FA5]  }
0x28: {  	s2 =	sld [smem:$0x3FA6]  }
0x29: {  	s4 =	sld [smem:$0x3FA8]  }
0x2a: {  	p0 =	seq.s32 s5, $0x0;
	s5 =	sld [smem:$0x3FA9]  }
0x2b: {  	s6 =	sld [smem:$0x3FAA]  }
0x2c: {  	s7 =	sld [smem:$0x3FAB]  }
0x2d: {  	s3 =	simm.s32 $0x108;
	s8 =	sld [smem:$0x3FAC]  }
0x2e: {  	s3 =	simm.s32 @!p0 $0x1082;
	s9 =	sld [smem:$0x3FAD]  }
0x2f: {  	lr =	sadd.s32 s0, s3;
	s0 =	sld [smem:$0x3FA4]  }
0x30: {  	s3 =	sld [smem:$0x3FA7]  }
0x31: {  	[smem:$0x3FB0] =	sst s10  }
0x32: {  	s10 =	sld [smem:$0x3FAE];
	_ =	sdelay $0x3  }
0x33: {  	p0 =	seq.s32 s10, $0x1;
	s10 =	sld [smem:$0x3FB0];
	_ =	sdelay $0x3  }
0x34: {  	[smem:$0x3FB0] =	sst s10  }
0x35: {  	s10 =	sld [smem:$0x3FAF];
	_ =	sdelay $0x3  }
0x36: {  	p1 =	seq.s32 s10, $0x1;
	s10 =	sld [smem:$0x3FB0];
	_ =	sdelay $0x3  }
0x37: {  	[smem:$0x3FB0] =	sst s10  }
0x38: {  	s10 =	sld [smem:$0x3FB1]  }
0x39: {  	_ = 	snop;
	(pc) =	sbr.ind lr, $3  }
0x3a: {  	_ = 	snop  }
0x3b: {  	_ = 	snop  }
0x3c: {  	p2 =	seq.s32 s10, $0x1;
	s10 =	sld [smem:$0x3FB0]  }
0x3d: {  	_ =	shalt  }
0x3e: {  	_ =	shalt  }
0x3f: {  	_ =	shalt  }
0x40: {  	_ =	shalt  }
0x41: {  	_ =	shalt  }
0x42: {  	_ =	shalt  }
0x43: {  	_ =	shalt  }
0x44: {  	_ =	shalt  }
0x45: {  	_ =	shalt  }
0x46: {  	_ =	shalt  }
0x47: {  	_ =	shalt  }
0x48: {  	_ =	shalt  }
0x49: {  	_ =	shalt  }
0x4a: {  	_ =	shalt  }
0x4b: {  	_ =	shalt  }
0x4c: {  	_ =	shalt  }
0x4d: {  	_ =	shalt  }
0x4e: {  	_ =	shalt  }
0x4f: {  	_ =	shalt  }
0x50: {  	_ =	shalt  }
0x51: {  	_ =	shalt  }
0x52: {  	_ =	shalt  }
0x53: {  	_ =	shalt  }
0x54: {  	_ =	shalt  }
0x55: {  	_ =	shalt  }
0x56: {  	_ =	shalt  }
0x57: {  	_ =	shalt  }
0x58: {  	_ =	shalt  }
0x59: {  	_ =	shalt  }
0x5a: {  	_ =	shalt  }
0x5b: {  	_ =	shalt  }
0x5c: {  	_ =	shalt  }
0x5d: {  	_ =	shalt  }
0x5e: {  	_ =	shalt  }
0x5f: {  	_ =	shalt  }
0x60: {  	_ =	shalt  }
0x61: {  	_ =	shalt  }
0x62: {  	_ =	shalt  }
0x63: {  	_ =	shalt  }
0x64: {  	_ =	shalt  }
0x65: {  	_ =	shalt  }
0x66: {  	_ =	shalt  }
0x67: {  	_ =	shalt  }
0x68: {  	_ =	shalt  }
0x69: {  	_ =	shalt  }
0x6a: {  	_ =	shalt  }
0x6b: {  	_ =	shalt  }
0x6c: {  	_ =	shalt  }
0x6d: {  	_ =	shalt  }
0x6e: {  	_ =	shalt  }
0x6f: {  	_ =	shalt  }
0x70: {  	_ =	shalt  }
0x71: {  	_ =	shalt  }
0x72: {  	_ =	shalt  }
0x73: {  	_ =	shalt  }
0x74: {  	_ =	shalt  }
0x75: {  	_ =	shalt  }
0x76: {  	_ =	shalt  }
0x77: {  	_ =	shalt  }
0x78: {  	_ =	shalt  }
0x79: {  	_ =	shalt  }
0x7a: {  	_ =	shalt  }
0x7b: {  	_ =	shalt  }
0x7c: {  	_ =	shalt  }
0x7d: {  	_ =	shalt  }
0x7e: {  	_ =	shalt  }
0x7f: {  	_ =	shalt  }
0x80: {  	_ =	shalt  }
0x81: {  	_ =	shalt  }
0x82: {  	_ =	shalt  }
0x83: {  	_ =	shalt  }
0x84: {  	_ =	shalt  }
0x85: {  	_ =	shalt  }
0x86: {  	_ =	shalt  }
0x87: {  	_ =	shalt  }
.Lfunc_end0:
.L_simem_size_0:
called_computation.5_lowered:
.L_overlay_start_0:
0x88: {  	s2 =	sld [smem:$0x3FD9]  }
0x89: {  	s3 =	sld [smem:$0x3FFE];
	_ =	sdelay $0x1  }
0x8a: {  	s1 =	srdreg.scid  }
0x8b: {  	s0 =	sand.u32 $0x1, s1  }
0x8c: {  	s17 =	sshll.u32 s0, $0xA;
	s2 =	sadd.s32 s3, s2  }
0x8d: {  	s2 =	sadd.s32 s2, s17  }
0x8e: {  	[smem:$0x3FBC] =	sst s2  }
0x8f: {  	_ = 	snop  }
0x90: {  	(tm) =	ssettm $0x1  }
0x91: {  	s18 =	sld [smem:$0x3FFB];
	_ =	sdelay $0x3  }
0x92: {  	_ =	strace s18  }
0x93: {  	s2 =	sld [smem:$0x3FFC];
	_ =	sdelay $0x3  }
0x94: {  	_ =	strace s2  }
0x95: {  	s2 =	sld [smem:$0x3FFD];
	_ =	sdelay $0x3  }
0x96: {  	_ =	strace s2  }
0x97: {  	_ =	strace $0x8FFFFFFF  }
0x98: {  	s19 =	sld [smem:$0x3FDB];
	_ =	sdelay $0x1  }
0x99: {  	s20 =	simm.s32 $_scs_section_size  }
0x9a: {  	s4 =	simm.s32 $_size__tile_overlayer_lowered;
	s5 =	simm.s32 $_tile_overlayer_lowered  }
0x9b: {  	s6 =	simm.s32 $0x1BFF;
	s21 =	sshll.u32 s5, $0x1;
	s3 =	sadd.s32 s20, s19  }
0x9c: {  	s22 =	simm.s32 $0x0;
	s4 =	sshll.u32 s4, $0x1;
	s5 =	sadd.s32 s21, s3  }
0x9d: {  	[timem:s22], [sflag:s6] =	dma.local [hbm:s5], s4  }
0x9e: {  	_ =	swait.ge [sflag:s6], s4  }
0x9f: {  	s4 =	ssub.s32 $0x0, s4;
	[sflag:s6] =	ssyncset.done $0x0  }
0xa0: {  	[sflag:s6] =	ssyncadd.s32 s4;
	_ =	sdelay $0x1  }
0xa1: {  	s23 =	simm.s32 $0x1B8B  }
0xa2: {  	_ =	swait.ge [sflag:s23], $0x1  }
0xa3: {  	[sflag:s23] =	ssyncset.done $0x0  }
0xa4: {  	[sflag:s23] =	ssyncadd.s32 $0xFFFFFFFF  }
0xa5: {  	s4 =	sld [smem:$0x0]  }
0xa6: {  	s5 =	sand.u32 $0xFFFFFFFE, s1  }
0xa7: {  	p0 =	sne.s32 s1, s5  }
0xa8: {  	s5 =	sshll.u32 @p0 s5, $0xE  }
0xa9: {  	s5 =	sadd.s32 @p0 $0x11B8D, s5;
	s6 =	sshll.u32 @p0 s4, $0x11  }
0xaa: {  	s5 =	sor.u32 @p0 s6, s5  }
0xab: {  	[sflag:s5] =	ssyncadd.remote.s32 @p0 $0x1;
	_ =	sdelay $0x1  }
0xac: {  	s5 =	simm.s32 @p0 $0x1B8D  }
0xad: {  	_ =	swait.eq @p0 [sflag:s5], $0x1  }
0xae: {  	[sflag:s5] =	ssyncadd.s32 @p0 $0xFFFFFFFF  }
0xaf: {  	s6 =	sshll.u32 @!p0 s1, $0xE  }
0xb0: {  	s6 =	sor.u32 @!p0 $0x4000, s6;
	s5 =	simm.s32 @!p0 $0x1B8D  }
0xb1: {  	s4 =	sshll.u32 @!p0 s4, $0x11;
	s6 =	sadd.s32 @!p0 $0x11B8D, s6;
	_ =	swait.eq @!p0 [sflag:s5], $0x1  }
0xb2: {  	s4 =	sor.u32 @!p0 s4, s6;
	[sflag:s5] =	ssyncadd.s32 @!p0 $0xFFFFFFFF  }
0xb3: {  	s25 =	simm.s32 $0x1B8E;
	s24 =	sld [smem:$0x3FFE];
	[sflag:s4] =	ssyncadd.remote.s32 @!p0 $0x1  }
0xb4: {  	s26 =	simm.s32 $execute0_lowered;
	[smem:$0x3FD2] =	sst s25  }
0xb5: {  	s5 =	sshll.u32 s26, $0x1;
	_ =	strace $0x80000055;
	[dreg:$0x1] =	wrdreg $0xFFFFFFFF  }
0xb6: {  	s28 =	simm.s32 $_size_execute0_lowered;
	s3 =	sadd.s32 s3, s5;
	[dreg:$0x0] =	wrdreg $0x0  }
0xb7: {  	s5 =	sshll.u32 s28, $0x1;
	[dreg:$0x2] =	wrdreg s3  }
0xb8: {  	[dreg:$0x3] =	wrdreg s5  }
0xb9: {  	[dreg:$0x4] =	wrdreg $0xC0  }
0xba: {  	_ =	task [dreg:s22], $0x5FFFF  }
0xbb: {  	[dreg:$0x1] =	wrdreg $0xFFFFFFFF  }
0xbc: {  	[dreg:$0x0] =	wrdreg $0x60  }
0xbd: {  	[dreg:$0x2] =	wrdreg s24  }
0xbe: {  	[dreg:$0x3] =	wrdreg $0x51000  }
0xbf: {  	[dreg:$0x4] =	wrdreg $0xA  }
0xc0: {  	_ =	task.clear_ibuf [dreg:s22], $0x5FFFF;
	_ =	strace $0x90000055  }
0xc1: {  	s29 =	simm.s32 $0xA;
	_ =	strace $0x80000057  }
0xc2: {  	_ =	swait.ge [sflag:s29], $0x1  }
0xc3: {  	[sflag:s29] =	ssyncadd.s32 $0xFFFFFFFF  }
0xc4: {  	_ =	strace $0x90000057  }
0xc5: {  	_ =	sfence  }
0xc6: {  	s30 =	sld [smem:$0x0];
	_ =	sdelay $0x2  }
0xc7: {  	s31 =	sshll.u32 s1, $0xD;
	s1 =	sshrl.u32 s1, $0x2  }
0xc8: {  	s4 =	sand.u32 $0x4000, s31;
	s1 =	sadd.s32 s1, s30  }
0xc9: {  	s0 =	sor.u32 s4, s0;
	s1 =	sshll.u32 s1, $0x11  }
0xca: {  	s0 =	sor.u32 s1, s0  }
0xcb: {  	s0 =	sadd.s32 $0x8F2B, s0  }
0xcc: {  	[sflag:s0] =	ssyncadd.remote.s32 $0x1  }
0xcd: {  	_ =	sfence.sel $0xFFFF  }
0xce: {  	[dreg:$0x0] =	wrdreg $0xFFFFFFFF;
	(pc) =	sbr.abs _section_cstart, $3  }
0xcf: {  	[dreg:$0x1] =	wrdreg $0xFFFFFFFF  }
0xd0: {  	_ =	task.clear_ibuf [dreg:s22], $0x2FFFF;
	_ =	strace $0x9FFFFFFF  }
0xd1: {  	(tm) =	ssettm $0x7FFFFFFF  }
tec
execute0_lowered:
.L_overlay_start_1:
0x0: {  	(tag) =	ssettag $0x1  }
0x1: {  	s6 =	rddreg [dreg:$0x0]  }
0x2: {  	s1 =	rddreg [dreg:$0x1];
	s3 =	srdreg.scid  }
0x3: {  	s0 =	rddreg [dreg:$0x2];
	s2 =	stileid.u32  }
0x4: {  	s17 =	simm.s32 $0x2900;
	s18 =	simm.s32 $0x50;
	s9 =	smul.u32 $0x1F400, s2  }
0x5: {  	s19 =	simm.s32 $0x3;
	s20 =	simm.s32 $0x2;
	s24 =	smul.u32 $0x7D000, s2  }
0x6: {  	s22 =	simm.s32 $0x0;
	s8 =	sand.u32 $0x1, s3;
	s14 =	smul.u32 $0xFA00, s2  }
0x7: {  	s3 =	simm.s32 $0x0;
	s4 =	sshll.u32 s2, $0x1;
	s28 =	smul.u32 $0xFA0, s2  }
0x8: {  	s11 =	sadd.s32 $0x13A2800, s6;
	p0 =	sne.s32 s2, $0x0;
	s7 =	smul.u32 $0x138800, s8  }
0x9: {  	p1 =	sgt.u32 s2, $0x9;
	[smem:$0x7FF] =	sst s3;
	s16 =	smul.u32 $0x7D00, s8  }
0xa: {  	s5 =	sor.u32 s8, s4;
	s4 =	sadd.s32 $0x10A00, s6;
	s29 =	smul.u32 $0x7D0, s8  }
0xb: {  	s13 =	ssub.s32 $0x2, s8;
	_ =	strace $0x80000056;
	s10 =	smul.u32 $0x7D0, s5  }
0xc: {  	s12 =	smul.u32 $0x7D00, s5;
	s5 =	sadd.s32 $0x1A800, s6;
	s25 =	sshrl.u32 s13, $0x1  }
0xd: {  	s7 =	sadd.s32 s9, s7;
	s13 =	ssub.s32 s13, s25;
	s9 =	sshrl.u32 s24, $0x2  }
0xe: {  	s7 =	sshrl.u32 s7, $0x3;
	s26 =	sshrl.u32 s10, $0x3;
	s21 =	sadd.s32 s9, s1  }
0xf: {  	s9 =	smax.u32 s13, $0x1;
	s13 =	sshrl.u32 @!p0 s1, $0x3;
	s15 =	sadd.s32 s7, s6  }
0x10: {  	s6 =	sadd.s32 s4, s26;
	s7 =	sadd.s32 s11, s12;
	s11 =	sadd.s32 s14, s11  }
0x11: {  	s12 =	sadd.s32 s29, s28;
	s14 =	simm.s32 $0x100;
	s21 =	sshrl.u32 @!p1 s21, $0x3  }
0x12: {  	s8 =	sadd.s32 $0x41A00, s15;
	s11 =	sadd.s32 s16, s11;
	s30 =	sadd.s32 $0x50, s12  }
0x13: {  	s15 =	simm.s32 $0x1;
	s16 =	simm.s32 $0x80;
	s31 =	sshrl.u32 s30, $0x3  }
0x14: {  	s10 =	sadd.s32 $0xA00, s11;
	s11 =	sadd.s32 $0xA0, s12;
	s12 =	sadd.s32 s31, s4  }
.LBB2_1:
0x15: {  	s23 =	simm.s32 @!p0 $0x1C03  }
0x16: {  	[spmem:s13], [sflag:s23] =	dma.local @!p0 [hbm:s5], $0x27100  }
0x17: {  	s23 =	simm.s32 @!p0 $0x3  }
0x18: {  	_ =	swait.ge @!p0 [sflag:s23], $0x27100  }
0x19: {  	[sflag:s23] =	ssyncset.done @!p0 $0x0  }
0x1a: {  	[sflag:s23] =	ssyncadd.s32 @!p0 $0xFFFD8F00  }
0x1b: {  	[bflag:$0x0] =	sbarrier.arrive $0xFFFF  }
0x1c: {  	[tilespmem:s3], [sflag:$0x1] =	stream.linear.gather [hbm4b:s6+s3], $0x50, $0x38;
	[tilespmem:$0x18980] =	vst v63  }
0x1d: {  	_ = 	snop  }
0x1e: {  	[tilespmem:s14], [sflag:$0x1] =	stream.linear.gather [hbm4b:s7+s3], $0x2800, $0x38;
	[tilespmem:$0x18980] =	vst v63  }
0x1f: {  	_ =	swait.ge [sflag:s15], $0x50  }
0x20: {  	[sflag:s15] =	ssyncset.done $0x0  }
0x21: {  	[sflag:s15] =	ssyncadd.s32 $0xFFFFFFB0  }
0x22: {  	_ =	swait.ge [sflag:s15], $0x2800  }
0x23: {  	[sflag:s15] =	ssyncset.done $0x0  }
0x24: {  	s29 =	sadd.s32 $0x0, s12;
	[sflag:s15] =	ssyncadd.s32 $0xFFFFD800  }
0x25: {  	[tilespmem:s16], [sflag:$0x2] =	stream.linear.gather [hbm4b:s29+s3], $0x50, $0x38;
	[tilespmem:$0x18980] =	vst v63  }
0x26: {  	s30 =	sadd.s32 $0xFFFFFB00, s10  }
0x27: {  	[tilespmem:s17], [sflag:$0x2] =	stream.linear.gather [hbm4b:s30+s3], $0x2800, $0x38;
	[tilespmem:$0x18980] =	vst v63  }
0x28: {  	_ = 	snop  }
0x29: {  	[spmem:s1] =	stream.indirect.scatter.add.f32 [tilespmem:s14], [sflag:$0x3], $0x80, s3, s18, $0xb8;
	[tilespmem:$0x18980] =	vst v63  }
0x2a: {  	_ =	swait.ge [sflag:s19], $0x2800  }
0x2b: {  	[sflag:s19] =	ssyncset.done $0x0  }
0x2c: {  	[sflag:s19] =	ssyncadd.s32 $0xFFFFD800  }
0x2d: {  	_ =	swait.ge [sflag:s20], $0x50  }
0x2e: {  	[sflag:s20] =	ssyncset.done $0x0  }
0x2f: {  	[sflag:s20] =	ssyncadd.s32 $0xFFFFFFB0  }
0x30: {  	_ =	swait.ge [sflag:s20], $0x2800  }
0x31: {  	s31 =	sshrl.u32 s11, $0x3;
	[sflag:s20] =	ssyncset.done $0x0  }
0x32: {  	s23 =	sadd.s32 s4, s31;
	[sflag:s20] =	ssyncadd.s32 $0xFFFFD800  }
0x33: {  	[tilespmem:s3], [sflag:$0x1] =	stream.linear.gather [hbm4b:s23+s3], $0x50, $0x38;
	[tilespmem:$0x18980] =	vst v63  }
0x34: {  	_ = 	snop  }
0x35: {  	[tilespmem:s14], [sflag:$0x1] =	stream.linear.gather [hbm4b:s10+s3], $0x2800, $0x38;
	[tilespmem:$0x18980] =	vst v63  }
0x36: {  	_ = 	snop  }
0x37: {  	[spmem:s1] =	stream.indirect.scatter.add.f32 [tilespmem:s17], [sflag:$0x3], $0x80, s16, s18, $0xb8;
	[tilespmem:$0x18980] =	vst v63  }
0x38: {  	s24 =	smov.u32 s10;
	_ =	swait.ge [sflag:s19], $0x2800  }
0x39: {  	s25 =	smov.u32 s11;
	s23 =	simm.s32 $0x14;
	[sflag:s19] =	ssyncset.done $0x0  }
.LBB2_2:
0x3a: {  	[sflag:s19] =	ssyncadd.s32 $0xFFFFD800;
	s24 =	sadd.s32 $0xA00, s24;
	s25 =	sadd.s32 $0xA0, s25  }
0x3b: {  	p2 =	sne.s32 s23, $0xDC;
	s26 =	smov.u32 s23;
	s23 =	sadd.s32 $0x14, s23  }
0x3c: {  	_ =	swait.ge [sflag:s15], $0x50  }
0x3d: {  	[sflag:s15] =	ssyncset.done $0x0  }
0x3e: {  	[sflag:s15] =	ssyncadd.s32 $0xFFFFFFB0  }
0x3f: {  	_ =	swait.ge [sflag:s15], $0x2800  }
0x40: {  	[sflag:s15] =	ssyncset.done $0x0  }
0x41: {  	s26 =	sadd.s32 s26, s12;
	[sflag:s15] =	ssyncadd.s32 $0xFFFFD800  }
0x42: {  	[tilespmem:s16], [sflag:$0x2] =	stream.linear.gather [hbm4b:s26+s3], $0x50, $0x38;
	[tilespmem:$0x18980] =	vst v63  }
0x43: {  	s26 =	sadd.s32 $0xFFFFFB00, s24  }
0x44: {  	[tilespmem:s17], [sflag:$0x2] =	stream.linear.gather [hbm4b:s26+s3], $0x2800, $0x38;
	[tilespmem:$0x18980] =	vst v63  }
0x45: {  	_ = 	snop  }
0x46: {  	[spmem:s1] =	stream.indirect.scatter.add.f32 [tilespmem:s14], [sflag:$0x3], $0x80, s3, s18, $0xb8;
	[tilespmem:$0x18980] =	vst v63  }
0x47: {  	_ =	swait.ge [sflag:s19], $0x2800  }
0x48: {  	[sflag:s19] =	ssyncset.done $0x0  }
0x49: {  	[sflag:s19] =	ssyncadd.s32 $0xFFFFD800  }
0x4a: {  	_ =	swait.ge [sflag:s20], $0x50  }
0x4b: {  	[sflag:s20] =	ssyncset.done $0x0  }
0x4c: {  	[sflag:s20] =	ssyncadd.s32 $0xFFFFFFB0  }
0x4d: {  	_ =	swait.ge [sflag:s20], $0x2800  }
0x4e: {  	s26 =	sshrl.u32 s25, $0x3;
	[sflag:s20] =	ssyncset.done $0x0  }
0x4f: {  	s26 =	sadd.s32 s4, s26;
	[sflag:s20] =	ssyncadd.s32 $0xFFFFD800  }
0x50: {  	[tilespmem:s3], [sflag:$0x1] =	stream.linear.gather [hbm4b:s26+s3], $0x50, $0x38;
	[tilespmem:$0x18980] =	vst v63  }
0x51: {  	_ = 	snop  }
0x52: {  	[tilespmem:s14], [sflag:$0x1] =	stream.linear.gather [hbm4b:s24+s3], $0x2800, $0x38;
	[tilespmem:$0x18980] =	vst v63  }
.Ltmp0:
0x53: {  	_ = 	snop;
	(pc) =	sbr.rel @p2 .LBB2_2-.Ltmp0, $4  }
0x54: {  	_ = 	snop  }
0x55: {  	[spmem:s1] =	stream.indirect.scatter.add.f32 [tilespmem:s17], [sflag:$0x3], $0x80, s16, s18, $0xb8;
	[tilespmem:$0x18980] =	vst v63  }
0x56: {  	_ =	swait.ge [sflag:s19], $0x2800  }
0x57: {  	[sflag:s19] =	ssyncset.done $0x0  }
0x58: {  	[sflag:s19] =	ssyncadd.s32 $0xFFFFD800  }
0x59: {  	_ =	swait.ge [sflag:s15], $0x50  }
0x5a: {  	[sflag:s15] =	ssyncset.done $0x0  }
0x5b: {  	[sflag:s15] =	ssyncadd.s32 $0xFFFFFFB0  }
0x5c: {  	_ =	swait.ge [sflag:s15], $0x2800  }
0x5d: {  	[sflag:s15] =	ssyncset.done $0x0  }
0x5e: {  	[sflag:s15] =	ssyncadd.s32 $0xFFFFD800  }
0x5f: {  	[spmem:s1] =	stream.indirect.scatter.add.f32 [tilespmem:s14], [sflag:$0x3], $0x80, s3, s18, $0xb8;
	[tilespmem:$0x18980] =	vst v63  }
0x60: {  	_ =	swait.ge [sflag:s19], $0x2800  }
0x61: {  	[sflag:s19] =	ssyncset.done $0x0  }
0x62: {  	s23 =	sshll.u32 @!p1 s2, $0x6;
	s22 =	sadd.s32 $0x1, s22;
	[sflag:s19] =	ssyncadd.s32 $0xFFFFD800  }
0x63: {  	s23 =	sor.u32 @!p1 $0x1C03, s23;
	p2 =	sne.s32 s22, s9;
	[bflag:$0x0] =	sbarrier.arrive $0xFFFF  }
0x64: {  	[hbm:s8], [sflag:s23] =	dma.local @!p1 [spmem:s21], $0x3E80  }
.Ltmp1:
0x65: {  	_ = 	snop;
	(pc) =	sbr.rel @p2 .LBB2_1-.Ltmp1, $4  }
0x66: {  	s23 =	simm.s32 @!p1 $0x3  }
0x67: {  	_ =	swait.ge @!p1 [sflag:s23], $0x3E80  }
0x68: {  	[sflag:s23] =	ssyncset.done @!p1 $0x0  }
0x69: {  	[sflag:s23] =	ssyncadd.s32 @!p1 $0xFFFFC180  }
0x6a: {  	_ =	sfence.sel $0x180000  }
0x6b: {  	[bflag:$0x0] =	sbarrier.arrive $0xFFFF  }
0x6c: {  	_ =	strace $0x90000056  }
0x6d: {  	s0 =	sadd.s32 @!p0 $0x100000, s0;
	[bflag:$0x2] =	sbarrier.arrive $0xFFFF  }
0x6e: {  	[sflag:s0] =	ssyncadd.tile.s32 @!p0 $0x1;
	_ =	shalt  }
.Lfunc_end2:
_tile_overlayer_lowered:
.L_overlay_start_2:
0x6f: {  	(tag) =	ssettag $0x2  }
0x70: {  	s0 =	rddreg [dreg:$0x0];
	s2 =	stileid.u32  }
0x71: {  	s1 =	rddreg [dreg:$0x1];
	p0 =	sne.s32 s2, $0x0  }
0x72: {  	s3 =	rddreg [dreg:$0x2];
	[bflag:$0x3] =	sbarrier.arrive $0xFFFF;
	s2 =	simm.s32 @!p0 $0x1C03  }
0x73: {  	[timem:s3], [sflag:s2] =	dma.local @!p0 [hbm:s0], s1  }
0x74: {  	s0 =	simm.s32 @!p0 $0x3  }
0x75: {  	_ =	swait.ge @!p0 [sflag:s0], s1  }
0x76: {  	s1 =	ssub.s32 @!p0 $0x0, s1;
	[sflag:s0] =	ssyncset.done @!p0 $0x0  }
0x77: {  	[sflag:s0] =	ssyncadd.s32 @!p0 s1  }
0x78: {  	[bflag:$0x3] =	sbarrier.arrive $0xFFFF  }
0x79: {  	_ =	shalt  }

// kernel: kernel.37.cloned.1.call-start
scs
__scs_entry_jumppad:
0x0: {  	(pc) =	sbr.rel $0x88, $3  }
0x1: {  	(tag) =	ssettag $0x0;
	lr =	simm.s32 $0x1  }
0x2: {  	[smem:$0x3F95] =	sst lr;
	_ =	strace $0xD0000000  }
0x3: {  	_ = 	snop  }
0x4: {  	_ = 	snop  }
0x5: {  	_ = 	snop  }
0x6: {  	_ = 	snop  }
0x7: {  	_ = 	snop  }
__scs_overlays_trampoline_lowered:
0x8: {  	[smem:$0x3FA4] =	sst s0  }
0x9: {  	[smem:$0x3FA5] =	sst s1  }
0xa: {  	[smem:$0x3FA6] =	sst s2  }
0xb: {  	[smem:$0x3FA7] =	sst s3  }
0xc: {  	[smem:$0x3FA8] =	sst s4  }
0xd: {  	[smem:$0x3FA9] =	sst s5  }
0xe: {  	[smem:$0x3FAA] =	sst s6  }
0xf: {  	[smem:$0x3FAB] =	sst s7  }
0x10: {  	[smem:$0x3FAC] =	sst s8  }
0x11: {  	[smem:$0x3FAD] =	sst s9;
	s0 =	simm.s32 @!p0 $0x0  }
0x12: {  	s1 =	sld [smem:$0x3F93];
	s0 =	simm.s32 @p0 $0x1  }
0x13: {  	[smem:$0x3FAE] =	sst s0;
	s0 =	simm.s32 @!p1 $0x0  }
0x14: {  	s2 =	sld [smem:$0x3F92];
	s0 =	simm.s32 @p1 $0x1  }
0x15: {  	[smem:$0x3FAF] =	sst s0;
	s0 =	simm.s32 @!p2 $0x0  }
0x16: {  	s3 =	sld [smem:$0x3FDB];
	s0 =	simm.s32 @p2 $0x1  }
0x17: {  	s4 =	simm.s32 $0x1BF5;
	[smem:$0x3FB1] =	sst s0  }
0x18: {  	s0 =	sld [smem:$0x3F94];
	_ =	swait.ge [sflag:s4], $0x0  }
0x19: {  	s7 =	sld [smem:$0x3F95]  }
0x1a: {  	s8 =	sadd.s32 $0xFFFFE003, lr  }
0x1b: {  	s9 =	sadd.s32 $0xFFFFFEF7, lr;
	s5 =	simm.s32 $0xFFFFFFFF;
	p2 =	slt.u32 s8, $0xFFFFF086  }
0x1c: {  	p1 =	slt.u32 s9, $0xF7A;
	s5 =	simm.s32 @!p2 $0x0  }
0x1d: {  	s5 =	simm.s32 @p1 $0x1;
	p0 =	seq.s32 s7, s2  }
0x1e: {  	s7 =	smul.u32 @!p0 $0xF7A, s2;
	p2 =	seq.s32 @!p0 s5, $0x0  }
0x1f: {  	s9 =	smul.u32 $0xF7A, s1;
	s8 =	simm.s32 @!p0 $0x1BF5;
	p2 =	por !p2, p0  }
0x20: {  	[sflag:s8] =	ssyncset.s32 @!p0 $0xFFFFF086;
	s6 =	sadd.s32 @!p0 s3, s7;
	s7 =	simm.s32 @!p0 $0x108  }
0x21: {  	s3 =	sadd.s32 s3, s9;
	s6 =	sadd.s32 @!p0 $0x88, s6;
	s7 =	simm.s32 @p2 $0x1082  }
0x22: {  	[simem:s7], [sflag:s8] =	dma.local @!p0 [hbm:s6], $0xF7A  }
0x23: {  	s9 =	sor.u32 $0xD0000000, s2;
	s6 =	simm.s32 $0x108;
	_ =	swait.ge @!p0 [sflag:s8], $0x0  }
0x24: {  	s3 =	sadd.s32 $0x88, s3;
	s6 =	simm.s32 @!p1 $0x1082;
	[sflag:s4] =	ssyncset.s32 $0xFFFFF086  }
0x25: {  	[simem:s6], [sflag:s4] =	dma.local [hbm:s3], $0xF7A  }
0x26: {  	[smem:$0x3F95] =	sst s1;
	(tag) =	ssettag s2;
	_ =	strace s9  }
0x27: {  	s1 =	sld [smem:$0x3FA5]  }
0x28: {  	s2 =	sld [smem:$0x3FA6]  }
0x29: {  	s4 =	sld [smem:$0x3FA8]  }
0x2a: {  	p0 =	seq.s32 s5, $0x0;
	s5 =	sld [smem:$0x3FA9]  }
0x2b: {  	s6 =	sld [smem:$0x3FAA]  }
0x2c: {  	s7 =	sld [smem:$0x3FAB]  }
0x2d: {  	s3 =	simm.s32 $0x108;
	s8 =	sld [smem:$0x3FAC]  }
0x2e: {  	s3 =	simm.s32 @!p0 $0x1082;
	s9 =	sld [smem:$0x3FAD]  }
0x2f: {  	lr =	sadd.s32 s0, s3;
	s0 =	sld [smem:$0x3FA4]  }
0x30: {  	s3 =	sld [smem:$0x3FA7]  }
0x31: {  	[smem:$0x3FB0] =	sst s10  }
0x32: {  	s10 =	sld [smem:$0x3FAE];
	_ =	sdelay $0x3  }
0x33: {  	p0 =	seq.s32 s10, $0x1;
	s10 =	sld [smem:$0x3FB0];
	_ =	sdelay $0x3  }
0x34: {  	[smem:$0x3FB0] =	sst s10  }
0x35: {  	s10 =	sld [smem:$0x3FAF];
	_ =	sdelay $0x3  }
0x36: {  	p1 =	seq.s32 s10, $0x1;
	s10 =	sld [smem:$0x3FB0];
	_ =	sdelay $0x3  }
0x37: {  	[smem:$0x3FB0] =	sst s10  }
0x38: {  	s10 =	sld [smem:$0x3FB1]  }
0x39: {  	_ = 	snop;
	(pc) =	sbr.ind lr, $3  }
0x3a: {  	_ = 	snop  }
0x3b: {  	_ = 	snop  }
0x3c: {  	p2 =	seq.s32 s10, $0x1;
	s10 =	sld [smem:$0x3FB0]  }
0x3d: {  	_ =	shalt  }
0x3e: {  	_ =	shalt  }
0x3f: {  	_ =	shalt  }
0x40: {  	_ =	shalt  }
0x41: {  	_ =	shalt  }
0x42: {  	_ =	shalt  }
0x43: {  	_ =	shalt  }
0x44: {  	_ =	shalt  }
0x45: {  	_ =	shalt  }
0x46: {  	_ =	shalt  }
0x47: {  	_ =	shalt  }
0x48: {  	_ =	shalt  }
0x49: {  	_ =	shalt  }
0x4a: {  	_ =	shalt  }
0x4b: {  	_ =	shalt  }
0x4c: {  	_ =	shalt  }
0x4d: {  	_ =	shalt  }
0x4e: {  	_ =	shalt  }
0x4f: {  	_ =	shalt  }
0x50: {  	_ =	shalt  }
0x51: {  	_ =	shalt  }
0x52: {  	_ =	shalt  }
0x53: {  	_ =	shalt  }
0x54: {  	_ =	shalt  }
0x55: {  	_ =	shalt  }
0x56: {  	_ =	shalt  }
0x57: {  	_ =	shalt  }
0x58: {  	_ =	shalt  }
0x59: {  	_ =	shalt  }
0x5a: {  	_ =	shalt  }
0x5b: {  	_ =	shalt  }
0x5c: {  	_ =	shalt  }
0x5d: {  	_ =	shalt  }
0x5e: {  	_ =	shalt  }
0x5f: {  	_ =	shalt  }
0x60: {  	_ =	shalt  }
0x61: {  	_ =	shalt  }
0x62: {  	_ =	shalt  }
0x63: {  	_ =	shalt  }
0x64: {  	_ =	shalt  }
0x65: {  	_ =	shalt  }
0x66: {  	_ =	shalt  }
0x67: {  	_ =	shalt  }
0x68: {  	_ =	shalt  }
0x69: {  	_ =	shalt  }
0x6a: {  	_ =	shalt  }
0x6b: {  	_ =	shalt  }
0x6c: {  	_ =	shalt  }
0x6d: {  	_ =	shalt  }
0x6e: {  	_ =	shalt  }
0x6f: {  	_ =	shalt  }
0x70: {  	_ =	shalt  }
0x71: {  	_ =	shalt  }
0x72: {  	_ =	shalt  }
0x73: {  	_ =	shalt  }
0x74: {  	_ =	shalt  }
0x75: {  	_ =	shalt  }
0x76: {  	_ =	shalt  }
0x77: {  	_ =	shalt  }
0x78: {  	_ =	shalt  }
0x79: {  	_ =	shalt  }
0x7a: {  	_ =	shalt  }
0x7b: {  	_ =	shalt  }
0x7c: {  	_ =	shalt  }
0x7d: {  	_ =	shalt  }
0x7e: {  	_ =	shalt  }
0x7f: {  	_ =	shalt  }
0x80: {  	_ =	shalt  }
0x81: {  	_ =	shalt  }
0x82: {  	_ =	shalt  }
0x83: {  	_ =	shalt  }
0x84: {  	_ =	shalt  }
0x85: {  	_ =	shalt  }
0x86: {  	_ =	shalt  }
0x87: {  	_ =	shalt  }
.Lfunc_end0:
.L_simem_size_0:
called_computation.6_lowered:
.L_overlay_start_0:
0x88: {  	s2 =	sld [smem:$0x3FD9]  }
0x89: {  	s3 =	sld [smem:$0x3FFE];
	_ =	sdelay $0x1  }
0x8a: {  	s1 =	srdreg.scid  }
0x8b: {  	s0 =	sand.u32 $0x1, s1  }
0x8c: {  	s17 =	sshll.u32 s0, $0xA;
	s2 =	sadd.s32 s3, s2  }
0x8d: {  	s2 =	sadd.s32 s2, s17  }
0x8e: {  	[smem:$0x3FBC] =	sst s2  }
0x8f: {  	_ = 	snop  }
0x90: {  	(tm) =	ssettm $0x1  }
0x91: {  	s18 =	sld [smem:$0x3FFB];
	_ =	sdelay $0x3  }
0x92: {  	_ =	strace s18  }
0x93: {  	s2 =	sld [smem:$0x3FFC];
	_ =	sdelay $0x3  }
0x94: {  	_ =	strace s2  }
0x95: {  	s2 =	sld [smem:$0x3FFD];
	_ =	sdelay $0x3  }
0x96: {  	_ =	strace s2  }
0x97: {  	_ =	strace $0x8FFFFFFF  }
0x98: {  	s19 =	sld [smem:$0x3FDB];
	_ =	sdelay $0x1  }
0x99: {  	s20 =	simm.s32 $_scs_section_size  }
0x9a: {  	s4 =	simm.s32 $_size__tile_overlayer_lowered;
	s5 =	simm.s32 $_tile_overlayer_lowered  }
0x9b: {  	s6 =	simm.s32 $0x1BFF;
	s21 =	sshll.u32 s5, $0x1;
	s3 =	sadd.s32 s20, s19  }
0x9c: {  	s22 =	simm.s32 $0x0;
	s4 =	sshll.u32 s4, $0x1;
	s5 =	sadd.s32 s21, s3  }
0x9d: {  	[timem:s22], [sflag:s6] =	dma.local [hbm:s5], s4  }
0x9e: {  	_ =	swait.ge [sflag:s6], s4  }
0x9f: {  	s4 =	ssub.s32 $0x0, s4;
	[sflag:s6] =	ssyncset.done $0x0  }
0xa0: {  	[sflag:s6] =	ssyncadd.s32 s4;
	_ =	sdelay $0x1  }
0xa1: {  	s23 =	simm.s32 $0x1B8B  }
0xa2: {  	_ =	swait.ge [sflag:s23], $0x1  }
0xa3: {  	[sflag:s23] =	ssyncset.done $0x0  }
0xa4: {  	[sflag:s23] =	ssyncadd.s32 $0xFFFFFFFF  }
0xa5: {  	s4 =	sld [smem:$0x0]  }
0xa6: {  	s5 =	sand.u32 $0xFFFFFFFE, s1  }
0xa7: {  	p0 =	sne.s32 s1, s5  }
0xa8: {  	s5 =	sshll.u32 @p0 s5, $0xE  }
0xa9: {  	s5 =	sadd.s32 @p0 $0x11B8D, s5;
	s6 =	sshll.u32 @p0 s4, $0x11  }
0xaa: {  	s5 =	sor.u32 @p0 s6, s5  }
0xab: {  	[sflag:s5] =	ssyncadd.remote.s32 @p0 $0x1;
	_ =	sdelay $0x1  }
0xac: {  	s5 =	simm.s32 @p0 $0x1B8D  }
0xad: {  	_ =	swait.eq @p0 [sflag:s5], $0x1  }
0xae: {  	[sflag:s5] =	ssyncadd.s32 @p0 $0xFFFFFFFF  }
0xaf: {  	s6 =	sshll.u32 @!p0 s1, $0xE  }
0xb0: {  	s6 =	sor.u32 @!p0 $0x4000, s6;
	s5 =	simm.s32 @!p0 $0x1B8D  }
0xb1: {  	s4 =	sshll.u32 @!p0 s4, $0x11;
	s6 =	sadd.s32 @!p0 $0x11B8D, s6;
	_ =	swait.eq @!p0 [sflag:s5], $0x1  }
0xb2: {  	s4 =	sor.u32 @!p0 s4, s6;
	[sflag:s5] =	ssyncadd.s32 @!p0 $0xFFFFFFFF  }
0xb3: {  	s25 =	simm.s32 $0x1B8E;
	s24 =	sld [smem:$0x3FFE];
	[sflag:s4] =	ssyncadd.remote.s32 @!p0 $0x1  }
0xb4: {  	s26 =	simm.s32 $execute0_lowered;
	[smem:$0x3FD2] =	sst s25  }
0xb5: {  	s5 =	sshll.u32 s26, $0x1;
	_ =	strace $0x80000058;
	[dreg:$0x1] =	wrdreg $0xFFFFFFFF  }
0xb6: {  	s28 =	simm.s32 $_size_execute0_lowered;
	s3 =	sadd.s32 s3, s5;
	[dreg:$0x0] =	wrdreg $0x0  }
0xb7: {  	s5 =	sshll.u32 s28, $0x1;
	[dreg:$0x2] =	wrdreg s3  }
0xb8: {  	[dreg:$0x3] =	wrdreg s5  }
0xb9: {  	[dreg:$0x4] =	wrdreg $0xC0  }
0xba: {  	_ =	task [dreg:s22], $0x5FFFF  }
0xbb: {  	[dreg:$0x1] =	wrdreg $0xFFFFFFFF  }
0xbc: {  	[dreg:$0x0] =	wrdreg $0x60  }
0xbd: {  	[dreg:$0x2] =	wrdreg s24  }
0xbe: {  	[dreg:$0x3] =	wrdreg $0x51000  }
0xbf: {  	[dreg:$0x4] =	wrdreg $0xC  }
0xc0: {  	_ =	task.clear_ibuf [dreg:s22], $0x5FFFF;
	_ =	strace $0x90000058  }
0xc1: {  	s29 =	simm.s32 $0xC;
	_ =	strace $0x8000005A  }
0xc2: {  	_ =	swait.ge [sflag:s29], $0x1  }
0xc3: {  	[sflag:s29] =	ssyncadd.s32 $0xFFFFFFFF  }
0xc4: {  	_ =	strace $0x9000005A  }
0xc5: {  	_ =	sfence  }
0xc6: {  	s30 =	sld [smem:$0x0];
	_ =	sdelay $0x2  }
0xc7: {  	s31 =	sshll.u32 s1, $0xD;
	s1 =	sshrl.u32 s1, $0x2  }
0xc8: {  	s4 =	sand.u32 $0x4000, s31;
	s1 =	sadd.s32 s1, s30  }
0xc9: {  	s0 =	sor.u32 s4, s0;
	s1 =	sshll.u32 s1, $0x11  }
0xca: {  	s0 =	sor.u32 s1, s0  }
0xcb: {  	s0 =	sadd.s32 $0x8F2B, s0  }
0xcc: {  	[sflag:s0] =	ssyncadd.remote.s32 $0x1  }
0xcd: {  	_ =	sfence.sel $0xFFFF  }
0xce: {  	[dreg:$0x0] =	wrdreg $0xFFFFFFFF;
	(pc) =	sbr.abs _section_cstart, $3  }
0xcf: {  	[dreg:$0x1] =	wrdreg $0xFFFFFFFF  }
0xd0: {  	_ =	task.clear_ibuf [dreg:s22], $0x2FFFF;
	_ =	strace $0x9FFFFFFF  }
0xd1: {  	(tm) =	ssettm $0x7FFFFFFF  }
tec
execute0_lowered:
.L_overlay_start_1:
0x0: {  	(tag) =	ssettag $0x1  }
0x1: {  	s4 =	rddreg [dreg:$0x0]  }
0x2: {  	s1 =	rddreg [dreg:$0x1]  }
0x3: {  	s2 =	srdreg.scid;
	s19 =	stileid.u32  }
0x4: {  	s0 =	rddreg [dreg:$0x2];
	s15 =	simm.s32 $0x2900;
	s5 =	smul.u32 $0x1F400, s19  }
0x5: {  	s16 =	simm.s32 $0x50;
	s17 =	simm.s32 $0x3;
	s11 =	smul.u32 $0x7D000, s19  }
0x6: {  	s18 =	simm.s32 $0x2;
	s21 =	simm.s32 $0x0;
	s12 =	smul.u32 $0xFA0, s19  }
0x7: {  	s8 =	sand.u32 $0x1, s2;
	s2 =	simm.s32 $0x0;
	s30 =	smul.u32 $0xFA00, s19  }
0x8: {  	s6 =	sshll.u32 s19, $0x1;
	s9 =	sadd.s32 $0x8FC00, s4;
	s3 =	smul.u32 $0x138800, s8  }
0x9: {  	s10 =	sadd.s32 $0x10A00, s4;
	p0 =	sne.s32 s19, $0x0;
	s14 =	smul.u32 $0x7D0, s8  }
0xa: {  	p1 =	sgt.u32 s19, $0x9;
	s6 =	sor.u32 s8, s6;
	s31 =	smul.u32 $0x7D00, s8  }
0xb: {  	[smem:$0x7FF] =	sst s2;
	s26 =	ssub.s32 $0x2, s8;
	s25 =	smul.u32 $0x7D0, s6  }
0xc: {  	s19 =	sshll.u32 @!p1 s19, $0x6;
	_ =	strace $0x80000059;
	s6 =	smul.u32 $0x7D00, s6  }
0xd: {  	s13 =	sshrl.u32 s26, $0x1;
	s28 =	sshrl.u32 s11, $0x2;
	s19 =	sor.u32 @!p1 $0x1C03, s19  }
0xe: {  	s3 =	sadd.s32 s5, s3;
	s13 =	ssub.s32 s26, s13;
	s29 =	sadd.s32 s14, s12  }
0xf: {  	s20 =	sadd.s32 s28, s1;
	s14 =	simm.s32 $0x80;
	s7 =	sshrl.u32 s3, $0x3  }
0x10: {  	s3 =	sadd.s32 $0x1A800, s4;
	s5 =	sshrl.u32 s25, $0x3;
	s12 =	sadd.s32 $0xFAA0, s29  }
0x11: {  	s11 =	sadd.s32 $0xFA50, s29;
	s20 =	sshrl.u32 @!p1 s20, $0x3;
	s7 =	sadd.s32 s7, s4  }
0x12: {  	s5 =	sadd.s32 s10, s5;
	s12 =	sshrl.u32 s12, $0x3;
	s11 =	sshrl.u32 s11, $0x3  }
0x13: {  	s4 =	sadd.s32 $0x1F40, s5;
	s5 =	sadd.s32 s9, s6;
	s6 =	sadd.s32 $0x189C00, s7  }
0x14: {  	s7 =	smax.u32 s13, $0x1;
	s8 =	sadd.s32 s12, s10;
	s9 =	sadd.s32 s30, s9  }
0x15: {  	s10 =	sadd.s32 s11, s10;
	s11 =	sshrl.u32 @!p0 s1, $0x3;
	s9 =	sadd.s32 s31, s9  }
0x16: {  	s12 =	simm.s32 $0x100;
	s13 =	simm.s32 $0x1;
	s9 =	sadd.s32 $0xA00, s9  }
.LBB2_1:
0x17: {  	s22 =	simm.s32 @!p0 $0x1C03  }
0x18: {  	[spmem:s11], [sflag:s22] =	dma.local @!p0 [hbm:s3], $0x27100  }
0x19: {  	s22 =	simm.s32 @!p0 $0x3  }
0x1a: {  	_ =	swait.ge @!p0 [sflag:s22], $0x27100  }
0x1b: {  	[sflag:s22] =	ssyncset.done @!p0 $0x0  }
0x1c: {  	[sflag:s22] =	ssyncadd.s32 @!p0 $0xFFFD8F00  }
0x1d: {  	[bflag:$0x0] =	sbarrier.arrive $0xFFFF  }
0x1e: {  	[tilespmem:s2], [sflag:$0x1] =	stream.linear.gather [hbm4b:s4+s2], $0x50, $0x38;
	[tilespmem:$0x18980] =	vst v63  }
0x1f: {  	_ = 	snop  }
0x20: {  	[tilespmem:s12], [sflag:$0x1] =	stream.linear.gather [hbm4b:s5+s2], $0x2800, $0x38;
	[tilespmem:$0x18980] =	vst v63  }
0x21: {  	_ =	swait.ge [sflag:s13], $0x50  }
0x22: {  	[sflag:s13] =	ssyncset.done $0x0  }
0x23: {  	[sflag:s13] =	ssyncadd.s32 $0xFFFFFFB0  }
0x24: {  	_ =	swait.ge [sflag:s13], $0x2800  }
0x25: {  	[sflag:s13] =	ssyncset.done $0x0  }
0x26: {  	s29 =	sadd.s32 $0x0, s10;
	[sflag:s13] =	ssyncadd.s32 $0xFFFFD800  }
0x27: {  	[tilespmem:s14], [sflag:$0x2] =	stream.linear.gather [hbm4b:s29+s2], $0x50, $0x38;
	[tilespmem:$0x18980] =	vst v63  }
0x28: {  	s30 =	sadd.s32 $0xFFFFFB00, s9  }
0x29: {  	[tilespmem:s15], [sflag:$0x2] =	stream.linear.gather [hbm4b:s30+s2], $0x2800, $0x38;
	[tilespmem:$0x18980] =	vst v63  }
0x2a: {  	_ = 	snop  }
0x2b: {  	[spmem:s1] =	stream.indirect.scatter.add.f32 [tilespmem:s12], [sflag:$0x3], $0x80, s2, s16, $0xb8;
	[tilespmem:$0x18980] =	vst v63  }
0x2c: {  	_ =	swait.ge [sflag:s17], $0x2800  }
0x2d: {  	[sflag:s17] =	ssyncset.done $0x0  }
0x2e: {  	[sflag:s17] =	ssyncadd.s32 $0xFFFFD800  }
0x2f: {  	_ =	swait.ge [sflag:s18], $0x50  }
0x30: {  	[sflag:s18] =	ssyncset.done $0x0  }
0x31: {  	[sflag:s18] =	ssyncadd.s32 $0xFFFFFFB0  }
0x32: {  	_ =	swait.ge [sflag:s18], $0x2800  }
0x33: {  	[sflag:s18] =	ssyncset.done $0x0  }
0x34: {  	s31 =	sadd.s32 $0x0, s8;
	[sflag:s18] =	ssyncadd.s32 $0xFFFFD800  }
0x35: {  	[tilespmem:s2], [sflag:$0x1] =	stream.linear.gather [hbm4b:s31+s2], $0x50, $0x38;
	[tilespmem:$0x18980] =	vst v63  }
0x36: {  	_ = 	snop  }
0x37: {  	[tilespmem:s12], [sflag:$0x1] =	stream.linear.gather [hbm4b:s9+s2], $0x2800, $0x38;
	[tilespmem:$0x18980] =	vst v63  }
0x38: {  	_ = 	snop  }
0x39: {  	[spmem:s1] =	stream.indirect.scatter.add.f32 [tilespmem:s15], [sflag:$0x3], $0x80, s14, s16, $0xb8;
	[tilespmem:$0x18980] =	vst v63  }
0x3a: {  	_ =	swait.ge [sflag:s17], $0x2800  }
0x3b: {  	s23 =	smov.u32 s9;
	s22 =	simm.s32 $0x14;
	[sflag:s17] =	ssyncset.done $0x0  }
.LBB2_2:
0x3c: {  	p2 =	sne.s32 s22, $0xDC;
	[sflag:s17] =	ssyncadd.s32 $0xFFFFD800;
	s23 =	sadd.s32 $0xA00, s23  }
0x3d: {  	s24 =	smov.u32 s22;
	s22 =	sadd.s32 $0x14, s22  }
0x3e: {  	_ =	swait.ge [sflag:s13], $0x50  }
0x3f: {  	[sflag:s13] =	ssyncset.done $0x0  }
0x40: {  	[sflag:s13] =	ssyncadd.s32 $0xFFFFFFB0  }
0x41: {  	_ =	swait.ge [sflag:s13], $0x2800  }
0x42: {  	[sflag:s13] =	ssyncset.done $0x0  }
0x43: {  	s25 =	sadd.s32 s24, s10;
	[sflag:s13] =	ssyncadd.s32 $0xFFFFD800  }
0x44: {  	[tilespmem:s14], [sflag:$0x2] =	stream.linear.gather [hbm4b:s25+s2], $0x50, $0x38;
	[tilespmem:$0x18980] =	vst v63  }
0x45: {  	s25 =	sadd.s32 $0xFFFFFB00, s23  }
0x46: {  	[tilespmem:s15], [sflag:$0x2] =	stream.linear.gather [hbm4b:s25+s2], $0x2800, $0x38;
	[tilespmem:$0x18980] =	vst v63  }
0x47: {  	_ = 	snop  }
0x48: {  	[spmem:s1] =	stream.indirect.scatter.add.f32 [tilespmem:s12], [sflag:$0x3], $0x80, s2, s16, $0xb8;
	[tilespmem:$0x18980] =	vst v63  }
0x49: {  	_ =	swait.ge [sflag:s17], $0x2800  }
0x4a: {  	[sflag:s17] =	ssyncset.done $0x0  }
0x4b: {  	[sflag:s17] =	ssyncadd.s32 $0xFFFFD800  }
0x4c: {  	_ =	swait.ge [sflag:s18], $0x50  }
0x4d: {  	[sflag:s18] =	ssyncset.done $0x0  }
0x4e: {  	[sflag:s18] =	ssyncadd.s32 $0xFFFFFFB0  }
0x4f: {  	_ =	swait.ge [sflag:s18], $0x2800  }
0x50: {  	[sflag:s18] =	ssyncset.done $0x0  }
0x51: {  	s24 =	sadd.s32 s24, s8;
	[sflag:s18] =	ssyncadd.s32 $0xFFFFD800  }
0x52: {  	[tilespmem:s2], [sflag:$0x1] =	stream.linear.gather [hbm4b:s24+s2], $0x50, $0x38;
	[tilespmem:$0x18980] =	vst v63  }
0x53: {  	_ = 	snop  }
0x54: {  	[tilespmem:s12], [sflag:$0x1] =	stream.linear.gather [hbm4b:s23+s2], $0x2800, $0x38;
	[tilespmem:$0x18980] =	vst v63  }
.Ltmp0:
0x55: {  	_ = 	snop;
	(pc) =	sbr.rel @p2 .LBB2_2-.Ltmp0, $4  }
0x56: {  	_ = 	snop  }
0x57: {  	[spmem:s1] =	stream.indirect.scatter.add.f32 [tilespmem:s15], [sflag:$0x3], $0x80, s14, s16, $0xb8;
	[tilespmem:$0x18980] =	vst v63  }
0x58: {  	_ =	swait.ge [sflag:s17], $0x2800  }
0x59: {  	[sflag:s17] =	ssyncset.done $0x0  }
0x5a: {  	[sflag:s17] =	ssyncadd.s32 $0xFFFFD800  }
0x5b: {  	_ =	swait.ge [sflag:s13], $0x50  }
0x5c: {  	[sflag:s13] =	ssyncset.done $0x0  }
0x5d: {  	[sflag:s13] =	ssyncadd.s32 $0xFFFFFFB0  }
0x5e: {  	_ =	swait.ge [sflag:s13], $0x2800  }
0x5f: {  	[sflag:s13] =	ssyncset.done $0x0  }
0x60: {  	[sflag:s13] =	ssyncadd.s32 $0xFFFFD800  }
0x61: {  	[spmem:s1] =	stream.indirect.scatter.add.f32 [tilespmem:s12], [sflag:$0x3], $0x80, s2, s16, $0xb8;
	[tilespmem:$0x18980] =	vst v63  }
0x62: {  	_ =	swait.ge [sflag:s17], $0x2800  }
0x63: {  	s21 =	sadd.s32 $0x1, s21;
	[sflag:s17] =	ssyncset.done $0x0  }
0x64: {  	p2 =	sne.s32 s21, s7;
	[sflag:s17] =	ssyncadd.s32 $0xFFFFD800  }
.Ltmp1:
0x65: {  	s22 =	simm.s32 @!p1 $0x3;
	[bflag:$0x0] =	sbarrier.arrive $0xFFFF;
	(pc) =	sbr.rel @p2 .LBB2_1-.Ltmp1, $4  }
0x66: {  	[hbm:s6], [sflag:s19] =	dma.local @!p1 [spmem:s20], $0x3E80  }
0x67: {  	_ =	swait.ge @!p1 [sflag:s22], $0x3E80  }
0x68: {  	[sflag:s22] =	ssyncset.done @!p1 $0x0  }
0x69: {  	[sflag:s22] =	ssyncadd.s32 @!p1 $0xFFFFC180  }
0x6a: {  	_ =	sfence.sel $0x180000  }
0x6b: {  	[bflag:$0x0] =	sbarrier.arrive $0xFFFF  }
0x6c: {  	_ =	strace $0x90000059  }
0x6d: {  	s0 =	sadd.s32 @!p0 $0x100000, s0;
	[bflag:$0x2] =	sbarrier.arrive $0xFFFF  }
0x6e: {  	[sflag:s0] =	ssyncadd.tile.s32 @!p0 $0x1;
	_ =	shalt  }
.Lfunc_end2:
_tile_overlayer_lowered:
.L_overlay_start_2:
0x6f: {  	(tag) =	ssettag $0x2  }
0x70: {  	s0 =	rddreg [dreg:$0x0];
	s2 =	stileid.u32  }
0x71: {  	s1 =	rddreg [dreg:$0x1];
	p0 =	sne.s32 s2, $0x0  }
0x72: {  	s3 =	rddreg [dreg:$0x2];
	[bflag:$0x3] =	sbarrier.arrive $0xFFFF;
	s2 =	simm.s32 @!p0 $0x1C03  }
0x73: {  	[timem:s3], [sflag:s2] =	dma.local @!p0 [hbm:s0], s1  }
0x74: {  	s0 =	simm.s32 @!p0 $0x3  }
0x75: {  	_ =	swait.ge @!p0 [sflag:s0], s1  }
0x76: {  	s1 =	ssub.s32 @!p0 $0x0, s1;
	[sflag:s0] =	ssyncset.done @!p0 $0x0  }
0x77: {  	[sflag:s0] =	ssyncadd.s32 @!p0 s1  }
0x78: {  	[bflag:$0x3] =	sbarrier.arrive $0xFFFF  }
0x79: {  	_ =	shalt  }

// kernel: kernel.40.cloned.1.call-start
scs
__scs_entry_jumppad:
0x0: {  	(pc) =	sbr.rel $0x88, $3  }
0x1: {  	(tag) =	ssettag $0x0;
	lr =	simm.s32 $0x1  }
0x2: {  	[smem:$0x3F95] =	sst lr;
	_ =	strace $0xD0000000  }
0x3: {  	_ = 	snop  }
0x4: {  	_ = 	snop  }
0x5: {  	_ = 	snop  }
0x6: {  	_ = 	snop  }
0x7: {  	_ = 	snop  }
__scs_overlays_trampoline_lowered:
0x8: {  	[smem:$0x3FA4] =	sst s0  }
0x9: {  	[smem:$0x3FA5] =	sst s1  }
0xa: {  	[smem:$0x3FA6] =	sst s2  }
0xb: {  	[smem:$0x3FA7] =	sst s3  }
0xc: {  	[smem:$0x3FA8] =	sst s4  }
0xd: {  	[smem:$0x3FA9] =	sst s5  }
0xe: {  	[smem:$0x3FAA] =	sst s6  }
0xf: {  	[smem:$0x3FAB] =	sst s7  }
0x10: {  	[smem:$0x3FAC] =	sst s8  }
0x11: {  	[smem:$0x3FAD] =	sst s9;
	s0 =	simm.s32 @!p0 $0x0  }
0x12: {  	s1 =	sld [smem:$0x3F93];
	s0 =	simm.s32 @p0 $0x1  }
0x13: {  	[smem:$0x3FAE] =	sst s0;
	s0 =	simm.s32 @!p1 $0x0  }
0x14: {  	s2 =	sld [smem:$0x3F92];
	s0 =	simm.s32 @p1 $0x1  }
0x15: {  	[smem:$0x3FAF] =	sst s0;
	s0 =	simm.s32 @!p2 $0x0  }
0x16: {  	s3 =	sld [smem:$0x3FDB];
	s0 =	simm.s32 @p2 $0x1  }
0x17: {  	s4 =	simm.s32 $0x1BF5;
	[smem:$0x3FB1] =	sst s0  }
0x18: {  	s0 =	sld [smem:$0x3F94];
	_ =	swait.ge [sflag:s4], $0x0  }
0x19: {  	s7 =	sld [smem:$0x3F95]  }
0x1a: {  	s8 =	sadd.s32 $0xFFFFE003, lr  }
0x1b: {  	s9 =	sadd.s32 $0xFFFFFEF7, lr;
	s5 =	simm.s32 $0xFFFFFFFF;
	p2 =	slt.u32 s8, $0xFFFFF086  }
0x1c: {  	p1 =	slt.u32 s9, $0xF7A;
	s5 =	simm.s32 @!p2 $0x0  }
0x1d: {  	s5 =	simm.s32 @p1 $0x1;
	p0 =	seq.s32 s7, s2  }
0x1e: {  	s7 =	smul.u32 @!p0 $0xF7A, s2;
	p2 =	seq.s32 @!p0 s5, $0x0  }
0x1f: {  	s9 =	smul.u32 $0xF7A, s1;
	s8 =	simm.s32 @!p0 $0x1BF5;
	p2 =	por !p2, p0  }
0x20: {  	[sflag:s8] =	ssyncset.s32 @!p0 $0xFFFFF086;
	s6 =	sadd.s32 @!p0 s3, s7;
	s7 =	simm.s32 @!p0 $0x108  }
0x21: {  	s3 =	sadd.s32 s3, s9;
	s6 =	sadd.s32 @!p0 $0x88, s6;
	s7 =	simm.s32 @p2 $0x1082  }
0x22: {  	[simem:s7], [sflag:s8] =	dma.local @!p0 [hbm:s6], $0xF7A  }
0x23: {  	s9 =	sor.u32 $0xD0000000, s2;
	s6 =	simm.s32 $0x108;
	_ =	swait.ge @!p0 [sflag:s8], $0x0  }
0x24: {  	s3 =	sadd.s32 $0x88, s3;
	s6 =	simm.s32 @!p1 $0x1082;
	[sflag:s4] =	ssyncset.s32 $0xFFFFF086  }
0x25: {  	[simem:s6], [sflag:s4] =	dma.local [hbm:s3], $0xF7A  }
0x26: {  	[smem:$0x3F95] =	sst s1;
	(tag) =	ssettag s2;
	_ =	strace s9  }
0x27: {  	s1 =	sld [smem:$0x3FA5]  }
0x28: {  	s2 =	sld [smem:$0x3FA6]  }
0x29: {  	s4 =	sld [smem:$0x3FA8]  }
0x2a: {  	p0 =	seq.s32 s5, $0x0;
	s5 =	sld [smem:$0x3FA9]  }
0x2b: {  	s6 =	sld [smem:$0x3FAA]  }
0x2c: {  	s7 =	sld [smem:$0x3FAB]  }
0x2d: {  	s3 =	simm.s32 $0x108;
	s8 =	sld [smem:$0x3FAC]  }
0x2e: {  	s3 =	simm.s32 @!p0 $0x1082;
	s9 =	sld [smem:$0x3FAD]  }
0x2f: {  	lr =	sadd.s32 s0, s3;
	s0 =	sld [smem:$0x3FA4]  }
0x30: {  	s3 =	sld [smem:$0x3FA7]  }
0x31: {  	[smem:$0x3FB0] =	sst s10  }
0x32: {  	s10 =	sld [smem:$0x3FAE];
	_ =	sdelay $0x3  }
0x33: {  	p0 =	seq.s32 s10, $0x1;
	s10 =	sld [smem:$0x3FB0];
	_ =	sdelay $0x3  }
0x34: {  	[smem:$0x3FB0] =	sst s10  }
0x35: {  	s10 =	sld [smem:$0x3FAF];
	_ =	sdelay $0x3  }
0x36: {  	p1 =	seq.s32 s10, $0x1;
	s10 =	sld [smem:$0x3FB0];
	_ =	sdelay $0x3  }
0x37: {  	[smem:$0x3FB0] =	sst s10  }
0x38: {  	s10 =	sld [smem:$0x3FB1]  }
0x39: {  	_ = 	snop;
	(pc) =	sbr.ind lr, $3  }
0x3a: {  	_ = 	snop  }
0x3b: {  	_ = 	snop  }
0x3c: {  	p2 =	seq.s32 s10, $0x1;
	s10 =	sld [smem:$0x3FB0]  }
0x3d: {  	_ =	shalt  }
0x3e: {  	_ =	shalt  }
0x3f: {  	_ =	shalt  }
0x40: {  	_ =	shalt  }
0x41: {  	_ =	shalt  }
0x42: {  	_ =	shalt  }
0x43: {  	_ =	shalt  }
0x44: {  	_ =	shalt  }
0x45: {  	_ =	shalt  }
0x46: {  	_ =	shalt  }
0x47: {  	_ =	shalt  }
0x48: {  	_ =	shalt  }
0x49: {  	_ =	shalt  }
0x4a: {  	_ =	shalt  }
0x4b: {  	_ =	shalt  }
0x4c: {  	_ =	shalt  }
0x4d: {  	_ =	shalt  }
0x4e: {  	_ =	shalt  }
0x4f: {  	_ =	shalt  }
0x50: {  	_ =	shalt  }
0x51: {  	_ =	shalt  }
0x52: {  	_ =	shalt  }
0x53: {  	_ =	shalt  }
0x54: {  	_ =	shalt  }
0x55: {  	_ =	shalt  }
0x56: {  	_ =	shalt  }
0x57: {  	_ =	shalt  }
0x58: {  	_ =	shalt  }
0x59: {  	_ =	shalt  }
0x5a: {  	_ =	shalt  }
0x5b: {  	_ =	shalt  }
0x5c: {  	_ =	shalt  }
0x5d: {  	_ =	shalt  }
0x5e: {  	_ =	shalt  }
0x5f: {  	_ =	shalt  }
0x60: {  	_ =	shalt  }
0x61: {  	_ =	shalt  }
0x62: {  	_ =	shalt  }
0x63: {  	_ =	shalt  }
0x64: {  	_ =	shalt  }
0x65: {  	_ =	shalt  }
0x66: {  	_ =	shalt  }
0x67: {  	_ =	shalt  }
0x68: {  	_ =	shalt  }
0x69: {  	_ =	shalt  }
0x6a: {  	_ =	shalt  }
0x6b: {  	_ =	shalt  }
0x6c: {  	_ =	shalt  }
0x6d: {  	_ =	shalt  }
0x6e: {  	_ =	shalt  }
0x6f: {  	_ =	shalt  }
0x70: {  	_ =	shalt  }
0x71: {  	_ =	shalt  }
0x72: {  	_ =	shalt  }
0x73: {  	_ =	shalt  }
0x74: {  	_ =	shalt  }
0x75: {  	_ =	shalt  }
0x76: {  	_ =	shalt  }
0x77: {  	_ =	shalt  }
0x78: {  	_ =	shalt  }
0x79: {  	_ =	shalt  }
0x7a: {  	_ =	shalt  }
0x7b: {  	_ =	shalt  }
0x7c: {  	_ =	shalt  }
0x7d: {  	_ =	shalt  }
0x7e: {  	_ =	shalt  }
0x7f: {  	_ =	shalt  }
0x80: {  	_ =	shalt  }
0x81: {  	_ =	shalt  }
0x82: {  	_ =	shalt  }
0x83: {  	_ =	shalt  }
0x84: {  	_ =	shalt  }
0x85: {  	_ =	shalt  }
0x86: {  	_ =	shalt  }
0x87: {  	_ =	shalt  }
.Lfunc_end0:
.L_simem_size_0:
called_computation.7_lowered:
.L_overlay_start_0:
0x88: {  	s2 =	sld [smem:$0x3FD9]  }
0x89: {  	s3 =	sld [smem:$0x3FFE];
	_ =	sdelay $0x1  }
0x8a: {  	s1 =	srdreg.scid  }
0x8b: {  	s0 =	sand.u32 $0x1, s1  }
0x8c: {  	s17 =	sshll.u32 s0, $0xA;
	s2 =	sadd.s32 s3, s2  }
0x8d: {  	s2 =	sadd.s32 s2, s17  }
0x8e: {  	[smem:$0x3FBC] =	sst s2  }
0x8f: {  	_ = 	snop  }
0x90: {  	(tm) =	ssettm $0x1  }
0x91: {  	s18 =	sld [smem:$0x3FFB];
	_ =	sdelay $0x3  }
0x92: {  	_ =	strace s18  }
0x93: {  	s2 =	sld [smem:$0x3FFC];
	_ =	sdelay $0x3  }
0x94: {  	_ =	strace s2  }
0x95: {  	s2 =	sld [smem:$0x3FFD];
	_ =	sdelay $0x3  }
0x96: {  	_ =	strace s2  }
0x97: {  	_ =	strace $0x8FFFFFFF  }
0x98: {  	s19 =	sld [smem:$0x3FDB];
	_ =	sdelay $0x1  }
0x99: {  	s20 =	simm.s32 $_scs_section_size  }
0x9a: {  	s4 =	simm.s32 $_size__tile_overlayer_lowered;
	s5 =	simm.s32 $_tile_overlayer_lowered  }
0x9b: {  	s6 =	simm.s32 $0x1BFF;
	s21 =	sshll.u32 s5, $0x1;
	s3 =	sadd.s32 s20, s19  }
0x9c: {  	s22 =	simm.s32 $0x0;
	s4 =	sshll.u32 s4, $0x1;
	s5 =	sadd.s32 s21, s3  }
0x9d: {  	[timem:s22], [sflag:s6] =	dma.local [hbm:s5], s4  }
0x9e: {  	_ =	swait.ge [sflag:s6], s4  }
0x9f: {  	s4 =	ssub.s32 $0x0, s4;
	[sflag:s6] =	ssyncset.done $0x0  }
0xa0: {  	[sflag:s6] =	ssyncadd.s32 s4;
	_ =	sdelay $0x1  }
0xa1: {  	s23 =	simm.s32 $0x1B8B  }
0xa2: {  	_ =	swait.ge [sflag:s23], $0x1  }
0xa3: {  	[sflag:s23] =	ssyncset.done $0x0  }
0xa4: {  	[sflag:s23] =	ssyncadd.s32 $0xFFFFFFFF  }
0xa5: {  	s4 =	sld [smem:$0x0]  }
0xa6: {  	s5 =	sand.u32 $0xFFFFFFFE, s1  }
0xa7: {  	p0 =	sne.s32 s1, s5  }
0xa8: {  	s5 =	sshll.u32 @p0 s5, $0xE  }
0xa9: {  	s5 =	sadd.s32 @p0 $0x11B8D, s5;
	s6 =	sshll.u32 @p0 s4, $0x11  }
0xaa: {  	s5 =	sor.u32 @p0 s6, s5  }
0xab: {  	[sflag:s5] =	ssyncadd.remote.s32 @p0 $0x1;
	_ =	sdelay $0x1  }
0xac: {  	s5 =	simm.s32 @p0 $0x1B8D  }
0xad: {  	_ =	swait.eq @p0 [sflag:s5], $0x1  }
0xae: {  	[sflag:s5] =	ssyncadd.s32 @p0 $0xFFFFFFFF  }
0xaf: {  	s6 =	sshll.u32 @!p0 s1, $0xE  }
0xb0: {  	s6 =	sor.u32 @!p0 $0x4000, s6;
	s5 =	simm.s32 @!p0 $0x1B8D  }
0xb1: {  	s4 =	sshll.u32 @!p0 s4, $0x11;
	s6 =	sadd.s32 @!p0 $0x11B8D, s6;
	_ =	swait.eq @!p0 [sflag:s5], $0x1  }
0xb2: {  	s4 =	sor.u32 @!p0 s4, s6;
	[sflag:s5] =	ssyncadd.s32 @!p0 $0xFFFFFFFF  }
0xb3: {  	s25 =	simm.s32 $0x1B8E;
	s24 =	sld [smem:$0x3FFE];
	[sflag:s4] =	ssyncadd.remote.s32 @!p0 $0x1  }
0xb4: {  	s26 =	simm.s32 $execute0_lowered;
	[smem:$0x3FD2] =	sst s25  }
0xb5: {  	s5 =	sshll.u32 s26, $0x1;
	_ =	strace $0x8000005B;
	[dreg:$0x1] =	wrdreg $0xFFFFFFFF  }
0xb6: {  	s28 =	simm.s32 $_size_execute0_lowered;
	s3 =	sadd.s32 s3, s5;
	[dreg:$0x0] =	wrdreg $0x0  }
0xb7: {  	s5 =	sshll.u32 s28, $0x1;
	[dreg:$0x2] =	wrdreg s3  }
0xb8: {  	[dreg:$0x3] =	wrdreg s5  }
0xb9: {  	[dreg:$0x4] =	wrdreg $0xC0  }
0xba: {  	_ =	task [dreg:s22], $0x5FFFF  }
0xbb: {  	[dreg:$0x1] =	wrdreg $0xFFFFFFFF  }
0xbc: {  	[dreg:$0x0] =	wrdreg $0x60  }
0xbd: {  	[dreg:$0x2] =	wrdreg s24  }
0xbe: {  	[dreg:$0x3] =	wrdreg $0x51000  }
0xbf: {  	[dreg:$0x4] =	wrdreg $0xD  }
0xc0: {  	_ =	task.clear_ibuf [dreg:s22], $0x5FFFF;
	_ =	strace $0x9000005B  }
0xc1: {  	s29 =	simm.s32 $0xD;
	_ =	strace $0x8000005D  }
0xc2: {  	_ =	swait.ge [sflag:s29], $0x1  }
0xc3: {  	[sflag:s29] =	ssyncadd.s32 $0xFFFFFFFF  }
0xc4: {  	_ =	strace $0x9000005D  }
0xc5: {  	_ =	sfence  }
0xc6: {  	s30 =	sld [smem:$0x0];
	_ =	sdelay $0x2  }
0xc7: {  	s31 =	sshll.u32 s1, $0xD;
	s1 =	sshrl.u32 s1, $0x2  }
0xc8: {  	s4 =	sand.u32 $0x4000, s31;
	s1 =	sadd.s32 s1, s30  }
0xc9: {  	s0 =	sor.u32 s4, s0;
	s1 =	sshll.u32 s1, $0x11  }
0xca: {  	s0 =	sor.u32 s1, s0  }
0xcb: {  	s0 =	sadd.s32 $0x8F2B, s0  }
0xcc: {  	[sflag:s0] =	ssyncadd.remote.s32 $0x1  }
0xcd: {  	_ =	sfence.sel $0xFFFF  }
0xce: {  	[dreg:$0x0] =	wrdreg $0xFFFFFFFF;
	(pc) =	sbr.abs _section_cstart, $3  }
0xcf: {  	[dreg:$0x1] =	wrdreg $0xFFFFFFFF  }
0xd0: {  	_ =	task.clear_ibuf [dreg:s22], $0x2FFFF;
	_ =	strace $0x9FFFFFFF  }
0xd1: {  	(tm) =	ssettm $0x7FFFFFFF  }
tec
execute0_lowered:
.L_overlay_start_1:
0x0: {  	(tag) =	ssettag $0x1  }
0x1: {  	s4 =	rddreg [dreg:$0x0]  }
0x2: {  	s1 =	rddreg [dreg:$0x1]  }
0x3: {  	s2 =	srdreg.scid;
	s19 =	stileid.u32  }
0x4: {  	s0 =	rddreg [dreg:$0x2];
	s15 =	simm.s32 $0x2900;
	s5 =	smul.u32 $0x1F400, s19  }
0x5: {  	s16 =	simm.s32 $0x50;
	s17 =	simm.s32 $0x3;
	s11 =	smul.u32 $0x7D000, s19  }
0x6: {  	s18 =	simm.s32 $0x2;
	s21 =	simm.s32 $0x0;
	s12 =	smul.u32 $0xFA0, s19  }
0x7: {  	s8 =	sand.u32 $0x1, s2;
	s2 =	simm.s32 $0x0;
	s30 =	smul.u32 $0xFA00, s19  }
0x8: {  	s6 =	sshll.u32 s19, $0x1;
	s9 =	sadd.s32 $0x1D7E00, s4;
	s3 =	smul.u32 $0x138800, s8  }
0x9: {  	s10 =	sadd.s32 $0x10A00, s4;
	p0 =	sne.s32 s19, $0x0;
	s14 =	smul.u32 $0x7D0, s8  }
0xa: {  	p1 =	sgt.u32 s19, $0x9;
	s6 =	sor.u32 s8, s6;
	s31 =	smul.u32 $0x7D00, s8  }
0xb: {  	[smem:$0x7FF] =	sst s2;
	s26 =	ssub.s32 $0x2, s8;
	s25 =	smul.u32 $0x7D0, s6  }
0xc: {  	s19 =	sshll.u32 @!p1 s19, $0x6;
	_ =	strace $0x8000005C;
	s6 =	smul.u32 $0x7D00, s6  }
0xd: {  	s13 =	sshrl.u32 s26, $0x1;
	s28 =	sshrl.u32 s11, $0x2;
	s19 =	sor.u32 @!p1 $0x1C03, s19  }
0xe: {  	s3 =	sadd.s32 s5, s3;
	s13 =	ssub.s32 s26, s13;
	s29 =	sadd.s32 s14, s12  }
0xf: {  	s20 =	sadd.s32 s28, s1;
	s14 =	simm.s32 $0x80;
	s7 =	sshrl.u32 s3, $0x3  }
0x10: {  	s3 =	sadd.s32 $0x1A800, s4;
	s5 =	sshrl.u32 s25, $0x3;
	s12 =	sadd.s32 $0x1F4A0, s29  }
0x11: {  	s11 =	sadd.s32 $0x1F450, s29;
	s20 =	sshrl.u32 @!p1 s20, $0x3;
	s7 =	sadd.s32 s7, s4  }
0x12: {  	s5 =	sadd.s32 s10, s5;
	s12 =	sshrl.u32 s12, $0x3;
	s11 =	sshrl.u32 s11, $0x3  }
0x13: {  	s4 =	sadd.s32 $0x3E80, s5;
	s5 =	sadd.s32 s9, s6;
	s6 =	sadd.s32 $0x2D1E00, s7  }
0x14: {  	s7 =	smax.u32 s13, $0x1;
	s8 =	sadd.s32 s12, s10;
	s9 =	sadd.s32 s30, s9  }
0x15: {  	s10 =	sadd.s32 s11, s10;
	s11 =	sshrl.u32 @!p0 s1, $0x3;
	s9 =	sadd.s32 s31, s9  }
0x16: {  	s12 =	simm.s32 $0x100;
	s13 =	simm.s32 $0x1;
	s9 =	sadd.s32 $0xA00, s9  }
.LBB2_1:
0x17: {  	s22 =	simm.s32 @!p0 $0x1C03  }
0x18: {  	[spmem:s11], [sflag:s22] =	dma.local @!p0 [hbm:s3], $0x27100  }
0x19: {  	s22 =	simm.s32 @!p0 $0x3  }
0x1a: {  	_ =	swait.ge @!p0 [sflag:s22], $0x27100  }
0x1b: {  	[sflag:s22] =	ssyncset.done @!p0 $0x0  }
0x1c: {  	[sflag:s22] =	ssyncadd.s32 @!p0 $0xFFFD8F00  }
0x1d: {  	[bflag:$0x0] =	sbarrier.arrive $0xFFFF  }
0x1e: {  	[tilespmem:s2], [sflag:$0x1] =	stream.linear.gather [hbm4b:s4+s2], $0x50, $0x38;
	[tilespmem:$0x18980] =	vst v63  }
0x1f: {  	_ = 	snop  }
0x20: {  	[tilespmem:s12], [sflag:$0x1] =	stream.linear.gather [hbm4b:s5+s2], $0x2800, $0x38;
	[tilespmem:$0x18980] =	vst v63  }
0x21: {  	_ =	swait.ge [sflag:s13], $0x50  }
0x22: {  	[sflag:s13] =	ssyncset.done $0x0  }
0x23: {  	[sflag:s13] =	ssyncadd.s32 $0xFFFFFFB0  }
0x24: {  	_ =	swait.ge [sflag:s13], $0x2800  }
0x25: {  	[sflag:s13] =	ssyncset.done $0x0  }
0x26: {  	s29 =	sadd.s32 $0x0, s10;
	[sflag:s13] =	ssyncadd.s32 $0xFFFFD800  }
0x27: {  	[tilespmem:s14], [sflag:$0x2] =	stream.linear.gather [hbm4b:s29+s2], $0x50, $0x38;
	[tilespmem:$0x18980] =	vst v63  }
0x28: {  	s30 =	sadd.s32 $0xFFFFFB00, s9  }
0x29: {  	[tilespmem:s15], [sflag:$0x2] =	stream.linear.gather [hbm4b:s30+s2], $0x2800, $0x38;
	[tilespmem:$0x18980] =	vst v63  }
0x2a: {  	_ = 	snop  }
0x2b: {  	[spmem:s1] =	stream.indirect.scatter.add.f32 [tilespmem:s12], [sflag:$0x3], $0x80, s2, s16, $0xb8;
	[tilespmem:$0x18980] =	vst v63  }
0x2c: {  	_ =	swait.ge [sflag:s17], $0x2800  }
0x2d: {  	[sflag:s17] =	ssyncset.done $0x0  }
0x2e: {  	[sflag:s17] =	ssyncadd.s32 $0xFFFFD800  }
0x2f: {  	_ =	swait.ge [sflag:s18], $0x50  }
0x30: {  	[sflag:s18] =	ssyncset.done $0x0  }
0x31: {  	[sflag:s18] =	ssyncadd.s32 $0xFFFFFFB0  }
0x32: {  	_ =	swait.ge [sflag:s18], $0x2800  }
0x33: {  	[sflag:s18] =	ssyncset.done $0x0  }
0x34: {  	s31 =	sadd.s32 $0x0, s8;
	[sflag:s18] =	ssyncadd.s32 $0xFFFFD800  }
0x35: {  	[tilespmem:s2], [sflag:$0x1] =	stream.linear.gather [hbm4b:s31+s2], $0x50, $0x38;
	[tilespmem:$0x18980] =	vst v63  }
0x36: {  	_ = 	snop  }
0x37: {  	[tilespmem:s12], [sflag:$0x1] =	stream.linear.gather [hbm4b:s9+s2], $0x2800, $0x38;
	[tilespmem:$0x18980] =	vst v63  }
0x38: {  	_ = 	snop  }
0x39: {  	[spmem:s1] =	stream.indirect.scatter.add.f32 [tilespmem:s15], [sflag:$0x3], $0x80, s14, s16, $0xb8;
	[tilespmem:$0x18980] =	vst v63  }
0x3a: {  	_ =	swait.ge [sflag:s17], $0x2800  }
0x3b: {  	s23 =	smov.u32 s9;
	s22 =	simm.s32 $0x14;
	[sflag:s17] =	ssyncset.done $0x0  }
.LBB2_2:
0x3c: {  	p2 =	sne.s32 s22, $0xDC;
	[sflag:s17] =	ssyncadd.s32 $0xFFFFD800;
	s23 =	sadd.s32 $0xA00, s23  }
0x3d: {  	s24 =	smov.u32 s22;
	s22 =	sadd.s32 $0x14, s22  }
0x3e: {  	_ =	swait.ge [sflag:s13], $0x50  }
0x3f: {  	[sflag:s13] =	ssyncset.done $0x0  }
0x40: {  	[sflag:s13] =	ssyncadd.s32 $0xFFFFFFB0  }
0x41: {  	_ =	swait.ge [sflag:s13], $0x2800  }
0x42: {  	[sflag:s13] =	ssyncset.done $0x0  }
0x43: {  	s25 =	sadd.s32 s24, s10;
	[sflag:s13] =	ssyncadd.s32 $0xFFFFD800  }
0x44: {  	[tilespmem:s14], [sflag:$0x2] =	stream.linear.gather [hbm4b:s25+s2], $0x50, $0x38;
	[tilespmem:$0x18980] =	vst v63  }
0x45: {  	s25 =	sadd.s32 $0xFFFFFB00, s23  }
0x46: {  	[tilespmem:s15], [sflag:$0x2] =	stream.linear.gather [hbm4b:s25+s2], $0x2800, $0x38;
	[tilespmem:$0x18980] =	vst v63  }
0x47: {  	_ = 	snop  }
0x48: {  	[spmem:s1] =	stream.indirect.scatter.add.f32 [tilespmem:s12], [sflag:$0x3], $0x80, s2, s16, $0xb8;
	[tilespmem:$0x18980] =	vst v63  }
0x49: {  	_ =	swait.ge [sflag:s17], $0x2800  }
0x4a: {  	[sflag:s17] =	ssyncset.done $0x0  }
0x4b: {  	[sflag:s17] =	ssyncadd.s32 $0xFFFFD800  }
0x4c: {  	_ =	swait.ge [sflag:s18], $0x50  }
0x4d: {  	[sflag:s18] =	ssyncset.done $0x0  }
0x4e: {  	[sflag:s18] =	ssyncadd.s32 $0xFFFFFFB0  }
0x4f: {  	_ =	swait.ge [sflag:s18], $0x2800  }
0x50: {  	[sflag:s18] =	ssyncset.done $0x0  }
0x51: {  	s24 =	sadd.s32 s24, s8;
	[sflag:s18] =	ssyncadd.s32 $0xFFFFD800  }
0x52: {  	[tilespmem:s2], [sflag:$0x1] =	stream.linear.gather [hbm4b:s24+s2], $0x50, $0x38;
	[tilespmem:$0x18980] =	vst v63  }
0x53: {  	_ = 	snop  }
0x54: {  	[tilespmem:s12], [sflag:$0x1] =	stream.linear.gather [hbm4b:s23+s2], $0x2800, $0x38;
	[tilespmem:$0x18980] =	vst v63  }
.Ltmp0:
0x55: {  	_ = 	snop;
	(pc) =	sbr.rel @p2 .LBB2_2-.Ltmp0, $4  }
0x56: {  	_ = 	snop  }
0x57: {  	[spmem:s1] =	stream.indirect.scatter.add.f32 [tilespmem:s15], [sflag:$0x3], $0x80, s14, s16, $0xb8;
	[tilespmem:$0x18980] =	vst v63  }
0x58: {  	_ =	swait.ge [sflag:s17], $0x2800  }
0x59: {  	[sflag:s17] =	ssyncset.done $0x0  }
0x5a: {  	[sflag:s17] =	ssyncadd.s32 $0xFFFFD800  }
0x5b: {  	_ =	swait.ge [sflag:s13], $0x50  }
0x5c: {  	[sflag:s13] =	ssyncset.done $0x0  }
0x5d: {  	[sflag:s13] =	ssyncadd.s32 $0xFFFFFFB0  }
0x5e: {  	_ =	swait.ge [sflag:s13], $0x2800  }
0x5f: {  	[sflag:s13] =	ssyncset.done $0x0  }
0x60: {  	[sflag:s13] =	ssyncadd.s32 $0xFFFFD800  }
0x61: {  	[spmem:s1] =	stream.indirect.scatter.add.f32 [tilespmem:s12], [sflag:$0x3], $0x80, s2, s16, $0xb8;
	[tilespmem:$0x18980] =	vst v63  }
0x62: {  	_ =	swait.ge [sflag:s17], $0x2800  }
0x63: {  	s21 =	sadd.s32 $0x1, s21;
	[sflag:s17] =	ssyncset.done $0x0  }
0x64: {  	p2 =	sne.s32 s21, s7;
	[sflag:s17] =	ssyncadd.s32 $0xFFFFD800  }
.Ltmp1:
0x65: {  	s22 =	simm.s32 @!p1 $0x3;
	[bflag:$0x0] =	sbarrier.arrive $0xFFFF;
	(pc) =	sbr.rel @p2 .LBB2_1-.Ltmp1, $4  }
0x66: {  	[hbm:s6], [sflag:s19] =	dma.local @!p1 [spmem:s20], $0x3E80  }
0x67: {  	_ =	swait.ge @!p1 [sflag:s22], $0x3E80  }
0x68: {  	[sflag:s22] =	ssyncset.done @!p1 $0x0  }
0x69: {  	[sflag:s22] =	ssyncadd.s32 @!p1 $0xFFFFC180  }
0x6a: {  	_ =	sfence.sel $0x180000  }
0x6b: {  	[bflag:$0x0] =	sbarrier.arrive $0xFFFF  }
0x6c: {  	_ =	strace $0x9000005C  }
0x6d: {  	s0 =	sadd.s32 @!p0 $0x100000, s0;
	[bflag:$0x2] =	sbarrier.arrive $0xFFFF  }
0x6e: {  	[sflag:s0] =	ssyncadd.tile.s32 @!p0 $0x1;
	_ =	shalt  }
.Lfunc_end2:
_tile_overlayer_lowered:
.L_overlay_start_2:
0x6f: {  	(tag) =	ssettag $0x2  }
0x70: {  	s0 =	rddreg [dreg:$0x0];
	s2 =	stileid.u32  }
0x71: {  	s1 =	rddreg [dreg:$0x1];
	p0 =	sne.s32 s2, $0x0  }
0x72: {  	s3 =	rddreg [dreg:$0x2];
	[bflag:$0x3] =	sbarrier.arrive $0xFFFF;
	s2 =	simm.s32 @!p0 $0x1C03  }
0x73: {  	[timem:s3], [sflag:s2] =	dma.local @!p0 [hbm:s0], s1  }
0x74: {  	s0 =	simm.s32 @!p0 $0x3  }
0x75: {  	_ =	swait.ge @!p0 [sflag:s0], s1  }
0x76: {  	s1 =	ssub.s32 @!p0 $0x0, s1;
	[sflag:s0] =	ssyncset.done @!p0 $0x0  }
0x77: {  	[sflag:s0] =	ssyncadd.s32 @!p0 s1  }
0x78: {  	[bflag:$0x3] =	sbarrier.arrive $0xFFFF  }
0x79: {  	_ =	shalt  }

// kernel: kernel.43.cloned.1.call-start
scs
__scs_entry_jumppad:
0x0: {  	(pc) =	sbr.rel $0x88, $3  }
0x1: {  	(tag) =	ssettag $0x0;
	lr =	simm.s32 $0x1  }
0x2: {  	[smem:$0x3F95] =	sst lr;
	_ =	strace $0xD0000000  }
0x3: {  	_ = 	snop  }
0x4: {  	_ = 	snop  }
0x5: {  	_ = 	snop  }
0x6: {  	_ = 	snop  }
0x7: {  	_ = 	snop  }
__scs_overlays_trampoline_lowered:
0x8: {  	[smem:$0x3FA4] =	sst s0  }
0x9: {  	[smem:$0x3FA5] =	sst s1  }
0xa: {  	[smem:$0x3FA6] =	sst s2  }
0xb: {  	[smem:$0x3FA7] =	sst s3  }
0xc: {  	[smem:$0x3FA8] =	sst s4  }
0xd: {  	[smem:$0x3FA9] =	sst s5  }
0xe: {  	[smem:$0x3FAA] =	sst s6  }
0xf: {  	[smem:$0x3FAB] =	sst s7  }
0x10: {  	[smem:$0x3FAC] =	sst s8  }
0x11: {  	[smem:$0x3FAD] =	sst s9;
	s0 =	simm.s32 @!p0 $0x0  }
0x12: {  	s1 =	sld [smem:$0x3F93];
	s0 =	simm.s32 @p0 $0x1  }
0x13: {  	[smem:$0x3FAE] =	sst s0;
	s0 =	simm.s32 @!p1 $0x0  }
0x14: {  	s2 =	sld [smem:$0x3F92];
	s0 =	simm.s32 @p1 $0x1  }
0x15: {  	[smem:$0x3FAF] =	sst s0;
	s0 =	simm.s32 @!p2 $0x0  }
0x16: {  	s3 =	sld [smem:$0x3FDB];
	s0 =	simm.s32 @p2 $0x1  }
0x17: {  	s4 =	simm.s32 $0x1BF5;
	[smem:$0x3FB1] =	sst s0  }
0x18: {  	s0 =	sld [smem:$0x3F94];
	_ =	swait.ge [sflag:s4], $0x0  }
0x19: {  	s7 =	sld [smem:$0x3F95]  }
0x1a: {  	s8 =	sadd.s32 $0xFFFFE003, lr  }
0x1b: {  	s9 =	sadd.s32 $0xFFFFFEF7, lr;
	s5 =	simm.s32 $0xFFFFFFFF;
	p2 =	slt.u32 s8, $0xFFFFF086  }
0x1c: {  	p1 =	slt.u32 s9, $0xF7A;
	s5 =	simm.s32 @!p2 $0x0  }
0x1d: {  	s5 =	simm.s32 @p1 $0x1;
	p0 =	seq.s32 s7, s2  }
0x1e: {  	s7 =	smul.u32 @!p0 $0xF7A, s2;
	p2 =	seq.s32 @!p0 s5, $0x0  }
0x1f: {  	s9 =	smul.u32 $0xF7A, s1;
	s8 =	simm.s32 @!p0 $0x1BF5;
	p2 =	por !p2, p0  }
0x20: {  	[sflag:s8] =	ssyncset.s32 @!p0 $0xFFFFF086;
	s6 =	sadd.s32 @!p0 s3, s7;
	s7 =	simm.s32 @!p0 $0x108  }
0x21: {  	s3 =	sadd.s32 s3, s9;
	s6 =	sadd.s32 @!p0 $0x88, s6;
	s7 =	simm.s32 @p2 $0x1082  }
0x22: {  	[simem:s7], [sflag:s8] =	dma.local @!p0 [hbm:s6], $0xF7A  }
0x23: {  	s9 =	sor.u32 $0xD0000000, s2;
	s6 =	simm.s32 $0x108;
	_ =	swait.ge @!p0 [sflag:s8], $0x0  }
0x24: {  	s3 =	sadd.s32 $0x88, s3;
	s6 =	simm.s32 @!p1 $0x1082;
	[sflag:s4] =	ssyncset.s32 $0xFFFFF086  }
0x25: {  	[simem:s6], [sflag:s4] =	dma.local [hbm:s3], $0xF7A  }
0x26: {  	[smem:$0x3F95] =	sst s1;
	(tag) =	ssettag s2;
	_ =	strace s9  }
0x27: {  	s1 =	sld [smem:$0x3FA5]  }
0x28: {  	s2 =	sld [smem:$0x3FA6]  }
0x29: {  	s4 =	sld [smem:$0x3FA8]  }
0x2a: {  	p0 =	seq.s32 s5, $0x0;
	s5 =	sld [smem:$0x3FA9]  }
0x2b: {  	s6 =	sld [smem:$0x3FAA]  }
0x2c: {  	s7 =	sld [smem:$0x3FAB]  }
0x2d: {  	s3 =	simm.s32 $0x108;
	s8 =	sld [smem:$0x3FAC]  }
0x2e: {  	s3 =	simm.s32 @!p0 $0x1082;
	s9 =	sld [smem:$0x3FAD]  }
0x2f: {  	lr =	sadd.s32 s0, s3;
	s0 =	sld [smem:$0x3FA4]  }
0x30: {  	s3 =	sld [smem:$0x3FA7]  }
0x31: {  	[smem:$0x3FB0] =	sst s10  }
0x32: {  	s10 =	sld [smem:$0x3FAE];
	_ =	sdelay $0x3  }
0x33: {  	p0 =	seq.s32 s10, $0x1;
	s10 =	sld [smem:$0x3FB0];
	_ =	sdelay $0x3  }
0x34: {  	[smem:$0x3FB0] =	sst s10  }
0x35: {  	s10 =	sld [smem:$0x3FAF];
	_ =	sdelay $0x3  }
0x36: {  	p1 =	seq.s32 s10, $0x1;
	s10 =	sld [smem:$0x3FB0];
	_ =	sdelay $0x3  }
0x37: {  	[smem:$0x3FB0] =	sst s10  }
0x38: {  	s10 =	sld [smem:$0x3FB1]  }
0x39: {  	_ = 	snop;
	(pc) =	sbr.ind lr, $3  }
0x3a: {  	_ = 	snop  }
0x3b: {  	_ = 	snop  }
0x3c: {  	p2 =	seq.s32 s10, $0x1;
	s10 =	sld [smem:$0x3FB0]  }
0x3d: {  	_ =	shalt  }
0x3e: {  	_ =	shalt  }
0x3f: {  	_ =	shalt  }
0x40: {  	_ =	shalt  }
0x41: {  	_ =	shalt  }
0x42: {  	_ =	shalt  }
0x43: {  	_ =	shalt  }
0x44: {  	_ =	shalt  }
0x45: {  	_ =	shalt  }
0x46: {  	_ =	shalt  }
0x47: {  	_ =	shalt  }
0x48: {  	_ =	shalt  }
0x49: {  	_ =	shalt  }
0x4a: {  	_ =	shalt  }
0x4b: {  	_ =	shalt  }
0x4c: {  	_ =	shalt  }
0x4d: {  	_ =	shalt  }
0x4e: {  	_ =	shalt  }
0x4f: {  	_ =	shalt  }
0x50: {  	_ =	shalt  }
0x51: {  	_ =	shalt  }
0x52: {  	_ =	shalt  }
0x53: {  	_ =	shalt  }
0x54: {  	_ =	shalt  }
0x55: {  	_ =	shalt  }
0x56: {  	_ =	shalt  }
0x57: {  	_ =	shalt  }
0x58: {  	_ =	shalt  }
0x59: {  	_ =	shalt  }
0x5a: {  	_ =	shalt  }
0x5b: {  	_ =	shalt  }
0x5c: {  	_ =	shalt  }
0x5d: {  	_ =	shalt  }
0x5e: {  	_ =	shalt  }
0x5f: {  	_ =	shalt  }
0x60: {  	_ =	shalt  }
0x61: {  	_ =	shalt  }
0x62: {  	_ =	shalt  }
0x63: {  	_ =	shalt  }
0x64: {  	_ =	shalt  }
0x65: {  	_ =	shalt  }
0x66: {  	_ =	shalt  }
0x67: {  	_ =	shalt  }
0x68: {  	_ =	shalt  }
0x69: {  	_ =	shalt  }
0x6a: {  	_ =	shalt  }
0x6b: {  	_ =	shalt  }
0x6c: {  	_ =	shalt  }
0x6d: {  	_ =	shalt  }
0x6e: {  	_ =	shalt  }
0x6f: {  	_ =	shalt  }
0x70: {  	_ =	shalt  }
0x71: {  	_ =	shalt  }
0x72: {  	_ =	shalt  }
0x73: {  	_ =	shalt  }
0x74: {  	_ =	shalt  }
0x75: {  	_ =	shalt  }
0x76: {  	_ =	shalt  }
0x77: {  	_ =	shalt  }
0x78: {  	_ =	shalt  }
0x79: {  	_ =	shalt  }
0x7a: {  	_ =	shalt  }
0x7b: {  	_ =	shalt  }
0x7c: {  	_ =	shalt  }
0x7d: {  	_ =	shalt  }
0x7e: {  	_ =	shalt  }
0x7f: {  	_ =	shalt  }
0x80: {  	_ =	shalt  }
0x81: {  	_ =	shalt  }
0x82: {  	_ =	shalt  }
0x83: {  	_ =	shalt  }
0x84: {  	_ =	shalt  }
0x85: {  	_ =	shalt  }
0x86: {  	_ =	shalt  }
0x87: {  	_ =	shalt  }
.Lfunc_end0:
.L_simem_size_0:
called_computation.8_lowered:
.L_overlay_start_0:
0x88: {  	s2 =	sld [smem:$0x3FD9]  }
0x89: {  	s3 =	sld [smem:$0x3FFE];
	_ =	sdelay $0x1  }
0x8a: {  	s1 =	srdreg.scid  }
0x8b: {  	s0 =	sand.u32 $0x1, s1  }
0x8c: {  	s17 =	sshll.u32 s0, $0xA;
	s2 =	sadd.s32 s3, s2  }
0x8d: {  	s2 =	sadd.s32 s2, s17  }
0x8e: {  	[smem:$0x3FBC] =	sst s2  }
0x8f: {  	_ = 	snop  }
0x90: {  	(tm) =	ssettm $0x1  }
0x91: {  	s18 =	sld [smem:$0x3FFB];
	_ =	sdelay $0x3  }
0x92: {  	_ =	strace s18  }
0x93: {  	s2 =	sld [smem:$0x3FFC];
	_ =	sdelay $0x3  }
0x94: {  	_ =	strace s2  }
0x95: {  	s2 =	sld [smem:$0x3FFD];
	_ =	sdelay $0x3  }
0x96: {  	_ =	strace s2  }
0x97: {  	_ =	strace $0x8FFFFFFF  }
0x98: {  	s19 =	sld [smem:$0x3FDB];
	_ =	sdelay $0x1  }
0x99: {  	s20 =	simm.s32 $_scs_section_size  }
0x9a: {  	s4 =	simm.s32 $_size__tile_overlayer_lowered;
	s5 =	simm.s32 $_tile_overlayer_lowered  }
0x9b: {  	s6 =	simm.s32 $0x1BFF;
	s21 =	sshll.u32 s5, $0x1;
	s3 =	sadd.s32 s20, s19  }
0x9c: {  	s22 =	simm.s32 $0x0;
	s4 =	sshll.u32 s4, $0x1;
	s5 =	sadd.s32 s21, s3  }
0x9d: {  	[timem:s22], [sflag:s6] =	dma.local [hbm:s5], s4  }
0x9e: {  	_ =	swait.ge [sflag:s6], s4  }
0x9f: {  	s4 =	ssub.s32 $0x0, s4;
	[sflag:s6] =	ssyncset.done $0x0  }
0xa0: {  	[sflag:s6] =	ssyncadd.s32 s4;
	_ =	sdelay $0x1  }
0xa1: {  	s23 =	simm.s32 $0x1B8B  }
0xa2: {  	_ =	swait.ge [sflag:s23], $0x1  }
0xa3: {  	[sflag:s23] =	ssyncset.done $0x0  }
0xa4: {  	[sflag:s23] =	ssyncadd.s32 $0xFFFFFFFF  }
0xa5: {  	s4 =	sld [smem:$0x0]  }
0xa6: {  	s5 =	sand.u32 $0xFFFFFFFE, s1  }
0xa7: {  	p0 =	sne.s32 s1, s5  }
0xa8: {  	s5 =	sshll.u32 @p0 s5, $0xE  }
0xa9: {  	s5 =	sadd.s32 @p0 $0x11B8D, s5;
	s6 =	sshll.u32 @p0 s4, $0x11  }
0xaa: {  	s5 =	sor.u32 @p0 s6, s5  }
0xab: {  	[sflag:s5] =	ssyncadd.remote.s32 @p0 $0x1;
	_ =	sdelay $0x1  }
0xac: {  	s5 =	simm.s32 @p0 $0x1B8D  }
0xad: {  	_ =	swait.eq @p0 [sflag:s5], $0x1  }
0xae: {  	[sflag:s5] =	ssyncadd.s32 @p0 $0xFFFFFFFF  }
0xaf: {  	s6 =	sshll.u32 @!p0 s1, $0xE  }
0xb0: {  	s6 =	sor.u32 @!p0 $0x4000, s6;
	s5 =	simm.s32 @!p0 $0x1B8D  }
0xb1: {  	s4 =	sshll.u32 @!p0 s4, $0x11;
	s6 =	sadd.s32 @!p0 $0x11B8D, s6;
	_ =	swait.eq @!p0 [sflag:s5], $0x1  }
0xb2: {  	s4 =	sor.u32 @!p0 s4, s6;
	[sflag:s5] =	ssyncadd.s32 @!p0 $0xFFFFFFFF  }
0xb3: {  	s25 =	simm.s32 $0x1B8E;
	s24 =	sld [smem:$0x3FFE];
	[sflag:s4] =	ssyncadd.remote.s32 @!p0 $0x1  }
0xb4: {  	s26 =	simm.s32 $execute0_lowered;
	[smem:$0x3FD2] =	sst s25  }
0xb5: {  	s5 =	sshll.u32 s26, $0x1;
	_ =	strace $0x8000005E;
	[dreg:$0x1] =	wrdreg $0xFFFFFFFF  }
0xb6: {  	s28 =	simm.s32 $_size_execute0_lowered;
	s3 =	sadd.s32 s3, s5;
	[dreg:$0x0] =	wrdreg $0x0  }
0xb7: {  	s5 =	sshll.u32 s28, $0x1;
	[dreg:$0x2] =	wrdreg s3  }
0xb8: {  	[dreg:$0x3] =	wrdreg s5  }
0xb9: {  	[dreg:$0x4] =	wrdreg $0xC0  }
0xba: {  	_ =	task [dreg:s22], $0x5FFFF  }
0xbb: {  	[dreg:$0x1] =	wrdreg $0xFFFFFFFF  }
0xbc: {  	[dreg:$0x0] =	wrdreg $0x60  }
0xbd: {  	[dreg:$0x2] =	wrdreg s24  }
0xbe: {  	[dreg:$0x3] =	wrdreg $0x51000  }
0xbf: {  	[dreg:$0x4] =	wrdreg $0xB  }
0xc0: {  	_ =	task.clear_ibuf [dreg:s22], $0x5FFFF;
	_ =	strace $0x9000005E  }
0xc1: {  	s29 =	simm.s32 $0xB;
	_ =	strace $0x80000060  }
0xc2: {  	_ =	swait.ge [sflag:s29], $0x1  }
0xc3: {  	[sflag:s29] =	ssyncadd.s32 $0xFFFFFFFF  }
0xc4: {  	_ =	strace $0x90000060  }
0xc5: {  	_ =	sfence  }
0xc6: {  	s30 =	sld [smem:$0x0];
	_ =	sdelay $0x2  }
0xc7: {  	s31 =	sshll.u32 s1, $0xD;
	s1 =	sshrl.u32 s1, $0x2  }
0xc8: {  	s4 =	sand.u32 $0x4000, s31;
	s1 =	sadd.s32 s1, s30  }
0xc9: {  	s0 =	sor.u32 s4, s0;
	s1 =	sshll.u32 s1, $0x11  }
0xca: {  	s0 =	sor.u32 s1, s0  }
0xcb: {  	s0 =	sadd.s32 $0x8F2B, s0  }
0xcc: {  	[sflag:s0] =	ssyncadd.remote.s32 $0x1  }
0xcd: {  	_ =	sfence.sel $0xFFFF  }
0xce: {  	[dreg:$0x0] =	wrdreg $0xFFFFFFFF;
	(pc) =	sbr.abs _section_cstart, $3  }
0xcf: {  	[dreg:$0x1] =	wrdreg $0xFFFFFFFF  }
0xd0: {  	_ =	task.clear_ibuf [dreg:s22], $0x2FFFF;
	_ =	strace $0x9FFFFFFF  }
0xd1: {  	(tm) =	ssettm $0x7FFFFFFF  }
tec
execute0_lowered:
.L_overlay_start_1:
0x0: {  	(tag) =	ssettag $0x1  }
0x1: {  	s4 =	rddreg [dreg:$0x0]  }
0x2: {  	s1 =	rddreg [dreg:$0x1]  }
0x3: {  	s2 =	srdreg.scid;
	s19 =	stileid.u32  }
0x4: {  	s0 =	rddreg [dreg:$0x2];
	s15 =	simm.s32 $0x2900;
	s5 =	smul.u32 $0x1F400, s19  }
0x5: {  	s16 =	simm.s32 $0x50;
	s17 =	simm.s32 $0x3;
	s11 =	smul.u32 $0x7D000, s19  }
0x6: {  	s18 =	simm.s32 $0x2;
	s21 =	simm.s32 $0x0;
	s12 =	smul.u32 $0xFA0, s19  }
0x7: {  	s8 =	sand.u32 $0x1, s2;
	s2 =	simm.s32 $0x0;
	s30 =	smul.u32 $0xFA00, s19  }
0x8: {  	s6 =	sshll.u32 s19, $0x1;
	s9 =	sadd.s32 $0x320000, s4;
	s3 =	smul.u32 $0x138800, s8  }
0x9: {  	s10 =	sadd.s32 $0x10A00, s4;
	p0 =	sne.s32 s19, $0x0;
	s14 =	smul.u32 $0x7D0, s8  }
0xa: {  	p1 =	sgt.u32 s19, $0x9;
	s6 =	sor.u32 s8, s6;
	s31 =	smul.u32 $0x7D00, s8  }
0xb: {  	[smem:$0x7FF] =	sst s2;
	s26 =	ssub.s32 $0x2, s8;
	s25 =	smul.u32 $0x7D0, s6  }
0xc: {  	s19 =	sshll.u32 @!p1 s19, $0x6;
	_ =	strace $0x8000005F;
	s6 =	smul.u32 $0x7D00, s6  }
0xd: {  	s13 =	sshrl.u32 s26, $0x1;
	s28 =	sshrl.u32 s11, $0x2;
	s19 =	sor.u32 @!p1 $0x1C03, s19  }
0xe: {  	s3 =	sadd.s32 s5, s3;
	s13 =	ssub.s32 s26, s13;
	s29 =	sadd.s32 s14, s12  }
0xf: {  	s20 =	sadd.s32 s28, s1;
	s14 =	simm.s32 $0x80;
	s7 =	sshrl.u32 s3, $0x3  }
0x10: {  	s3 =	sadd.s32 $0x1A800, s4;
	s5 =	sshrl.u32 s25, $0x3;
	s12 =	sadd.s32 $0x2EEA0, s29  }
0x11: {  	s11 =	sadd.s32 $0x2EE50, s29;
	s20 =	sshrl.u32 @!p1 s20, $0x3;
	s7 =	sadd.s32 s7, s4  }
0x12: {  	s5 =	sadd.s32 s10, s5;
	s12 =	sshrl.u32 s12, $0x3;
	s11 =	sshrl.u32 s11, $0x3  }
0x13: {  	s4 =	sadd.s32 $0x5DC0, s5;
	s5 =	sadd.s32 s9, s6;
	s6 =	sadd.s32 $0x41A000, s7  }
0x14: {  	s7 =	smax.u32 s13, $0x1;
	s8 =	sadd.s32 s12, s10;
	s9 =	sadd.s32 s30, s9  }
0x15: {  	s10 =	sadd.s32 s11, s10;
	s11 =	sshrl.u32 @!p0 s1, $0x3;
	s9 =	sadd.s32 s31, s9  }
0x16: {  	s12 =	simm.s32 $0x100;
	s13 =	simm.s32 $0x1;
	s9 =	sadd.s32 $0xA00, s9  }
.LBB2_1:
0x17: {  	s22 =	simm.s32 @!p0 $0x1C03  }
0x18: {  	[spmem:s11], [sflag:s22] =	dma.local @!p0 [hbm:s3], $0x27100  }
0x19: {  	s22 =	simm.s32 @!p0 $0x3  }
0x1a: {  	_ =	swait.ge @!p0 [sflag:s22], $0x27100  }
0x1b: {  	[sflag:s22] =	ssyncset.done @!p0 $0x0  }
0x1c: {  	[sflag:s22] =	ssyncadd.s32 @!p0 $0xFFFD8F00  }
0x1d: {  	[bflag:$0x0] =	sbarrier.arrive $0xFFFF  }
0x1e: {  	[tilespmem:s2], [sflag:$0x1] =	stream.linear.gather [hbm4b:s4+s2], $0x50, $0x38;
	[tilespmem:$0x18980] =	vst v63  }
0x1f: {  	_ = 	snop  }
0x20: {  	[tilespmem:s12], [sflag:$0x1] =	stream.linear.gather [hbm4b:s5+s2], $0x2800, $0x38;
	[tilespmem:$0x18980] =	vst v63  }
0x21: {  	_ =	swait.ge [sflag:s13], $0x50  }
0x22: {  	[sflag:s13] =	ssyncset.done $0x0  }
0x23: {  	[sflag:s13] =	ssyncadd.s32 $0xFFFFFFB0  }
0x24: {  	_ =	swait.ge [sflag:s13], $0x2800  }
0x25: {  	[sflag:s13] =	ssyncset.done $0x0  }
0x26: {  	s29 =	sadd.s32 $0x0, s10;
	[sflag:s13] =	ssyncadd.s32 $0xFFFFD800  }
0x27: {  	[tilespmem:s14], [sflag:$0x2] =	stream.linear.gather [hbm4b:s29+s2], $0x50, $0x38;
	[tilespmem:$0x18980] =	vst v63  }
0x28: {  	s30 =	sadd.s32 $0xFFFFFB00, s9  }
0x29: {  	[tilespmem:s15], [sflag:$0x2] =	stream.linear.gather [hbm4b:s30+s2], $0x2800, $0x38;
	[tilespmem:$0x18980] =	vst v63  }
0x2a: {  	_ = 	snop  }
0x2b: {  	[spmem:s1] =	stream.indirect.scatter.add.f32 [tilespmem:s12], [sflag:$0x3], $0x80, s2, s16, $0xb8;
	[tilespmem:$0x18980] =	vst v63  }
0x2c: {  	_ =	swait.ge [sflag:s17], $0x2800  }
0x2d: {  	[sflag:s17] =	ssyncset.done $0x0  }
0x2e: {  	[sflag:s17] =	ssyncadd.s32 $0xFFFFD800  }
0x2f: {  	_ =	swait.ge [sflag:s18], $0x50  }
0x30: {  	[sflag:s18] =	ssyncset.done $0x0  }
0x31: {  	[sflag:s18] =	ssyncadd.s32 $0xFFFFFFB0  }
0x32: {  	_ =	swait.ge [sflag:s18], $0x2800  }
0x33: {  	[sflag:s18] =	ssyncset.done $0x0  }
0x34: {  	s31 =	sadd.s32 $0x0, s8;
	[sflag:s18] =	ssyncadd.s32 $0xFFFFD800  }
0x35: {  	[tilespmem:s2], [sflag:$0x1] =	stream.linear.gather [hbm4b:s31+s2], $0x50, $0x38;
	[tilespmem:$0x18980] =	vst v63  }
0x36: {  	_ = 	snop  }
0x37: {  	[tilespmem:s12], [sflag:$0x1] =	stream.linear.gather [hbm4b:s9+s2], $0x2800, $0x38;
	[tilespmem:$0x18980] =	vst v63  }
0x38: {  	_ = 	snop  }
0x39: {  	[spmem:s1] =	stream.indirect.scatter.add.f32 [tilespmem:s15], [sflag:$0x3], $0x80, s14, s16, $0xb8;
	[tilespmem:$0x18980] =	vst v63  }
0x3a: {  	_ =	swait.ge [sflag:s17], $0x2800  }
0x3b: {  	s23 =	smov.u32 s9;
	s22 =	simm.s32 $0x14;
	[sflag:s17] =	ssyncset.done $0x0  }
.LBB2_2:
0x3c: {  	p2 =	sne.s32 s22, $0xDC;
	[sflag:s17] =	ssyncadd.s32 $0xFFFFD800;
	s23 =	sadd.s32 $0xA00, s23  }
0x3d: {  	s24 =	smov.u32 s22;
	s22 =	sadd.s32 $0x14, s22  }
0x3e: {  	_ =	swait.ge [sflag:s13], $0x50  }
0x3f: {  	[sflag:s13] =	ssyncset.done $0x0  }
0x40: {  	[sflag:s13] =	ssyncadd.s32 $0xFFFFFFB0  }
0x41: {  	_ =	swait.ge [sflag:s13], $0x2800  }
0x42: {  	[sflag:s13] =	ssyncset.done $0x0  }
0x43: {  	s25 =	sadd.s32 s24, s10;
	[sflag:s13] =	ssyncadd.s32 $0xFFFFD800  }
0x44: {  	[tilespmem:s14], [sflag:$0x2] =	stream.linear.gather [hbm4b:s25+s2], $0x50, $0x38;
	[tilespmem:$0x18980] =	vst v63  }
0x45: {  	s25 =	sadd.s32 $0xFFFFFB00, s23  }
0x46: {  	[tilespmem:s15], [sflag:$0x2] =	stream.linear.gather [hbm4b:s25+s2], $0x2800, $0x38;
	[tilespmem:$0x18980] =	vst v63  }
0x47: {  	_ = 	snop  }
0x48: {  	[spmem:s1] =	stream.indirect.scatter.add.f32 [tilespmem:s12], [sflag:$0x3], $0x80, s2, s16, $0xb8;
	[tilespmem:$0x18980] =	vst v63  }
0x49: {  	_ =	swait.ge [sflag:s17], $0x2800  }
0x4a: {  	[sflag:s17] =	ssyncset.done $0x0  }
0x4b: {  	[sflag:s17] =	ssyncadd.s32 $0xFFFFD800  }
0x4c: {  	_ =	swait.ge [sflag:s18], $0x50  }
0x4d: {  	[sflag:s18] =	ssyncset.done $0x0  }
0x4e: {  	[sflag:s18] =	ssyncadd.s32 $0xFFFFFFB0  }
0x4f: {  	_ =	swait.ge [sflag:s18], $0x2800  }
0x50: {  	[sflag:s18] =	ssyncset.done $0x0  }
0x51: {  	s24 =	sadd.s32 s24, s8;
	[sflag:s18] =	ssyncadd.s32 $0xFFFFD800  }
0x52: {  	[tilespmem:s2], [sflag:$0x1] =	stream.linear.gather [hbm4b:s24+s2], $0x50, $0x38;
	[tilespmem:$0x18980] =	vst v63  }
0x53: {  	_ = 	snop  }
0x54: {  	[tilespmem:s12], [sflag:$0x1] =	stream.linear.gather [hbm4b:s23+s2], $0x2800, $0x38;
	[tilespmem:$0x18980] =	vst v63  }
.Ltmp0:
0x55: {  	_ = 	snop;
	(pc) =	sbr.rel @p2 .LBB2_2-.Ltmp0, $4  }
0x56: {  	_ = 	snop  }
0x57: {  	[spmem:s1] =	stream.indirect.scatter.add.f32 [tilespmem:s15], [sflag:$0x3], $0x80, s14, s16, $0xb8;
	[tilespmem:$0x18980] =	vst v63  }
0x58: {  	_ =	swait.ge [sflag:s17], $0x2800  }
0x59: {  	[sflag:s17] =	ssyncset.done $0x0  }
0x5a: {  	[sflag:s17] =	ssyncadd.s32 $0xFFFFD800  }
0x5b: {  	_ =	swait.ge [sflag:s13], $0x50  }
0x5c: {  	[sflag:s13] =	ssyncset.done $0x0  }
0x5d: {  	[sflag:s13] =	ssyncadd.s32 $0xFFFFFFB0  }
0x5e: {  	_ =	swait.ge [sflag:s13], $0x2800  }
0x5f: {  	[sflag:s13] =	ssyncset.done $0x0  }
0x60: {  	[sflag:s13] =	ssyncadd.s32 $0xFFFFD800  }
0x61: {  	[spmem:s1] =	stream.indirect.scatter.add.f32 [tilespmem:s12], [sflag:$0x3], $0x80, s2, s16, $0xb8;
	[tilespmem:$0x18980] =	vst v63  }
0x62: {  	_ =	swait.ge [sflag:s17], $0x2800  }
0x63: {  	s21 =	sadd.s32 $0x1, s21;
	[sflag:s17] =	ssyncset.done $0x0  }
0x64: {  	p2 =	sne.s32 s21, s7;
	[sflag:s17] =	ssyncadd.s32 $0xFFFFD800  }
.Ltmp1:
0x65: {  	s22 =	simm.s32 @!p1 $0x3;
	[bflag:$0x0] =	sbarrier.arrive $0xFFFF;
	(pc) =	sbr.rel @p2 .LBB2_1-.Ltmp1, $4  }
0x66: {  	[hbm:s6], [sflag:s19] =	dma.local @!p1 [spmem:s20], $0x3E80  }
0x67: {  	_ =	swait.ge @!p1 [sflag:s22], $0x3E80  }
0x68: {  	[sflag:s22] =	ssyncset.done @!p1 $0x0  }
0x69: {  	[sflag:s22] =	ssyncadd.s32 @!p1 $0xFFFFC180  }
0x6a: {  	_ =	sfence.sel $0x180000  }
0x6b: {  	[bflag:$0x0] =	sbarrier.arrive $0xFFFF  }
0x6c: {  	_ =	strace $0x9000005F  }
0x6d: {  	s0 =	sadd.s32 @!p0 $0x100000, s0;
	[bflag:$0x2] =	sbarrier.arrive $0xFFFF  }
0x6e: {  	[sflag:s0] =	ssyncadd.tile.s32 @!p0 $0x1;
	_ =	shalt  }
.Lfunc_end2:
_tile_overlayer_lowered:
.L_overlay_start_2:
0x6f: {  	(tag) =	ssettag $0x2  }
0x70: {  	s0 =	rddreg [dreg:$0x0];
	s2 =	stileid.u32  }
0x71: {  	s1 =	rddreg [dreg:$0x1];
	p0 =	sne.s32 s2, $0x0  }
0x72: {  	s3 =	rddreg [dreg:$0x2];
	[bflag:$0x3] =	sbarrier.arrive $0xFFFF;
	s2 =	simm.s32 @!p0 $0x1C03  }
0x73: {  	[timem:s3], [sflag:s2] =	dma.local @!p0 [hbm:s0], s1  }
0x74: {  	s0 =	simm.s32 @!p0 $0x3  }
0x75: {  	_ =	swait.ge @!p0 [sflag:s0], s1  }
0x76: {  	s1 =	ssub.s32 @!p0 $0x0, s1;
	[sflag:s0] =	ssyncset.done @!p0 $0x0  }
0x77: {  	[sflag:s0] =	ssyncadd.s32 @!p0 s1  }
0x78: {  	[bflag:$0x3] =	sbarrier.arrive $0xFFFF  }
0x79: {  	_ =	shalt  }

// kernel: kernel.46.cloned.1.call-start
scs
__scs_entry_jumppad:
0x0: {  	(pc) =	sbr.rel $0x88, $3  }
0x1: {  	(tag) =	ssettag $0x0;
	lr =	simm.s32 $0x1  }
0x2: {  	[smem:$0x3F95] =	sst lr;
	_ =	strace $0xD0000000  }
0x3: {  	_ = 	snop  }
0x4: {  	_ = 	snop  }
0x5: {  	_ = 	snop  }
0x6: {  	_ = 	snop  }
0x7: {  	_ = 	snop  }
__scs_overlays_trampoline_lowered:
0x8: {  	[smem:$0x3FA4] =	sst s0  }
0x9: {  	[smem:$0x3FA5] =	sst s1  }
0xa: {  	[smem:$0x3FA6] =	sst s2  }
0xb: {  	[smem:$0x3FA7] =	sst s3  }
0xc: {  	[smem:$0x3FA8] =	sst s4  }
0xd: {  	[smem:$0x3FA9] =	sst s5  }
0xe: {  	[smem:$0x3FAA] =	sst s6  }
0xf: {  	[smem:$0x3FAB] =	sst s7  }
0x10: {  	[smem:$0x3FAC] =	sst s8  }
0x11: {  	[smem:$0x3FAD] =	sst s9;
	s0 =	simm.s32 @!p0 $0x0  }
0x12: {  	s1 =	sld [smem:$0x3F93];
	s0 =	simm.s32 @p0 $0x1  }
0x13: {  	[smem:$0x3FAE] =	sst s0;
	s0 =	simm.s32 @!p1 $0x0  }
0x14: {  	s2 =	sld [smem:$0x3F92];
	s0 =	simm.s32 @p1 $0x1  }
0x15: {  	[smem:$0x3FAF] =	sst s0;
	s0 =	simm.s32 @!p2 $0x0  }
0x16: {  	s3 =	sld [smem:$0x3FDB];
	s0 =	simm.s32 @p2 $0x1  }
0x17: {  	s4 =	simm.s32 $0x1BF5;
	[smem:$0x3FB1] =	sst s0  }
0x18: {  	s0 =	sld [smem:$0x3F94];
	_ =	swait.ge [sflag:s4], $0x0  }
0x19: {  	s7 =	sld [smem:$0x3F95]  }
0x1a: {  	s8 =	sadd.s32 $0xFFFFE003, lr  }
0x1b: {  	s9 =	sadd.s32 $0xFFFFFEF7, lr;
	s5 =	simm.s32 $0xFFFFFFFF;
	p2 =	slt.u32 s8, $0xFFFFF086  }
0x1c: {  	p1 =	slt.u32 s9, $0xF7A;
	s5 =	simm.s32 @!p2 $0x0  }
0x1d: {  	s5 =	simm.s32 @p1 $0x1;
	p0 =	seq.s32 s7, s2  }
0x1e: {  	s7 =	smul.u32 @!p0 $0xF7A, s2;
	p2 =	seq.s32 @!p0 s5, $0x0  }
0x1f: {  	s9 =	smul.u32 $0xF7A, s1;
	s8 =	simm.s32 @!p0 $0x1BF5;
	p2 =	por !p2, p0  }
0x20: {  	[sflag:s8] =	ssyncset.s32 @!p0 $0xFFFFF086;
	s6 =	sadd.s32 @!p0 s3, s7;
	s7 =	simm.s32 @!p0 $0x108  }
0x21: {  	s3 =	sadd.s32 s3, s9;
	s6 =	sadd.s32 @!p0 $0x88, s6;
	s7 =	simm.s32 @p2 $0x1082  }
0x22: {  	[simem:s7], [sflag:s8] =	dma.local @!p0 [hbm:s6], $0xF7A  }
0x23: {  	s9 =	sor.u32 $0xD0000000, s2;
	s6 =	simm.s32 $0x108;
	_ =	swait.ge @!p0 [sflag:s8], $0x0  }
0x24: {  	s3 =	sadd.s32 $0x88, s3;
	s6 =	simm.s32 @!p1 $0x1082;
	[sflag:s4] =	ssyncset.s32 $0xFFFFF086  }
0x25: {  	[simem:s6], [sflag:s4] =	dma.local [hbm:s3], $0xF7A  }
0x26: {  	[smem:$0x3F95] =	sst s1;
	(tag) =	ssettag s2;
	_ =	strace s9  }
0x27: {  	s1 =	sld [smem:$0x3FA5]  }
0x28: {  	s2 =	sld [smem:$0x3FA6]  }
0x29: {  	s4 =	sld [smem:$0x3FA8]  }
0x2a: {  	p0 =	seq.s32 s5, $0x0;
	s5 =	sld [smem:$0x3FA9]  }
0x2b: {  	s6 =	sld [smem:$0x3FAA]  }
0x2c: {  	s7 =	sld [smem:$0x3FAB]  }
0x2d: {  	s3 =	simm.s32 $0x108;
	s8 =	sld [smem:$0x3FAC]  }
0x2e: {  	s3 =	simm.s32 @!p0 $0x1082;
	s9 =	sld [smem:$0x3FAD]  }
0x2f: {  	lr =	sadd.s32 s0, s3;
	s0 =	sld [smem:$0x3FA4]  }
0x30: {  	s3 =	sld [smem:$0x3FA7]  }
0x31: {  	[smem:$0x3FB0] =	sst s10  }
0x32: {  	s10 =	sld [smem:$0x3FAE];
	_ =	sdelay $0x3  }
0x33: {  	p0 =	seq.s32 s10, $0x1;
	s10 =	sld [smem:$0x3FB0];
	_ =	sdelay $0x3  }
0x34: {  	[smem:$0x3FB0] =	sst s10  }
0x35: {  	s10 =	sld [smem:$0x3FAF];
	_ =	sdelay $0x3  }
0x36: {  	p1 =	seq.s32 s10, $0x1;
	s10 =	sld [smem:$0x3FB0];
	_ =	sdelay $0x3  }
0x37: {  	[smem:$0x3FB0] =	sst s10  }
0x38: {  	s10 =	sld [smem:$0x3FB1]  }
0x39: {  	_ = 	snop;
	(pc) =	sbr.ind lr, $3  }
0x3a: {  	_ = 	snop  }
0x3b: {  	_ = 	snop  }
0x3c: {  	p2 =	seq.s32 s10, $0x1;
	s10 =	sld [smem:$0x3FB0]  }
0x3d: {  	_ =	shalt  }
0x3e: {  	_ =	shalt  }
0x3f: {  	_ =	shalt  }
0x40: {  	_ =	shalt  }
0x41: {  	_ =	shalt  }
0x42: {  	_ =	shalt  }
0x43: {  	_ =	shalt  }
0x44: {  	_ =	shalt  }
0x45: {  	_ =	shalt  }
0x46: {  	_ =	shalt  }
0x47: {  	_ =	shalt  }
0x48: {  	_ =	shalt  }
0x49: {  	_ =	shalt  }
0x4a: {  	_ =	shalt  }
0x4b: {  	_ =	shalt  }
0x4c: {  	_ =	shalt  }
0x4d: {  	_ =	shalt  }
0x4e: {  	_ =	shalt  }
0x4f: {  	_ =	shalt  }
0x50: {  	_ =	shalt  }
0x51: {  	_ =	shalt  }
0x52: {  	_ =	shalt  }
0x53: {  	_ =	shalt  }
0x54: {  	_ =	shalt  }
0x55: {  	_ =	shalt  }
0x56: {  	_ =	shalt  }
0x57: {  	_ =	shalt  }
0x58: {  	_ =	shalt  }
0x59: {  	_ =	shalt  }
0x5a: {  	_ =	shalt  }
0x5b: {  	_ =	shalt  }
0x5c: {  	_ =	shalt  }
0x5d: {  	_ =	shalt  }
0x5e: {  	_ =	shalt  }
0x5f: {  	_ =	shalt  }
0x60: {  	_ =	shalt  }
0x61: {  	_ =	shalt  }
0x62: {  	_ =	shalt  }
0x63: {  	_ =	shalt  }
0x64: {  	_ =	shalt  }
0x65: {  	_ =	shalt  }
0x66: {  	_ =	shalt  }
0x67: {  	_ =	shalt  }
0x68: {  	_ =	shalt  }
0x69: {  	_ =	shalt  }
0x6a: {  	_ =	shalt  }
0x6b: {  	_ =	shalt  }
0x6c: {  	_ =	shalt  }
0x6d: {  	_ =	shalt  }
0x6e: {  	_ =	shalt  }
0x6f: {  	_ =	shalt  }
0x70: {  	_ =	shalt  }
0x71: {  	_ =	shalt  }
0x72: {  	_ =	shalt  }
0x73: {  	_ =	shalt  }
0x74: {  	_ =	shalt  }
0x75: {  	_ =	shalt  }
0x76: {  	_ =	shalt  }
0x77: {  	_ =	shalt  }
0x78: {  	_ =	shalt  }
0x79: {  	_ =	shalt  }
0x7a: {  	_ =	shalt  }
0x7b: {  	_ =	shalt  }
0x7c: {  	_ =	shalt  }
0x7d: {  	_ =	shalt  }
0x7e: {  	_ =	shalt  }
0x7f: {  	_ =	shalt  }
0x80: {  	_ =	shalt  }
0x81: {  	_ =	shalt  }
0x82: {  	_ =	shalt  }
0x83: {  	_ =	shalt  }
0x84: {  	_ =	shalt  }
0x85: {  	_ =	shalt  }
0x86: {  	_ =	shalt  }
0x87: {  	_ =	shalt  }
.Lfunc_end0:
.L_simem_size_0:
called_computation.9_lowered:
.L_overlay_start_0:
0x88: {  	s2 =	sld [smem:$0x3FD9]  }
0x89: {  	s3 =	sld [smem:$0x3FFE];
	_ =	sdelay $0x1  }
0x8a: {  	s1 =	srdreg.scid  }
0x8b: {  	s0 =	sand.u32 $0x1, s1  }
0x8c: {  	s17 =	sshll.u32 s0, $0xA;
	s2 =	sadd.s32 s3, s2  }
0x8d: {  	s2 =	sadd.s32 s2, s17  }
0x8e: {  	[smem:$0x3FBC] =	sst s2  }
0x8f: {  	_ = 	snop  }
0x90: {  	(tm) =	ssettm $0x1  }
0x91: {  	s18 =	sld [smem:$0x3FFB];
	_ =	sdelay $0x3  }
0x92: {  	_ =	strace s18  }
0x93: {  	s2 =	sld [smem:$0x3FFC];
	_ =	sdelay $0x3  }
0x94: {  	_ =	strace s2  }
0x95: {  	s2 =	sld [smem:$0x3FFD];
	_ =	sdelay $0x3  }
0x96: {  	_ =	strace s2  }
0x97: {  	_ =	strace $0x8FFFFFFF  }
0x98: {  	s19 =	sld [smem:$0x3FDB];
	_ =	sdelay $0x1  }
0x99: {  	s20 =	simm.s32 $_scs_section_size  }
0x9a: {  	s4 =	simm.s32 $_size__tile_overlayer_lowered;
	s5 =	simm.s32 $_tile_overlayer_lowered  }
0x9b: {  	s6 =	simm.s32 $0x1BFF;
	s21 =	sshll.u32 s5, $0x1;
	s3 =	sadd.s32 s20, s19  }
0x9c: {  	s22 =	simm.s32 $0x0;
	s4 =	sshll.u32 s4, $0x1;
	s5 =	sadd.s32 s21, s3  }
0x9d: {  	[timem:s22], [sflag:s6] =	dma.local [hbm:s5], s4  }
0x9e: {  	_ =	swait.ge [sflag:s6], s4  }
0x9f: {  	s4 =	ssub.s32 $0x0, s4;
	[sflag:s6] =	ssyncset.done $0x0  }
0xa0: {  	[sflag:s6] =	ssyncadd.s32 s4;
	_ =	sdelay $0x1  }
0xa1: {  	s23 =	simm.s32 $0x1B8B  }
0xa2: {  	_ =	swait.ge [sflag:s23], $0x1  }
0xa3: {  	[sflag:s23] =	ssyncset.done $0x0  }
0xa4: {  	[sflag:s23] =	ssyncadd.s32 $0xFFFFFFFF  }
0xa5: {  	s4 =	sld [smem:$0x0]  }
0xa6: {  	s5 =	sand.u32 $0xFFFFFFFE, s1  }
0xa7: {  	p0 =	sne.s32 s1, s5  }
0xa8: {  	s5 =	sshll.u32 @p0 s5, $0xE  }
0xa9: {  	s5 =	sadd.s32 @p0 $0x11B8D, s5;
	s6 =	sshll.u32 @p0 s4, $0x11  }
0xaa: {  	s5 =	sor.u32 @p0 s6, s5  }
0xab: {  	[sflag:s5] =	ssyncadd.remote.s32 @p0 $0x1;
	_ =	sdelay $0x1  }
0xac: {  	s5 =	simm.s32 @p0 $0x1B8D  }
0xad: {  	_ =	swait.eq @p0 [sflag:s5], $0x1  }
0xae: {  	[sflag:s5] =	ssyncadd.s32 @p0 $0xFFFFFFFF  }
0xaf: {  	s6 =	sshll.u32 @!p0 s1, $0xE  }
0xb0: {  	s6 =	sor.u32 @!p0 $0x4000, s6;
	s5 =	simm.s32 @!p0 $0x1B8D  }
0xb1: {  	s4 =	sshll.u32 @!p0 s4, $0x11;
	s6 =	sadd.s32 @!p0 $0x11B8D, s6;
	_ =	swait.eq @!p0 [sflag:s5], $0x1  }
0xb2: {  	s4 =	sor.u32 @!p0 s4, s6;
	[sflag:s5] =	ssyncadd.s32 @!p0 $0xFFFFFFFF  }
0xb3: {  	s25 =	simm.s32 $0x1B8E;
	s24 =	sld [smem:$0x3FFE];
	[sflag:s4] =	ssyncadd.remote.s32 @!p0 $0x1  }
0xb4: {  	s26 =	simm.s32 $execute0_lowered;
	[smem:$0x3FD2] =	sst s25  }
0xb5: {  	s5 =	sshll.u32 s26, $0x1;
	_ =	strace $0x80000061;
	[dreg:$0x1] =	wrdreg $0xFFFFFFFF  }
0xb6: {  	s28 =	simm.s32 $_size_execute0_lowered;
	s3 =	sadd.s32 s3, s5;
	[dreg:$0x0] =	wrdreg $0x0  }
0xb7: {  	s5 =	sshll.u32 s28, $0x1;
	[dreg:$0x2] =	wrdreg s3  }
0xb8: {  	[dreg:$0x3] =	wrdreg s5  }
0xb9: {  	[dreg:$0x4] =	wrdreg $0xC0  }
0xba: {  	_ =	task [dreg:s22], $0x5FFFF  }
0xbb: {  	[dreg:$0x1] =	wrdreg $0xFFFFFFFF  }
0xbc: {  	[dreg:$0x0] =	wrdreg $0x60  }
0xbd: {  	[dreg:$0x2] =	wrdreg s24  }
0xbe: {  	[dreg:$0x3] =	wrdreg $0x51000  }
0xbf: {  	[dreg:$0x4] =	wrdreg $0x9  }
0xc0: {  	_ =	task.clear_ibuf [dreg:s22], $0x5FFFF;
	_ =	strace $0x90000061  }
0xc1: {  	s29 =	simm.s32 $0x9;
	_ =	strace $0x80000063  }
0xc2: {  	_ =	swait.ge [sflag:s29], $0x1  }
0xc3: {  	[sflag:s29] =	ssyncadd.s32 $0xFFFFFFFF  }
0xc4: {  	_ =	strace $0x90000063  }
0xc5: {  	_ =	sfence  }
0xc6: {  	s30 =	sld [smem:$0x0];
	_ =	sdelay $0x2  }
0xc7: {  	s31 =	sshll.u32 s1, $0xD;
	s1 =	sshrl.u32 s1, $0x2  }
0xc8: {  	s4 =	sand.u32 $0x4000, s31;
	s1 =	sadd.s32 s1, s30  }
0xc9: {  	s0 =	sor.u32 s4, s0;
	s1 =	sshll.u32 s1, $0x11  }
0xca: {  	s0 =	sor.u32 s1, s0  }
0xcb: {  	s0 =	sadd.s32 $0x8F2B, s0  }
0xcc: {  	[sflag:s0] =	ssyncadd.remote.s32 $0x1  }
0xcd: {  	_ =	sfence.sel $0xFFFF  }
0xce: {  	[dreg:$0x0] =	wrdreg $0xFFFFFFFF;
	(pc) =	sbr.abs _section_cstart, $3  }
0xcf: {  	[dreg:$0x1] =	wrdreg $0xFFFFFFFF  }
0xd0: {  	_ =	task.clear_ibuf [dreg:s22], $0x2FFFF;
	_ =	strace $0x9FFFFFFF  }
0xd1: {  	(tm) =	ssettm $0x7FFFFFFF  }
tec
execute0_lowered:
.L_overlay_start_1:
0x0: {  	(tag) =	ssettag $0x1  }
0x1: {  	s4 =	rddreg [dreg:$0x0]  }
0x2: {  	s1 =	rddreg [dreg:$0x1]  }
0x3: {  	s2 =	srdreg.scid;
	s19 =	stileid.u32  }
0x4: {  	s0 =	rddreg [dreg:$0x2];
	s15 =	simm.s32 $0x2900;
	s5 =	smul.u32 $0x1F400, s19  }
0x5: {  	s16 =	simm.s32 $0x50;
	s17 =	simm.s32 $0x3;
	s11 =	smul.u32 $0x7D000, s19  }
0x6: {  	s18 =	simm.s32 $0x2;
	s21 =	simm.s32 $0x0;
	s12 =	smul.u32 $0xFA0, s19  }
0x7: {  	s8 =	sand.u32 $0x1, s2;
	s2 =	simm.s32 $0x0;
	s30 =	smul.u32 $0xFA00, s19  }
0x8: {  	s6 =	sshll.u32 s19, $0x1;
	s9 =	sadd.s32 $0x468200, s4;
	s3 =	smul.u32 $0x138800, s8  }
0x9: {  	s10 =	sadd.s32 $0x10A00, s4;
	p0 =	sne.s32 s19, $0x0;
	s14 =	smul.u32 $0x7D0, s8  }
0xa: {  	p1 =	sgt.u32 s19, $0x9;
	s6 =	sor.u32 s8, s6;
	s31 =	smul.u32 $0x7D00, s8  }
0xb: {  	[smem:$0x7FF] =	sst s2;
	s26 =	ssub.s32 $0x2, s8;
	s25 =	smul.u32 $0x7D0, s6  }
0xc: {  	s19 =	sshll.u32 @!p1 s19, $0x6;
	_ =	strace $0x80000062;
	s6 =	smul.u32 $0x7D00, s6  }
0xd: {  	s13 =	sshrl.u32 s26, $0x1;
	s28 =	sshrl.u32 s11, $0x2;
	s19 =	sor.u32 @!p1 $0x1C03, s19  }
0xe: {  	s3 =	sadd.s32 s5, s3;
	s13 =	ssub.s32 s26, s13;
	s29 =	sadd.s32 s14, s12  }
0xf: {  	s20 =	sadd.s32 s28, s1;
	s14 =	simm.s32 $0x80;
	s7 =	sshrl.u32 s3, $0x3  }
0x10: {  	s3 =	sadd.s32 $0x1A800, s4;
	s5 =	sshrl.u32 s25, $0x3;
	s12 =	sadd.s32 $0x3E8A0, s29  }
0x11: {  	s11 =	sadd.s32 $0x3E850, s29;
	s20 =	sshrl.u32 @!p1 s20, $0x3;
	s7 =	sadd.s32 s7, s4  }
0x12: {  	s5 =	sadd.s32 s10, s5;
	s12 =	sshrl.u32 s12, $0x3;
	s11 =	sshrl.u32 s11, $0x3  }
0x13: {  	s4 =	sadd.s32 $0x7D00, s5;
	s5 =	sadd.s32 s9, s6;
	s6 =	sadd.s32 $0x562200, s7  }
0x14: {  	s7 =	smax.u32 s13, $0x1;
	s8 =	sadd.s32 s12, s10;
	s9 =	sadd.s32 s30, s9  }
0x15: {  	s10 =	sadd.s32 s11, s10;
	s11 =	sshrl.u32 @!p0 s1, $0x3;
	s9 =	sadd.s32 s31, s9  }
0x16: {  	s12 =	simm.s32 $0x100;
	s13 =	simm.s32 $0x1;
	s9 =	sadd.s32 $0xA00, s9  }
.LBB2_1:
0x17: {  	s22 =	simm.s32 @!p0 $0x1C03  }
0x18: {  	[spmem:s11], [sflag:s22] =	dma.local @!p0 [hbm:s3], $0x27100  }
0x19: {  	s22 =	simm.s32 @!p0 $0x3  }
0x1a: {  	_ =	swait.ge @!p0 [sflag:s22], $0x27100  }
0x1b: {  	[sflag:s22] =	ssyncset.done @!p0 $0x0  }
0x1c: {  	[sflag:s22] =	ssyncadd.s32 @!p0 $0xFFFD8F00  }
0x1d: {  	[bflag:$0x0] =	sbarrier.arrive $0xFFFF  }
0x1e: {  	[tilespmem:s2], [sflag:$0x1] =	stream.linear.gather [hbm4b:s4+s2], $0x50, $0x38;
	[tilespmem:$0x18980] =	vst v63  }
0x1f: {  	_ = 	snop  }
0x20: {  	[tilespmem:s12], [sflag:$0x1] =	stream.linear.gather [hbm4b:s5+s2], $0x2800, $0x38;
	[tilespmem:$0x18980] =	vst v63  }
0x21: {  	_ =	swait.ge [sflag:s13], $0x50  }
0x22: {  	[sflag:s13] =	ssyncset.done $0x0  }
0x23: {  	[sflag:s13] =	ssyncadd.s32 $0xFFFFFFB0  }
0x24: {  	_ =	swait.ge [sflag:s13], $0x2800  }
0x25: {  	[sflag:s13] =	ssyncset.done $0x0  }
0x26: {  	s29 =	sadd.s32 $0x0, s10;
	[sflag:s13] =	ssyncadd.s32 $0xFFFFD800  }
0x27: {  	[tilespmem:s14], [sflag:$0x2] =	stream.linear.gather [hbm4b:s29+s2], $0x50, $0x38;
	[tilespmem:$0x18980] =	vst v63  }
0x28: {  	s30 =	sadd.s32 $0xFFFFFB00, s9  }
0x29: {  	[tilespmem:s15], [sflag:$0x2] =	stream.linear.gather [hbm4b:s30+s2], $0x2800, $0x38;
	[tilespmem:$0x18980] =	vst v63  }
0x2a: {  	_ = 	snop  }
0x2b: {  	[spmem:s1] =	stream.indirect.scatter.add.f32 [tilespmem:s12], [sflag:$0x3], $0x80, s2, s16, $0xb8;
	[tilespmem:$0x18980] =	vst v63  }
0x2c: {  	_ =	swait.ge [sflag:s17], $0x2800  }
0x2d: {  	[sflag:s17] =	ssyncset.done $0x0  }
0x2e: {  	[sflag:s17] =	ssyncadd.s32 $0xFFFFD800  }
0x2f: {  	_ =	swait.ge [sflag:s18], $0x50  }
0x30: {  	[sflag:s18] =	ssyncset.done $0x0  }
0x31: {  	[sflag:s18] =	ssyncadd.s32 $0xFFFFFFB0  }
0x32: {  	_ =	swait.ge [sflag:s18], $0x2800  }
0x33: {  	[sflag:s18] =	ssyncset.done $0x0  }
0x34: {  	s31 =	sadd.s32 $0x0, s8;
	[sflag:s18] =	ssyncadd.s32 $0xFFFFD800  }
0x35: {  	[tilespmem:s2], [sflag:$0x1] =	stream.linear.gather [hbm4b:s31+s2], $0x50, $0x38;
	[tilespmem:$0x18980] =	vst v63  }
0x36: {  	_ = 	snop  }
0x37: {  	[tilespmem:s12], [sflag:$0x1] =	stream.linear.gather [hbm4b:s9+s2], $0x2800, $0x38;
	[tilespmem:$0x18980] =	vst v63  }
0x38: {  	_ = 	snop  }
0x39: {  	[spmem:s1] =	stream.indirect.scatter.add.f32 [tilespmem:s15], [sflag:$0x3], $0x80, s14, s16, $0xb8;
	[tilespmem:$0x18980] =	vst v63  }
0x3a: {  	_ =	swait.ge [sflag:s17], $0x2800  }
0x3b: {  	s23 =	smov.u32 s9;
	s22 =	simm.s32 $0x14;
	[sflag:s17] =	ssyncset.done $0x0  }
.LBB2_2:
0x3c: {  	p2 =	sne.s32 s22, $0xDC;
	[sflag:s17] =	ssyncadd.s32 $0xFFFFD800;
	s23 =	sadd.s32 $0xA00, s23  }
0x3d: {  	s24 =	smov.u32 s22;
	s22 =	sadd.s32 $0x14, s22  }
0x3e: {  	_ =	swait.ge [sflag:s13], $0x50  }
0x3f: {  	[sflag:s13] =	ssyncset.done $0x0  }
0x40: {  	[sflag:s13] =	ssyncadd.s32 $0xFFFFFFB0  }
0x41: {  	_ =	swait.ge [sflag:s13], $0x2800  }
0x42: {  	[sflag:s13] =	ssyncset.done $0x0  }
0x43: {  	s25 =	sadd.s32 s24, s10;
	[sflag:s13] =	ssyncadd.s32 $0xFFFFD800  }
0x44: {  	[tilespmem:s14], [sflag:$0x2] =	stream.linear.gather [hbm4b:s25+s2], $0x50, $0x38;
	[tilespmem:$0x18980] =	vst v63  }
0x45: {  	s25 =	sadd.s32 $0xFFFFFB00, s23  }
0x46: {  	[tilespmem:s15], [sflag:$0x2] =	stream.linear.gather [hbm4b:s25+s2], $0x2800, $0x38;
	[tilespmem:$0x18980] =	vst v63  }
0x47: {  	_ = 	snop  }
0x48: {  	[spmem:s1] =	stream.indirect.scatter.add.f32 [tilespmem:s12], [sflag:$0x3], $0x80, s2, s16, $0xb8;
	[tilespmem:$0x18980] =	vst v63  }
0x49: {  	_ =	swait.ge [sflag:s17], $0x2800  }
0x4a: {  	[sflag:s17] =	ssyncset.done $0x0  }
0x4b: {  	[sflag:s17] =	ssyncadd.s32 $0xFFFFD800  }
0x4c: {  	_ =	swait.ge [sflag:s18], $0x50  }
0x4d: {  	[sflag:s18] =	ssyncset.done $0x0  }
0x4e: {  	[sflag:s18] =	ssyncadd.s32 $0xFFFFFFB0  }
0x4f: {  	_ =	swait.ge [sflag:s18], $0x2800  }
0x50: {  	[sflag:s18] =	ssyncset.done $0x0  }
0x51: {  	s24 =	sadd.s32 s24, s8;
	[sflag:s18] =	ssyncadd.s32 $0xFFFFD800  }
0x52: {  	[tilespmem:s2], [sflag:$0x1] =	stream.linear.gather [hbm4b:s24+s2], $0x50, $0x38;
	[tilespmem:$0x18980] =	vst v63  }
0x53: {  	_ = 	snop  }
0x54: {  	[tilespmem:s12], [sflag:$0x1] =	stream.linear.gather [hbm4b:s23+s2], $0x2800, $0x38;
	[tilespmem:$0x18980] =	vst v63  }
.Ltmp0:
0x55: {  	_ = 	snop;
	(pc) =	sbr.rel @p2 .LBB2_2-.Ltmp0, $4  }
0x56: {  	_ = 	snop  }
0x57: {  	[spmem:s1] =	stream.indirect.scatter.add.f32 [tilespmem:s15], [sflag:$0x3], $0x80, s14, s16, $0xb8;
	[tilespmem:$0x18980] =	vst v63  }
0x58: {  	_ =	swait.ge [sflag:s17], $0x2800  }
0x59: {  	[sflag:s17] =	ssyncset.done $0x0  }
0x5a: {  	[sflag:s17] =	ssyncadd.s32 $0xFFFFD800  }
0x5b: {  	_ =	swait.ge [sflag:s13], $0x50  }
0x5c: {  	[sflag:s13] =	ssyncset.done $0x0  }
0x5d: {  	[sflag:s13] =	ssyncadd.s32 $0xFFFFFFB0  }
0x5e: {  	_ =	swait.ge [sflag:s13], $0x2800  }
0x5f: {  	[sflag:s13] =	ssyncset.done $0x0  }
0x60: {  	[sflag:s13] =	ssyncadd.s32 $0xFFFFD800  }
0x61: {  	[spmem:s1] =	stream.indirect.scatter.add.f32 [tilespmem:s12], [sflag:$0x3], $0x80, s2, s16, $0xb8;
	[tilespmem:$0x18980] =	vst v63  }
0x62: {  	_ =	swait.ge [sflag:s17], $0x2800  }
0x63: {  	s21 =	sadd.s32 $0x1, s21;
	[sflag:s17] =	ssyncset.done $0x0  }
0x64: {  	p2 =	sne.s32 s21, s7;
	[sflag:s17] =	ssyncadd.s32 $0xFFFFD800  }
.Ltmp1:
0x65: {  	s22 =	simm.s32 @!p1 $0x3;
	[bflag:$0x0] =	sbarrier.arrive $0xFFFF;
	(pc) =	sbr.rel @p2 .LBB2_1-.Ltmp1, $4  }
0x66: {  	[hbm:s6], [sflag:s19] =	dma.local @!p1 [spmem:s20], $0x3E80  }
0x67: {  	_ =	swait.ge @!p1 [sflag:s22], $0x3E80  }
0x68: {  	[sflag:s22] =	ssyncset.done @!p1 $0x0  }
0x69: {  	[sflag:s22] =	ssyncadd.s32 @!p1 $0xFFFFC180  }
0x6a: {  	_ =	sfence.sel $0x180000  }
0x6b: {  	[bflag:$0x0] =	sbarrier.arrive $0xFFFF  }
0x6c: {  	_ =	strace $0x90000062  }
0x6d: {  	s0 =	sadd.s32 @!p0 $0x100000, s0;
	[bflag:$0x2] =	sbarrier.arrive $0xFFFF  }
0x6e: {  	[sflag:s0] =	ssyncadd.tile.s32 @!p0 $0x1;
	_ =	shalt  }
.Lfunc_end2:
_tile_overlayer_lowered:
.L_overlay_start_2:
0x6f: {  	(tag) =	ssettag $0x2  }
0x70: {  	s0 =	rddreg [dreg:$0x0];
	s2 =	stileid.u32  }
0x71: {  	s1 =	rddreg [dreg:$0x1];
	p0 =	sne.s32 s2, $0x0  }
0x72: {  	s3 =	rddreg [dreg:$0x2];
	[bflag:$0x3] =	sbarrier.arrive $0xFFFF;
	s2 =	simm.s32 @!p0 $0x1C03  }
0x73: {  	[timem:s3], [sflag:s2] =	dma.local @!p0 [hbm:s0], s1  }
0x74: {  	s0 =	simm.s32 @!p0 $0x3  }
0x75: {  	_ =	swait.ge @!p0 [sflag:s0], s1  }
0x76: {  	s1 =	ssub.s32 @!p0 $0x0, s1;
	[sflag:s0] =	ssyncset.done @!p0 $0x0  }
0x77: {  	[sflag:s0] =	ssyncadd.s32 @!p0 s1  }
0x78: {  	[bflag:$0x3] =	sbarrier.arrive $0xFFFF  }
0x79: {  	_ =	shalt  }

</sc_bundles>
